<compile_context>
chip_gen: v7x
topology: tpu7x:2x2x1
jax: 0.10.2.dev20260603
libtpu: 0.0.44.dev20260713+nightly
codegen_flags: <defaults>
</compile_context>

<pallas_src>
import functools

import jax
import jax.numpy as jnp
from jax import lax
from jax.experimental import pallas as pl
from jax.experimental.pallas import tpu as pltpu
from jax.experimental.pallas import tpu_sc as plsc

B, L, T = 2, 1, 4096
V, D = 4096, 4096
NT = 10
R = NT + T

NC, NS, LANES = 2, 16, 16
NW = NC * NS
ROWS_PER_W = (B * T) // NW
CH = 8
NBUF = 3
NXFER = ROWS_PER_W // CH

_mesh = plsc.VectorSubcoreMesh(core_axis_name="c", subcore_axis_name="s")


@functools.partial(
    pl.kernel,
    out_type=jax.ShapeDtypeStruct((B, R, D), jnp.float32),
    mesh=_mesh,
    compiler_params=pltpu.CompilerParams(use_tc_tiling_on_sc=False),
    scratch_types=[
        pltpu.VMEM((ROWS_PER_W,), jnp.int32),
        pltpu.VMEM((NBUF, CH, D), jnp.float32),
        pltpu.VMEM((LANES,), jnp.float32),
        pltpu.VMEM((D,), jnp.float32),
        pltpu.VMEM((D,), jnp.float32),
        pltpu.SemaphoreType.DMA,
        pltpu.SemaphoreType.DMA,
        pltpu.SemaphoreType.DMA,
        pltpu.SemaphoreType.DMA,
        pltpu.SemaphoreType.DMA,
        pltpu.SemaphoreType.DMA,
    ],
)
def _mpt_sc(idx_hbm, table_hbm, sp_hbm, u16_hbm, v_hbm, out_hbm,
            idx_v, gbuf, u_v, v_v, row_v,
            gsem0, gsem1, gsem2, osem0, osem1, osem2):
    cid = lax.axis_index("c")
    sid = lax.axis_index("s")
    wid = sid * NC + cid
    gsem = (gsem0, gsem1, gsem2)
    osem = (osem0, osem1, osem2)

    b = wid // (NW // B)
    ob = NT + (wid - b * (NW // B)) * ROWS_PER_W
    out_b = out_hbm.at[b]

    pltpu.sync_copy(idx_hbm.at[pl.ds(wid * ROWS_PER_W, ROWS_PER_W)], idx_v)

    def _gather(t, buf):
        src = table_hbm.at[idx_v.at[pl.ds(t * CH, CH)]]
        pltpu.async_copy(src, gbuf.at[buf], gsem[buf])

    _gather(0, 0)
    _gather(1, 1)

    @pl.when(wid < B * NT)
    def _prompt():
        bp = wid // NT
        n = wid - bp * NT
        pltpu.sync_copy(u16_hbm.at[pl.ds(n * LANES, LANES)], u_v)
        pltpu.sync_copy(v_hbm, v_v)
        pltpu.sync_copy(sp_hbm.at[pl.ds(n * D, D)], row_v)
        un = u_v[...]

        def pbody(j, carry):
            s = pl.ds(j * LANES, LANES)
            gbuf[2, 0, s] = un * v_v[s] * row_v[s]
            return carry

        lax.fori_loop(0, D // LANES, pbody, 0)
        pltpu.async_copy(gbuf.at[2].at[pl.ds(0, 1)],
                         out_hbm.at[bp].at[pl.ds(n, 1)], osem[2]).wait()

    for t in range(NXFER):
        bb = t % NBUF
        pltpu.make_async_copy(table_hbm.at[pl.ds(0, CH)], gbuf.at[bb],
                              gsem[bb]).wait()
        pltpu.async_copy(gbuf.at[bb], out_b.at[pl.ds(ob + t * CH, CH)],
                         osem[bb])
        if t >= 1:
            pltpu.make_async_copy(gbuf.at[(t - 1) % NBUF],
                                  out_b.at[pl.ds(0, CH)],
                                  osem[(t - 1) % NBUF]).wait()
        if t + 2 < NXFER:
            _gather(t + 2, (t + 2) % NBUF)
    pltpu.make_async_copy(gbuf.at[(NXFER - 1) % NBUF], out_b.at[pl.ds(0, CH)],
                          osem[(NXFER - 1) % NBUF]).wait()


def kernel(tokens, wte_weight, shared_prompt, u, v):
    idx = tokens.reshape(B * T).astype(jnp.int32)
    u16 = jnp.tile(u.reshape(NT, 1), (1, LANES)).reshape(NT * LANES)
    out = _mpt_sc(idx, wte_weight, shared_prompt.reshape(NT * D), u16,
                  v.reshape(D))
    return out[:, None]

# --- scband reference (transcript-rebuilt; emitter-appended) ---
"""Pipeline reference for scband-mpt-63513976373965 (READ-ONLY COPY).

The authoritative reference and input builder live on the scoring server;
editing this copy changes nothing except your own understanding.
"""

import jax, jax.numpy as jnp
import numpy as np

# Shape constants
B, L, T = 2, 1, 4096      # tokens shape [B, L, T] (4D embedding output needed for the cat)
V = 4096                  # num_embeddings (vocab)
D = 4096                  # embedding_dim; MUST equal V because the module concatenates
                          # learned_embedding[..., V] with input_embedding[..., D] on dim 2
N_TOKENS = 10             # n_tokens prompt length
RR = 0.5                  # random_range


def setup_inputs(seed: int = 0) -> dict:
    key = jax.random.key(seed)
    k1, k2, k3, k4, k5 = jax.random.split(key, 5)
    tokens = jax.random.randint(k1, (B, L, T), 0, V)  # int64-equivalent indices
    # Learned parameters (wte table + MPT prompt params), init like the torch module
    wte_weight = jax.random.uniform(k2, (V, D), minval=-RR, maxval=RR, dtype=jnp.float32)
    shared_prompt = jax.random.uniform(k3, (N_TOKENS, V), minval=-RR, maxval=RR, dtype=jnp.float32)
    u = jax.random.uniform(k4, (N_TOKENS, 1), minval=-RR, maxval=RR, dtype=jnp.float32)
    v = jax.random.uniform(k5, (1, V), minval=-RR, maxval=RR, dtype=jnp.float32)
    return {"tokens": tokens, "wte_weight": wte_weight, "shared_prompt": shared_prompt, "u": u, "v": v}


def reference(tokens, wte_weight, shared_prompt, u, v):
    # input_embedding = self.wte(tokens)  -> gather rows of the embedding table
    input_embedding = jnp.take(wte_weight, tokens, axis=0)            # [B, L, T, D]
    # learned_embedding = (u @ v) * shared_prompt  (task-specific rank-1 mask on shared prompt)
    learned_embedding = jnp.matmul(u, v) * shared_prompt              # [N_TOKENS, V]
    # .repeat(B_dim, L_dim, 1, 1) on a 2D tensor -> tile with leading singleton dims
    learned_embedding = jnp.tile(learned_embedding[None, None, :, :],
                                 (input_embedding.shape[0], input_embedding.shape[1], 1, 1))  # [B, L, N_TOKENS, V]
    # torch.cat([learned, input], dim=2) -> [B, L, N_TOKENS + T, D] (requires V == D)
    return jnp.concatenate([learned_embedding, input_embedding], axis=2)

if __name__ == "__main__":
    import jax
    _d = setup_inputs()
    print(jax.jit(kernel)(*tuple(_d.values())))

</pallas_src>

<mosaic_0001>
#map = affine_map<(d0, d1) -> (0)>
#map1 = affine_map<(d0, d1) -> (0, 0)>
#map2 = affine_map<(d0, d1) -> (0, 0, 0)>
module attributes {stable_mosaic.version = 14 : i64} {
  func.func @_mpt_sc(%arg0: i32, %arg1: i32, %arg2: memref<8192xi32, #tpu.memory_space<hbm>>, %arg3: memref<4096x4096xf32, #tpu.memory_space<hbm>>, %arg4: memref<40960xf32, #tpu.memory_space<hbm>>, %arg5: memref<160xf32, #tpu.memory_space<hbm>>, %arg6: memref<4096xf32, #tpu.memory_space<hbm>>, %arg7: memref<2x4106x4096xf32, #tpu.memory_space<hbm>>, %arg8: memref<256xi32, #tpu.memory_space<vmem>>, %arg9: memref<3x8x4096xf32, #tpu.memory_space<vmem>>, %arg10: memref<16xf32, #tpu.memory_space<vmem>>, %arg11: memref<4096xf32, #tpu.memory_space<vmem>>, %arg12: memref<4096xf32, #tpu.memory_space<vmem>>, %arg13: memref<!tpu.dma_semaphore, #tpu.memory_space<semaphore_mem>>, %arg14: memref<!tpu.dma_semaphore, #tpu.memory_space<semaphore_mem>>, %arg15: memref<!tpu.dma_semaphore, #tpu.memory_space<semaphore_mem>>, %arg16: memref<!tpu.dma_semaphore, #tpu.memory_space<semaphore_mem>>, %arg17: memref<!tpu.dma_semaphore, #tpu.memory_space<semaphore_mem>>, %arg18: memref<!tpu.dma_semaphore, #tpu.memory_space<semaphore_mem>>) attributes {dimension_semantics = [#tpu.dimension_semantics<core_parallel>, #tpu.dimension_semantics<subcore_parallel>], iteration_bounds = array<i64: 2, 16>, scalar_prefetch = 0 : i64, scratch_operands = 11 : i64, tpu.core_type = #tpu.core_type<sc_vector_subcore>, window_params = [{transform_indices = #map}, {transform_indices = #map1}, {transform_indices = #map}, {transform_indices = #map}, {transform_indices = #map}, {transform_indices = #map2}]} {
    %mul3A = arith.constant 2 : i32
    %mul3A_0 = arith.muli %arg1, %mul3A : i32
    %add3A = arith.addi %mul3A_0, %arg0 : i32
    %jit3A = arith.constant 16 : i32
    %div3A = arith.divsi %add3A, %jit3A : i32
    %sign3A = arith.constant 0 : i32
    %sign3A_1 = arith.cmpi sgt, %add3A, %sign3A : i32
    %sign3A_2 = arith.extui %sign3A_1 : i1 to i32
    %sign3A_3 = arith.constant 0 : i32
    %sign3A_4 = arith.cmpi slt, %add3A, %sign3A_3 : i32
    %sign3A_5 = arith.extui %sign3A_4 : i1 to i32
    %sign3A_6 = arith.subi %sign3A_2, %sign3A_5 : i32
    %sign3A_7 = arith.constant 0 : i32
    %sign3A_8 = arith.cmpi sgt, %jit3A, %sign3A_7 : i32
    %sign3A_9 = arith.extui %sign3A_8 : i1 to i32
    %sign3A_10 = arith.constant 0 : i32
    %sign3A_11 = arith.cmpi slt, %jit3A, %sign3A_10 : i32
    %sign3A_12 = arith.extui %sign3A_11 : i1 to i32
    %sign3A_13 = arith.subi %sign3A_9, %sign3A_12 : i32
    %ne3A = arith.cmpi ne, %sign3A_6, %sign3A_13 : i32
    %rem3A = arith.remsi %add3A, %jit3A : i32
    %ne3A_14 = arith.constant 0 : i32
    %ne3A_15 = arith.cmpi ne, %rem3A, %ne3A_14 : i32
    %and3A = arith.andi %ne3A, %ne3A_15 : i1
    %sub3A = arith.constant 1 : i32
    %sub3A_16 = arith.subi %div3A, %sub3A : i32
    %select_n3A = arith.select %and3A, %sub3A_16, %div3A : i32
    %mul3A_17 = arith.constant 16 : i32
    %mul3A_18 = arith.muli %select_n3A, %mul3A_17 : i32
    %sub3A_19 = arith.subi %add3A, %mul3A_18 : i32
    %mul3A_20 = arith.constant 256 : i32
    %mul3A_21 = arith.muli %sub3A_19, %mul3A_20 : i32
    %add3A_22 = arith.constant 10 : i32
    %add3A_23 = arith.addi %add3A_22, %mul3A_21 : i32
    %mul3A_24 = arith.constant 256 : i32
    %mul3A_25 = arith.muli %add3A, %mul3A_24 : i32
    "tpu.region"() ({
      %run_scoped3A = tpu.sem_alloc : memref<!tpu.dma_semaphore, #tpu.memory_space<semaphore_mem>>
      %dma_start3A_2298 = tpu.memref_slice %arg2[%mul3A_25] : memref<8192xi32, #tpu.memory_space<hbm>> -> memref<256xi32, #tpu.memory_space<hbm>>
      %dma_start3A_2299 = tpu.memref_slice %arg2[%mul3A_25] : memref<8192xi32, #tpu.memory_space<hbm>> -> memref<256xi32, #tpu.memory_space<hbm>>
      tpu.enqueue_dma source(%dma_start3A_2299 : memref<256xi32, #tpu.memory_space<hbm>>) target(%arg8 : memref<256xi32, #tpu.memory_space<vmem>>) target_semaphore(%run_scoped3A : memref<!tpu.dma_semaphore, #tpu.memory_space<semaphore_mem>>)
      %dma_wait3A_2300 = tpu.memref_slice %arg2[%mul3A_25] : memref<8192xi32, #tpu.memory_space<hbm>> -> memref<256xi32, #tpu.memory_space<hbm>>
      %dma_wait3A_2301 = tpu.memref_slice %arg2[%mul3A_25] : memref<8192xi32, #tpu.memory_space<hbm>> -> memref<256xi32, #tpu.memory_space<hbm>>
      tpu.wait_dma2 semaphore(%run_scoped3A : memref<!tpu.dma_semaphore, #tpu.memory_space<semaphore_mem>>) src(%dma_wait3A_2301 : memref<256xi32, #tpu.memory_space<hbm>>) dst(%arg8 : memref<256xi32, #tpu.memory_space<vmem>>)
      tpu.yield
    }) : () -> ()
    %dma_start3A = arith.constant 0 : i32
    %dma_start3A_26 = arith.constant 0 : i32
    %dma_start3A_27 = arith.constant 0 : i32
    %dma_start3A_28 = tpu.memref_slice %arg9[%dma_start3A, %dma_start3A_26, %dma_start3A_27] : memref<3x8x4096xf32, #tpu.memory_space<vmem>> -> memref<1x8x4096xf32, #tpu.memory_space<vmem>>
    %dma_start3A_29 = tpu.memref_squeeze %dma_start3A_28 : memref<1x8x4096xf32, #tpu.memory_space<vmem>> -> memref<8x4096xf32, #tpu.memory_space<vmem>>
    %dma_start3A_30 = arith.constant 0 : i32
    %dma_start3A_31 = tpu.memref_slice %arg8[%dma_start3A_30] : memref<256xi32, #tpu.memory_space<vmem>> -> memref<8xi32, #tpu.memory_space<vmem>>
    %dma_start3A_32 = arith.constant 0 : i32
    %dma_start3A_33 = arith.constant 0 : i32
    %dma_start3A_34 = tpu.memref_slice %arg3[%dma_start3A_32, %dma_start3A_33] : memref<4096x4096xf32, #tpu.memory_space<hbm>> -> memref<4096x4096xf32, #tpu.memory_space<hbm>>
    tpu.enqueue_indirect_dma source(%dma_start3A_34 : memref<4096x4096xf32, #tpu.memory_space<hbm>>) target(%dma_start3A_29 : memref<8x4096xf32, #tpu.memory_space<vmem>>) offsets(%dma_start3A_31 : memref<8xi32, #tpu.memory_space<vmem>>) semaphore(%arg13 : memref<!tpu.dma_semaphore, #tpu.memory_space<semaphore_mem>>)
    %dma_start3A_35 = arith.constant 1 : i32
    %dma_start3A_36 = arith.constant 0 : i32
    %dma_start3A_37 = arith.constant 0 : i32
    %dma_start3A_38 = tpu.memref_slice %arg9[%dma_start3A_35, %dma_start3A_36, %dma_start3A_37] : memref<3x8x4096xf32, #tpu.memory_space<vmem>> -> memref<1x8x4096xf32, #tpu.memory_space<vmem>>
    %dma_start3A_39 = tpu.memref_squeeze %dma_start3A_38 : memref<1x8x4096xf32, #tpu.memory_space<vmem>> -> memref<8x4096xf32, #tpu.memory_space<vmem>>
    %dma_start3A_40 = arith.constant 8 : i32
    %dma_start3A_41 = tpu.memref_slice %arg8[%dma_start3A_40] : memref<256xi32, #tpu.memory_space<vmem>> -> memref<8xi32, #tpu.memory_space<vmem>>
    %dma_start3A_42 = arith.constant 0 : i32
    %dma_start3A_43 = arith.constant 0 : i32
    %dma_start3A_44 = tpu.memref_slice %arg3[%dma_start3A_42, %dma_start3A_43] : memref<4096x4096xf32, #tpu.memory_space<hbm>> -> memref<4096x4096xf32, #tpu.memory_space<hbm>>
    tpu.enqueue_indirect_dma source(%dma_start3A_44 : memref<4096x4096xf32, #tpu.memory_space<hbm>>) target(%dma_start3A_39 : memref<8x4096xf32, #tpu.memory_space<vmem>>) offsets(%dma_start3A_41 : memref<8xi32, #tpu.memory_space<vmem>>) semaphore(%arg14 : memref<!tpu.dma_semaphore, #tpu.memory_space<semaphore_mem>>)
    %lt3A = arith.constant 20 : i32
    %lt3A_45 = arith.cmpi slt, %add3A, %lt3A : i32
    %convert_element_type3A = arith.extui %lt3A_45 : i1 to i32
    %cond3A = arith.constant 0 : i32
    %cond3A_46 = arith.cmpi ne, %convert_element_type3A, %cond3A : i32
    scf.if %cond3A_46 {
      %jit3A_2298 = arith.constant 10 : i32
      %div3A_2299 = arith.divsi %add3A, %jit3A_2298 : i32
      %sign3A_2300 = arith.constant 0 : i32
      %sign3A_2301 = arith.cmpi sgt, %add3A, %sign3A_2300 : i32
      %sign3A_2302 = arith.extui %sign3A_2301 : i1 to i32
      %sign3A_2303 = arith.constant 0 : i32
      %sign3A_2304 = arith.cmpi slt, %add3A, %sign3A_2303 : i32
      %sign3A_2305 = arith.extui %sign3A_2304 : i1 to i32
      %sign3A_2306 = arith.subi %sign3A_2302, %sign3A_2305 : i32
      %sign3A_2307 = arith.constant 0 : i32
      %sign3A_2308 = arith.cmpi sgt, %jit3A_2298, %sign3A_2307 : i32
      %sign3A_2309 = arith.extui %sign3A_2308 : i1 to i32
      %sign3A_2310 = arith.constant 0 : i32
      %sign3A_2311 = arith.cmpi slt, %jit3A_2298, %sign3A_2310 : i32
      %sign3A_2312 = arith.extui %sign3A_2311 : i1 to i32
      %sign3A_2313 = arith.subi %sign3A_2309, %sign3A_2312 : i32
      %ne3A_2314 = arith.cmpi ne, %sign3A_2306, %sign3A_2313 : i32
      %rem3A_2315 = arith.remsi %add3A, %jit3A_2298 : i32
      %ne3A_2316 = arith.constant 0 : i32
      %ne3A_2317 = arith.cmpi ne, %rem3A_2315, %ne3A_2316 : i32
      %and3A_2318 = arith.andi %ne3A_2314, %ne3A_2317 : i1
      %sub3A_2319 = arith.constant 1 : i32
      %sub3A_2320 = arith.subi %div3A_2299, %sub3A_2319 : i32
      %select_n3A_2321 = arith.select %and3A_2318, %sub3A_2320, %div3A_2299 : i32
      %mul3A_2322 = arith.constant 10 : i32
      %mul3A_2323 = arith.muli %select_n3A_2321, %mul3A_2322 : i32
      %sub3A_2324 = arith.subi %add3A, %mul3A_2323 : i32
      %mul3A_2325 = arith.constant 16 : i32
      %mul3A_2326 = arith.muli %sub3A_2324, %mul3A_2325 : i32
      "tpu.region"() ({
        %run_scoped3A = tpu.sem_alloc : memref<!tpu.dma_semaphore, #tpu.memory_space<semaphore_mem>>
        %dma_start3A_2390 = tpu.memref_slice %arg5[%mul3A_2326] : memref<160xf32, #tpu.memory_space<hbm>> -> memref<16xf32, #tpu.memory_space<hbm>>
        %dma_start3A_2391 = tpu.memref_slice %arg5[%mul3A_2326] : memref<160xf32, #tpu.memory_space<hbm>> -> memref<16xf32, #tpu.memory_space<hbm>>
        tpu.enqueue_dma source(%dma_start3A_2391 : memref<16xf32, #tpu.memory_space<hbm>>) target(%arg10 : memref<16xf32, #tpu.memory_space<vmem>>) target_semaphore(%run_scoped3A : memref<!tpu.dma_semaphore, #tpu.memory_space<semaphore_mem>>)
        %dma_wait3A_2392 = tpu.memref_slice %arg5[%mul3A_2326] : memref<160xf32, #tpu.memory_space<hbm>> -> memref<16xf32, #tpu.memory_space<hbm>>
        %dma_wait3A_2393 = tpu.memref_slice %arg5[%mul3A_2326] : memref<160xf32, #tpu.memory_space<hbm>> -> memref<16xf32, #tpu.memory_space<hbm>>
        tpu.wait_dma2 semaphore(%run_scoped3A : memref<!tpu.dma_semaphore, #tpu.memory_space<semaphore_mem>>) src(%dma_wait3A_2393 : memref<16xf32, #tpu.memory_space<hbm>>) dst(%arg10 : memref<16xf32, #tpu.memory_space<vmem>>)
        tpu.yield
      }) : () -> ()
      "tpu.region"() ({
        %run_scoped3A = tpu.sem_alloc : memref<!tpu.dma_semaphore, #tpu.memory_space<semaphore_mem>>
        tpu.enqueue_dma source(%arg6 : memref<4096xf32, #tpu.memory_space<hbm>>) target(%arg11 : memref<4096xf32, #tpu.memory_space<vmem>>) target_semaphore(%run_scoped3A : memref<!tpu.dma_semaphore, #tpu.memory_space<semaphore_mem>>)
        tpu.wait_dma2 semaphore(%run_scoped3A : memref<!tpu.dma_semaphore, #tpu.memory_space<semaphore_mem>>) src(%arg6 : memref<4096xf32, #tpu.memory_space<hbm>>) dst(%arg11 : memref<4096xf32, #tpu.memory_space<vmem>>)
        tpu.yield
      }) : () -> ()
      %mul3A_2327 = arith.constant 4096 : i32
      %mul3A_2328 = arith.muli %sub3A_2324, %mul3A_2327 : i32
      "tpu.region"() ({
        %run_scoped3A = tpu.sem_alloc : memref<!tpu.dma_semaphore, #tpu.memory_space<semaphore_mem>>
        %dma_start3A_2390 = tpu.memref_slice %arg4[%mul3A_2328] : memref<40960xf32, #tpu.memory_space<hbm>> -> memref<4096xf32, #tpu.memory_space<hbm>>
        %dma_start3A_2391 = tpu.memref_slice %arg4[%mul3A_2328] : memref<40960xf32, #tpu.memory_space<hbm>> -> memref<4096xf32, #tpu.memory_space<hbm>>
        tpu.enqueue_dma source(%dma_start3A_2391 : memref<4096xf32, #tpu.memory_space<hbm>>) target(%arg12 : memref<4096xf32, #tpu.memory_space<vmem>>) target_semaphore(%run_scoped3A : memref<!tpu.dma_semaphore, #tpu.memory_space<semaphore_mem>>)
        %dma_wait3A_2392 = tpu.memref_slice %arg4[%mul3A_2328] : memref<40960xf32, #tpu.memory_space<hbm>> -> memref<4096xf32, #tpu.memory_space<hbm>>
        %dma_wait3A_2393 = tpu.memref_slice %arg4[%mul3A_2328] : memref<40960xf32, #tpu.memory_space<hbm>> -> memref<4096xf32, #tpu.memory_space<hbm>>
        tpu.wait_dma2 semaphore(%run_scoped3A : memref<!tpu.dma_semaphore, #tpu.memory_space<semaphore_mem>>) src(%dma_wait3A_2393 : memref<4096xf32, #tpu.memory_space<hbm>>) dst(%arg12 : memref<4096xf32, #tpu.memory_space<vmem>>)
        tpu.yield
      }) : () -> ()
      %get3A = arith.constant 0 : index
      %get3A_2329 = tpu.vector_load %arg10[%get3A] {strides = array<i32>} : memref<16xf32, #tpu.memory_space<vmem>>, vector<16xf32>,
      %get3A_2330 = vector.shape_cast %get3A_2329 : vector<16xf32> to vector<16xf32>
      %scan3A = arith.constant 0 : i32
      %scan3A_2331 = arith.constant 0 : i32
      %scan3A_2332 = arith.constant 256 : i32
      %scan3A_2333 = arith.addi %scan3A_2331, %scan3A_2332 : i32
      %scan3A_2334 = arith.constant 1 : i32
      scf.for %scan3A_2390 = %scan3A_2331 to %scan3A_2333 step %scan3A_2334  : i32 {
        %mul3A_2391 = arith.constant 16 : i32
        %mul3A_2392 = arith.muli %scan3A_2390, %mul3A_2391 : i32
        %get3A_2393 = arith.index_cast %mul3A_2392 : i32 to index
        %get3A_2394 = tpu.vector_load %arg11[%get3A_2393] {strides = array<i32>} : memref<4096xf32, #tpu.memory_space<vmem>>, vector<16xf32>,
        %get3A_2395 = vector.shape_cast %get3A_2394 : vector<16xf32> to vector<16xf32>
        %mul3A_2396 = arith.mulf %get3A_2330, %get3A_2395 : vector<16xf32>
        %get3A_2397 = arith.index_cast %mul3A_2392 : i32 to index
        %get3A_2398 = tpu.vector_load %arg12[%get3A_2397] {strides = array<i32>} : memref<4096xf32, #tpu.memory_space<vmem>>, vector<16xf32>,
        %get3A_2399 = vector.shape_cast %get3A_2398 : vector<16xf32> to vector<16xf32>
        %mul3A_2400 = arith.mulf %mul3A_2396, %get3A_2399 : vector<16xf32>
        %swap3A = arith.constant 2 : i32
        %swap3A_2401 = arith.constant 0 : i32
        %swap3A_2402 = arith.index_cast %swap3A : i32 to index
        %swap3A_2403 = arith.index_cast %swap3A_2401 : i32 to index
        %swap3A_2404 = arith.index_cast %mul3A_2392 : i32 to index
        %swap3A_2405 = tpu.vector_load %arg9[%swap3A_2402, %swap3A_2403, %swap3A_2404] {strides = array<i32>} : memref<3x8x4096xf32, #tpu.memory_space<vmem>>, vector<1x1x16xf32>,
        %swap3A_2406 = vector.shape_cast %swap3A_2405 : vector<1x1x16xf32> to vector<16xf32>
        %swap3A_2407 = vector.shape_cast %mul3A_2400 : vector<16xf32> to vector<1x1x16xf32>
        tpu.vector_store %arg9[%swap3A_2402, %swap3A_2403, %swap3A_2404], %swap3A_2407 {strides = array<i32>} : memref<3x8x4096xf32, #tpu.memory_space<vmem>>, vector<1x1x16xf32>,
      }
      %scan3A_2335 = arith.constant 256 : i32
      %dma_start3A_2336 = arith.constant 2 : i32
      %dma_start3A_2337 = arith.constant 0 : i32
      %dma_start3A_2338 = arith.constant 0 : i32
      %dma_start3A_2339 = tpu.memref_slice %arg9[%dma_start3A_2336, %dma_start3A_2337, %dma_start3A_2338] : memref<3x8x4096xf32, #tpu.memory_space<vmem>> -> memref<1x8x4096xf32, #tpu.memory_space<vmem>>
      %dma_start3A_2340 = tpu.memref_squeeze %dma_start3A_2339 : memref<1x8x4096xf32, #tpu.memory_space<vmem>> -> memref<8x4096xf32, #tpu.memory_space<vmem>>
      %dma_start3A_2341 = arith.constant 0 : i32
      %dma_start3A_2342 = arith.constant 0 : i32
      %dma_start3A_2343 = tpu.memref_slice %dma_start3A_2340[%dma_start3A_2341, %dma_start3A_2342] : memref<8x4096xf32, #tpu.memory_space<vmem>> -> memref<1x4096xf32, #tpu.memory_space<vmem>>
      %dma_start3A_2344 = arith.constant 0 : i32
      %dma_start3A_2345 = arith.constant 0 : i32
      %dma_start3A_2346 = tpu.memref_slice %arg7[%select_n3A_2321, %dma_start3A_2344, %dma_start3A_2345] : memref<2x4106x4096xf32, #tpu.memory_space<hbm>> -> memref<1x4106x4096xf32, #tpu.memory_space<hbm>>
      %dma_start3A_2347 = tpu.memref_squeeze %dma_start3A_2346 : memref<1x4106x4096xf32, #tpu.memory_space<hbm>> -> memref<4106x4096xf32, #tpu.memory_space<hbm>>
      %dma_start3A_2348 = arith.constant 0 : i32
      %dma_start3A_2349 = tpu.memref_slice %dma_start3A_2347[%sub3A_2324, %dma_start3A_2348] : memref<4106x4096xf32, #tpu.memory_space<hbm>> -> memref<1x4096xf32, #tpu.memory_space<hbm>>
      %dma_start3A_2350 = arith.constant 0 : i32
      %dma_start3A_2351 = arith.constant 0 : i32
      %dma_start3A_2352 = tpu.memref_slice %arg7[%select_n3A_2321, %dma_start3A_2350, %dma_start3A_2351] : memref<2x4106x4096xf32, #tpu.memory_space<hbm>> -> memref<1x4106x4096xf32, #tpu.memory_space<hbm>>
      %dma_start3A_2353 = tpu.memref_squeeze %dma_start3A_2352 : memref<1x4106x4096xf32, #tpu.memory_space<hbm>> -> memref<4106x4096xf32, #tpu.memory_space<hbm>>
      %dma_start3A_2354 = arith.constant 0 : i32
      %dma_start3A_2355 = tpu.memref_slice %dma_start3A_2353[%sub3A_2324, %dma_start3A_2354] : memref<4106x4096xf32, #tpu.memory_space<hbm>> -> memref<1x4096xf32, #tpu.memory_space<hbm>>
      %dma_start3A_2356 = arith.constant 0 : i32
      %dma_start3A_2357 = arith.constant 0 : i32
      %dma_start3A_2358 = tpu.memref_slice %arg9[%dma_start3A_2336, %dma_start3A_2356, %dma_start3A_2357] : memref<3x8x4096xf32, #tpu.memory_space<vmem>> -> memref<1x8x4096xf32, #tpu.memory_space<vmem>>
      %dma_start3A_2359 = tpu.memref_squeeze %dma_start3A_2358 : memref<1x8x4096xf32, #tpu.memory_space<vmem>> -> memref<8x4096xf32, #tpu.memory_space<vmem>>
      %dma_start3A_2360 = arith.constant 0 : i32
      %dma_start3A_2361 = arith.constant 0 : i32
      %dma_start3A_2362 = tpu.memref_slice %dma_start3A_2359[%dma_start3A_2360, %dma_start3A_2361] : memref<8x4096xf32, #tpu.memory_space<vmem>> -> memref<1x4096xf32, #tpu.memory_space<vmem>>
      tpu.enqueue_dma source(%dma_start3A_2362 : memref<1x4096xf32, #tpu.memory_space<vmem>>) target(%dma_start3A_2355 : memref<1x4096xf32, #tpu.memory_space<hbm>>) target_semaphore(%arg18 : memref<!tpu.dma_semaphore, #tpu.memory_space<semaphore_mem>>)
      %dma_wait3A_2363 = arith.constant 2 : i32
      %dma_wait3A_2364 = arith.constant 0 : i32
      %dma_wait3A_2365 = arith.constant 0 : i32
      %dma_wait3A_2366 = tpu.memref_slice %arg9[%dma_wait3A_2363, %dma_wait3A_2364, %dma_wait3A_2365] : memref<3x8x4096xf32, #tpu.memory_space<vmem>> -> memref<1x8x4096xf32, #tpu.memory_space<vmem>>
      %dma_wait3A_2367 = tpu.memref_squeeze %dma_wait3A_2366 : memref<1x8x4096xf32, #tpu.memory_space<vmem>> -> memref<8x4096xf32, #tpu.memory_space<vmem>>
      %dma_wait3A_2368 = arith.constant 0 : i32
      %dma_wait3A_2369 = arith.constant 0 : i32
      %dma_wait3A_2370 = tpu.memref_slice %dma_wait3A_2367[%dma_wait3A_2368, %dma_wait3A_2369] : memref<8x4096xf32, #tpu.memory_space<vmem>> -> memref<1x4096xf32, #tpu.memory_space<vmem>>
      %dma_wait3A_2371 = arith.constant 0 : i32
      %dma_wait3A_2372 = arith.constant 0 : i32
      %dma_wait3A_2373 = tpu.memref_slice %arg7[%select_n3A_2321, %dma_wait3A_2371, %dma_wait3A_2372] : memref<2x4106x4096xf32, #tpu.memory_space<hbm>> -> memref<1x4106x4096xf32, #tpu.memory_space<hbm>>
      %dma_wait3A_2374 = tpu.memref_squeeze %dma_wait3A_2373 : memref<1x4106x4096xf32, #tpu.memory_space<hbm>> -> memref<4106x4096xf32, #tpu.memory_space<hbm>>
      %dma_wait3A_2375 = arith.constant 0 : i32
      %dma_wait3A_2376 = tpu.memref_slice %dma_wait3A_2374[%sub3A_2324, %dma_wait3A_2375] : memref<4106x4096xf32, #tpu.memory_space<hbm>> -> memref<1x4096xf32, #tpu.memory_space<hbm>>
      %dma_wait3A_2377 = arith.constant 0 : i32
      %dma_wait3A_2378 = arith.constant 0 : i32
      %dma_wait3A_2379 = tpu.memref_slice %arg7[%select_n3A_2321, %dma_wait3A_2377, %dma_wait3A_2378] : memref<2x4106x4096xf32, #tpu.memory_space<hbm>> -> memref<1x4106x4096xf32, #tpu.memory_space<hbm>>
      %dma_wait3A_2380 = tpu.memref_squeeze %dma_wait3A_2379 : memref<1x4106x4096xf32, #tpu.memory_space<hbm>> -> memref<4106x4096xf32, #tpu.memory_space<hbm>>
      %dma_wait3A_2381 = arith.constant 0 : i32
      %dma_wait3A_2382 = tpu.memref_slice %dma_wait3A_2380[%sub3A_2324, %dma_wait3A_2381] : memref<4106x4096xf32, #tpu.memory_space<hbm>> -> memref<1x4096xf32, #tpu.memory_space<hbm>>
      %dma_wait3A_2383 = arith.constant 0 : i32
      %dma_wait3A_2384 = arith.constant 0 : i32
      %dma_wait3A_2385 = tpu.memref_slice %arg9[%dma_wait3A_2363, %dma_wait3A_2383, %dma_wait3A_2384] : memref<3x8x4096xf32, #tpu.memory_space<vmem>> -> memref<1x8x4096xf32, #tpu.memory_space<vmem>>
      %dma_wait3A_2386 = tpu.memref_squeeze %dma_wait3A_2385 : memref<1x8x4096xf32, #tpu.memory_space<vmem>> -> memref<8x4096xf32, #tpu.memory_space<vmem>>
      %dma_wait3A_2387 = arith.constant 0 : i32
      %dma_wait3A_2388 = arith.constant 0 : i32
      %dma_wait3A_2389 = tpu.memref_slice %dma_wait3A_2386[%dma_wait3A_2387, %dma_wait3A_2388] : memref<8x4096xf32, #tpu.memory_space<vmem>> -> memref<1x4096xf32, #tpu.memory_space<vmem>>
      tpu.wait_dma2 semaphore(%arg18 : memref<!tpu.dma_semaphore, #tpu.memory_space<semaphore_mem>>) src(%dma_wait3A_2389 : memref<1x4096xf32, #tpu.memory_space<vmem>>) dst(%dma_wait3A_2382 : memref<1x4096xf32, #tpu.memory_space<hbm>>)
    } else {
    }
    %dma_wait3A = arith.constant 0 : i32
    %dma_wait3A_47 = arith.constant 0 : i32
    %dma_wait3A_48 = arith.constant 0 : i32
    %dma_wait3A_49 = tpu.memref_slice %arg9[%dma_wait3A, %dma_wait3A_47, %dma_wait3A_48] : memref<3x8x4096xf32, #tpu.memory_space<vmem>> -> memref<1x8x4096xf32, #tpu.memory_space<vmem>>
    %dma_wait3A_50 = tpu.memref_squeeze %dma_wait3A_49 : memref<1x8x4096xf32, #tpu.memory_space<vmem>> -> memref<8x4096xf32, #tpu.memory_space<vmem>>
    %dma_wait3A_51 = arith.constant 0 : i32
    %dma_wait3A_52 = arith.constant 0 : i32
    %dma_wait3A_53 = tpu.memref_slice %arg3[%dma_wait3A_51, %dma_wait3A_52] : memref<4096x4096xf32, #tpu.memory_space<hbm>> -> memref<8x4096xf32, #tpu.memory_space<hbm>>
    %dma_wait3A_54 = arith.constant 0 : i32
    %dma_wait3A_55 = arith.constant 0 : i32
    %dma_wait3A_56 = tpu.memref_slice %arg9[%dma_wait3A, %dma_wait3A_54, %dma_wait3A_55] : memref<3x8x4096xf32, #tpu.memory_space<vmem>> -> memref<1x8x4096xf32, #tpu.memory_space<vmem>>
    %dma_wait3A_57 = tpu.memref_squeeze %dma_wait3A_56 : memref<1x8x4096xf32, #tpu.memory_space<vmem>> -> memref<8x4096xf32, #tpu.memory_space<vmem>>
    %dma_wait3A_58 = arith.constant 0 : i32
    %dma_wait3A_59 = arith.constant 0 : i32
    %dma_wait3A_60 = tpu.memref_slice %arg3[%dma_wait3A_58, %dma_wait3A_59] : memref<4096x4096xf32, #tpu.memory_space<hbm>> -> memref<8x4096xf32, #tpu.memory_space<hbm>>
    tpu.wait_dma2 semaphore(%arg13 : memref<!tpu.dma_semaphore, #tpu.memory_space<semaphore_mem>>) src(%dma_wait3A_60 : memref<8x4096xf32, #tpu.memory_space<hbm>>) dst(%dma_wait3A_57 : memref<8x4096xf32, #tpu.memory_space<vmem>>)
    %add3A_61 = arith.constant 0 : i32
    %add3A_62 = arith.addi %add3A_23, %add3A_61 : i32
    %dma_start3A_63 = arith.constant 0 : i32
    %dma_start3A_64 = arith.constant 0 : i32
    %dma_start3A_65 = arith.constant 0 : i32
    %dma_start3A_66 = tpu.memref_slice %arg9[%dma_start3A_63, %dma_start3A_64, %dma_start3A_65] : memref<3x8x4096xf32, #tpu.memory_space<vmem>> -> memref<1x8x4096xf32, #tpu.memory_space<vmem>>
    %dma_start3A_67 = tpu.memref_squeeze %dma_start3A_66 : memref<1x8x4096xf32, #tpu.memory_space<vmem>> -> memref<8x4096xf32, #tpu.memory_space<vmem>>
    %dma_start3A_68 = arith.constant 0 : i32
    %dma_start3A_69 = arith.constant 0 : i32
    %dma_start3A_70 = tpu.memref_slice %arg7[%select_n3A, %dma_start3A_68, %dma_start3A_69] : memref<2x4106x4096xf32, #tpu.memory_space<hbm>> -> memref<1x4106x4096xf32, #tpu.memory_space<hbm>>
    %dma_start3A_71 = tpu.memref_squeeze %dma_start3A_70 : memref<1x4106x4096xf32, #tpu.memory_space<hbm>> -> memref<4106x4096xf32, #tpu.memory_space<hbm>>
    %dma_start3A_72 = arith.constant 0 : i32
    %dma_start3A_73 = tpu.memref_slice %dma_start3A_71[%add3A_62, %dma_start3A_72] : memref<4106x4096xf32, #tpu.memory_space<hbm>> -> memref<8x4096xf32, #tpu.memory_space<hbm>>
    %dma_start3A_74 = arith.constant 0 : i32
    %dma_start3A_75 = arith.constant 0 : i32
    %dma_start3A_76 = tpu.memref_slice %arg7[%select_n3A, %dma_start3A_74, %dma_start3A_75] : memref<2x4106x4096xf32, #tpu.memory_space<hbm>> -> memref<1x4106x4096xf32, #tpu.memory_space<hbm>>
    %dma_start3A_77 = tpu.memref_squeeze %dma_start3A_76 : memref<1x4106x4096xf32, #tpu.memory_space<hbm>> -> memref<4106x4096xf32, #tpu.memory_space<hbm>>
    %dma_start3A_78 = arith.constant 0 : i32
    %dma_start3A_79 = tpu.memref_slice %dma_start3A_77[%add3A_62, %dma_start3A_78] : memref<4106x4096xf32, #tpu.memory_space<hbm>> -> memref<8x4096xf32, #tpu.memory_space<hbm>>
    %dma_start3A_80 = arith.constant 0 : i32
    %dma_start3A_81 = arith.constant 0 : i32
    %dma_start3A_82 = tpu.memref_slice %arg9[%dma_start3A_63, %dma_start3A_80, %dma_start3A_81] : memref<3x8x4096xf32, #tpu.memory_space<vmem>> -> memref<1x8x4096xf32, #tpu.memory_space<vmem>>
    %dma_start3A_83 = tpu.memref_squeeze %dma_start3A_82 : memref<1x8x4096xf32, #tpu.memory_space<vmem>> -> memref<8x4096xf32, #tpu.memory_space<vmem>>
    tpu.enqueue_dma source(%dma_start3A_83 : memref<8x4096xf32, #tpu.memory_space<vmem>>) target(%dma_start3A_79 : memref<8x4096xf32, #tpu.memory_space<hbm>>) target_semaphore(%arg16 : memref<!tpu.dma_semaphore, #tpu.memory_space<semaphore_mem>>)
    %dma_start3A_84 = arith.constant 2 : i32
    %dma_start3A_85 = arith.constant 0 : i32
    %dma_start3A_86 = arith.constant 0 : i32
    %dma_start3A_87 = tpu.memref_slice %arg9[%dma_start3A_84, %dma_start3A_85, %dma_start3A_86] : memref<3x8x4096xf32, #tpu.memory_space<vmem>> -> memref<1x8x4096xf32, #tpu.memory_space<vmem>>
    %dma_start3A_88 = tpu.memref_squeeze %dma_start3A_87 : memref<1x8x4096xf32, #tpu.memory_space<vmem>> -> memref<8x4096xf32, #tpu.memory_space<vmem>>
    %dma_start3A_89 = arith.constant 16 : i32
    %dma_start3A_90 = tpu.memref_slice %arg8[%dma_start3A_89] : memref<256xi32, #tpu.memory_space<vmem>> -> memref<8xi32, #tpu.memory_space<vmem>>
    %dma_start3A_91 = arith.constant 0 : i32
    %dma_start3A_92 = arith.constant 0 : i32
    %dma_start3A_93 = tpu.memref_slice %arg3[%dma_start3A_91, %dma_start3A_92] : memref<4096x4096xf32, #tpu.memory_space<hbm>> -> memref<4096x4096xf32, #tpu.memory_space<hbm>>
    tpu.enqueue_indirect_dma source(%dma_start3A_93 : memref<4096x4096xf32, #tpu.memory_space<hbm>>) target(%dma_start3A_88 : memref<8x4096xf32, #tpu.memory_space<vmem>>) offsets(%dma_start3A_90 : memref<8xi32, #tpu.memory_space<vmem>>) semaphore(%arg15 : memref<!tpu.dma_semaphore, #tpu.memory_space<semaphore_mem>>)
    %dma_wait3A_94 = arith.constant 1 : i32
    %dma_wait3A_95 = arith.constant 0 : i32
    %dma_wait3A_96 = arith.constant 0 : i32
    %dma_wait3A_97 = tpu.memref_slice %arg9[%dma_wait3A_94, %dma_wait3A_95, %dma_wait3A_96] : memref<3x8x4096xf32, #tpu.memory_space<vmem>> -> memref<1x8x4096xf32, #tpu.memory_space<vmem>>
    %dma_wait3A_98 = tpu.memref_squeeze %dma_wait3A_97 : memref<1x8x4096xf32, #tpu.memory_space<vmem>> -> memref<8x4096xf32, #tpu.memory_space<vmem>>
    %dma_wait3A_99 = arith.constant 0 : i32
    %dma_wait3A_100 = arith.constant 0 : i32
    %dma_wait3A_101 = tpu.memref_slice %arg3[%dma_wait3A_99, %dma_wait3A_100] : memref<4096x4096xf32, #tpu.memory_space<hbm>> -> memref<8x4096xf32, #tpu.memory_space<hbm>>
    %dma_wait3A_102 = arith.constant 0 : i32
    %dma_wait3A_103 = arith.constant 0 : i32
    %dma_wait3A_104 = tpu.memref_slice %arg9[%dma_wait3A_94, %dma_wait3A_102, %dma_wait3A_103] : memref<3x8x4096xf32, #tpu.memory_space<vmem>> -> memref<1x8x4096xf32, #tpu.memory_space<vmem>>
    %dma_wait3A_105 = tpu.memref_squeeze %dma_wait3A_104 : memref<1x8x4096xf32, #tpu.memory_space<vmem>> -> memref<8x4096xf32, #tpu.memory_space<vmem>>
    %dma_wait3A_106 = arith.constant 0 : i32
    %dma_wait3A_107 = arith.constant 0 : i32
    %dma_wait3A_108 = tpu.memref_slice %arg3[%dma_wait3A_106, %dma_wait3A_107] : memref<4096x4096xf32, #tpu.memory_space<hbm>> -> memref<8x4096xf32, #tpu.memory_space<hbm>>
    tpu.wait_dma2 semaphore(%arg14 : memref<!tpu.dma_semaphore, #tpu.memory_space<semaphore_mem>>) src(%dma_wait3A_108 : memref<8x4096xf32, #tpu.memory_space<hbm>>) dst(%dma_wait3A_105 : memref<8x4096xf32, #tpu.memory_space<vmem>>)
    %add3A_109 = arith.constant 8 : i32
    %add3A_110 = arith.addi %add3A_23, %add3A_109 : i32
    %dma_start3A_111 = arith.constant 1 : i32
    %dma_start3A_112 = arith.constant 0 : i32
    %dma_start3A_113 = arith.constant 0 : i32
    %dma_start3A_114 = tpu.memref_slice %arg9[%dma_start3A_111, %dma_start3A_112, %dma_start3A_113] : memref<3x8x4096xf32, #tpu.memory_space<vmem>> -> memref<1x8x4096xf32, #tpu.memory_space<vmem>>
    %dma_start3A_115 = tpu.memref_squeeze %dma_start3A_114 : memref<1x8x4096xf32, #tpu.memory_space<vmem>> -> memref<8x4096xf32, #tpu.memory_space<vmem>>
    %dma_start3A_116 = arith.constant 0 : i32
    %dma_start3A_117 = arith.constant 0 : i32
    %dma_start3A_118 = tpu.memref_slice %arg7[%select_n3A, %dma_start3A_116, %dma_start3A_117] : memref<2x4106x4096xf32, #tpu.memory_space<hbm>> -> memref<1x4106x4096xf32, #tpu.memory_space<hbm>>
    %dma_start3A_119 = tpu.memref_squeeze %dma_start3A_118 : memref<1x4106x4096xf32, #tpu.memory_space<hbm>> -> memref<4106x4096xf32, #tpu.memory_space<hbm>>
    %dma_start3A_120 = arith.constant 0 : i32
    %dma_start3A_121 = tpu.memref_slice %dma_start3A_119[%add3A_110, %dma_start3A_120] : memref<4106x4096xf32, #tpu.memory_space<hbm>> -> memref<8x4096xf32, #tpu.memory_space<hbm>>
    %dma_start3A_122 = arith.constant 0 : i32
    %dma_start3A_123 = arith.constant 0 : i32
    %dma_start3A_124 = tpu.memref_slice %arg7[%select_n3A, %dma_start3A_122, %dma_start3A_123] : memref<2x4106x4096xf32, #tpu.memory_space<hbm>> -> memref<1x4106x4096xf32, #tpu.memory_space<hbm>>
    %dma_start3A_125 = tpu.memref_squeeze %dma_start3A_124 : memref<1x4106x4096xf32, #tpu.memory_space<hbm>> -> memref<4106x4096xf32, #tpu.memory_space<hbm>>
    %dma_start3A_126 = arith.constant 0 : i32
    %dma_start3A_127 = tpu.memref_slice %dma_start3A_125[%add3A_110, %dma_start3A_126] : memref<4106x4096xf32, #tpu.memory_space<hbm>> -> memref<8x4096xf32, #tpu.memory_space<hbm>>
    %dma_start3A_128 = arith.constant 0 : i32
    %dma_start3A_129 = arith.constant 0 : i32
    %dma_start3A_130 = tpu.memref_slice %arg9[%dma_start3A_111, %dma_start3A_128, %dma_start3A_129] : memref<3x8x4096xf32, #tpu.memory_space<vmem>> -> memref<1x8x4096xf32, #tpu.memory_space<vmem>>
    %dma_start3A_131 = tpu.memref_squeeze %dma_start3A_130 : memref<1x8x4096xf32, #tpu.memory_space<vmem>> -> memref<8x4096xf32, #tpu.memory_space<vmem>>
    tpu.enqueue_dma source(%dma_start3A_131 : memref<8x4096xf32, #tpu.memory_space<vmem>>) target(%dma_start3A_127 : memref<8x4096xf32, #tpu.memory_space<hbm>>) target_semaphore(%arg17 : memref<!tpu.dma_semaphore, #tpu.memory_space<semaphore_mem>>)
    %dma_wait3A_132 = arith.constant 0 : i32
    %dma_wait3A_133 = arith.constant 0 : i32
    %dma_wait3A_134 = arith.constant 0 : i32
    %dma_wait3A_135 = tpu.memref_slice %arg9[%dma_wait3A_132, %dma_wait3A_133, %dma_wait3A_134] : memref<3x8x4096xf32, #tpu.memory_space<vmem>> -> memref<1x8x4096xf32, #tpu.memory_space<vmem>>
    %dma_wait3A_136 = tpu.memref_squeeze %dma_wait3A_135 : memref<1x8x4096xf32, #tpu.memory_space<vmem>> -> memref<8x4096xf32, #tpu.memory_space<vmem>>
    %dma_wait3A_137 = arith.constant 0 : i32
    %dma_wait3A_138 = arith.constant 0 : i32
    %dma_wait3A_139 = tpu.memref_slice %arg7[%select_n3A, %dma_wait3A_137, %dma_wait3A_138] : memref<2x4106x4096xf32, #tpu.memory_space<hbm>> -> memref<1x4106x4096xf32, #tpu.memory_space<hbm>>
    %dma_wait3A_140 = tpu.memref_squeeze %dma_wait3A_139 : memref<1x4106x4096xf32, #tpu.memory_space<hbm>> -> memref<4106x4096xf32, #tpu.memory_space<hbm>>
    %dma_wait3A_141 = arith.constant 0 : i32
    %dma_wait3A_142 = arith.constant 0 : i32
    %dma_wait3A_143 = tpu.memref_slice %dma_wait3A_140[%dma_wait3A_141, %dma_wait3A_142] : memref<4106x4096xf32, #tpu.memory_space<hbm>> -> memref<8x4096xf32, #tpu.memory_space<hbm>>
    %dma_wait3A_144 = arith.constant 0 : i32
    %dma_wait3A_145 = arith.constant 0 : i32
    %dma_wait3A_146 = tpu.memref_slice %arg7[%select_n3A, %dma_wait3A_144, %dma_wait3A_145] : memref<2x4106x4096xf32, #tpu.memory_space<hbm>> -> memref<1x4106x4096xf32, #tpu.memory_space<hbm>>
    %dma_wait3A_147 = tpu.memref_squeeze %dma_wait3A_146 : memref<1x4106x4096xf32, #tpu.memory_space<hbm>> -> memref<4106x4096xf32, #tpu.memory_space<hbm>>
    %dma_wait3A_148 = arith.constant 0 : i32
    %dma_wait3A_149 = arith.constant 0 : i32
    %dma_wait3A_150 = tpu.memref_slice %dma_wait3A_147[%dma_wait3A_148, %dma_wait3A_149] : memref<4106x4096xf32, #tpu.memory_space<hbm>> -> memref<8x4096xf32, #tpu.memory_space<hbm>>
    %dma_wait3A_151 = arith.constant 0 : i32
    %dma_wait3A_152 = arith.constant 0 : i32
    %dma_wait3A_153 = tpu.memref_slice %arg9[%dma_wait3A_132, %dma_wait3A_151, %dma_wait3A_152] : memref<3x8x4096xf32, #tpu.memory_space<vmem>> -> memref<1x8x4096xf32, #tpu.memory_space<vmem>>
    %dma_wait3A_154 = tpu.memref_squeeze %dma_wait3A_153 : memref<1x8x4096xf32, #tpu.memory_space<vmem>> -> memref<8x4096xf32, #tpu.memory_space<vmem>>
    tpu.wait_dma2 semaphore(%arg16 : memref<!tpu.dma_semaphore, #tpu.memory_space<semaphore_mem>>) src(%dma_wait3A_154 : memref<8x4096xf32, #tpu.memory_space<vmem>>) dst(%dma_wait3A_150 : memref<8x4096xf32, #tpu.memory_space<hbm>>)
    %dma_start3A_155 = arith.constant 0 : i32
    %dma_start3A_156 = arith.constant 0 : i32
    %dma_start3A_157 = arith.constant 0 : i32
    %dma_start3A_158 = tpu.memref_slice %arg9[%dma_start3A_155, %dma_start3A_156, %dma_start3A_157] : memref<3x8x4096xf32, #tpu.memory_space<vmem>> -> memref<1x8x4096xf32, #tpu.memory_space<vmem>>
    %dma_start3A_159 = tpu.memref_squeeze %dma_start3A_158 : memref<1x8x4096xf32, #tpu.memory_space<vmem>> -> memref<8x4096xf32, #tpu.memory_space<vmem>>
    %dma_start3A_160 = arith.constant 24 : i32
    %dma_start3A_161 = tpu.memref_slice %arg8[%dma_start3A_160] : memref<256xi32, #tpu.memory_space<vmem>> -> memref<8xi32, #tpu.memory_space<vmem>>
    %dma_start3A_162 = arith.constant 0 : i32
    %dma_start3A_163 = arith.constant 0 : i32
    %dma_start3A_164 = tpu.memref_slice %arg3[%dma_start3A_162, %dma_start3A_163] : memref<4096x4096xf32, #tpu.memory_space<hbm>> -> memref<4096x4096xf32, #tpu.memory_space<hbm>>
    tpu.enqueue_indirect_dma source(%dma_start3A_164 : memref<4096x4096xf32, #tpu.memory_space<hbm>>) target(%dma_start3A_159 : memref<8x4096xf32, #tpu.memory_space<vmem>>) offsets(%dma_start3A_161 : memref<8xi32, #tpu.memory_space<vmem>>) semaphore(%arg13 : memref<!tpu.dma_semaphore, #tpu.memory_space<semaphore_mem>>)
    %dma_wait3A_165 = arith.constant 2 : i32
    %dma_wait3A_166 = arith.constant 0 : i32
    %dma_wait3A_167 = arith.constant 0 : i32
    %dma_wait3A_168 = tpu.memref_slice %arg9[%dma_wait3A_165, %dma_wait3A_166, %dma_wait3A_167] : memref<3x8x4096xf32, #tpu.memory_space<vmem>> -> memref<1x8x4096xf32, #tpu.memory_space<vmem>>
    %dma_wait3A_169 = tpu.memref_squeeze %dma_wait3A_168 : memref<1x8x4096xf32, #tpu.memory_space<vmem>> -> memref<8x4096xf32, #tpu.memory_space<vmem>>
    %dma_wait3A_170 = arith.constant 0 : i32
    %dma_wait3A_171 = arith.constant 0 : i32
    %dma_wait3A_172 = tpu.memref_slice %arg3[%dma_wait3A_170, %dma_wait3A_171] : memref<4096x4096xf32, #tpu.memory_space<hbm>> -> memref<8x4096xf32, #tpu.memory_space<hbm>>
    %dma_wait3A_173 = arith.constant 0 : i32
    %dma_wait3A_174 = arith.constant 0 : i32
    %dma_wait3A_175 = tpu.memref_slice %arg9[%dma_wait3A_165, %dma_wait3A_173, %dma_wait3A_174] : memref<3x8x4096xf32, #tpu.memory_space<vmem>> -> memref<1x8x4096xf32, #tpu.memory_space<vmem>>
    %dma_wait3A_176 = tpu.memref_squeeze %dma_wait3A_175 : memref<1x8x4096xf32, #tpu.memory_space<vmem>> -> memref<8x4096xf32, #tpu.memory_space<vmem>>
    %dma_wait3A_177 = arith.constant 0 : i32
    %dma_wait3A_178 = arith.constant 0 : i32
    %dma_wait3A_179 = tpu.memref_slice %arg3[%dma_wait3A_177, %dma_wait3A_178] : memref<4096x4096xf32, #tpu.memory_space<hbm>> -> memref<8x4096xf32, #tpu.memory_space<hbm>>
    tpu.wait_dma2 semaphore(%arg15 : memref<!tpu.dma_semaphore, #tpu.memory_space<semaphore_mem>>) src(%dma_wait3A_179 : memref<8x4096xf32, #tpu.memory_space<hbm>>) dst(%dma_wait3A_176 : memref<8x4096xf32, #tpu.memory_space<vmem>>)
    %add3A_180 = arith.constant 16 : i32
    %add3A_181 = arith.addi %add3A_23, %add3A_180 : i32
    %dma_start3A_182 = arith.constant 2 : i32
    %dma_start3A_183 = arith.constant 0 : i32
    %dma_start3A_184 = arith.constant 0 : i32
    %dma_start3A_185 = tpu.memref_slice %arg9[%dma_start3A_182, %dma_start3A_183, %dma_start3A_184] : memref<3x8x4096xf32, #tpu.memory_space<vmem>> -> memref<1x8x4096xf32, #tpu.memory_space<vmem>>
    %dma_start3A_186 = tpu.memref_squeeze %dma_start3A_185 : memref<1x8x4096xf32, #tpu.memory_space<vmem>> -> memref<8x4096xf32, #tpu.memory_space<vmem>>
    %dma_start3A_187 = arith.constant 0 : i32
    %dma_start3A_188 = arith.constant 0 : i32
    %dma_start3A_189 = tpu.memref_slice %arg7[%select_n3A, %dma_start3A_187, %dma_start3A_188] : memref<2x4106x4096xf32, #tpu.memory_space<hbm>> -> memref<1x4106x4096xf32, #tpu.memory_space<hbm>>
    %dma_start3A_190 = tpu.memref_squeeze %dma_start3A_189 : memref<1x4106x4096xf32, #tpu.memory_space<hbm>> -> memref<4106x4096xf32, #tpu.memory_space<hbm>>
    %dma_start3A_191 = arith.constant 0 : i32
    %dma_start3A_192 = tpu.memref_slice %dma_start3A_190[%add3A_181, %dma_start3A_191] : memref<4106x4096xf32, #tpu.memory_space<hbm>> -> memref<8x4096xf32, #tpu.memory_space<hbm>>
    %dma_start3A_193 = arith.constant 0 : i32
    %dma_start3A_194 = arith.constant 0 : i32
    %dma_start3A_195 = tpu.memref_slice %arg7[%select_n3A, %dma_start3A_193, %dma_start3A_194] : memref<2x4106x4096xf32, #tpu.memory_space<hbm>> -> memref<1x4106x4096xf32, #tpu.memory_space<hbm>>
    %dma_start3A_196 = tpu.memref_squeeze %dma_start3A_195 : memref<1x4106x4096xf32, #tpu.memory_space<hbm>> -> memref<4106x4096xf32, #tpu.memory_space<hbm>>
    %dma_start3A_197 = arith.constant 0 : i32
    %dma_start3A_198 = tpu.memref_slice %dma_start3A_196[%add3A_181, %dma_start3A_197] : memref<4106x4096xf32, #tpu.memory_space<hbm>> -> memref<8x4096xf32, #tpu.memory_space<hbm>>
    %dma_start3A_199 = arith.constant 0 : i32
    %dma_start3A_200 = arith.constant 0 : i32
    %dma_start3A_201 = tpu.memref_slice %arg9[%dma_start3A_182, %dma_start3A_199, %dma_start3A_200] : memref<3x8x4096xf32, #tpu.memory_space<vmem>> -> memref<1x8x4096xf32, #tpu.memory_space<vmem>>
    %dma_start3A_202 = tpu.memref_squeeze %dma_start3A_201 : memref<1x8x4096xf32, #tpu.memory_space<vmem>> -> memref<8x4096xf32, #tpu.memory_space<vmem>>
    tpu.enqueue_dma source(%dma_start3A_202 : memref<8x4096xf32, #tpu.memory_space<vmem>>) target(%dma_start3A_198 : memref<8x4096xf32, #tpu.memory_space<hbm>>) target_semaphore(%arg18 : memref<!tpu.dma_semaphore, #tpu.memory_space<semaphore_mem>>)
    %dma_wait3A_203 = arith.constant 1 : i32
    %dma_wait3A_204 = arith.constant 0 : i32
    %dma_wait3A_205 = arith.constant 0 : i32
    %dma_wait3A_206 = tpu.memref_slice %arg9[%dma_wait3A_203, %dma_wait3A_204, %dma_wait3A_205] : memref<3x8x4096xf32, #tpu.memory_space<vmem>> -> memref<1x8x4096xf32, #tpu.memory_space<vmem>>
    %dma_wait3A_207 = tpu.memref_squeeze %dma_wait3A_206 : memref<1x8x4096xf32, #tpu.memory_space<vmem>> -> memref<8x4096xf32, #tpu.memory_space<vmem>>
    %dma_wait3A_208 = arith.constant 0 : i32
    %dma_wait3A_209 = arith.constant 0 : i32
    %dma_wait3A_210 = tpu.memref_slice %arg7[%select_n3A, %dma_wait3A_208, %dma_wait3A_209] : memref<2x4106x4096xf32, #tpu.memory_space<hbm>> -> memref<1x4106x4096xf32, #tpu.memory_space<hbm>>
    %dma_wait3A_211 = tpu.memref_squeeze %dma_wait3A_210 : memref<1x4106x4096xf32, #tpu.memory_space<hbm>> -> memref<4106x4096xf32, #tpu.memory_space<hbm>>
    %dma_wait3A_212 = arith.constant 0 : i32
    %dma_wait3A_213 = arith.constant 0 : i32
    %dma_wait3A_214 = tpu.memref_slice %dma_wait3A_211[%dma_wait3A_212, %dma_wait3A_213] : memref<4106x4096xf32, #tpu.memory_space<hbm>> -> memref<8x4096xf32, #tpu.memory_space<hbm>>
    %dma_wait3A_215 = arith.constant 0 : i32
    %dma_wait3A_216 = arith.constant 0 : i32
    %dma_wait3A_217 = tpu.memref_slice %arg7[%select_n3A, %dma_wait3A_215, %dma_wait3A_216] : memref<2x4106x4096xf32, #tpu.memory_space<hbm>> -> memref<1x4106x4096xf32, #tpu.memory_space<hbm>>
    %dma_wait3A_218 = tpu.memref_squeeze %dma_wait3A_217 : memref<1x4106x4096xf32, #tpu.memory_space<hbm>> -> memref<4106x4096xf32, #tpu.memory_space<hbm>>
    %dma_wait3A_219 = arith.constant 0 : i32
    %dma_wait3A_220 = arith.constant 0 : i32
    %dma_wait3A_221 = tpu.memref_slice %dma_wait3A_218[%dma_wait3A_219, %dma_wait3A_220] : memref<4106x4096xf32, #tpu.memory_space<hbm>> -> memref<8x4096xf32, #tpu.memory_space<hbm>>
    %dma_wait3A_222 = arith.constant 0 : i32
    %dma_wait3A_223 = arith.constant 0 : i32
    %dma_wait3A_224 = tpu.memref_slice %arg9[%dma_wait3A_203, %dma_wait3A_222, %dma_wait3A_223] : memref<3x8x4096xf32, #tpu.memory_space<vmem>> -> memref<1x8x4096xf32, #tpu.memory_space<vmem>>
    %dma_wait3A_225 = tpu.memref_squeeze %dma_wait3A_224 : memref<1x8x4096xf32, #tpu.memory_space<vmem>> -> memref<8x4096xf32, #tpu.memory_space<vmem>>
    tpu.wait_dma2 semaphore(%arg17 : memref<!tpu.dma_semaphore, #tpu.memory_space<semaphore_mem>>) src(%dma_wait3A_225 : memref<8x4096xf32, #tpu.memory_space<vmem>>) dst(%dma_wait3A_221 : memref<8x4096xf32, #tpu.memory_space<hbm>>)
    %dma_start3A_226 = arith.constant 1 : i32
    %dma_start3A_227 = arith.constant 0 : i32
    %dma_start3A_228 = arith.constant 0 : i32
    %dma_start3A_229 = tpu.memref_slice %arg9[%dma_start3A_226, %dma_start3A_227, %dma_start3A_228] : memref<3x8x4096xf32, #tpu.memory_space<vmem>> -> memref<1x8x4096xf32, #tpu.memory_space<vmem>>
    %dma_start3A_230 = tpu.memref_squeeze %dma_start3A_229 : memref<1x8x4096xf32, #tpu.memory_space<vmem>> -> memref<8x4096xf32, #tpu.memory_space<vmem>>
    %dma_start3A_231 = arith.constant 32 : i32
    %dma_start3A_232 = tpu.memref_slice %arg8[%dma_start3A_231] : memref<256xi32, #tpu.memory_space<vmem>> -> memref<8xi32, #tpu.memory_space<vmem>>
    %dma_start3A_233 = arith.constant 0 : i32
    %dma_start3A_234 = arith.constant 0 : i32
    %dma_start3A_235 = tpu.memref_slice %arg3[%dma_start3A_233, %dma_start3A_234] : memref<4096x4096xf32, #tpu.memory_space<hbm>> -> memref<4096x4096xf32, #tpu.memory_space<hbm>>
    tpu.enqueue_indirect_dma source(%dma_start3A_235 : memref<4096x4096xf32, #tpu.memory_space<hbm>>) target(%dma_start3A_230 : memref<8x4096xf32, #tpu.memory_space<vmem>>) offsets(%dma_start3A_232 : memref<8xi32, #tpu.memory_space<vmem>>) semaphore(%arg14 : memref<!tpu.dma_semaphore, #tpu.memory_space<semaphore_mem>>)
    %dma_wait3A_236 = arith.constant 0 : i32
    %dma_wait3A_237 = arith.constant 0 : i32
    %dma_wait3A_238 = arith.constant 0 : i32
    %dma_wait3A_239 = tpu.memref_slice %arg9[%dma_wait3A_236, %dma_wait3A_237, %dma_wait3A_238] : memref<3x8x4096xf32, #tpu.memory_space<vmem>> -> memref<1x8x4096xf32, #tpu.memory_space<vmem>>
    %dma_wait3A_240 = tpu.memref_squeeze %dma_wait3A_239 : memref<1x8x4096xf32, #tpu.memory_space<vmem>> -> memref<8x4096xf32, #tpu.memory_space<vmem>>
    %dma_wait3A_241 = arith.constant 0 : i32
    %dma_wait3A_242 = arith.constant 0 : i32
    %dma_wait3A_243 = tpu.memref_slice %arg3[%dma_wait3A_241, %dma_wait3A_242] : memref<4096x4096xf32, #tpu.memory_space<hbm>> -> memref<8x4096xf32, #tpu.memory_space<hbm>>
    %dma_wait3A_244 = arith.constant 0 : i32
    %dma_wait3A_245 = arith.constant 0 : i32
    %dma_wait3A_246 = tpu.memref_slice %arg9[%dma_wait3A_236, %dma_wait3A_244, %dma_wait3A_245] : memref<3x8x4096xf32, #tpu.memory_space<vmem>> -> memref<1x8x4096xf32, #tpu.memory_space<vmem>>
    %dma_wait3A_247 = tpu.memref_squeeze %dma_wait3A_246 : memref<1x8x4096xf32, #tpu.memory_space<vmem>> -> memref<8x4096xf32, #tpu.memory_space<vmem>>
    %dma_wait3A_248 = arith.constant 0 : i32
    %dma_wait3A_249 = arith.constant 0 : i32
    %dma_wait3A_250 = tpu.memref_slice %arg3[%dma_wait3A_248, %dma_wait3A_249] : memref<4096x4096xf32, #tpu.memory_space<hbm>> -> memref<8x4096xf32, #tpu.memory_space<hbm>>
    tpu.wait_dma2 semaphore(%arg13 : memref<!tpu.dma_semaphore, #tpu.memory_space<semaphore_mem>>) src(%dma_wait3A_250 : memref<8x4096xf32, #tpu.memory_space<hbm>>) dst(%dma_wait3A_247 : memref<8x4096xf32, #tpu.memory_space<vmem>>)
    %add3A_251 = arith.constant 24 : i32
    %add3A_252 = arith.addi %add3A_23, %add3A_251 : i32
    %dma_start3A_253 = arith.constant 0 : i32
    %dma_start3A_254 = arith.constant 0 : i32
    %dma_start3A_255 = arith.constant 0 : i32
    %dma_start3A_256 = tpu.memref_slice %arg9[%dma_start3A_253, %dma_start3A_254, %dma_start3A_255] : memref<3x8x4096xf32, #tpu.memory_space<vmem>> -> memref<1x8x4096xf32, #tpu.memory_space<vmem>>
    %dma_start3A_257 = tpu.memref_squeeze %dma_start3A_256 : memref<1x8x4096xf32, #tpu.memory_space<vmem>> -> memref<8x4096xf32, #tpu.memory_space<vmem>>
    %dma_start3A_258 = arith.constant 0 : i32
    %dma_start3A_259 = arith.constant 0 : i32
    %dma_start3A_260 = tpu.memref_slice %arg7[%select_n3A, %dma_start3A_258, %dma_start3A_259] : memref<2x4106x4096xf32, #tpu.memory_space<hbm>> -> memref<1x4106x4096xf32, #tpu.memory_space<hbm>>
    %dma_start3A_261 = tpu.memref_squeeze %dma_start3A_260 : memref<1x4106x4096xf32, #tpu.memory_space<hbm>> -> memref<4106x4096xf32, #tpu.memory_space<hbm>>
    %dma_start3A_262 = arith.constant 0 : i32
    %dma_start3A_263 = tpu.memref_slice %dma_start3A_261[%add3A_252, %dma_start3A_262] : memref<4106x4096xf32, #tpu.memory_space<hbm>> -> memref<8x4096xf32, #tpu.memory_space<hbm>>
    %dma_start3A_264 = arith.constant 0 : i32
    %dma_start3A_265 = arith.constant 0 : i32
    %dma_start3A_266 = tpu.memref_slice %arg7[%select_n3A, %dma_start3A_264, %dma_start3A_265] : memref<2x4106x4096xf32, #tpu.memory_space<hbm>> -> memref<1x4106x4096xf32, #tpu.memory_space<hbm>>
    %dma_start3A_267 = tpu.memref_squeeze %dma_start3A_266 : memref<1x4106x4096xf32, #tpu.memory_space<hbm>> -> memref<4106x4096xf32, #tpu.memory_space<hbm>>
    %dma_start3A_268 = arith.constant 0 : i32
    %dma_start3A_269 = tpu.memref_slice %dma_start3A_267[%add3A_252, %dma_start3A_268] : memref<4106x4096xf32, #tpu.memory_space<hbm>> -> memref<8x4096xf32, #tpu.memory_space<hbm>>
    %dma_start3A_270 = arith.constant 0 : i32
    %dma_start3A_271 = arith.constant 0 : i32
    %dma_start3A_272 = tpu.memref_slice %arg9[%dma_start3A_253, %dma_start3A_270, %dma_start3A_271] : memref<3x8x4096xf32, #tpu.memory_space<vmem>> -> memref<1x8x4096xf32, #tpu.memory_space<vmem>>
    %dma_start3A_273 = tpu.memref_squeeze %dma_start3A_272 : memref<1x8x4096xf32, #tpu.memory_space<vmem>> -> memref<8x4096xf32, #tpu.memory_space<vmem>>
    tpu.enqueue_dma source(%dma_start3A_273 : memref<8x4096xf32, #tpu.memory_space<vmem>>) target(%dma_start3A_269 : memref<8x4096xf32, #tpu.memory_space<hbm>>) target_semaphore(%arg16 : memref<!tpu.dma_semaphore, #tpu.memory_space<semaphore_mem>>)
    %dma_wait3A_274 = arith.constant 2 : i32
    %dma_wait3A_275 = arith.constant 0 : i32
    %dma_wait3A_276 = arith.constant 0 : i32
    %dma_wait3A_277 = tpu.memref_slice %arg9[%dma_wait3A_274, %dma_wait3A_275, %dma_wait3A_276] : memref<3x8x4096xf32, #tpu.memory_space<vmem>> -> memref<1x8x4096xf32, #tpu.memory_space<vmem>>
    %dma_wait3A_278 = tpu.memref_squeeze %dma_wait3A_277 : memref<1x8x4096xf32, #tpu.memory_space<vmem>> -> memref<8x4096xf32, #tpu.memory_space<vmem>>
    %dma_wait3A_279 = arith.constant 0 : i32
    %dma_wait3A_280 = arith.constant 0 : i32
    %dma_wait3A_281 = tpu.memref_slice %arg7[%select_n3A, %dma_wait3A_279, %dma_wait3A_280] : memref<2x4106x4096xf32, #tpu.memory_space<hbm>> -> memref<1x4106x4096xf32, #tpu.memory_space<hbm>>
    %dma_wait3A_282 = tpu.memref_squeeze %dma_wait3A_281 : memref<1x4106x4096xf32, #tpu.memory_space<hbm>> -> memref<4106x4096xf32, #tpu.memory_space<hbm>>
    %dma_wait3A_283 = arith.constant 0 : i32
    %dma_wait3A_284 = arith.constant 0 : i32
    %dma_wait3A_285 = tpu.memref_slice %dma_wait3A_282[%dma_wait3A_283, %dma_wait3A_284] : memref<4106x4096xf32, #tpu.memory_space<hbm>> -> memref<8x4096xf32, #tpu.memory_space<hbm>>
    %dma_wait3A_286 = arith.constant 0 : i32
    %dma_wait3A_287 = arith.constant 0 : i32
    %dma_wait3A_288 = tpu.memref_slice %arg7[%select_n3A, %dma_wait3A_286, %dma_wait3A_287] : memref<2x4106x4096xf32, #tpu.memory_space<hbm>> -> memref<1x4106x4096xf32, #tpu.memory_space<hbm>>
    %dma_wait3A_289 = tpu.memref_squeeze %dma_wait3A_288 : memref<1x4106x4096xf32, #tpu.memory_space<hbm>> -> memref<4106x4096xf32, #tpu.memory_space<hbm>>
    %dma_wait3A_290 = arith.constant 0 : i32
    %dma_wait3A_291 = arith.constant 0 : i32
    %dma_wait3A_292 = tpu.memref_slice %dma_wait3A_289[%dma_wait3A_290, %dma_wait3A_291] : memref<4106x4096xf32, #tpu.memory_space<hbm>> -> memref<8x4096xf32, #tpu.memory_space<hbm>>
    %dma_wait3A_293 = arith.constant 0 : i32
    %dma_wait3A_294 = arith.constant 0 : i32
    %dma_wait3A_295 = tpu.memref_slice %arg9[%dma_wait3A_274, %dma_wait3A_293, %dma_wait3A_294] : memref<3x8x4096xf32, #tpu.memory_space<vmem>> -> memref<1x8x4096xf32, #tpu.memory_space<vmem>>
    %dma_wait3A_296 = tpu.memref_squeeze %dma_wait3A_295 : memref<1x8x4096xf32, #tpu.memory_space<vmem>> -> memref<8x4096xf32, #tpu.memory_space<vmem>>
    tpu.wait_dma2 semaphore(%arg18 : memref<!tpu.dma_semaphore, #tpu.memory_space<semaphore_mem>>) src(%dma_wait3A_296 : memref<8x4096xf32, #tpu.memory_space<vmem>>) dst(%dma_wait3A_292 : memref<8x4096xf32, #tpu.memory_space<hbm>>)
    %dma_start3A_297 = arith.constant 2 : i32
    %dma_start3A_298 = arith.constant 0 : i32
    %dma_start3A_299 = arith.constant 0 : i32
    %dma_start3A_300 = tpu.memref_slice %arg9[%dma_start3A_297, %dma_start3A_298, %dma_start3A_299] : memref<3x8x4096xf32, #tpu.memory_space<vmem>> -> memref<1x8x4096xf32, #tpu.memory_space<vmem>>
    %dma_start3A_301 = tpu.memref_squeeze %dma_start3A_300 : memref<1x8x4096xf32, #tpu.memory_space<vmem>> -> memref<8x4096xf32, #tpu.memory_space<vmem>>
    %dma_start3A_302 = arith.constant 40 : i32
    %dma_start3A_303 = tpu.memref_slice %arg8[%dma_start3A_302] : memref<256xi32, #tpu.memory_space<vmem>> -> memref<8xi32, #tpu.memory_space<vmem>>
    %dma_start3A_304 = arith.constant 0 : i32
    %dma_start3A_305 = arith.constant 0 : i32
    %dma_start3A_306 = tpu.memref_slice %arg3[%dma_start3A_304, %dma_start3A_305] : memref<4096x4096xf32, #tpu.memory_space<hbm>> -> memref<4096x4096xf32, #tpu.memory_space<hbm>>
    tpu.enqueue_indirect_dma source(%dma_start3A_306 : memref<4096x4096xf32, #tpu.memory_space<hbm>>) target(%dma_start3A_301 : memref<8x4096xf32, #tpu.memory_space<vmem>>) offsets(%dma_start3A_303 : memref<8xi32, #tpu.memory_space<vmem>>) semaphore(%arg15 : memref<!tpu.dma_semaphore, #tpu.memory_space<semaphore_mem>>)
    %dma_wait3A_307 = arith.constant 1 : i32
    %dma_wait3A_308 = arith.constant 0 : i32
    %dma_wait3A_309 = arith.constant 0 : i32
    %dma_wait3A_310 = tpu.memref_slice %arg9[%dma_wait3A_307, %dma_wait3A_308, %dma_wait3A_309] : memref<3x8x4096xf32, #tpu.memory_space<vmem>> -> memref<1x8x4096xf32, #tpu.memory_space<vmem>>
    %dma_wait3A_311 = tpu.memref_squeeze %dma_wait3A_310 : memref<1x8x4096xf32, #tpu.memory_space<vmem>> -> memref<8x4096xf32, #tpu.memory_space<vmem>>
    %dma_wait3A_312 = arith.constant 0 : i32
    %dma_wait3A_313 = arith.constant 0 : i32
    %dma_wait3A_314 = tpu.memref_slice %arg3[%dma_wait3A_312, %dma_wait3A_313] : memref<4096x4096xf32, #tpu.memory_space<hbm>> -> memref<8x4096xf32, #tpu.memory_space<hbm>>
    %dma_wait3A_315 = arith.constant 0 : i32
    %dma_wait3A_316 = arith.constant 0 : i32
    %dma_wait3A_317 = tpu.memref_slice %arg9[%dma_wait3A_307, %dma_wait3A_315, %dma_wait3A_316] : memref<3x8x4096xf32, #tpu.memory_space<vmem>> -> memref<1x8x4096xf32, #tpu.memory_space<vmem>>
    %dma_wait3A_318 = tpu.memref_squeeze %dma_wait3A_317 : memref<1x8x4096xf32, #tpu.memory_space<vmem>> -> memref<8x4096xf32, #tpu.memory_space<vmem>>
    %dma_wait3A_319 = arith.constant 0 : i32
    %dma_wait3A_320 = arith.constant 0 : i32
    %dma_wait3A_321 = tpu.memref_slice %arg3[%dma_wait3A_319, %dma_wait3A_320] : memref<4096x4096xf32, #tpu.memory_space<hbm>> -> memref<8x4096xf32, #tpu.memory_space<hbm>>
    tpu.wait_dma2 semaphore(%arg14 : memref<!tpu.dma_semaphore, #tpu.memory_space<semaphore_mem>>) src(%dma_wait3A_321 : memref<8x4096xf32, #tpu.memory_space<hbm>>) dst(%dma_wait3A_318 : memref<8x4096xf32, #tpu.memory_space<vmem>>)
    %add3A_322 = arith.constant 32 : i32
    %add3A_323 = arith.addi %add3A_23, %add3A_322 : i32
    %dma_start3A_324 = arith.constant 1 : i32
    %dma_start3A_325 = arith.constant 0 : i32
    %dma_start3A_326 = arith.constant 0 : i32
    %dma_start3A_327 = tpu.memref_slice %arg9[%dma_start3A_324, %dma_start3A_325, %dma_start3A_326] : memref<3x8x4096xf32, #tpu.memory_space<vmem>> -> memref<1x8x4096xf32, #tpu.memory_space<vmem>>
    %dma_start3A_328 = tpu.memref_squeeze %dma_start3A_327 : memref<1x8x4096xf32, #tpu.memory_space<vmem>> -> memref<8x4096xf32, #tpu.memory_space<vmem>>
    %dma_start3A_329 = arith.constant 0 : i32
    %dma_start3A_330 = arith.constant 0 : i32
    %dma_start3A_331 = tpu.memref_slice %arg7[%select_n3A, %dma_start3A_329, %dma_start3A_330] : memref<2x4106x4096xf32, #tpu.memory_space<hbm>> -> memref<1x4106x4096xf32, #tpu.memory_space<hbm>>
    %dma_start3A_332 = tpu.memref_squeeze %dma_start3A_331 : memref<1x4106x4096xf32, #tpu.memory_space<hbm>> -> memref<4106x4096xf32, #tpu.memory_space<hbm>>
    %dma_start3A_333 = arith.constant 0 : i32
    %dma_start3A_334 = tpu.memref_slice %dma_start3A_332[%add3A_323, %dma_start3A_333] : memref<4106x4096xf32, #tpu.memory_space<hbm>> -> memref<8x4096xf32, #tpu.memory_space<hbm>>
    %dma_start3A_335 = arith.constant 0 : i32
    %dma_start3A_336 = arith.constant 0 : i32
    %dma_start3A_337 = tpu.memref_slice %arg7[%select_n3A, %dma_start3A_335, %dma_start3A_336] : memref<2x4106x4096xf32, #tpu.memory_space<hbm>> -> memref<1x4106x4096xf32, #tpu.memory_space<hbm>>
    %dma_start3A_338 = tpu.memref_squeeze %dma_start3A_337 : memref<1x4106x4096xf32, #tpu.memory_space<hbm>> -> memref<4106x4096xf32, #tpu.memory_space<hbm>>
    %dma_start3A_339 = arith.constant 0 : i32
    %dma_start3A_340 = tpu.memref_slice %dma_start3A_338[%add3A_323, %dma_start3A_339] : memref<4106x4096xf32, #tpu.memory_space<hbm>> -> memref<8x4096xf32, #tpu.memory_space<hbm>>
    %dma_start3A_341 = arith.constant 0 : i32
    %dma_start3A_342 = arith.constant 0 : i32
    %dma_start3A_343 = tpu.memref_slice %arg9[%dma_start3A_324, %dma_start3A_341, %dma_start3A_342] : memref<3x8x4096xf32, #tpu.memory_space<vmem>> -> memref<1x8x4096xf32, #tpu.memory_space<vmem>>
    %dma_start3A_344 = tpu.memref_squeeze %dma_start3A_343 : memref<1x8x4096xf32, #tpu.memory_space<vmem>> -> memref<8x4096xf32, #tpu.memory_space<vmem>>
    tpu.enqueue_dma source(%dma_start3A_344 : memref<8x4096xf32, #tpu.memory_space<vmem>>) target(%dma_start3A_340 : memref<8x4096xf32, #tpu.memory_space<hbm>>) target_semaphore(%arg17 : memref<!tpu.dma_semaphore, #tpu.memory_space<semaphore_mem>>)
    %dma_wait3A_345 = arith.constant 0 : i32
    %dma_wait3A_346 = arith.constant 0 : i32
    %dma_wait3A_347 = arith.constant 0 : i32
    %dma_wait3A_348 = tpu.memref_slice %arg9[%dma_wait3A_345, %dma_wait3A_346, %dma_wait3A_347] : memref<3x8x4096xf32, #tpu.memory_space<vmem>> -> memref<1x8x4096xf32, #tpu.memory_space<vmem>>
    %dma_wait3A_349 = tpu.memref_squeeze %dma_wait3A_348 : memref<1x8x4096xf32, #tpu.memory_space<vmem>> -> memref<8x4096xf32, #tpu.memory_space<vmem>>
    %dma_wait3A_350 = arith.constant 0 : i32
    %dma_wait3A_351 = arith.constant 0 : i32
    %dma_wait3A_352 = tpu.memref_slice %arg7[%select_n3A, %dma_wait3A_350, %dma_wait3A_351] : memref<2x4106x4096xf32, #tpu.memory_space<hbm>> -> memref<1x4106x4096xf32, #tpu.memory_space<hbm>>
    %dma_wait3A_353 = tpu.memref_squeeze %dma_wait3A_352 : memref<1x4106x4096xf32, #tpu.memory_space<hbm>> -> memref<4106x4096xf32, #tpu.memory_space<hbm>>
    %dma_wait3A_354 = arith.constant 0 : i32
    %dma_wait3A_355 = arith.constant 0 : i32
    %dma_wait3A_356 = tpu.memref_slice %dma_wait3A_353[%dma_wait3A_354, %dma_wait3A_355] : memref<4106x4096xf32, #tpu.memory_space<hbm>> -> memref<8x4096xf32, #tpu.memory_space<hbm>>
    %dma_wait3A_357 = arith.constant 0 : i32
    %dma_wait3A_358 = arith.constant 0 : i32
    %dma_wait3A_359 = tpu.memref_slice %arg7[%select_n3A, %dma_wait3A_357, %dma_wait3A_358] : memref<2x4106x4096xf32, #tpu.memory_space<hbm>> -> memref<1x4106x4096xf32, #tpu.memory_space<hbm>>
    %dma_wait3A_360 = tpu.memref_squeeze %dma_wait3A_359 : memref<1x4106x4096xf32, #tpu.memory_space<hbm>> -> memref<4106x4096xf32, #tpu.memory_space<hbm>>
    %dma_wait3A_361 = arith.constant 0 : i32
    %dma_wait3A_362 = arith.constant 0 : i32
    %dma_wait3A_363 = tpu.memref_slice %dma_wait3A_360[%dma_wait3A_361, %dma_wait3A_362] : memref<4106x4096xf32, #tpu.memory_space<hbm>> -> memref<8x4096xf32, #tpu.memory_space<hbm>>
    %dma_wait3A_364 = arith.constant 0 : i32
    %dma_wait3A_365 = arith.constant 0 : i32
    %dma_wait3A_366 = tpu.memref_slice %arg9[%dma_wait3A_345, %dma_wait3A_364, %dma_wait3A_365] : memref<3x8x4096xf32, #tpu.memory_space<vmem>> -> memref<1x8x4096xf32, #tpu.memory_space<vmem>>
    %dma_wait3A_367 = tpu.memref_squeeze %dma_wait3A_366 : memref<1x8x4096xf32, #tpu.memory_space<vmem>> -> memref<8x4096xf32, #tpu.memory_space<vmem>>
    tpu.wait_dma2 semaphore(%arg16 : memref<!tpu.dma_semaphore, #tpu.memory_space<semaphore_mem>>) src(%dma_wait3A_367 : memref<8x4096xf32, #tpu.memory_space<vmem>>) dst(%dma_wait3A_363 : memref<8x4096xf32, #tpu.memory_space<hbm>>)
    %dma_start3A_368 = arith.constant 0 : i32
    %dma_start3A_369 = arith.constant 0 : i32
    %dma_start3A_370 = arith.constant 0 : i32
    %dma_start3A_371 = tpu.memref_slice %arg9[%dma_start3A_368, %dma_start3A_369, %dma_start3A_370] : memref<3x8x4096xf32, #tpu.memory_space<vmem>> -> memref<1x8x4096xf32, #tpu.memory_space<vmem>>
    %dma_start3A_372 = tpu.memref_squeeze %dma_start3A_371 : memref<1x8x4096xf32, #tpu.memory_space<vmem>> -> memref<8x4096xf32, #tpu.memory_space<vmem>>
    %dma_start3A_373 = arith.constant 48 : i32
    %dma_start3A_374 = tpu.memref_slice %arg8[%dma_start3A_373] : memref<256xi32, #tpu.memory_space<vmem>> -> memref<8xi32, #tpu.memory_space<vmem>>
    %dma_start3A_375 = arith.constant 0 : i32
    %dma_start3A_376 = arith.constant 0 : i32
    %dma_start3A_377 = tpu.memref_slice %arg3[%dma_start3A_375, %dma_start3A_376] : memref<4096x4096xf32, #tpu.memory_space<hbm>> -> memref<4096x4096xf32, #tpu.memory_space<hbm>>
    tpu.enqueue_indirect_dma source(%dma_start3A_377 : memref<4096x4096xf32, #tpu.memory_space<hbm>>) target(%dma_start3A_372 : memref<8x4096xf32, #tpu.memory_space<vmem>>) offsets(%dma_start3A_374 : memref<8xi32, #tpu.memory_space<vmem>>) semaphore(%arg13 : memref<!tpu.dma_semaphore, #tpu.memory_space<semaphore_mem>>)
    %dma_wait3A_378 = arith.constant 2 : i32
    %dma_wait3A_379 = arith.constant 0 : i32
    %dma_wait3A_380 = arith.constant 0 : i32
    %dma_wait3A_381 = tpu.memref_slice %arg9[%dma_wait3A_378, %dma_wait3A_379, %dma_wait3A_380] : memref<3x8x4096xf32, #tpu.memory_space<vmem>> -> memref<1x8x4096xf32, #tpu.memory_space<vmem>>
    %dma_wait3A_382 = tpu.memref_squeeze %dma_wait3A_381 : memref<1x8x4096xf32, #tpu.memory_space<vmem>> -> memref<8x4096xf32, #tpu.memory_space<vmem>>
    %dma_wait3A_383 = arith.constant 0 : i32
    %dma_wait3A_384 = arith.constant 0 : i32
    %dma_wait3A_385 = tpu.memref_slice %arg3[%dma_wait3A_383, %dma_wait3A_384] : memref<4096x4096xf32, #tpu.memory_space<hbm>> -> memref<8x4096xf32, #tpu.memory_space<hbm>>
    %dma_wait3A_386 = arith.constant 0 : i32
    %dma_wait3A_387 = arith.constant 0 : i32
    %dma_wait3A_388 = tpu.memref_slice %arg9[%dma_wait3A_378, %dma_wait3A_386, %dma_wait3A_387] : memref<3x8x4096xf32, #tpu.memory_space<vmem>> -> memref<1x8x4096xf32, #tpu.memory_space<vmem>>
    %dma_wait3A_389 = tpu.memref_squeeze %dma_wait3A_388 : memref<1x8x4096xf32, #tpu.memory_space<vmem>> -> memref<8x4096xf32, #tpu.memory_space<vmem>>
    %dma_wait3A_390 = arith.constant 0 : i32
    %dma_wait3A_391 = arith.constant 0 : i32
    %dma_wait3A_392 = tpu.memref_slice %arg3[%dma_wait3A_390, %dma_wait3A_391] : memref<4096x4096xf32, #tpu.memory_space<hbm>> -> memref<8x4096xf32, #tpu.memory_space<hbm>>
    tpu.wait_dma2 semaphore(%arg15 : memref<!tpu.dma_semaphore, #tpu.memory_space<semaphore_mem>>) src(%dma_wait3A_392 : memref<8x4096xf32, #tpu.memory_space<hbm>>) dst(%dma_wait3A_389 : memref<8x4096xf32, #tpu.memory_space<vmem>>)
    %add3A_393 = arith.constant 40 : i32
    %add3A_394 = arith.addi %add3A_23, %add3A_393 : i32
    %dma_start3A_395 = arith.constant 2 : i32
    %dma_start3A_396 = arith.constant 0 : i32
    %dma_start3A_397 = arith.constant 0 : i32
    %dma_start3A_398 = tpu.memref_slice %arg9[%dma_start3A_395, %dma_start3A_396, %dma_start3A_397] : memref<3x8x4096xf32, #tpu.memory_space<vmem>> -> memref<1x8x4096xf32, #tpu.memory_space<vmem>>
    %dma_start3A_399 = tpu.memref_squeeze %dma_start3A_398 : memref<1x8x4096xf32, #tpu.memory_space<vmem>> -> memref<8x4096xf32, #tpu.memory_space<vmem>>
    %dma_start3A_400 = arith.constant 0 : i32
    %dma_start3A_401 = arith.constant 0 : i32
    %dma_start3A_402 = tpu.memref_slice %arg7[%select_n3A, %dma_start3A_400, %dma_start3A_401] : memref<2x4106x4096xf32, #tpu.memory_space<hbm>> -> memref<1x4106x4096xf32, #tpu.memory_space<hbm>>
    %dma_start3A_403 = tpu.memref_squeeze %dma_start3A_402 : memref<1x4106x4096xf32, #tpu.memory_space<hbm>> -> memref<4106x4096xf32, #tpu.memory_space<hbm>>
    %dma_start3A_404 = arith.constant 0 : i32
    %dma_start3A_405 = tpu.memref_slice %dma_start3A_403[%add3A_394, %dma_start3A_404] : memref<4106x4096xf32, #tpu.memory_space<hbm>> -> memref<8x4096xf32, #tpu.memory_space<hbm>>
    %dma_start3A_406 = arith.constant 0 : i32
    %dma_start3A_407 = arith.constant 0 : i32
    %dma_start3A_408 = tpu.memref_slice %arg7[%select_n3A, %dma_start3A_406, %dma_start3A_407] : memref<2x4106x4096xf32, #tpu.memory_space<hbm>> -> memref<1x4106x4096xf32, #tpu.memory_space<hbm>>
    %dma_start3A_409 = tpu.memref_squeeze %dma_start3A_408 : memref<1x4106x4096xf32, #tpu.memory_space<hbm>> -> memref<4106x4096xf32, #tpu.memory_space<hbm>>
    %dma_start3A_410 = arith.constant 0 : i32
    %dma_start3A_411 = tpu.memref_slice %dma_start3A_409[%add3A_394, %dma_start3A_410] : memref<4106x4096xf32, #tpu.memory_space<hbm>> -> memref<8x4096xf32, #tpu.memory_space<hbm>>
    %dma_start3A_412 = arith.constant 0 : i32
    %dma_start3A_413 = arith.constant 0 : i32
    %dma_start3A_414 = tpu.memref_slice %arg9[%dma_start3A_395, %dma_start3A_412, %dma_start3A_413] : memref<3x8x4096xf32, #tpu.memory_space<vmem>> -> memref<1x8x4096xf32, #tpu.memory_space<vmem>>
    %dma_start3A_415 = tpu.memref_squeeze %dma_start3A_414 : memref<1x8x4096xf32, #tpu.memory_space<vmem>> -> memref<8x4096xf32, #tpu.memory_space<vmem>>
    tpu.enqueue_dma source(%dma_start3A_415 : memref<8x4096xf32, #tpu.memory_space<vmem>>) target(%dma_start3A_411 : memref<8x4096xf32, #tpu.memory_space<hbm>>) target_semaphore(%arg18 : memref<!tpu.dma_semaphore, #tpu.memory_space<semaphore_mem>>)
    %dma_wait3A_416 = arith.constant 1 : i32
    %dma_wait3A_417 = arith.constant 0 : i32
    %dma_wait3A_418 = arith.constant 0 : i32
    %dma_wait3A_419 = tpu.memref_slice %arg9[%dma_wait3A_416, %dma_wait3A_417, %dma_wait3A_418] : memref<3x8x4096xf32, #tpu.memory_space<vmem>> -> memref<1x8x4096xf32, #tpu.memory_space<vmem>>
    %dma_wait3A_420 = tpu.memref_squeeze %dma_wait3A_419 : memref<1x8x4096xf32, #tpu.memory_space<vmem>> -> memref<8x4096xf32, #tpu.memory_space<vmem>>
    %dma_wait3A_421 = arith.constant 0 : i32
    %dma_wait3A_422 = arith.constant 0 : i32
    %dma_wait3A_423 = tpu.memref_slice %arg7[%select_n3A, %dma_wait3A_421, %dma_wait3A_422] : memref<2x4106x4096xf32, #tpu.memory_space<hbm>> -> memref<1x4106x4096xf32, #tpu.memory_space<hbm>>
    %dma_wait3A_424 = tpu.memref_squeeze %dma_wait3A_423 : memref<1x4106x4096xf32, #tpu.memory_space<hbm>> -> memref<4106x4096xf32, #tpu.memory_space<hbm>>
    %dma_wait3A_425 = arith.constant 0 : i32
    %dma_wait3A_426 = arith.constant 0 : i32
    %dma_wait3A_427 = tpu.memref_slice %dma_wait3A_424[%dma_wait3A_425, %dma_wait3A_426] : memref<4106x4096xf32, #tpu.memory_space<hbm>> -> memref<8x4096xf32, #tpu.memory_space<hbm>>
    %dma_wait3A_428 = arith.constant 0 : i32
    %dma_wait3A_429 = arith.constant 0 : i32
    %dma_wait3A_430 = tpu.memref_slice %arg7[%select_n3A, %dma_wait3A_428, %dma_wait3A_429] : memref<2x4106x4096xf32, #tpu.memory_space<hbm>> -> memref<1x4106x4096xf32, #tpu.memory_space<hbm>>
    %dma_wait3A_431 = tpu.memref_squeeze %dma_wait3A_430 : memref<1x4106x4096xf32, #tpu.memory_space<hbm>> -> memref<4106x4096xf32, #tpu.memory_space<hbm>>
    %dma_wait3A_432 = arith.constant 0 : i32
    %dma_wait3A_433 = arith.constant 0 : i32
    %dma_wait3A_434 = tpu.memref_slice %dma_wait3A_431[%dma_wait3A_432, %dma_wait3A_433] : memref<4106x4096xf32, #tpu.memory_space<hbm>> -> memref<8x4096xf32, #tpu.memory_space<hbm>>
    %dma_wait3A_435 = arith.constant 0 : i32
    %dma_wait3A_436 = arith.constant 0 : i32
    %dma_wait3A_437 = tpu.memref_slice %arg9[%dma_wait3A_416, %dma_wait3A_435, %dma_wait3A_436] : memref<3x8x4096xf32, #tpu.memory_space<vmem>> -> memref<1x8x4096xf32, #tpu.memory_space<vmem>>
    %dma_wait3A_438 = tpu.memref_squeeze %dma_wait3A_437 : memref<1x8x4096xf32, #tpu.memory_space<vmem>> -> memref<8x4096xf32, #tpu.memory_space<vmem>>
    tpu.wait_dma2 semaphore(%arg17 : memref<!tpu.dma_semaphore, #tpu.memory_space<semaphore_mem>>) src(%dma_wait3A_438 : memref<8x4096xf32, #tpu.memory_space<vmem>>) dst(%dma_wait3A_434 : memref<8x4096xf32, #tpu.memory_space<hbm>>)
    %dma_start3A_439 = arith.constant 1 : i32
    %dma_start3A_440 = arith.constant 0 : i32
    %dma_start3A_441 = arith.constant 0 : i32
    %dma_start3A_442 = tpu.memref_slice %arg9[%dma_start3A_439, %dma_start3A_440, %dma_start3A_441] : memref<3x8x4096xf32, #tpu.memory_space<vmem>> -> memref<1x8x4096xf32, #tpu.memory_space<vmem>>
    %dma_start3A_443 = tpu.memref_squeeze %dma_start3A_442 : memref<1x8x4096xf32, #tpu.memory_space<vmem>> -> memref<8x4096xf32, #tpu.memory_space<vmem>>
    %dma_start3A_444 = arith.constant 56 : i32
    %dma_start3A_445 = tpu.memref_slice %arg8[%dma_start3A_444] : memref<256xi32, #tpu.memory_space<vmem>> -> memref<8xi32, #tpu.memory_space<vmem>>
    %dma_start3A_446 = arith.constant 0 : i32
    %dma_start3A_447 = arith.constant 0 : i32
    %dma_start3A_448 = tpu.memref_slice %arg3[%dma_start3A_446, %dma_start3A_447] : memref<4096x4096xf32, #tpu.memory_space<hbm>> -> memref<4096x4096xf32, #tpu.memory_space<hbm>>
    tpu.enqueue_indirect_dma source(%dma_start3A_448 : memref<4096x4096xf32, #tpu.memory_space<hbm>>) target(%dma_start3A_443 : memref<8x4096xf32, #tpu.memory_space<vmem>>) offsets(%dma_start3A_445 : memref<8xi32, #tpu.memory_space<vmem>>) semaphore(%arg14 : memref<!tpu.dma_semaphore, #tpu.memory_space<semaphore_mem>>)
    %dma_wait3A_449 = arith.constant 0 : i32
    %dma_wait3A_450 = arith.constant 0 : i32
    %dma_wait3A_451 = arith.constant 0 : i32
    %dma_wait3A_452 = tpu.memref_slice %arg9[%dma_wait3A_449, %dma_wait3A_450, %dma_wait3A_451] : memref<3x8x4096xf32, #tpu.memory_space<vmem>> -> memref<1x8x4096xf32, #tpu.memory_space<vmem>>
    %dma_wait3A_453 = tpu.memref_squeeze %dma_wait3A_452 : memref<1x8x4096xf32, #tpu.memory_space<vmem>> -> memref<8x4096xf32, #tpu.memory_space<vmem>>
    %dma_wait3A_454 = arith.constant 0 : i32
    %dma_wait3A_455 = arith.constant 0 : i32
    %dma_wait3A_456 = tpu.memref_slice %arg3[%dma_wait3A_454, %dma_wait3A_455] : memref<4096x4096xf32, #tpu.memory_space<hbm>> -> memref<8x4096xf32, #tpu.memory_space<hbm>>
    %dma_wait3A_457 = arith.constant 0 : i32
    %dma_wait3A_458 = arith.constant 0 : i32
    %dma_wait3A_459 = tpu.memref_slice %arg9[%dma_wait3A_449, %dma_wait3A_457, %dma_wait3A_458] : memref<3x8x4096xf32, #tpu.memory_space<vmem>> -> memref<1x8x4096xf32, #tpu.memory_space<vmem>>
    %dma_wait3A_460 = tpu.memref_squeeze %dma_wait3A_459 : memref<1x8x4096xf32, #tpu.memory_space<vmem>> -> memref<8x4096xf32, #tpu.memory_space<vmem>>
    %dma_wait3A_461 = arith.constant 0 : i32
    %dma_wait3A_462 = arith.constant 0 : i32
    %dma_wait3A_463 = tpu.memref_slice %arg3[%dma_wait3A_461, %dma_wait3A_462] : memref<4096x4096xf32, #tpu.memory_space<hbm>> -> memref<8x4096xf32, #tpu.memory_space<hbm>>
    tpu.wait_dma2 semaphore(%arg13 : memref<!tpu.dma_semaphore, #tpu.memory_space<semaphore_mem>>) src(%dma_wait3A_463 : memref<8x4096xf32, #tpu.memory_space<hbm>>) dst(%dma_wait3A_460 : memref<8x4096xf32, #tpu.memory_space<vmem>>)
    %add3A_464 = arith.constant 48 : i32
    %add3A_465 = arith.addi %add3A_23, %add3A_464 : i32
    %dma_start3A_466 = arith.constant 0 : i32
    %dma_start3A_467 = arith.constant 0 : i32
    %dma_start3A_468 = arith.constant 0 : i32
    %dma_start3A_469 = tpu.memref_slice %arg9[%dma_start3A_466, %dma_start3A_467, %dma_start3A_468] : memref<3x8x4096xf32, #tpu.memory_space<vmem>> -> memref<1x8x4096xf32, #tpu.memory_space<vmem>>
    %dma_start3A_470 = tpu.memref_squeeze %dma_start3A_469 : memref<1x8x4096xf32, #tpu.memory_space<vmem>> -> memref<8x4096xf32, #tpu.memory_space<vmem>>
    %dma_start3A_471 = arith.constant 0 : i32
    %dma_start3A_472 = arith.constant 0 : i32
    %dma_start3A_473 = tpu.memref_slice %arg7[%select_n3A, %dma_start3A_471, %dma_start3A_472] : memref<2x4106x4096xf32, #tpu.memory_space<hbm>> -> memref<1x4106x4096xf32, #tpu.memory_space<hbm>>
    %dma_start3A_474 = tpu.memref_squeeze %dma_start3A_473 : memref<1x4106x4096xf32, #tpu.memory_space<hbm>> -> memref<4106x4096xf32, #tpu.memory_space<hbm>>
    %dma_start3A_475 = arith.constant 0 : i32
    %dma_start3A_476 = tpu.memref_slice %dma_start3A_474[%add3A_465, %dma_start3A_475] : memref<4106x4096xf32, #tpu.memory_space<hbm>> -> memref<8x4096xf32, #tpu.memory_space<hbm>>
    %dma_start3A_477 = arith.constant 0 : i32
    %dma_start3A_478 = arith.constant 0 : i32
    %dma_start3A_479 = tpu.memref_slice %arg7[%select_n3A, %dma_start3A_477, %dma_start3A_478] : memref<2x4106x4096xf32, #tpu.memory_space<hbm>> -> memref<1x4106x4096xf32, #tpu.memory_space<hbm>>
    %dma_start3A_480 = tpu.memref_squeeze %dma_start3A_479 : memref<1x4106x4096xf32, #tpu.memory_space<hbm>> -> memref<4106x4096xf32, #tpu.memory_space<hbm>>
    %dma_start3A_481 = arith.constant 0 : i32
    %dma_start3A_482 = tpu.memref_slice %dma_start3A_480[%add3A_465, %dma_start3A_481] : memref<4106x4096xf32, #tpu.memory_space<hbm>> -> memref<8x4096xf32, #tpu.memory_space<hbm>>
    %dma_start3A_483 = arith.constant 0 : i32
    %dma_start3A_484 = arith.constant 0 : i32
    %dma_start3A_485 = tpu.memref_slice %arg9[%dma_start3A_466, %dma_start3A_483, %dma_start3A_484] : memref<3x8x4096xf32, #tpu.memory_space<vmem>> -> memref<1x8x4096xf32, #tpu.memory_space<vmem>>
    %dma_start3A_486 = tpu.memref_squeeze %dma_start3A_485 : memref<1x8x4096xf32, #tpu.memory_space<vmem>> -> memref<8x4096xf32, #tpu.memory_space<vmem>>
    tpu.enqueue_dma source(%dma_start3A_486 : memref<8x4096xf32, #tpu.memory_space<vmem>>) target(%dma_start3A_482 : memref<8x4096xf32, #tpu.memory_space<hbm>>) target_semaphore(%arg16 : memref<!tpu.dma_semaphore, #tpu.memory_space<semaphore_mem>>)
    %dma_wait3A_487 = arith.constant 2 : i32
    %dma_wait3A_488 = arith.constant 0 : i32
    %dma_wait3A_489 = arith.constant 0 : i32
    %dma_wait3A_490 = tpu.memref_slice %arg9[%dma_wait3A_487, %dma_wait3A_488, %dma_wait3A_489] : memref<3x8x4096xf32, #tpu.memory_space<vmem>> -> memref<1x8x4096xf32, #tpu.memory_space<vmem>>
    %dma_wait3A_491 = tpu.memref_squeeze %dma_wait3A_490 : memref<1x8x4096xf32, #tpu.memory_space<vmem>> -> memref<8x4096xf32, #tpu.memory_space<vmem>>
    %dma_wait3A_492 = arith.constant 0 : i32
    %dma_wait3A_493 = arith.constant 0 : i32
    %dma_wait3A_494 = tpu.memref_slice %arg7[%select_n3A, %dma_wait3A_492, %dma_wait3A_493] : memref<2x4106x4096xf32, #tpu.memory_space<hbm>> -> memref<1x4106x4096xf32, #tpu.memory_space<hbm>>
    %dma_wait3A_495 = tpu.memref_squeeze %dma_wait3A_494 : memref<1x4106x4096xf32, #tpu.memory_space<hbm>> -> memref<4106x4096xf32, #tpu.memory_space<hbm>>
    %dma_wait3A_496 = arith.constant 0 : i32
    %dma_wait3A_497 = arith.constant 0 : i32
    %dma_wait3A_498 = tpu.memref_slice %dma_wait3A_495[%dma_wait3A_496, %dma_wait3A_497] : memref<4106x4096xf32, #tpu.memory_space<hbm>> -> memref<8x4096xf32, #tpu.memory_space<hbm>>
    %dma_wait3A_499 = arith.constant 0 : i32
    %dma_wait3A_500 = arith.constant 0 : i32
    %dma_wait3A_501 = tpu.memref_slice %arg7[%select_n3A, %dma_wait3A_499, %dma_wait3A_500] : memref<2x4106x4096xf32, #tpu.memory_space<hbm>> -> memref<1x4106x4096xf32, #tpu.memory_space<hbm>>
    %dma_wait3A_502 = tpu.memref_squeeze %dma_wait3A_501 : memref<1x4106x4096xf32, #tpu.memory_space<hbm>> -> memref<4106x4096xf32, #tpu.memory_space<hbm>>
    %dma_wait3A_503 = arith.constant 0 : i32
    %dma_wait3A_504 = arith.constant 0 : i32
    %dma_wait3A_505 = tpu.memref_slice %dma_wait3A_502[%dma_wait3A_503, %dma_wait3A_504] : memref<4106x4096xf32, #tpu.memory_space<hbm>> -> memref<8x4096xf32, #tpu.memory_space<hbm>>
    %dma_wait3A_506 = arith.constant 0 : i32
    %dma_wait3A_507 = arith.constant 0 : i32
    %dma_wait3A_508 = tpu.memref_slice %arg9[%dma_wait3A_487, %dma_wait3A_506, %dma_wait3A_507] : memref<3x8x4096xf32, #tpu.memory_space<vmem>> -> memref<1x8x4096xf32, #tpu.memory_space<vmem>>
    %dma_wait3A_509 = tpu.memref_squeeze %dma_wait3A_508 : memref<1x8x4096xf32, #tpu.memory_space<vmem>> -> memref<8x4096xf32, #tpu.memory_space<vmem>>
    tpu.wait_dma2 semaphore(%arg18 : memref<!tpu.dma_semaphore, #tpu.memory_space<semaphore_mem>>) src(%dma_wait3A_509 : memref<8x4096xf32, #tpu.memory_space<vmem>>) dst(%dma_wait3A_505 : memref<8x4096xf32, #tpu.memory_space<hbm>>)
    %dma_start3A_510 = arith.constant 2 : i32
    %dma_start3A_511 = arith.constant 0 : i32
    %dma_start3A_512 = arith.constant 0 : i32
    %dma_start3A_513 = tpu.memref_slice %arg9[%dma_start3A_510, %dma_start3A_511, %dma_start3A_512] : memref<3x8x4096xf32, #tpu.memory_space<vmem>> -> memref<1x8x4096xf32, #tpu.memory_space<vmem>>
    %dma_start3A_514 = tpu.memref_squeeze %dma_start3A_513 : memref<1x8x4096xf32, #tpu.memory_space<vmem>> -> memref<8x4096xf32, #tpu.memory_space<vmem>>
    %dma_start3A_515 = arith.constant 64 : i32
    %dma_start3A_516 = tpu.memref_slice %arg8[%dma_start3A_515] : memref<256xi32, #tpu.memory_space<vmem>> -> memref<8xi32, #tpu.memory_space<vmem>>
    %dma_start3A_517 = arith.constant 0 : i32
    %dma_start3A_518 = arith.constant 0 : i32
    %dma_start3A_519 = tpu.memref_slice %arg3[%dma_start3A_517, %dma_start3A_518] : memref<4096x4096xf32, #tpu.memory_space<hbm>> -> memref<4096x4096xf32, #tpu.memory_space<hbm>>
    tpu.enqueue_indirect_dma source(%dma_start3A_519 : memref<4096x4096xf32, #tpu.memory_space<hbm>>) target(%dma_start3A_514 : memref<8x4096xf32, #tpu.memory_space<vmem>>) offsets(%dma_start3A_516 : memref<8xi32, #tpu.memory_space<vmem>>) semaphore(%arg15 : memref<!tpu.dma_semaphore, #tpu.memory_space<semaphore_mem>>)
    %dma_wait3A_520 = arith.constant 1 : i32
    %dma_wait3A_521 = arith.constant 0 : i32
    %dma_wait3A_522 = arith.constant 0 : i32
    %dma_wait3A_523 = tpu.memref_slice %arg9[%dma_wait3A_520, %dma_wait3A_521, %dma_wait3A_522] : memref<3x8x4096xf32, #tpu.memory_space<vmem>> -> memref<1x8x4096xf32, #tpu.memory_space<vmem>>
    %dma_wait3A_524 = tpu.memref_squeeze %dma_wait3A_523 : memref<1x8x4096xf32, #tpu.memory_space<vmem>> -> memref<8x4096xf32, #tpu.memory_space<vmem>>
    %dma_wait3A_525 = arith.constant 0 : i32
    %dma_wait3A_526 = arith.constant 0 : i32
    %dma_wait3A_527 = tpu.memref_slice %arg3[%dma_wait3A_525, %dma_wait3A_526] : memref<4096x4096xf32, #tpu.memory_space<hbm>> -> memref<8x4096xf32, #tpu.memory_space<hbm>>
    %dma_wait3A_528 = arith.constant 0 : i32
    %dma_wait3A_529 = arith.constant 0 : i32
    %dma_wait3A_530 = tpu.memref_slice %arg9[%dma_wait3A_520, %dma_wait3A_528, %dma_wait3A_529] : memref<3x8x4096xf32, #tpu.memory_space<vmem>> -> memref<1x8x4096xf32, #tpu.memory_space<vmem>>
    %dma_wait3A_531 = tpu.memref_squeeze %dma_wait3A_530 : memref<1x8x4096xf32, #tpu.memory_space<vmem>> -> memref<8x4096xf32, #tpu.memory_space<vmem>>
    %dma_wait3A_532 = arith.constant 0 : i32
    %dma_wait3A_533 = arith.constant 0 : i32
    %dma_wait3A_534 = tpu.memref_slice %arg3[%dma_wait3A_532, %dma_wait3A_533] : memref<4096x4096xf32, #tpu.memory_space<hbm>> -> memref<8x4096xf32, #tpu.memory_space<hbm>>
    tpu.wait_dma2 semaphore(%arg14 : memref<!tpu.dma_semaphore, #tpu.memory_space<semaphore_mem>>) src(%dma_wait3A_534 : memref<8x4096xf32, #tpu.memory_space<hbm>>) dst(%dma_wait3A_531 : memref<8x4096xf32, #tpu.memory_space<vmem>>)
    %add3A_535 = arith.constant 56 : i32
    %add3A_536 = arith.addi %add3A_23, %add3A_535 : i32
    %dma_start3A_537 = arith.constant 1 : i32
    %dma_start3A_538 = arith.constant 0 : i32
    %dma_start3A_539 = arith.constant 0 : i32
    %dma_start3A_540 = tpu.memref_slice %arg9[%dma_start3A_537, %dma_start3A_538, %dma_start3A_539] : memref<3x8x4096xf32, #tpu.memory_space<vmem>> -> memref<1x8x4096xf32, #tpu.memory_space<vmem>>
    %dma_start3A_541 = tpu.memref_squeeze %dma_start3A_540 : memref<1x8x4096xf32, #tpu.memory_space<vmem>> -> memref<8x4096xf32, #tpu.memory_space<vmem>>
    %dma_start3A_542 = arith.constant 0 : i32
    %dma_start3A_543 = arith.constant 0 : i32
    %dma_start3A_544 = tpu.memref_slice %arg7[%select_n3A, %dma_start3A_542, %dma_start3A_543] : memref<2x4106x4096xf32, #tpu.memory_space<hbm>> -> memref<1x4106x4096xf32, #tpu.memory_space<hbm>>
    %dma_start3A_545 = tpu.memref_squeeze %dma_start3A_544 : memref<1x4106x4096xf32, #tpu.memory_space<hbm>> -> memref<4106x4096xf32, #tpu.memory_space<hbm>>
    %dma_start3A_546 = arith.constant 0 : i32
    %dma_start3A_547 = tpu.memref_slice %dma_start3A_545[%add3A_536, %dma_start3A_546] : memref<4106x4096xf32, #tpu.memory_space<hbm>> -> memref<8x4096xf32, #tpu.memory_space<hbm>>
    %dma_start3A_548 = arith.constant 0 : i32
    %dma_start3A_549 = arith.constant 0 : i32
    %dma_start3A_550 = tpu.memref_slice %arg7[%select_n3A, %dma_start3A_548, %dma_start3A_549] : memref<2x4106x4096xf32, #tpu.memory_space<hbm>> -> memref<1x4106x4096xf32, #tpu.memory_space<hbm>>
    %dma_start3A_551 = tpu.memref_squeeze %dma_start3A_550 : memref<1x4106x4096xf32, #tpu.memory_space<hbm>> -> memref<4106x4096xf32, #tpu.memory_space<hbm>>
    %dma_start3A_552 = arith.constant 0 : i32
    %dma_start3A_553 = tpu.memref_slice %dma_start3A_551[%add3A_536, %dma_start3A_552] : memref<4106x4096xf32, #tpu.memory_space<hbm>> -> memref<8x4096xf32, #tpu.memory_space<hbm>>
    %dma_start3A_554 = arith.constant 0 : i32
    %dma_start3A_555 = arith.constant 0 : i32
    %dma_start3A_556 = tpu.memref_slice %arg9[%dma_start3A_537, %dma_start3A_554, %dma_start3A_555] : memref<3x8x4096xf32, #tpu.memory_space<vmem>> -> memref<1x8x4096xf32, #tpu.memory_space<vmem>>
    %dma_start3A_557 = tpu.memref_squeeze %dma_start3A_556 : memref<1x8x4096xf32, #tpu.memory_space<vmem>> -> memref<8x4096xf32, #tpu.memory_space<vmem>>
    tpu.enqueue_dma source(%dma_start3A_557 : memref<8x4096xf32, #tpu.memory_space<vmem>>) target(%dma_start3A_553 : memref<8x4096xf32, #tpu.memory_space<hbm>>) target_semaphore(%arg17 : memref<!tpu.dma_semaphore, #tpu.memory_space<semaphore_mem>>)
    %dma_wait3A_558 = arith.constant 0 : i32
    %dma_wait3A_559 = arith.constant 0 : i32
    %dma_wait3A_560 = arith.constant 0 : i32
    %dma_wait3A_561 = tpu.memref_slice %arg9[%dma_wait3A_558, %dma_wait3A_559, %dma_wait3A_560] : memref<3x8x4096xf32, #tpu.memory_space<vmem>> -> memref<1x8x4096xf32, #tpu.memory_space<vmem>>
    %dma_wait3A_562 = tpu.memref_squeeze %dma_wait3A_561 : memref<1x8x4096xf32, #tpu.memory_space<vmem>> -> memref<8x4096xf32, #tpu.memory_space<vmem>>
    %dma_wait3A_563 = arith.constant 0 : i32
    %dma_wait3A_564 = arith.constant 0 : i32
    %dma_wait3A_565 = tpu.memref_slice %arg7[%select_n3A, %dma_wait3A_563, %dma_wait3A_564] : memref<2x4106x4096xf32, #tpu.memory_space<hbm>> -> memref<1x4106x4096xf32, #tpu.memory_space<hbm>>
    %dma_wait3A_566 = tpu.memref_squeeze %dma_wait3A_565 : memref<1x4106x4096xf32, #tpu.memory_space<hbm>> -> memref<4106x4096xf32, #tpu.memory_space<hbm>>
    %dma_wait3A_567 = arith.constant 0 : i32
    %dma_wait3A_568 = arith.constant 0 : i32
    %dma_wait3A_569 = tpu.memref_slice %dma_wait3A_566[%dma_wait3A_567, %dma_wait3A_568] : memref<4106x4096xf32, #tpu.memory_space<hbm>> -> memref<8x4096xf32, #tpu.memory_space<hbm>>
    %dma_wait3A_570 = arith.constant 0 : i32
    %dma_wait3A_571 = arith.constant 0 : i32
    %dma_wait3A_572 = tpu.memref_slice %arg7[%select_n3A, %dma_wait3A_570, %dma_wait3A_571] : memref<2x4106x4096xf32, #tpu.memory_space<hbm>> -> memref<1x4106x4096xf32, #tpu.memory_space<hbm>>
    %dma_wait3A_573 = tpu.memref_squeeze %dma_wait3A_572 : memref<1x4106x4096xf32, #tpu.memory_space<hbm>> -> memref<4106x4096xf32, #tpu.memory_space<hbm>>
    %dma_wait3A_574 = arith.constant 0 : i32
    %dma_wait3A_575 = arith.constant 0 : i32
    %dma_wait3A_576 = tpu.memref_slice %dma_wait3A_573[%dma_wait3A_574, %dma_wait3A_575] : memref<4106x4096xf32, #tpu.memory_space<hbm>> -> memref<8x4096xf32, #tpu.memory_space<hbm>>
    %dma_wait3A_577 = arith.constant 0 : i32
    %dma_wait3A_578 = arith.constant 0 : i32
    %dma_wait3A_579 = tpu.memref_slice %arg9[%dma_wait3A_558, %dma_wait3A_577, %dma_wait3A_578] : memref<3x8x4096xf32, #tpu.memory_space<vmem>> -> memref<1x8x4096xf32, #tpu.memory_space<vmem>>
    %dma_wait3A_580 = tpu.memref_squeeze %dma_wait3A_579 : memref<1x8x4096xf32, #tpu.memory_space<vmem>> -> memref<8x4096xf32, #tpu.memory_space<vmem>>
    tpu.wait_dma2 semaphore(%arg16 : memref<!tpu.dma_semaphore, #tpu.memory_space<semaphore_mem>>) src(%dma_wait3A_580 : memref<8x4096xf32, #tpu.memory_space<vmem>>) dst(%dma_wait3A_576 : memref<8x4096xf32, #tpu.memory_space<hbm>>)
    %dma_start3A_581 = arith.constant 0 : i32
    %dma_start3A_582 = arith.constant 0 : i32
    %dma_start3A_583 = arith.constant 0 : i32
    %dma_start3A_584 = tpu.memref_slice %arg9[%dma_start3A_581, %dma_start3A_582, %dma_start3A_583] : memref<3x8x4096xf32, #tpu.memory_space<vmem>> -> memref<1x8x4096xf32, #tpu.memory_space<vmem>>
    %dma_start3A_585 = tpu.memref_squeeze %dma_start3A_584 : memref<1x8x4096xf32, #tpu.memory_space<vmem>> -> memref<8x4096xf32, #tpu.memory_space<vmem>>
    %dma_start3A_586 = arith.constant 72 : i32
    %dma_start3A_587 = tpu.memref_slice %arg8[%dma_start3A_586] : memref<256xi32, #tpu.memory_space<vmem>> -> memref<8xi32, #tpu.memory_space<vmem>>
    %dma_start3A_588 = arith.constant 0 : i32
    %dma_start3A_589 = arith.constant 0 : i32
    %dma_start3A_590 = tpu.memref_slice %arg3[%dma_start3A_588, %dma_start3A_589] : memref<4096x4096xf32, #tpu.memory_space<hbm>> -> memref<4096x4096xf32, #tpu.memory_space<hbm>>
    tpu.enqueue_indirect_dma source(%dma_start3A_590 : memref<4096x4096xf32, #tpu.memory_space<hbm>>) target(%dma_start3A_585 : memref<8x4096xf32, #tpu.memory_space<vmem>>) offsets(%dma_start3A_587 : memref<8xi32, #tpu.memory_space<vmem>>) semaphore(%arg13 : memref<!tpu.dma_semaphore, #tpu.memory_space<semaphore_mem>>)
    %dma_wait3A_591 = arith.constant 2 : i32
    %dma_wait3A_592 = arith.constant 0 : i32
    %dma_wait3A_593 = arith.constant 0 : i32
    %dma_wait3A_594 = tpu.memref_slice %arg9[%dma_wait3A_591, %dma_wait3A_592, %dma_wait3A_593] : memref<3x8x4096xf32, #tpu.memory_space<vmem>> -> memref<1x8x4096xf32, #tpu.memory_space<vmem>>
    %dma_wait3A_595 = tpu.memref_squeeze %dma_wait3A_594 : memref<1x8x4096xf32, #tpu.memory_space<vmem>> -> memref<8x4096xf32, #tpu.memory_space<vmem>>
    %dma_wait3A_596 = arith.constant 0 : i32
    %dma_wait3A_597 = arith.constant 0 : i32
    %dma_wait3A_598 = tpu.memref_slice %arg3[%dma_wait3A_596, %dma_wait3A_597] : memref<4096x4096xf32, #tpu.memory_space<hbm>> -> memref<8x4096xf32, #tpu.memory_space<hbm>>
    %dma_wait3A_599 = arith.constant 0 : i32
    %dma_wait3A_600 = arith.constant 0 : i32
    %dma_wait3A_601 = tpu.memref_slice %arg9[%dma_wait3A_591, %dma_wait3A_599, %dma_wait3A_600] : memref<3x8x4096xf32, #tpu.memory_space<vmem>> -> memref<1x8x4096xf32, #tpu.memory_space<vmem>>
    %dma_wait3A_602 = tpu.memref_squeeze %dma_wait3A_601 : memref<1x8x4096xf32, #tpu.memory_space<vmem>> -> memref<8x4096xf32, #tpu.memory_space<vmem>>
    %dma_wait3A_603 = arith.constant 0 : i32
    %dma_wait3A_604 = arith.constant 0 : i32
    %dma_wait3A_605 = tpu.memref_slice %arg3[%dma_wait3A_603, %dma_wait3A_604] : memref<4096x4096xf32, #tpu.memory_space<hbm>> -> memref<8x4096xf32, #tpu.memory_space<hbm>>
    tpu.wait_dma2 semaphore(%arg15 : memref<!tpu.dma_semaphore, #tpu.memory_space<semaphore_mem>>) src(%dma_wait3A_605 : memref<8x4096xf32, #tpu.memory_space<hbm>>) dst(%dma_wait3A_602 : memref<8x4096xf32, #tpu.memory_space<vmem>>)
    %add3A_606 = arith.constant 64 : i32
    %add3A_607 = arith.addi %add3A_23, %add3A_606 : i32
    %dma_start3A_608 = arith.constant 2 : i32
    %dma_start3A_609 = arith.constant 0 : i32
    %dma_start3A_610 = arith.constant 0 : i32
    %dma_start3A_611 = tpu.memref_slice %arg9[%dma_start3A_608, %dma_start3A_609, %dma_start3A_610] : memref<3x8x4096xf32, #tpu.memory_space<vmem>> -> memref<1x8x4096xf32, #tpu.memory_space<vmem>>
    %dma_start3A_612 = tpu.memref_squeeze %dma_start3A_611 : memref<1x8x4096xf32, #tpu.memory_space<vmem>> -> memref<8x4096xf32, #tpu.memory_space<vmem>>
    %dma_start3A_613 = arith.constant 0 : i32
    %dma_start3A_614 = arith.constant 0 : i32
    %dma_start3A_615 = tpu.memref_slice %arg7[%select_n3A, %dma_start3A_613, %dma_start3A_614] : memref<2x4106x4096xf32, #tpu.memory_space<hbm>> -> memref<1x4106x4096xf32, #tpu.memory_space<hbm>>
    %dma_start3A_616 = tpu.memref_squeeze %dma_start3A_615 : memref<1x4106x4096xf32, #tpu.memory_space<hbm>> -> memref<4106x4096xf32, #tpu.memory_space<hbm>>
    %dma_start3A_617 = arith.constant 0 : i32
    %dma_start3A_618 = tpu.memref_slice %dma_start3A_616[%add3A_607, %dma_start3A_617] : memref<4106x4096xf32, #tpu.memory_space<hbm>> -> memref<8x4096xf32, #tpu.memory_space<hbm>>
    %dma_start3A_619 = arith.constant 0 : i32
    %dma_start3A_620 = arith.constant 0 : i32
    %dma_start3A_621 = tpu.memref_slice %arg7[%select_n3A, %dma_start3A_619, %dma_start3A_620] : memref<2x4106x4096xf32, #tpu.memory_space<hbm>> -> memref<1x4106x4096xf32, #tpu.memory_space<hbm>>
    %dma_start3A_622 = tpu.memref_squeeze %dma_start3A_621 : memref<1x4106x4096xf32, #tpu.memory_space<hbm>> -> memref<4106x4096xf32, #tpu.memory_space<hbm>>
    %dma_start3A_623 = arith.constant 0 : i32
    %dma_start3A_624 = tpu.memref_slice %dma_start3A_622[%add3A_607, %dma_start3A_623] : memref<4106x4096xf32, #tpu.memory_space<hbm>> -> memref<8x4096xf32, #tpu.memory_space<hbm>>
    %dma_start3A_625 = arith.constant 0 : i32
    %dma_start3A_626 = arith.constant 0 : i32
    %dma_start3A_627 = tpu.memref_slice %arg9[%dma_start3A_608, %dma_start3A_625, %dma_start3A_626] : memref<3x8x4096xf32, #tpu.memory_space<vmem>> -> memref<1x8x4096xf32, #tpu.memory_space<vmem>>
    %dma_start3A_628 = tpu.memref_squeeze %dma_start3A_627 : memref<1x8x4096xf32, #tpu.memory_space<vmem>> -> memref<8x4096xf32, #tpu.memory_space<vmem>>
    tpu.enqueue_dma source(%dma_start3A_628 : memref<8x4096xf32, #tpu.memory_space<vmem>>) target(%dma_start3A_624 : memref<8x4096xf32, #tpu.memory_space<hbm>>) target_semaphore(%arg18 : memref<!tpu.dma_semaphore, #tpu.memory_space<semaphore_mem>>)
    %dma_wait3A_629 = arith.constant 1 : i32
    %dma_wait3A_630 = arith.constant 0 : i32
    %dma_wait3A_631 = arith.constant 0 : i32
    %dma_wait3A_632 = tpu.memref_slice %arg9[%dma_wait3A_629, %dma_wait3A_630, %dma_wait3A_631] : memref<3x8x4096xf32, #tpu.memory_space<vmem>> -> memref<1x8x4096xf32, #tpu.memory_space<vmem>>
    %dma_wait3A_633 = tpu.memref_squeeze %dma_wait3A_632 : memref<1x8x4096xf32, #tpu.memory_space<vmem>> -> memref<8x4096xf32, #tpu.memory_space<vmem>>
    %dma_wait3A_634 = arith.constant 0 : i32
    %dma_wait3A_635 = arith.constant 0 : i32
    %dma_wait3A_636 = tpu.memref_slice %arg7[%select_n3A, %dma_wait3A_634, %dma_wait3A_635] : memref<2x4106x4096xf32, #tpu.memory_space<hbm>> -> memref<1x4106x4096xf32, #tpu.memory_space<hbm>>
    %dma_wait3A_637 = tpu.memref_squeeze %dma_wait3A_636 : memref<1x4106x4096xf32, #tpu.memory_space<hbm>> -> memref<4106x4096xf32, #tpu.memory_space<hbm>>
    %dma_wait3A_638 = arith.constant 0 : i32
    %dma_wait3A_639 = arith.constant 0 : i32
    %dma_wait3A_640 = tpu.memref_slice %dma_wait3A_637[%dma_wait3A_638, %dma_wait3A_639] : memref<4106x4096xf32, #tpu.memory_space<hbm>> -> memref<8x4096xf32, #tpu.memory_space<hbm>>
    %dma_wait3A_641 = arith.constant 0 : i32
    %dma_wait3A_642 = arith.constant 0 : i32
    %dma_wait3A_643 = tpu.memref_slice %arg7[%select_n3A, %dma_wait3A_641, %dma_wait3A_642] : memref<2x4106x4096xf32, #tpu.memory_space<hbm>> -> memref<1x4106x4096xf32, #tpu.memory_space<hbm>>
    %dma_wait3A_644 = tpu.memref_squeeze %dma_wait3A_643 : memref<1x4106x4096xf32, #tpu.memory_space<hbm>> -> memref<4106x4096xf32, #tpu.memory_space<hbm>>
    %dma_wait3A_645 = arith.constant 0 : i32
    %dma_wait3A_646 = arith.constant 0 : i32
    %dma_wait3A_647 = tpu.memref_slice %dma_wait3A_644[%dma_wait3A_645, %dma_wait3A_646] : memref<4106x4096xf32, #tpu.memory_space<hbm>> -> memref<8x4096xf32, #tpu.memory_space<hbm>>
    %dma_wait3A_648 = arith.constant 0 : i32
    %dma_wait3A_649 = arith.constant 0 : i32
    %dma_wait3A_650 = tpu.memref_slice %arg9[%dma_wait3A_629, %dma_wait3A_648, %dma_wait3A_649] : memref<3x8x4096xf32, #tpu.memory_space<vmem>> -> memref<1x8x4096xf32, #tpu.memory_space<vmem>>
    %dma_wait3A_651 = tpu.memref_squeeze %dma_wait3A_650 : memref<1x8x4096xf32, #tpu.memory_space<vmem>> -> memref<8x4096xf32, #tpu.memory_space<vmem>>
    tpu.wait_dma2 semaphore(%arg17 : memref<!tpu.dma_semaphore, #tpu.memory_space<semaphore_mem>>) src(%dma_wait3A_651 : memref<8x4096xf32, #tpu.memory_space<vmem>>) dst(%dma_wait3A_647 : memref<8x4096xf32, #tpu.memory_space<hbm>>)
    %dma_start3A_652 = arith.constant 1 : i32
    %dma_start3A_653 = arith.constant 0 : i32
    %dma_start3A_654 = arith.constant 0 : i32
    %dma_start3A_655 = tpu.memref_slice %arg9[%dma_start3A_652, %dma_start3A_653, %dma_start3A_654] : memref<3x8x4096xf32, #tpu.memory_space<vmem>> -> memref<1x8x4096xf32, #tpu.memory_space<vmem>>
    %dma_start3A_656 = tpu.memref_squeeze %dma_start3A_655 : memref<1x8x4096xf32, #tpu.memory_space<vmem>> -> memref<8x4096xf32, #tpu.memory_space<vmem>>
    %dma_start3A_657 = arith.constant 80 : i32
    %dma_start3A_658 = tpu.memref_slice %arg8[%dma_start3A_657] : memref<256xi32, #tpu.memory_space<vmem>> -> memref<8xi32, #tpu.memory_space<vmem>>
    %dma_start3A_659 = arith.constant 0 : i32
    %dma_start3A_660 = arith.constant 0 : i32
    %dma_start3A_661 = tpu.memref_slice %arg3[%dma_start3A_659, %dma_start3A_660] : memref<4096x4096xf32, #tpu.memory_space<hbm>> -> memref<4096x4096xf32, #tpu.memory_space<hbm>>
    tpu.enqueue_indirect_dma source(%dma_start3A_661 : memref<4096x4096xf32, #tpu.memory_space<hbm>>) target(%dma_start3A_656 : memref<8x4096xf32, #tpu.memory_space<vmem>>) offsets(%dma_start3A_658 : memref<8xi32, #tpu.memory_space<vmem>>) semaphore(%arg14 : memref<!tpu.dma_semaphore, #tpu.memory_space<semaphore_mem>>)
    %dma_wait3A_662 = arith.constant 0 : i32
    %dma_wait3A_663 = arith.constant 0 : i32
    %dma_wait3A_664 = arith.constant 0 : i32
    %dma_wait3A_665 = tpu.memref_slice %arg9[%dma_wait3A_662, %dma_wait3A_663, %dma_wait3A_664] : memref<3x8x4096xf32, #tpu.memory_space<vmem>> -> memref<1x8x4096xf32, #tpu.memory_space<vmem>>
    %dma_wait3A_666 = tpu.memref_squeeze %dma_wait3A_665 : memref<1x8x4096xf32, #tpu.memory_space<vmem>> -> memref<8x4096xf32, #tpu.memory_space<vmem>>
    %dma_wait3A_667 = arith.constant 0 : i32
    %dma_wait3A_668 = arith.constant 0 : i32
    %dma_wait3A_669 = tpu.memref_slice %arg3[%dma_wait3A_667, %dma_wait3A_668] : memref<4096x4096xf32, #tpu.memory_space<hbm>> -> memref<8x4096xf32, #tpu.memory_space<hbm>>
    %dma_wait3A_670 = arith.constant 0 : i32
    %dma_wait3A_671 = arith.constant 0 : i32
    %dma_wait3A_672 = tpu.memref_slice %arg9[%dma_wait3A_662, %dma_wait3A_670, %dma_wait3A_671] : memref<3x8x4096xf32, #tpu.memory_space<vmem>> -> memref<1x8x4096xf32, #tpu.memory_space<vmem>>
    %dma_wait3A_673 = tpu.memref_squeeze %dma_wait3A_672 : memref<1x8x4096xf32, #tpu.memory_space<vmem>> -> memref<8x4096xf32, #tpu.memory_space<vmem>>
    %dma_wait3A_674 = arith.constant 0 : i32
    %dma_wait3A_675 = arith.constant 0 : i32
    %dma_wait3A_676 = tpu.memref_slice %arg3[%dma_wait3A_674, %dma_wait3A_675] : memref<4096x4096xf32, #tpu.memory_space<hbm>> -> memref<8x4096xf32, #tpu.memory_space<hbm>>
    tpu.wait_dma2 semaphore(%arg13 : memref<!tpu.dma_semaphore, #tpu.memory_space<semaphore_mem>>) src(%dma_wait3A_676 : memref<8x4096xf32, #tpu.memory_space<hbm>>) dst(%dma_wait3A_673 : memref<8x4096xf32, #tpu.memory_space<vmem>>)
    %add3A_677 = arith.constant 72 : i32
    %add3A_678 = arith.addi %add3A_23, %add3A_677 : i32
    %dma_start3A_679 = arith.constant 0 : i32
    %dma_start3A_680 = arith.constant 0 : i32
    %dma_start3A_681 = arith.constant 0 : i32
    %dma_start3A_682 = tpu.memref_slice %arg9[%dma_start3A_679, %dma_start3A_680, %dma_start3A_681] : memref<3x8x4096xf32, #tpu.memory_space<vmem>> -> memref<1x8x4096xf32, #tpu.memory_space<vmem>>
    %dma_start3A_683 = tpu.memref_squeeze %dma_start3A_682 : memref<1x8x4096xf32, #tpu.memory_space<vmem>> -> memref<8x4096xf32, #tpu.memory_space<vmem>>
    %dma_start3A_684 = arith.constant 0 : i32
    %dma_start3A_685 = arith.constant 0 : i32
    %dma_start3A_686 = tpu.memref_slice %arg7[%select_n3A, %dma_start3A_684, %dma_start3A_685] : memref<2x4106x4096xf32, #tpu.memory_space<hbm>> -> memref<1x4106x4096xf32, #tpu.memory_space<hbm>>
    %dma_start3A_687 = tpu.memref_squeeze %dma_start3A_686 : memref<1x4106x4096xf32, #tpu.memory_space<hbm>> -> memref<4106x4096xf32, #tpu.memory_space<hbm>>
    %dma_start3A_688 = arith.constant 0 : i32
    %dma_start3A_689 = tpu.memref_slice %dma_start3A_687[%add3A_678, %dma_start3A_688] : memref<4106x4096xf32, #tpu.memory_space<hbm>> -> memref<8x4096xf32, #tpu.memory_space<hbm>>
    %dma_start3A_690 = arith.constant 0 : i32
    %dma_start3A_691 = arith.constant 0 : i32
    %dma_start3A_692 = tpu.memref_slice %arg7[%select_n3A, %dma_start3A_690, %dma_start3A_691] : memref<2x4106x4096xf32, #tpu.memory_space<hbm>> -> memref<1x4106x4096xf32, #tpu.memory_space<hbm>>
    %dma_start3A_693 = tpu.memref_squeeze %dma_start3A_692 : memref<1x4106x4096xf32, #tpu.memory_space<hbm>> -> memref<4106x4096xf32, #tpu.memory_space<hbm>>
    %dma_start3A_694 = arith.constant 0 : i32
    %dma_start3A_695 = tpu.memref_slice %dma_start3A_693[%add3A_678, %dma_start3A_694] : memref<4106x4096xf32, #tpu.memory_space<hbm>> -> memref<8x4096xf32, #tpu.memory_space<hbm>>
    %dma_start3A_696 = arith.constant 0 : i32
    %dma_start3A_697 = arith.constant 0 : i32
    %dma_start3A_698 = tpu.memref_slice %arg9[%dma_start3A_679, %dma_start3A_696, %dma_start3A_697] : memref<3x8x4096xf32, #tpu.memory_space<vmem>> -> memref<1x8x4096xf32, #tpu.memory_space<vmem>>
    %dma_start3A_699 = tpu.memref_squeeze %dma_start3A_698 : memref<1x8x4096xf32, #tpu.memory_space<vmem>> -> memref<8x4096xf32, #tpu.memory_space<vmem>>
    tpu.enqueue_dma source(%dma_start3A_699 : memref<8x4096xf32, #tpu.memory_space<vmem>>) target(%dma_start3A_695 : memref<8x4096xf32, #tpu.memory_space<hbm>>) target_semaphore(%arg16 : memref<!tpu.dma_semaphore, #tpu.memory_space<semaphore_mem>>)
    %dma_wait3A_700 = arith.constant 2 : i32
    %dma_wait3A_701 = arith.constant 0 : i32
    %dma_wait3A_702 = arith.constant 0 : i32
    %dma_wait3A_703 = tpu.memref_slice %arg9[%dma_wait3A_700, %dma_wait3A_701, %dma_wait3A_702] : memref<3x8x4096xf32, #tpu.memory_space<vmem>> -> memref<1x8x4096xf32, #tpu.memory_space<vmem>>
    %dma_wait3A_704 = tpu.memref_squeeze %dma_wait3A_703 : memref<1x8x4096xf32, #tpu.memory_space<vmem>> -> memref<8x4096xf32, #tpu.memory_space<vmem>>
    %dma_wait3A_705 = arith.constant 0 : i32
    %dma_wait3A_706 = arith.constant 0 : i32
    %dma_wait3A_707 = tpu.memref_slice %arg7[%select_n3A, %dma_wait3A_705, %dma_wait3A_706] : memref<2x4106x4096xf32, #tpu.memory_space<hbm>> -> memref<1x4106x4096xf32, #tpu.memory_space<hbm>>
    %dma_wait3A_708 = tpu.memref_squeeze %dma_wait3A_707 : memref<1x4106x4096xf32, #tpu.memory_space<hbm>> -> memref<4106x4096xf32, #tpu.memory_space<hbm>>
    %dma_wait3A_709 = arith.constant 0 : i32
    %dma_wait3A_710 = arith.constant 0 : i32
    %dma_wait3A_711 = tpu.memref_slice %dma_wait3A_708[%dma_wait3A_709, %dma_wait3A_710] : memref<4106x4096xf32, #tpu.memory_space<hbm>> -> memref<8x4096xf32, #tpu.memory_space<hbm>>
    %dma_wait3A_712 = arith.constant 0 : i32
    %dma_wait3A_713 = arith.constant 0 : i32
    %dma_wait3A_714 = tpu.memref_slice %arg7[%select_n3A, %dma_wait3A_712, %dma_wait3A_713] : memref<2x4106x4096xf32, #tpu.memory_space<hbm>> -> memref<1x4106x4096xf32, #tpu.memory_space<hbm>>
    %dma_wait3A_715 = tpu.memref_squeeze %dma_wait3A_714 : memref<1x4106x4096xf32, #tpu.memory_space<hbm>> -> memref<4106x4096xf32, #tpu.memory_space<hbm>>
    %dma_wait3A_716 = arith.constant 0 : i32
    %dma_wait3A_717 = arith.constant 0 : i32
    %dma_wait3A_718 = tpu.memref_slice %dma_wait3A_715[%dma_wait3A_716, %dma_wait3A_717] : memref<4106x4096xf32, #tpu.memory_space<hbm>> -> memref<8x4096xf32, #tpu.memory_space<hbm>>
    %dma_wait3A_719 = arith.constant 0 : i32
    %dma_wait3A_720 = arith.constant 0 : i32
    %dma_wait3A_721 = tpu.memref_slice %arg9[%dma_wait3A_700, %dma_wait3A_719, %dma_wait3A_720] : memref<3x8x4096xf32, #tpu.memory_space<vmem>> -> memref<1x8x4096xf32, #tpu.memory_space<vmem>>
    %dma_wait3A_722 = tpu.memref_squeeze %dma_wait3A_721 : memref<1x8x4096xf32, #tpu.memory_space<vmem>> -> memref<8x4096xf32, #tpu.memory_space<vmem>>
    tpu.wait_dma2 semaphore(%arg18 : memref<!tpu.dma_semaphore, #tpu.memory_space<semaphore_mem>>) src(%dma_wait3A_722 : memref<8x4096xf32, #tpu.memory_space<vmem>>) dst(%dma_wait3A_718 : memref<8x4096xf32, #tpu.memory_space<hbm>>)
    %dma_start3A_723 = arith.constant 2 : i32
    %dma_start3A_724 = arith.constant 0 : i32
    %dma_start3A_725 = arith.constant 0 : i32
    %dma_start3A_726 = tpu.memref_slice %arg9[%dma_start3A_723, %dma_start3A_724, %dma_start3A_725] : memref<3x8x4096xf32, #tpu.memory_space<vmem>> -> memref<1x8x4096xf32, #tpu.memory_space<vmem>>
    %dma_start3A_727 = tpu.memref_squeeze %dma_start3A_726 : memref<1x8x4096xf32, #tpu.memory_space<vmem>> -> memref<8x4096xf32, #tpu.memory_space<vmem>>
    %dma_start3A_728 = arith.constant 88 : i32
    %dma_start3A_729 = tpu.memref_slice %arg8[%dma_start3A_728] : memref<256xi32, #tpu.memory_space<vmem>> -> memref<8xi32, #tpu.memory_space<vmem>>
    %dma_start3A_730 = arith.constant 0 : i32
    %dma_start3A_731 = arith.constant 0 : i32
    %dma_start3A_732 = tpu.memref_slice %arg3[%dma_start3A_730, %dma_start3A_731] : memref<4096x4096xf32, #tpu.memory_space<hbm>> -> memref<4096x4096xf32, #tpu.memory_space<hbm>>
    tpu.enqueue_indirect_dma source(%dma_start3A_732 : memref<4096x4096xf32, #tpu.memory_space<hbm>>) target(%dma_start3A_727 : memref<8x4096xf32, #tpu.memory_space<vmem>>) offsets(%dma_start3A_729 : memref<8xi32, #tpu.memory_space<vmem>>) semaphore(%arg15 : memref<!tpu.dma_semaphore, #tpu.memory_space<semaphore_mem>>)
    %dma_wait3A_733 = arith.constant 1 : i32
    %dma_wait3A_734 = arith.constant 0 : i32
    %dma_wait3A_735 = arith.constant 0 : i32
    %dma_wait3A_736 = tpu.memref_slice %arg9[%dma_wait3A_733, %dma_wait3A_734, %dma_wait3A_735] : memref<3x8x4096xf32, #tpu.memory_space<vmem>> -> memref<1x8x4096xf32, #tpu.memory_space<vmem>>
    %dma_wait3A_737 = tpu.memref_squeeze %dma_wait3A_736 : memref<1x8x4096xf32, #tpu.memory_space<vmem>> -> memref<8x4096xf32, #tpu.memory_space<vmem>>
    %dma_wait3A_738 = arith.constant 0 : i32
    %dma_wait3A_739 = arith.constant 0 : i32
    %dma_wait3A_740 = tpu.memref_slice %arg3[%dma_wait3A_738, %dma_wait3A_739] : memref<4096x4096xf32, #tpu.memory_space<hbm>> -> memref<8x4096xf32, #tpu.memory_space<hbm>>
    %dma_wait3A_741 = arith.constant 0 : i32
    %dma_wait3A_742 = arith.constant 0 : i32
    %dma_wait3A_743 = tpu.memref_slice %arg9[%dma_wait3A_733, %dma_wait3A_741, %dma_wait3A_742] : memref<3x8x4096xf32, #tpu.memory_space<vmem>> -> memref<1x8x4096xf32, #tpu.memory_space<vmem>>
    %dma_wait3A_744 = tpu.memref_squeeze %dma_wait3A_743 : memref<1x8x4096xf32, #tpu.memory_space<vmem>> -> memref<8x4096xf32, #tpu.memory_space<vmem>>
    %dma_wait3A_745 = arith.constant 0 : i32
    %dma_wait3A_746 = arith.constant 0 : i32
    %dma_wait3A_747 = tpu.memref_slice %arg3[%dma_wait3A_745, %dma_wait3A_746] : memref<4096x4096xf32, #tpu.memory_space<hbm>> -> memref<8x4096xf32, #tpu.memory_space<hbm>>
    tpu.wait_dma2 semaphore(%arg14 : memref<!tpu.dma_semaphore, #tpu.memory_space<semaphore_mem>>) src(%dma_wait3A_747 : memref<8x4096xf32, #tpu.memory_space<hbm>>) dst(%dma_wait3A_744 : memref<8x4096xf32, #tpu.memory_space<vmem>>)
    %add3A_748 = arith.constant 80 : i32
    %add3A_749 = arith.addi %add3A_23, %add3A_748 : i32
    %dma_start3A_750 = arith.constant 1 : i32
    %dma_start3A_751 = arith.constant 0 : i32
    %dma_start3A_752 = arith.constant 0 : i32
    %dma_start3A_753 = tpu.memref_slice %arg9[%dma_start3A_750, %dma_start3A_751, %dma_start3A_752] : memref<3x8x4096xf32, #tpu.memory_space<vmem>> -> memref<1x8x4096xf32, #tpu.memory_space<vmem>>
    %dma_start3A_754 = tpu.memref_squeeze %dma_start3A_753 : memref<1x8x4096xf32, #tpu.memory_space<vmem>> -> memref<8x4096xf32, #tpu.memory_space<vmem>>
    %dma_start3A_755 = arith.constant 0 : i32
    %dma_start3A_756 = arith.constant 0 : i32
    %dma_start3A_757 = tpu.memref_slice %arg7[%select_n3A, %dma_start3A_755, %dma_start3A_756] : memref<2x4106x4096xf32, #tpu.memory_space<hbm>> -> memref<1x4106x4096xf32, #tpu.memory_space<hbm>>
    %dma_start3A_758 = tpu.memref_squeeze %dma_start3A_757 : memref<1x4106x4096xf32, #tpu.memory_space<hbm>> -> memref<4106x4096xf32, #tpu.memory_space<hbm>>
    %dma_start3A_759 = arith.constant 0 : i32
    %dma_start3A_760 = tpu.memref_slice %dma_start3A_758[%add3A_749, %dma_start3A_759] : memref<4106x4096xf32, #tpu.memory_space<hbm>> -> memref<8x4096xf32, #tpu.memory_space<hbm>>
    %dma_start3A_761 = arith.constant 0 : i32
    %dma_start3A_762 = arith.constant 0 : i32
    %dma_start3A_763 = tpu.memref_slice %arg7[%select_n3A, %dma_start3A_761, %dma_start3A_762] : memref<2x4106x4096xf32, #tpu.memory_space<hbm>> -> memref<1x4106x4096xf32, #tpu.memory_space<hbm>>
    %dma_start3A_764 = tpu.memref_squeeze %dma_start3A_763 : memref<1x4106x4096xf32, #tpu.memory_space<hbm>> -> memref<4106x4096xf32, #tpu.memory_space<hbm>>
    %dma_start3A_765 = arith.constant 0 : i32
    %dma_start3A_766 = tpu.memref_slice %dma_start3A_764[%add3A_749, %dma_start3A_765] : memref<4106x4096xf32, #tpu.memory_space<hbm>> -> memref<8x4096xf32, #tpu.memory_space<hbm>>
    %dma_start3A_767 = arith.constant 0 : i32
    %dma_start3A_768 = arith.constant 0 : i32
    %dma_start3A_769 = tpu.memref_slice %arg9[%dma_start3A_750, %dma_start3A_767, %dma_start3A_768] : memref<3x8x4096xf32, #tpu.memory_space<vmem>> -> memref<1x8x4096xf32, #tpu.memory_space<vmem>>
    %dma_start3A_770 = tpu.memref_squeeze %dma_start3A_769 : memref<1x8x4096xf32, #tpu.memory_space<vmem>> -> memref<8x4096xf32, #tpu.memory_space<vmem>>
    tpu.enqueue_dma source(%dma_start3A_770 : memref<8x4096xf32, #tpu.memory_space<vmem>>) target(%dma_start3A_766 : memref<8x4096xf32, #tpu.memory_space<hbm>>) target_semaphore(%arg17 : memref<!tpu.dma_semaphore, #tpu.memory_space<semaphore_mem>>)
    %dma_wait3A_771 = arith.constant 0 : i32
    %dma_wait3A_772 = arith.constant 0 : i32
    %dma_wait3A_773 = arith.constant 0 : i32
    %dma_wait3A_774 = tpu.memref_slice %arg9[%dma_wait3A_771, %dma_wait3A_772, %dma_wait3A_773] : memref<3x8x4096xf32, #tpu.memory_space<vmem>> -> memref<1x8x4096xf32, #tpu.memory_space<vmem>>
    %dma_wait3A_775 = tpu.memref_squeeze %dma_wait3A_774 : memref<1x8x4096xf32, #tpu.memory_space<vmem>> -> memref<8x4096xf32, #tpu.memory_space<vmem>>
    %dma_wait3A_776 = arith.constant 0 : i32
    %dma_wait3A_777 = arith.constant 0 : i32
    %dma_wait3A_778 = tpu.memref_slice %arg7[%select_n3A, %dma_wait3A_776, %dma_wait3A_777] : memref<2x4106x4096xf32, #tpu.memory_space<hbm>> -> memref<1x4106x4096xf32, #tpu.memory_space<hbm>>
    %dma_wait3A_779 = tpu.memref_squeeze %dma_wait3A_778 : memref<1x4106x4096xf32, #tpu.memory_space<hbm>> -> memref<4106x4096xf32, #tpu.memory_space<hbm>>
    %dma_wait3A_780 = arith.constant 0 : i32
    %dma_wait3A_781 = arith.constant 0 : i32
    %dma_wait3A_782 = tpu.memref_slice %dma_wait3A_779[%dma_wait3A_780, %dma_wait3A_781] : memref<4106x4096xf32, #tpu.memory_space<hbm>> -> memref<8x4096xf32, #tpu.memory_space<hbm>>
    %dma_wait3A_783 = arith.constant 0 : i32
    %dma_wait3A_784 = arith.constant 0 : i32
    %dma_wait3A_785 = tpu.memref_slice %arg7[%select_n3A, %dma_wait3A_783, %dma_wait3A_784] : memref<2x4106x4096xf32, #tpu.memory_space<hbm>> -> memref<1x4106x4096xf32, #tpu.memory_space<hbm>>
    %dma_wait3A_786 = tpu.memref_squeeze %dma_wait3A_785 : memref<1x4106x4096xf32, #tpu.memory_space<hbm>> -> memref<4106x4096xf32, #tpu.memory_space<hbm>>
    %dma_wait3A_787 = arith.constant 0 : i32
    %dma_wait3A_788 = arith.constant 0 : i32
    %dma_wait3A_789 = tpu.memref_slice %dma_wait3A_786[%dma_wait3A_787, %dma_wait3A_788] : memref<4106x4096xf32, #tpu.memory_space<hbm>> -> memref<8x4096xf32, #tpu.memory_space<hbm>>
    %dma_wait3A_790 = arith.constant 0 : i32
    %dma_wait3A_791 = arith.constant 0 : i32
    %dma_wait3A_792 = tpu.memref_slice %arg9[%dma_wait3A_771, %dma_wait3A_790, %dma_wait3A_791] : memref<3x8x4096xf32, #tpu.memory_space<vmem>> -> memref<1x8x4096xf32, #tpu.memory_space<vmem>>
    %dma_wait3A_793 = tpu.memref_squeeze %dma_wait3A_792 : memref<1x8x4096xf32, #tpu.memory_space<vmem>> -> memref<8x4096xf32, #tpu.memory_space<vmem>>
    tpu.wait_dma2 semaphore(%arg16 : memref<!tpu.dma_semaphore, #tpu.memory_space<semaphore_mem>>) src(%dma_wait3A_793 : memref<8x4096xf32, #tpu.memory_space<vmem>>) dst(%dma_wait3A_789 : memref<8x4096xf32, #tpu.memory_space<hbm>>)
    %dma_start3A_794 = arith.constant 0 : i32
    %dma_start3A_795 = arith.constant 0 : i32
    %dma_start3A_796 = arith.constant 0 : i32
    %dma_start3A_797 = tpu.memref_slice %arg9[%dma_start3A_794, %dma_start3A_795, %dma_start3A_796] : memref<3x8x4096xf32, #tpu.memory_space<vmem>> -> memref<1x8x4096xf32, #tpu.memory_space<vmem>>
    %dma_start3A_798 = tpu.memref_squeeze %dma_start3A_797 : memref<1x8x4096xf32, #tpu.memory_space<vmem>> -> memref<8x4096xf32, #tpu.memory_space<vmem>>
    %dma_start3A_799 = arith.constant 96 : i32
    %dma_start3A_800 = tpu.memref_slice %arg8[%dma_start3A_799] : memref<256xi32, #tpu.memory_space<vmem>> -> memref<8xi32, #tpu.memory_space<vmem>>
    %dma_start3A_801 = arith.constant 0 : i32
    %dma_start3A_802 = arith.constant 0 : i32
    %dma_start3A_803 = tpu.memref_slice %arg3[%dma_start3A_801, %dma_start3A_802] : memref<4096x4096xf32, #tpu.memory_space<hbm>> -> memref<4096x4096xf32, #tpu.memory_space<hbm>>
    tpu.enqueue_indirect_dma source(%dma_start3A_803 : memref<4096x4096xf32, #tpu.memory_space<hbm>>) target(%dma_start3A_798 : memref<8x4096xf32, #tpu.memory_space<vmem>>) offsets(%dma_start3A_800 : memref<8xi32, #tpu.memory_space<vmem>>) semaphore(%arg13 : memref<!tpu.dma_semaphore, #tpu.memory_space<semaphore_mem>>)
    %dma_wait3A_804 = arith.constant 2 : i32
    %dma_wait3A_805 = arith.constant 0 : i32
    %dma_wait3A_806 = arith.constant 0 : i32
    %dma_wait3A_807 = tpu.memref_slice %arg9[%dma_wait3A_804, %dma_wait3A_805, %dma_wait3A_806] : memref<3x8x4096xf32, #tpu.memory_space<vmem>> -> memref<1x8x4096xf32, #tpu.memory_space<vmem>>
    %dma_wait3A_808 = tpu.memref_squeeze %dma_wait3A_807 : memref<1x8x4096xf32, #tpu.memory_space<vmem>> -> memref<8x4096xf32, #tpu.memory_space<vmem>>
    %dma_wait3A_809 = arith.constant 0 : i32
    %dma_wait3A_810 = arith.constant 0 : i32
    %dma_wait3A_811 = tpu.memref_slice %arg3[%dma_wait3A_809, %dma_wait3A_810] : memref<4096x4096xf32, #tpu.memory_space<hbm>> -> memref<8x4096xf32, #tpu.memory_space<hbm>>
    %dma_wait3A_812 = arith.constant 0 : i32
    %dma_wait3A_813 = arith.constant 0 : i32
    %dma_wait3A_814 = tpu.memref_slice %arg9[%dma_wait3A_804, %dma_wait3A_812, %dma_wait3A_813] : memref<3x8x4096xf32, #tpu.memory_space<vmem>> -> memref<1x8x4096xf32, #tpu.memory_space<vmem>>
    %dma_wait3A_815 = tpu.memref_squeeze %dma_wait3A_814 : memref<1x8x4096xf32, #tpu.memory_space<vmem>> -> memref<8x4096xf32, #tpu.memory_space<vmem>>
    %dma_wait3A_816 = arith.constant 0 : i32
    %dma_wait3A_817 = arith.constant 0 : i32
    %dma_wait3A_818 = tpu.memref_slice %arg3[%dma_wait3A_816, %dma_wait3A_817] : memref<4096x4096xf32, #tpu.memory_space<hbm>> -> memref<8x4096xf32, #tpu.memory_space<hbm>>
    tpu.wait_dma2 semaphore(%arg15 : memref<!tpu.dma_semaphore, #tpu.memory_space<semaphore_mem>>) src(%dma_wait3A_818 : memref<8x4096xf32, #tpu.memory_space<hbm>>) dst(%dma_wait3A_815 : memref<8x4096xf32, #tpu.memory_space<vmem>>)
    %add3A_819 = arith.constant 88 : i32
    %add3A_820 = arith.addi %add3A_23, %add3A_819 : i32
    %dma_start3A_821 = arith.constant 2 : i32
    %dma_start3A_822 = arith.constant 0 : i32
    %dma_start3A_823 = arith.constant 0 : i32
    %dma_start3A_824 = tpu.memref_slice %arg9[%dma_start3A_821, %dma_start3A_822, %dma_start3A_823] : memref<3x8x4096xf32, #tpu.memory_space<vmem>> -> memref<1x8x4096xf32, #tpu.memory_space<vmem>>
    %dma_start3A_825 = tpu.memref_squeeze %dma_start3A_824 : memref<1x8x4096xf32, #tpu.memory_space<vmem>> -> memref<8x4096xf32, #tpu.memory_space<vmem>>
    %dma_start3A_826 = arith.constant 0 : i32
    %dma_start3A_827 = arith.constant 0 : i32
    %dma_start3A_828 = tpu.memref_slice %arg7[%select_n3A, %dma_start3A_826, %dma_start3A_827] : memref<2x4106x4096xf32, #tpu.memory_space<hbm>> -> memref<1x4106x4096xf32, #tpu.memory_space<hbm>>
    %dma_start3A_829 = tpu.memref_squeeze %dma_start3A_828 : memref<1x4106x4096xf32, #tpu.memory_space<hbm>> -> memref<4106x4096xf32, #tpu.memory_space<hbm>>
    %dma_start3A_830 = arith.constant 0 : i32
    %dma_start3A_831 = tpu.memref_slice %dma_start3A_829[%add3A_820, %dma_start3A_830] : memref<4106x4096xf32, #tpu.memory_space<hbm>> -> memref<8x4096xf32, #tpu.memory_space<hbm>>
    %dma_start3A_832 = arith.constant 0 : i32
    %dma_start3A_833 = arith.constant 0 : i32
    %dma_start3A_834 = tpu.memref_slice %arg7[%select_n3A, %dma_start3A_832, %dma_start3A_833] : memref<2x4106x4096xf32, #tpu.memory_space<hbm>> -> memref<1x4106x4096xf32, #tpu.memory_space<hbm>>
    %dma_start3A_835 = tpu.memref_squeeze %dma_start3A_834 : memref<1x4106x4096xf32, #tpu.memory_space<hbm>> -> memref<4106x4096xf32, #tpu.memory_space<hbm>>
    %dma_start3A_836 = arith.constant 0 : i32
    %dma_start3A_837 = tpu.memref_slice %dma_start3A_835[%add3A_820, %dma_start3A_836] : memref<4106x4096xf32, #tpu.memory_space<hbm>> -> memref<8x4096xf32, #tpu.memory_space<hbm>>
    %dma_start3A_838 = arith.constant 0 : i32
    %dma_start3A_839 = arith.constant 0 : i32
    %dma_start3A_840 = tpu.memref_slice %arg9[%dma_start3A_821, %dma_start3A_838, %dma_start3A_839] : memref<3x8x4096xf32, #tpu.memory_space<vmem>> -> memref<1x8x4096xf32, #tpu.memory_space<vmem>>
    %dma_start3A_841 = tpu.memref_squeeze %dma_start3A_840 : memref<1x8x4096xf32, #tpu.memory_space<vmem>> -> memref<8x4096xf32, #tpu.memory_space<vmem>>
    tpu.enqueue_dma source(%dma_start3A_841 : memref<8x4096xf32, #tpu.memory_space<vmem>>) target(%dma_start3A_837 : memref<8x4096xf32, #tpu.memory_space<hbm>>) target_semaphore(%arg18 : memref<!tpu.dma_semaphore, #tpu.memory_space<semaphore_mem>>)
    %dma_wait3A_842 = arith.constant 1 : i32
    %dma_wait3A_843 = arith.constant 0 : i32
    %dma_wait3A_844 = arith.constant 0 : i32
    %dma_wait3A_845 = tpu.memref_slice %arg9[%dma_wait3A_842, %dma_wait3A_843, %dma_wait3A_844] : memref<3x8x4096xf32, #tpu.memory_space<vmem>> -> memref<1x8x4096xf32, #tpu.memory_space<vmem>>
    %dma_wait3A_846 = tpu.memref_squeeze %dma_wait3A_845 : memref<1x8x4096xf32, #tpu.memory_space<vmem>> -> memref<8x4096xf32, #tpu.memory_space<vmem>>
    %dma_wait3A_847 = arith.constant 0 : i32
    %dma_wait3A_848 = arith.constant 0 : i32
    %dma_wait3A_849 = tpu.memref_slice %arg7[%select_n3A, %dma_wait3A_847, %dma_wait3A_848] : memref<2x4106x4096xf32, #tpu.memory_space<hbm>> -> memref<1x4106x4096xf32, #tpu.memory_space<hbm>>
    %dma_wait3A_850 = tpu.memref_squeeze %dma_wait3A_849 : memref<1x4106x4096xf32, #tpu.memory_space<hbm>> -> memref<4106x4096xf32, #tpu.memory_space<hbm>>
    %dma_wait3A_851 = arith.constant 0 : i32
    %dma_wait3A_852 = arith.constant 0 : i32
    %dma_wait3A_853 = tpu.memref_slice %dma_wait3A_850[%dma_wait3A_851, %dma_wait3A_852] : memref<4106x4096xf32, #tpu.memory_space<hbm>> -> memref<8x4096xf32, #tpu.memory_space<hbm>>
    %dma_wait3A_854 = arith.constant 0 : i32
    %dma_wait3A_855 = arith.constant 0 : i32
    %dma_wait3A_856 = tpu.memref_slice %arg7[%select_n3A, %dma_wait3A_854, %dma_wait3A_855] : memref<2x4106x4096xf32, #tpu.memory_space<hbm>> -> memref<1x4106x4096xf32, #tpu.memory_space<hbm>>
    %dma_wait3A_857 = tpu.memref_squeeze %dma_wait3A_856 : memref<1x4106x4096xf32, #tpu.memory_space<hbm>> -> memref<4106x4096xf32, #tpu.memory_space<hbm>>
    %dma_wait3A_858 = arith.constant 0 : i32
    %dma_wait3A_859 = arith.constant 0 : i32
    %dma_wait3A_860 = tpu.memref_slice %dma_wait3A_857[%dma_wait3A_858, %dma_wait3A_859] : memref<4106x4096xf32, #tpu.memory_space<hbm>> -> memref<8x4096xf32, #tpu.memory_space<hbm>>
    %dma_wait3A_861 = arith.constant 0 : i32
    %dma_wait3A_862 = arith.constant 0 : i32
    %dma_wait3A_863 = tpu.memref_slice %arg9[%dma_wait3A_842, %dma_wait3A_861, %dma_wait3A_862] : memref<3x8x4096xf32, #tpu.memory_space<vmem>> -> memref<1x8x4096xf32, #tpu.memory_space<vmem>>
    %dma_wait3A_864 = tpu.memref_squeeze %dma_wait3A_863 : memref<1x8x4096xf32, #tpu.memory_space<vmem>> -> memref<8x4096xf32, #tpu.memory_space<vmem>>
    tpu.wait_dma2 semaphore(%arg17 : memref<!tpu.dma_semaphore, #tpu.memory_space<semaphore_mem>>) src(%dma_wait3A_864 : memref<8x4096xf32, #tpu.memory_space<vmem>>) dst(%dma_wait3A_860 : memref<8x4096xf32, #tpu.memory_space<hbm>>)
    %dma_start3A_865 = arith.constant 1 : i32
    %dma_start3A_866 = arith.constant 0 : i32
    %dma_start3A_867 = arith.constant 0 : i32
    %dma_start3A_868 = tpu.memref_slice %arg9[%dma_start3A_865, %dma_start3A_866, %dma_start3A_867] : memref<3x8x4096xf32, #tpu.memory_space<vmem>> -> memref<1x8x4096xf32, #tpu.memory_space<vmem>>
    %dma_start3A_869 = tpu.memref_squeeze %dma_start3A_868 : memref<1x8x4096xf32, #tpu.memory_space<vmem>> -> memref<8x4096xf32, #tpu.memory_space<vmem>>
    %dma_start3A_870 = arith.constant 104 : i32
    %dma_start3A_871 = tpu.memref_slice %arg8[%dma_start3A_870] : memref<256xi32, #tpu.memory_space<vmem>> -> memref<8xi32, #tpu.memory_space<vmem>>
    %dma_start3A_872 = arith.constant 0 : i32
    %dma_start3A_873 = arith.constant 0 : i32
    %dma_start3A_874 = tpu.memref_slice %arg3[%dma_start3A_872, %dma_start3A_873] : memref<4096x4096xf32, #tpu.memory_space<hbm>> -> memref<4096x4096xf32, #tpu.memory_space<hbm>>
    tpu.enqueue_indirect_dma source(%dma_start3A_874 : memref<4096x4096xf32, #tpu.memory_space<hbm>>) target(%dma_start3A_869 : memref<8x4096xf32, #tpu.memory_space<vmem>>) offsets(%dma_start3A_871 : memref<8xi32, #tpu.memory_space<vmem>>) semaphore(%arg14 : memref<!tpu.dma_semaphore, #tpu.memory_space<semaphore_mem>>)
    %dma_wait3A_875 = arith.constant 0 : i32
    %dma_wait3A_876 = arith.constant 0 : i32
    %dma_wait3A_877 = arith.constant 0 : i32
    %dma_wait3A_878 = tpu.memref_slice %arg9[%dma_wait3A_875, %dma_wait3A_876, %dma_wait3A_877] : memref<3x8x4096xf32, #tpu.memory_space<vmem>> -> memref<1x8x4096xf32, #tpu.memory_space<vmem>>
    %dma_wait3A_879 = tpu.memref_squeeze %dma_wait3A_878 : memref<1x8x4096xf32, #tpu.memory_space<vmem>> -> memref<8x4096xf32, #tpu.memory_space<vmem>>
    %dma_wait3A_880 = arith.constant 0 : i32
    %dma_wait3A_881 = arith.constant 0 : i32
    %dma_wait3A_882 = tpu.memref_slice %arg3[%dma_wait3A_880, %dma_wait3A_881] : memref<4096x4096xf32, #tpu.memory_space<hbm>> -> memref<8x4096xf32, #tpu.memory_space<hbm>>
    %dma_wait3A_883 = arith.constant 0 : i32
    %dma_wait3A_884 = arith.constant 0 : i32
    %dma_wait3A_885 = tpu.memref_slice %arg9[%dma_wait3A_875, %dma_wait3A_883, %dma_wait3A_884] : memref<3x8x4096xf32, #tpu.memory_space<vmem>> -> memref<1x8x4096xf32, #tpu.memory_space<vmem>>
    %dma_wait3A_886 = tpu.memref_squeeze %dma_wait3A_885 : memref<1x8x4096xf32, #tpu.memory_space<vmem>> -> memref<8x4096xf32, #tpu.memory_space<vmem>>
    %dma_wait3A_887 = arith.constant 0 : i32
    %dma_wait3A_888 = arith.constant 0 : i32
    %dma_wait3A_889 = tpu.memref_slice %arg3[%dma_wait3A_887, %dma_wait3A_888] : memref<4096x4096xf32, #tpu.memory_space<hbm>> -> memref<8x4096xf32, #tpu.memory_space<hbm>>
    tpu.wait_dma2 semaphore(%arg13 : memref<!tpu.dma_semaphore, #tpu.memory_space<semaphore_mem>>) src(%dma_wait3A_889 : memref<8x4096xf32, #tpu.memory_space<hbm>>) dst(%dma_wait3A_886 : memref<8x4096xf32, #tpu.memory_space<vmem>>)
    %add3A_890 = arith.constant 96 : i32
    %add3A_891 = arith.addi %add3A_23, %add3A_890 : i32
    %dma_start3A_892 = arith.constant 0 : i32
    %dma_start3A_893 = arith.constant 0 : i32
    %dma_start3A_894 = arith.constant 0 : i32
    %dma_start3A_895 = tpu.memref_slice %arg9[%dma_start3A_892, %dma_start3A_893, %dma_start3A_894] : memref<3x8x4096xf32, #tpu.memory_space<vmem>> -> memref<1x8x4096xf32, #tpu.memory_space<vmem>>
    %dma_start3A_896 = tpu.memref_squeeze %dma_start3A_895 : memref<1x8x4096xf32, #tpu.memory_space<vmem>> -> memref<8x4096xf32, #tpu.memory_space<vmem>>
    %dma_start3A_897 = arith.constant 0 : i32
    %dma_start3A_898 = arith.constant 0 : i32
    %dma_start3A_899 = tpu.memref_slice %arg7[%select_n3A, %dma_start3A_897, %dma_start3A_898] : memref<2x4106x4096xf32, #tpu.memory_space<hbm>> -> memref<1x4106x4096xf32, #tpu.memory_space<hbm>>
    %dma_start3A_900 = tpu.memref_squeeze %dma_start3A_899 : memref<1x4106x4096xf32, #tpu.memory_space<hbm>> -> memref<4106x4096xf32, #tpu.memory_space<hbm>>
    %dma_start3A_901 = arith.constant 0 : i32
    %dma_start3A_902 = tpu.memref_slice %dma_start3A_900[%add3A_891, %dma_start3A_901] : memref<4106x4096xf32, #tpu.memory_space<hbm>> -> memref<8x4096xf32, #tpu.memory_space<hbm>>
    %dma_start3A_903 = arith.constant 0 : i32
    %dma_start3A_904 = arith.constant 0 : i32
    %dma_start3A_905 = tpu.memref_slice %arg7[%select_n3A, %dma_start3A_903, %dma_start3A_904] : memref<2x4106x4096xf32, #tpu.memory_space<hbm>> -> memref<1x4106x4096xf32, #tpu.memory_space<hbm>>
    %dma_start3A_906 = tpu.memref_squeeze %dma_start3A_905 : memref<1x4106x4096xf32, #tpu.memory_space<hbm>> -> memref<4106x4096xf32, #tpu.memory_space<hbm>>
    %dma_start3A_907 = arith.constant 0 : i32
    %dma_start3A_908 = tpu.memref_slice %dma_start3A_906[%add3A_891, %dma_start3A_907] : memref<4106x4096xf32, #tpu.memory_space<hbm>> -> memref<8x4096xf32, #tpu.memory_space<hbm>>
    %dma_start3A_909 = arith.constant 0 : i32
    %dma_start3A_910 = arith.constant 0 : i32
    %dma_start3A_911 = tpu.memref_slice %arg9[%dma_start3A_892, %dma_start3A_909, %dma_start3A_910] : memref<3x8x4096xf32, #tpu.memory_space<vmem>> -> memref<1x8x4096xf32, #tpu.memory_space<vmem>>
    %dma_start3A_912 = tpu.memref_squeeze %dma_start3A_911 : memref<1x8x4096xf32, #tpu.memory_space<vmem>> -> memref<8x4096xf32, #tpu.memory_space<vmem>>
    tpu.enqueue_dma source(%dma_start3A_912 : memref<8x4096xf32, #tpu.memory_space<vmem>>) target(%dma_start3A_908 : memref<8x4096xf32, #tpu.memory_space<hbm>>) target_semaphore(%arg16 : memref<!tpu.dma_semaphore, #tpu.memory_space<semaphore_mem>>)
    %dma_wait3A_913 = arith.constant 2 : i32
    %dma_wait3A_914 = arith.constant 0 : i32
    %dma_wait3A_915 = arith.constant 0 : i32
    %dma_wait3A_916 = tpu.memref_slice %arg9[%dma_wait3A_913, %dma_wait3A_914, %dma_wait3A_915] : memref<3x8x4096xf32, #tpu.memory_space<vmem>> -> memref<1x8x4096xf32, #tpu.memory_space<vmem>>
    %dma_wait3A_917 = tpu.memref_squeeze %dma_wait3A_916 : memref<1x8x4096xf32, #tpu.memory_space<vmem>> -> memref<8x4096xf32, #tpu.memory_space<vmem>>
    %dma_wait3A_918 = arith.constant 0 : i32
    %dma_wait3A_919 = arith.constant 0 : i32
    %dma_wait3A_920 = tpu.memref_slice %arg7[%select_n3A, %dma_wait3A_918, %dma_wait3A_919] : memref<2x4106x4096xf32, #tpu.memory_space<hbm>> -> memref<1x4106x4096xf32, #tpu.memory_space<hbm>>
    %dma_wait3A_921 = tpu.memref_squeeze %dma_wait3A_920 : memref<1x4106x4096xf32, #tpu.memory_space<hbm>> -> memref<4106x4096xf32, #tpu.memory_space<hbm>>
    %dma_wait3A_922 = arith.constant 0 : i32
    %dma_wait3A_923 = arith.constant 0 : i32
    %dma_wait3A_924 = tpu.memref_slice %dma_wait3A_921[%dma_wait3A_922, %dma_wait3A_923] : memref<4106x4096xf32, #tpu.memory_space<hbm>> -> memref<8x4096xf32, #tpu.memory_space<hbm>>
    %dma_wait3A_925 = arith.constant 0 : i32
    %dma_wait3A_926 = arith.constant 0 : i32
    %dma_wait3A_927 = tpu.memref_slice %arg7[%select_n3A, %dma_wait3A_925, %dma_wait3A_926] : memref<2x4106x4096xf32, #tpu.memory_space<hbm>> -> memref<1x4106x4096xf32, #tpu.memory_space<hbm>>
    %dma_wait3A_928 = tpu.memref_squeeze %dma_wait3A_927 : memref<1x4106x4096xf32, #tpu.memory_space<hbm>> -> memref<4106x4096xf32, #tpu.memory_space<hbm>>
    %dma_wait3A_929 = arith.constant 0 : i32
    %dma_wait3A_930 = arith.constant 0 : i32
    %dma_wait3A_931 = tpu.memref_slice %dma_wait3A_928[%dma_wait3A_929, %dma_wait3A_930] : memref<4106x4096xf32, #tpu.memory_space<hbm>> -> memref<8x4096xf32, #tpu.memory_space<hbm>>
    %dma_wait3A_932 = arith.constant 0 : i32
    %dma_wait3A_933 = arith.constant 0 : i32
    %dma_wait3A_934 = tpu.memref_slice %arg9[%dma_wait3A_913, %dma_wait3A_932, %dma_wait3A_933] : memref<3x8x4096xf32, #tpu.memory_space<vmem>> -> memref<1x8x4096xf32, #tpu.memory_space<vmem>>
    %dma_wait3A_935 = tpu.memref_squeeze %dma_wait3A_934 : memref<1x8x4096xf32, #tpu.memory_space<vmem>> -> memref<8x4096xf32, #tpu.memory_space<vmem>>
    tpu.wait_dma2 semaphore(%arg18 : memref<!tpu.dma_semaphore, #tpu.memory_space<semaphore_mem>>) src(%dma_wait3A_935 : memref<8x4096xf32, #tpu.memory_space<vmem>>) dst(%dma_wait3A_931 : memref<8x4096xf32, #tpu.memory_space<hbm>>)
    %dma_start3A_936 = arith.constant 2 : i32
    %dma_start3A_937 = arith.constant 0 : i32
    %dma_start3A_938 = arith.constant 0 : i32
    %dma_start3A_939 = tpu.memref_slice %arg9[%dma_start3A_936, %dma_start3A_937, %dma_start3A_938] : memref<3x8x4096xf32, #tpu.memory_space<vmem>> -> memref<1x8x4096xf32, #tpu.memory_space<vmem>>
    %dma_start3A_940 = tpu.memref_squeeze %dma_start3A_939 : memref<1x8x4096xf32, #tpu.memory_space<vmem>> -> memref<8x4096xf32, #tpu.memory_space<vmem>>
    %dma_start3A_941 = arith.constant 112 : i32
    %dma_start3A_942 = tpu.memref_slice %arg8[%dma_start3A_941] : memref<256xi32, #tpu.memory_space<vmem>> -> memref<8xi32, #tpu.memory_space<vmem>>
    %dma_start3A_943 = arith.constant 0 : i32
    %dma_start3A_944 = arith.constant 0 : i32
    %dma_start3A_945 = tpu.memref_slice %arg3[%dma_start3A_943, %dma_start3A_944] : memref<4096x4096xf32, #tpu.memory_space<hbm>> -> memref<4096x4096xf32, #tpu.memory_space<hbm>>
    tpu.enqueue_indirect_dma source(%dma_start3A_945 : memref<4096x4096xf32, #tpu.memory_space<hbm>>) target(%dma_start3A_940 : memref<8x4096xf32, #tpu.memory_space<vmem>>) offsets(%dma_start3A_942 : memref<8xi32, #tpu.memory_space<vmem>>) semaphore(%arg15 : memref<!tpu.dma_semaphore, #tpu.memory_space<semaphore_mem>>)
    %dma_wait3A_946 = arith.constant 1 : i32
    %dma_wait3A_947 = arith.constant 0 : i32
    %dma_wait3A_948 = arith.constant 0 : i32
    %dma_wait3A_949 = tpu.memref_slice %arg9[%dma_wait3A_946, %dma_wait3A_947, %dma_wait3A_948] : memref<3x8x4096xf32, #tpu.memory_space<vmem>> -> memref<1x8x4096xf32, #tpu.memory_space<vmem>>
    %dma_wait3A_950 = tpu.memref_squeeze %dma_wait3A_949 : memref<1x8x4096xf32, #tpu.memory_space<vmem>> -> memref<8x4096xf32, #tpu.memory_space<vmem>>
    %dma_wait3A_951 = arith.constant 0 : i32
    %dma_wait3A_952 = arith.constant 0 : i32
    %dma_wait3A_953 = tpu.memref_slice %arg3[%dma_wait3A_951, %dma_wait3A_952] : memref<4096x4096xf32, #tpu.memory_space<hbm>> -> memref<8x4096xf32, #tpu.memory_space<hbm>>
    %dma_wait3A_954 = arith.constant 0 : i32
    %dma_wait3A_955 = arith.constant 0 : i32
    %dma_wait3A_956 = tpu.memref_slice %arg9[%dma_wait3A_946, %dma_wait3A_954, %dma_wait3A_955] : memref<3x8x4096xf32, #tpu.memory_space<vmem>> -> memref<1x8x4096xf32, #tpu.memory_space<vmem>>
    %dma_wait3A_957 = tpu.memref_squeeze %dma_wait3A_956 : memref<1x8x4096xf32, #tpu.memory_space<vmem>> -> memref<8x4096xf32, #tpu.memory_space<vmem>>
    %dma_wait3A_958 = arith.constant 0 : i32
    %dma_wait3A_959 = arith.constant 0 : i32
    %dma_wait3A_960 = tpu.memref_slice %arg3[%dma_wait3A_958, %dma_wait3A_959] : memref<4096x4096xf32, #tpu.memory_space<hbm>> -> memref<8x4096xf32, #tpu.memory_space<hbm>>
    tpu.wait_dma2 semaphore(%arg14 : memref<!tpu.dma_semaphore, #tpu.memory_space<semaphore_mem>>) src(%dma_wait3A_960 : memref<8x4096xf32, #tpu.memory_space<hbm>>) dst(%dma_wait3A_957 : memref<8x4096xf32, #tpu.memory_space<vmem>>)
    %add3A_961 = arith.constant 104 : i32
    %add3A_962 = arith.addi %add3A_23, %add3A_961 : i32
    %dma_start3A_963 = arith.constant 1 : i32
    %dma_start3A_964 = arith.constant 0 : i32
    %dma_start3A_965 = arith.constant 0 : i32
    %dma_start3A_966 = tpu.memref_slice %arg9[%dma_start3A_963, %dma_start3A_964, %dma_start3A_965] : memref<3x8x4096xf32, #tpu.memory_space<vmem>> -> memref<1x8x4096xf32, #tpu.memory_space<vmem>>
    %dma_start3A_967 = tpu.memref_squeeze %dma_start3A_966 : memref<1x8x4096xf32, #tpu.memory_space<vmem>> -> memref<8x4096xf32, #tpu.memory_space<vmem>>
    %dma_start3A_968 = arith.constant 0 : i32
    %dma_start3A_969 = arith.constant 0 : i32
    %dma_start3A_970 = tpu.memref_slice %arg7[%select_n3A, %dma_start3A_968, %dma_start3A_969] : memref<2x4106x4096xf32, #tpu.memory_space<hbm>> -> memref<1x4106x4096xf32, #tpu.memory_space<hbm>>
    %dma_start3A_971 = tpu.memref_squeeze %dma_start3A_970 : memref<1x4106x4096xf32, #tpu.memory_space<hbm>> -> memref<4106x4096xf32, #tpu.memory_space<hbm>>
    %dma_start3A_972 = arith.constant 0 : i32
    %dma_start3A_973 = tpu.memref_slice %dma_start3A_971[%add3A_962, %dma_start3A_972] : memref<4106x4096xf32, #tpu.memory_space<hbm>> -> memref<8x4096xf32, #tpu.memory_space<hbm>>
    %dma_start3A_974 = arith.constant 0 : i32
    %dma_start3A_975 = arith.constant 0 : i32
    %dma_start3A_976 = tpu.memref_slice %arg7[%select_n3A, %dma_start3A_974, %dma_start3A_975] : memref<2x4106x4096xf32, #tpu.memory_space<hbm>> -> memref<1x4106x4096xf32, #tpu.memory_space<hbm>>
    %dma_start3A_977 = tpu.memref_squeeze %dma_start3A_976 : memref<1x4106x4096xf32, #tpu.memory_space<hbm>> -> memref<4106x4096xf32, #tpu.memory_space<hbm>>
    %dma_start3A_978 = arith.constant 0 : i32
    %dma_start3A_979 = tpu.memref_slice %dma_start3A_977[%add3A_962, %dma_start3A_978] : memref<4106x4096xf32, #tpu.memory_space<hbm>> -> memref<8x4096xf32, #tpu.memory_space<hbm>>
    %dma_start3A_980 = arith.constant 0 : i32
    %dma_start3A_981 = arith.constant 0 : i32
    %dma_start3A_982 = tpu.memref_slice %arg9[%dma_start3A_963, %dma_start3A_980, %dma_start3A_981] : memref<3x8x4096xf32, #tpu.memory_space<vmem>> -> memref<1x8x4096xf32, #tpu.memory_space<vmem>>
    %dma_start3A_983 = tpu.memref_squeeze %dma_start3A_982 : memref<1x8x4096xf32, #tpu.memory_space<vmem>> -> memref<8x4096xf32, #tpu.memory_space<vmem>>
    tpu.enqueue_dma source(%dma_start3A_983 : memref<8x4096xf32, #tpu.memory_space<vmem>>) target(%dma_start3A_979 : memref<8x4096xf32, #tpu.memory_space<hbm>>) target_semaphore(%arg17 : memref<!tpu.dma_semaphore, #tpu.memory_space<semaphore_mem>>)
    %dma_wait3A_984 = arith.constant 0 : i32
    %dma_wait3A_985 = arith.constant 0 : i32
    %dma_wait3A_986 = arith.constant 0 : i32
    %dma_wait3A_987 = tpu.memref_slice %arg9[%dma_wait3A_984, %dma_wait3A_985, %dma_wait3A_986] : memref<3x8x4096xf32, #tpu.memory_space<vmem>> -> memref<1x8x4096xf32, #tpu.memory_space<vmem>>
    %dma_wait3A_988 = tpu.memref_squeeze %dma_wait3A_987 : memref<1x8x4096xf32, #tpu.memory_space<vmem>> -> memref<8x4096xf32, #tpu.memory_space<vmem>>
    %dma_wait3A_989 = arith.constant 0 : i32
    %dma_wait3A_990 = arith.constant 0 : i32
    %dma_wait3A_991 = tpu.memref_slice %arg7[%select_n3A, %dma_wait3A_989, %dma_wait3A_990] : memref<2x4106x4096xf32, #tpu.memory_space<hbm>> -> memref<1x4106x4096xf32, #tpu.memory_space<hbm>>
    %dma_wait3A_992 = tpu.memref_squeeze %dma_wait3A_991 : memref<1x4106x4096xf32, #tpu.memory_space<hbm>> -> memref<4106x4096xf32, #tpu.memory_space<hbm>>
    %dma_wait3A_993 = arith.constant 0 : i32
    %dma_wait3A_994 = arith.constant 0 : i32
    %dma_wait3A_995 = tpu.memref_slice %dma_wait3A_992[%dma_wait3A_993, %dma_wait3A_994] : memref<4106x4096xf32, #tpu.memory_space<hbm>> -> memref<8x4096xf32, #tpu.memory_space<hbm>>
    %dma_wait3A_996 = arith.constant 0 : i32
    %dma_wait3A_997 = arith.constant 0 : i32
    %dma_wait3A_998 = tpu.memref_slice %arg7[%select_n3A, %dma_wait3A_996, %dma_wait3A_997] : memref<2x4106x4096xf32, #tpu.memory_space<hbm>> -> memref<1x4106x4096xf32, #tpu.memory_space<hbm>>
    %dma_wait3A_999 = tpu.memref_squeeze %dma_wait3A_998 : memref<1x4106x4096xf32, #tpu.memory_space<hbm>> -> memref<4106x4096xf32, #tpu.memory_space<hbm>>
    %dma_wait3A_1000 = arith.constant 0 : i32
    %dma_wait3A_1001 = arith.constant 0 : i32
    %dma_wait3A_1002 = tpu.memref_slice %dma_wait3A_999[%dma_wait3A_1000, %dma_wait3A_1001] : memref<4106x4096xf32, #tpu.memory_space<hbm>> -> memref<8x4096xf32, #tpu.memory_space<hbm>>
    %dma_wait3A_1003 = arith.constant 0 : i32
    %dma_wait3A_1004 = arith.constant 0 : i32
    %dma_wait3A_1005 = tpu.memref_slice %arg9[%dma_wait3A_984, %dma_wait3A_1003, %dma_wait3A_1004] : memref<3x8x4096xf32, #tpu.memory_space<vmem>> -> memref<1x8x4096xf32, #tpu.memory_space<vmem>>
    %dma_wait3A_1006 = tpu.memref_squeeze %dma_wait3A_1005 : memref<1x8x4096xf32, #tpu.memory_space<vmem>> -> memref<8x4096xf32, #tpu.memory_space<vmem>>
    tpu.wait_dma2 semaphore(%arg16 : memref<!tpu.dma_semaphore, #tpu.memory_space<semaphore_mem>>) src(%dma_wait3A_1006 : memref<8x4096xf32, #tpu.memory_space<vmem>>) dst(%dma_wait3A_1002 : memref<8x4096xf32, #tpu.memory_space<hbm>>)
    %dma_start3A_1007 = arith.constant 0 : i32
    %dma_start3A_1008 = arith.constant 0 : i32
    %dma_start3A_1009 = arith.constant 0 : i32
    %dma_start3A_1010 = tpu.memref_slice %arg9[%dma_start3A_1007, %dma_start3A_1008, %dma_start3A_1009] : memref<3x8x4096xf32, #tpu.memory_space<vmem>> -> memref<1x8x4096xf32, #tpu.memory_space<vmem>>
    %dma_start3A_1011 = tpu.memref_squeeze %dma_start3A_1010 : memref<1x8x4096xf32, #tpu.memory_space<vmem>> -> memref<8x4096xf32, #tpu.memory_space<vmem>>
    %dma_start3A_1012 = arith.constant 120 : i32
    %dma_start3A_1013 = tpu.memref_slice %arg8[%dma_start3A_1012] : memref<256xi32, #tpu.memory_space<vmem>> -> memref<8xi32, #tpu.memory_space<vmem>>
    %dma_start3A_1014 = arith.constant 0 : i32
    %dma_start3A_1015 = arith.constant 0 : i32
    %dma_start3A_1016 = tpu.memref_slice %arg3[%dma_start3A_1014, %dma_start3A_1015] : memref<4096x4096xf32, #tpu.memory_space<hbm>> -> memref<4096x4096xf32, #tpu.memory_space<hbm>>
    tpu.enqueue_indirect_dma source(%dma_start3A_1016 : memref<4096x4096xf32, #tpu.memory_space<hbm>>) target(%dma_start3A_1011 : memref<8x4096xf32, #tpu.memory_space<vmem>>) offsets(%dma_start3A_1013 : memref<8xi32, #tpu.memory_space<vmem>>) semaphore(%arg13 : memref<!tpu.dma_semaphore, #tpu.memory_space<semaphore_mem>>)
    %dma_wait3A_1017 = arith.constant 2 : i32
    %dma_wait3A_1018 = arith.constant 0 : i32
    %dma_wait3A_1019 = arith.constant 0 : i32
    %dma_wait3A_1020 = tpu.memref_slice %arg9[%dma_wait3A_1017, %dma_wait3A_1018, %dma_wait3A_1019] : memref<3x8x4096xf32, #tpu.memory_space<vmem>> -> memref<1x8x4096xf32, #tpu.memory_space<vmem>>
    %dma_wait3A_1021 = tpu.memref_squeeze %dma_wait3A_1020 : memref<1x8x4096xf32, #tpu.memory_space<vmem>> -> memref<8x4096xf32, #tpu.memory_space<vmem>>
    %dma_wait3A_1022 = arith.constant 0 : i32
    %dma_wait3A_1023 = arith.constant 0 : i32
    %dma_wait3A_1024 = tpu.memref_slice %arg3[%dma_wait3A_1022, %dma_wait3A_1023] : memref<4096x4096xf32, #tpu.memory_space<hbm>> -> memref<8x4096xf32, #tpu.memory_space<hbm>>
    %dma_wait3A_1025 = arith.constant 0 : i32
    %dma_wait3A_1026 = arith.constant 0 : i32
    %dma_wait3A_1027 = tpu.memref_slice %arg9[%dma_wait3A_1017, %dma_wait3A_1025, %dma_wait3A_1026] : memref<3x8x4096xf32, #tpu.memory_space<vmem>> -> memref<1x8x4096xf32, #tpu.memory_space<vmem>>
    %dma_wait3A_1028 = tpu.memref_squeeze %dma_wait3A_1027 : memref<1x8x4096xf32, #tpu.memory_space<vmem>> -> memref<8x4096xf32, #tpu.memory_space<vmem>>
    %dma_wait3A_1029 = arith.constant 0 : i32
    %dma_wait3A_1030 = arith.constant 0 : i32
    %dma_wait3A_1031 = tpu.memref_slice %arg3[%dma_wait3A_1029, %dma_wait3A_1030] : memref<4096x4096xf32, #tpu.memory_space<hbm>> -> memref<8x4096xf32, #tpu.memory_space<hbm>>
    tpu.wait_dma2 semaphore(%arg15 : memref<!tpu.dma_semaphore, #tpu.memory_space<semaphore_mem>>) src(%dma_wait3A_1031 : memref<8x4096xf32, #tpu.memory_space<hbm>>) dst(%dma_wait3A_1028 : memref<8x4096xf32, #tpu.memory_space<vmem>>)
    %add3A_1032 = arith.constant 112 : i32
    %add3A_1033 = arith.addi %add3A_23, %add3A_1032 : i32
    %dma_start3A_1034 = arith.constant 2 : i32
    %dma_start3A_1035 = arith.constant 0 : i32
    %dma_start3A_1036 = arith.constant 0 : i32
    %dma_start3A_1037 = tpu.memref_slice %arg9[%dma_start3A_1034, %dma_start3A_1035, %dma_start3A_1036] : memref<3x8x4096xf32, #tpu.memory_space<vmem>> -> memref<1x8x4096xf32, #tpu.memory_space<vmem>>
    %dma_start3A_1038 = tpu.memref_squeeze %dma_start3A_1037 : memref<1x8x4096xf32, #tpu.memory_space<vmem>> -> memref<8x4096xf32, #tpu.memory_space<vmem>>
    %dma_start3A_1039 = arith.constant 0 : i32
    %dma_start3A_1040 = arith.constant 0 : i32
    %dma_start3A_1041 = tpu.memref_slice %arg7[%select_n3A, %dma_start3A_1039, %dma_start3A_1040] : memref<2x4106x4096xf32, #tpu.memory_space<hbm>> -> memref<1x4106x4096xf32, #tpu.memory_space<hbm>>
    %dma_start3A_1042 = tpu.memref_squeeze %dma_start3A_1041 : memref<1x4106x4096xf32, #tpu.memory_space<hbm>> -> memref<4106x4096xf32, #tpu.memory_space<hbm>>
    %dma_start3A_1043 = arith.constant 0 : i32
    %dma_start3A_1044 = tpu.memref_slice %dma_start3A_1042[%add3A_1033, %dma_start3A_1043] : memref<4106x4096xf32, #tpu.memory_space<hbm>> -> memref<8x4096xf32, #tpu.memory_space<hbm>>
    %dma_start3A_1045 = arith.constant 0 : i32
    %dma_start3A_1046 = arith.constant 0 : i32
    %dma_start3A_1047 = tpu.memref_slice %arg7[%select_n3A, %dma_start3A_1045, %dma_start3A_1046] : memref<2x4106x4096xf32, #tpu.memory_space<hbm>> -> memref<1x4106x4096xf32, #tpu.memory_space<hbm>>
    %dma_start3A_1048 = tpu.memref_squeeze %dma_start3A_1047 : memref<1x4106x4096xf32, #tpu.memory_space<hbm>> -> memref<4106x4096xf32, #tpu.memory_space<hbm>>
    %dma_start3A_1049 = arith.constant 0 : i32
    %dma_start3A_1050 = tpu.memref_slice %dma_start3A_1048[%add3A_1033, %dma_start3A_1049] : memref<4106x4096xf32, #tpu.memory_space<hbm>> -> memref<8x4096xf32, #tpu.memory_space<hbm>>
    %dma_start3A_1051 = arith.constant 0 : i32
    %dma_start3A_1052 = arith.constant 0 : i32
    %dma_start3A_1053 = tpu.memref_slice %arg9[%dma_start3A_1034, %dma_start3A_1051, %dma_start3A_1052] : memref<3x8x4096xf32, #tpu.memory_space<vmem>> -> memref<1x8x4096xf32, #tpu.memory_space<vmem>>
    %dma_start3A_1054 = tpu.memref_squeeze %dma_start3A_1053 : memref<1x8x4096xf32, #tpu.memory_space<vmem>> -> memref<8x4096xf32, #tpu.memory_space<vmem>>
    tpu.enqueue_dma source(%dma_start3A_1054 : memref<8x4096xf32, #tpu.memory_space<vmem>>) target(%dma_start3A_1050 : memref<8x4096xf32, #tpu.memory_space<hbm>>) target_semaphore(%arg18 : memref<!tpu.dma_semaphore, #tpu.memory_space<semaphore_mem>>)
    %dma_wait3A_1055 = arith.constant 1 : i32
    %dma_wait3A_1056 = arith.constant 0 : i32
    %dma_wait3A_1057 = arith.constant 0 : i32
    %dma_wait3A_1058 = tpu.memref_slice %arg9[%dma_wait3A_1055, %dma_wait3A_1056, %dma_wait3A_1057] : memref<3x8x4096xf32, #tpu.memory_space<vmem>> -> memref<1x8x4096xf32, #tpu.memory_space<vmem>>
    %dma_wait3A_1059 = tpu.memref_squeeze %dma_wait3A_1058 : memref<1x8x4096xf32, #tpu.memory_space<vmem>> -> memref<8x4096xf32, #tpu.memory_space<vmem>>
    %dma_wait3A_1060 = arith.constant 0 : i32
    %dma_wait3A_1061 = arith.constant 0 : i32
    %dma_wait3A_1062 = tpu.memref_slice %arg7[%select_n3A, %dma_wait3A_1060, %dma_wait3A_1061] : memref<2x4106x4096xf32, #tpu.memory_space<hbm>> -> memref<1x4106x4096xf32, #tpu.memory_space<hbm>>
    %dma_wait3A_1063 = tpu.memref_squeeze %dma_wait3A_1062 : memref<1x4106x4096xf32, #tpu.memory_space<hbm>> -> memref<4106x4096xf32, #tpu.memory_space<hbm>>
    %dma_wait3A_1064 = arith.constant 0 : i32
    %dma_wait3A_1065 = arith.constant 0 : i32
    %dma_wait3A_1066 = tpu.memref_slice %dma_wait3A_1063[%dma_wait3A_1064, %dma_wait3A_1065] : memref<4106x4096xf32, #tpu.memory_space<hbm>> -> memref<8x4096xf32, #tpu.memory_space<hbm>>
    %dma_wait3A_1067 = arith.constant 0 : i32
    %dma_wait3A_1068 = arith.constant 0 : i32
    %dma_wait3A_1069 = tpu.memref_slice %arg7[%select_n3A, %dma_wait3A_1067, %dma_wait3A_1068] : memref<2x4106x4096xf32, #tpu.memory_space<hbm>> -> memref<1x4106x4096xf32, #tpu.memory_space<hbm>>
    %dma_wait3A_1070 = tpu.memref_squeeze %dma_wait3A_1069 : memref<1x4106x4096xf32, #tpu.memory_space<hbm>> -> memref<4106x4096xf32, #tpu.memory_space<hbm>>
    %dma_wait3A_1071 = arith.constant 0 : i32
    %dma_wait3A_1072 = arith.constant 0 : i32
    %dma_wait3A_1073 = tpu.memref_slice %dma_wait3A_1070[%dma_wait3A_1071, %dma_wait3A_1072] : memref<4106x4096xf32, #tpu.memory_space<hbm>> -> memref<8x4096xf32, #tpu.memory_space<hbm>>
    %dma_wait3A_1074 = arith.constant 0 : i32
    %dma_wait3A_1075 = arith.constant 0 : i32
    %dma_wait3A_1076 = tpu.memref_slice %arg9[%dma_wait3A_1055, %dma_wait3A_1074, %dma_wait3A_1075] : memref<3x8x4096xf32, #tpu.memory_space<vmem>> -> memref<1x8x4096xf32, #tpu.memory_space<vmem>>
    %dma_wait3A_1077 = tpu.memref_squeeze %dma_wait3A_1076 : memref<1x8x4096xf32, #tpu.memory_space<vmem>> -> memref<8x4096xf32, #tpu.memory_space<vmem>>
    tpu.wait_dma2 semaphore(%arg17 : memref<!tpu.dma_semaphore, #tpu.memory_space<semaphore_mem>>) src(%dma_wait3A_1077 : memref<8x4096xf32, #tpu.memory_space<vmem>>) dst(%dma_wait3A_1073 : memref<8x4096xf32, #tpu.memory_space<hbm>>)
    %dma_start3A_1078 = arith.constant 1 : i32
    %dma_start3A_1079 = arith.constant 0 : i32
    %dma_start3A_1080 = arith.constant 0 : i32
    %dma_start3A_1081 = tpu.memref_slice %arg9[%dma_start3A_1078, %dma_start3A_1079, %dma_start3A_1080] : memref<3x8x4096xf32, #tpu.memory_space<vmem>> -> memref<1x8x4096xf32, #tpu.memory_space<vmem>>
    %dma_start3A_1082 = tpu.memref_squeeze %dma_start3A_1081 : memref<1x8x4096xf32, #tpu.memory_space<vmem>> -> memref<8x4096xf32, #tpu.memory_space<vmem>>
    %dma_start3A_1083 = arith.constant 128 : i32
    %dma_start3A_1084 = tpu.memref_slice %arg8[%dma_start3A_1083] : memref<256xi32, #tpu.memory_space<vmem>> -> memref<8xi32, #tpu.memory_space<vmem>>
    %dma_start3A_1085 = arith.constant 0 : i32
    %dma_start3A_1086 = arith.constant 0 : i32
    %dma_start3A_1087 = tpu.memref_slice %arg3[%dma_start3A_1085, %dma_start3A_1086] : memref<4096x4096xf32, #tpu.memory_space<hbm>> -> memref<4096x4096xf32, #tpu.memory_space<hbm>>
    tpu.enqueue_indirect_dma source(%dma_start3A_1087 : memref<4096x4096xf32, #tpu.memory_space<hbm>>) target(%dma_start3A_1082 : memref<8x4096xf32, #tpu.memory_space<vmem>>) offsets(%dma_start3A_1084 : memref<8xi32, #tpu.memory_space<vmem>>) semaphore(%arg14 : memref<!tpu.dma_semaphore, #tpu.memory_space<semaphore_mem>>)
    %dma_wait3A_1088 = arith.constant 0 : i32
    %dma_wait3A_1089 = arith.constant 0 : i32
    %dma_wait3A_1090 = arith.constant 0 : i32
    %dma_wait3A_1091 = tpu.memref_slice %arg9[%dma_wait3A_1088, %dma_wait3A_1089, %dma_wait3A_1090] : memref<3x8x4096xf32, #tpu.memory_space<vmem>> -> memref<1x8x4096xf32, #tpu.memory_space<vmem>>
    %dma_wait3A_1092 = tpu.memref_squeeze %dma_wait3A_1091 : memref<1x8x4096xf32, #tpu.memory_space<vmem>> -> memref<8x4096xf32, #tpu.memory_space<vmem>>
    %dma_wait3A_1093 = arith.constant 0 : i32
    %dma_wait3A_1094 = arith.constant 0 : i32
    %dma_wait3A_1095 = tpu.memref_slice %arg3[%dma_wait3A_1093, %dma_wait3A_1094] : memref<4096x4096xf32, #tpu.memory_space<hbm>> -> memref<8x4096xf32, #tpu.memory_space<hbm>>
    %dma_wait3A_1096 = arith.constant 0 : i32
    %dma_wait3A_1097 = arith.constant 0 : i32
    %dma_wait3A_1098 = tpu.memref_slice %arg9[%dma_wait3A_1088, %dma_wait3A_1096, %dma_wait3A_1097] : memref<3x8x4096xf32, #tpu.memory_space<vmem>> -> memref<1x8x4096xf32, #tpu.memory_space<vmem>>
    %dma_wait3A_1099 = tpu.memref_squeeze %dma_wait3A_1098 : memref<1x8x4096xf32, #tpu.memory_space<vmem>> -> memref<8x4096xf32, #tpu.memory_space<vmem>>
    %dma_wait3A_1100 = arith.constant 0 : i32
    %dma_wait3A_1101 = arith.constant 0 : i32
    %dma_wait3A_1102 = tpu.memref_slice %arg3[%dma_wait3A_1100, %dma_wait3A_1101] : memref<4096x4096xf32, #tpu.memory_space<hbm>> -> memref<8x4096xf32, #tpu.memory_space<hbm>>
    tpu.wait_dma2 semaphore(%arg13 : memref<!tpu.dma_semaphore, #tpu.memory_space<semaphore_mem>>) src(%dma_wait3A_1102 : memref<8x4096xf32, #tpu.memory_space<hbm>>) dst(%dma_wait3A_1099 : memref<8x4096xf32, #tpu.memory_space<vmem>>)
    %add3A_1103 = arith.constant 120 : i32
    %add3A_1104 = arith.addi %add3A_23, %add3A_1103 : i32
    %dma_start3A_1105 = arith.constant 0 : i32
    %dma_start3A_1106 = arith.constant 0 : i32
    %dma_start3A_1107 = arith.constant 0 : i32
    %dma_start3A_1108 = tpu.memref_slice %arg9[%dma_start3A_1105, %dma_start3A_1106, %dma_start3A_1107] : memref<3x8x4096xf32, #tpu.memory_space<vmem>> -> memref<1x8x4096xf32, #tpu.memory_space<vmem>>
    %dma_start3A_1109 = tpu.memref_squeeze %dma_start3A_1108 : memref<1x8x4096xf32, #tpu.memory_space<vmem>> -> memref<8x4096xf32, #tpu.memory_space<vmem>>
    %dma_start3A_1110 = arith.constant 0 : i32
    %dma_start3A_1111 = arith.constant 0 : i32
    %dma_start3A_1112 = tpu.memref_slice %arg7[%select_n3A, %dma_start3A_1110, %dma_start3A_1111] : memref<2x4106x4096xf32, #tpu.memory_space<hbm>> -> memref<1x4106x4096xf32, #tpu.memory_space<hbm>>
    %dma_start3A_1113 = tpu.memref_squeeze %dma_start3A_1112 : memref<1x4106x4096xf32, #tpu.memory_space<hbm>> -> memref<4106x4096xf32, #tpu.memory_space<hbm>>
    %dma_start3A_1114 = arith.constant 0 : i32
    %dma_start3A_1115 = tpu.memref_slice %dma_start3A_1113[%add3A_1104, %dma_start3A_1114] : memref<4106x4096xf32, #tpu.memory_space<hbm>> -> memref<8x4096xf32, #tpu.memory_space<hbm>>
    %dma_start3A_1116 = arith.constant 0 : i32
    %dma_start3A_1117 = arith.constant 0 : i32
    %dma_start3A_1118 = tpu.memref_slice %arg7[%select_n3A, %dma_start3A_1116, %dma_start3A_1117] : memref<2x4106x4096xf32, #tpu.memory_space<hbm>> -> memref<1x4106x4096xf32, #tpu.memory_space<hbm>>
    %dma_start3A_1119 = tpu.memref_squeeze %dma_start3A_1118 : memref<1x4106x4096xf32, #tpu.memory_space<hbm>> -> memref<4106x4096xf32, #tpu.memory_space<hbm>>
    %dma_start3A_1120 = arith.constant 0 : i32
    %dma_start3A_1121 = tpu.memref_slice %dma_start3A_1119[%add3A_1104, %dma_start3A_1120] : memref<4106x4096xf32, #tpu.memory_space<hbm>> -> memref<8x4096xf32, #tpu.memory_space<hbm>>
    %dma_start3A_1122 = arith.constant 0 : i32
    %dma_start3A_1123 = arith.constant 0 : i32
    %dma_start3A_1124 = tpu.memref_slice %arg9[%dma_start3A_1105, %dma_start3A_1122, %dma_start3A_1123] : memref<3x8x4096xf32, #tpu.memory_space<vmem>> -> memref<1x8x4096xf32, #tpu.memory_space<vmem>>
    %dma_start3A_1125 = tpu.memref_squeeze %dma_start3A_1124 : memref<1x8x4096xf32, #tpu.memory_space<vmem>> -> memref<8x4096xf32, #tpu.memory_space<vmem>>
    tpu.enqueue_dma source(%dma_start3A_1125 : memref<8x4096xf32, #tpu.memory_space<vmem>>) target(%dma_start3A_1121 : memref<8x4096xf32, #tpu.memory_space<hbm>>) target_semaphore(%arg16 : memref<!tpu.dma_semaphore, #tpu.memory_space<semaphore_mem>>)
    %dma_wait3A_1126 = arith.constant 2 : i32
    %dma_wait3A_1127 = arith.constant 0 : i32
    %dma_wait3A_1128 = arith.constant 0 : i32
    %dma_wait3A_1129 = tpu.memref_slice %arg9[%dma_wait3A_1126, %dma_wait3A_1127, %dma_wait3A_1128] : memref<3x8x4096xf32, #tpu.memory_space<vmem>> -> memref<1x8x4096xf32, #tpu.memory_space<vmem>>
    %dma_wait3A_1130 = tpu.memref_squeeze %dma_wait3A_1129 : memref<1x8x4096xf32, #tpu.memory_space<vmem>> -> memref<8x4096xf32, #tpu.memory_space<vmem>>
    %dma_wait3A_1131 = arith.constant 0 : i32
    %dma_wait3A_1132 = arith.constant 0 : i32
    %dma_wait3A_1133 = tpu.memref_slice %arg7[%select_n3A, %dma_wait3A_1131, %dma_wait3A_1132] : memref<2x4106x4096xf32, #tpu.memory_space<hbm>> -> memref<1x4106x4096xf32, #tpu.memory_space<hbm>>
    %dma_wait3A_1134 = tpu.memref_squeeze %dma_wait3A_1133 : memref<1x4106x4096xf32, #tpu.memory_space<hbm>> -> memref<4106x4096xf32, #tpu.memory_space<hbm>>
    %dma_wait3A_1135 = arith.constant 0 : i32
    %dma_wait3A_1136 = arith.constant 0 : i32
    %dma_wait3A_1137 = tpu.memref_slice %dma_wait3A_1134[%dma_wait3A_1135, %dma_wait3A_1136] : memref<4106x4096xf32, #tpu.memory_space<hbm>> -> memref<8x4096xf32, #tpu.memory_space<hbm>>
    %dma_wait3A_1138 = arith.constant 0 : i32
    %dma_wait3A_1139 = arith.constant 0 : i32
    %dma_wait3A_1140 = tpu.memref_slice %arg7[%select_n3A, %dma_wait3A_1138, %dma_wait3A_1139] : memref<2x4106x4096xf32, #tpu.memory_space<hbm>> -> memref<1x4106x4096xf32, #tpu.memory_space<hbm>>
    %dma_wait3A_1141 = tpu.memref_squeeze %dma_wait3A_1140 : memref<1x4106x4096xf32, #tpu.memory_space<hbm>> -> memref<4106x4096xf32, #tpu.memory_space<hbm>>
    %dma_wait3A_1142 = arith.constant 0 : i32
    %dma_wait3A_1143 = arith.constant 0 : i32
    %dma_wait3A_1144 = tpu.memref_slice %dma_wait3A_1141[%dma_wait3A_1142, %dma_wait3A_1143] : memref<4106x4096xf32, #tpu.memory_space<hbm>> -> memref<8x4096xf32, #tpu.memory_space<hbm>>
    %dma_wait3A_1145 = arith.constant 0 : i32
    %dma_wait3A_1146 = arith.constant 0 : i32
    %dma_wait3A_1147 = tpu.memref_slice %arg9[%dma_wait3A_1126, %dma_wait3A_1145, %dma_wait3A_1146] : memref<3x8x4096xf32, #tpu.memory_space<vmem>> -> memref<1x8x4096xf32, #tpu.memory_space<vmem>>
    %dma_wait3A_1148 = tpu.memref_squeeze %dma_wait3A_1147 : memref<1x8x4096xf32, #tpu.memory_space<vmem>> -> memref<8x4096xf32, #tpu.memory_space<vmem>>
    tpu.wait_dma2 semaphore(%arg18 : memref<!tpu.dma_semaphore, #tpu.memory_space<semaphore_mem>>) src(%dma_wait3A_1148 : memref<8x4096xf32, #tpu.memory_space<vmem>>) dst(%dma_wait3A_1144 : memref<8x4096xf32, #tpu.memory_space<hbm>>)
    %dma_start3A_1149 = arith.constant 2 : i32
    %dma_start3A_1150 = arith.constant 0 : i32
    %dma_start3A_1151 = arith.constant 0 : i32
    %dma_start3A_1152 = tpu.memref_slice %arg9[%dma_start3A_1149, %dma_start3A_1150, %dma_start3A_1151] : memref<3x8x4096xf32, #tpu.memory_space<vmem>> -> memref<1x8x4096xf32, #tpu.memory_space<vmem>>
    %dma_start3A_1153 = tpu.memref_squeeze %dma_start3A_1152 : memref<1x8x4096xf32, #tpu.memory_space<vmem>> -> memref<8x4096xf32, #tpu.memory_space<vmem>>
    %dma_start3A_1154 = arith.constant 136 : i32
    %dma_start3A_1155 = tpu.memref_slice %arg8[%dma_start3A_1154] : memref<256xi32, #tpu.memory_space<vmem>> -> memref<8xi32, #tpu.memory_space<vmem>>
    %dma_start3A_1156 = arith.constant 0 : i32
    %dma_start3A_1157 = arith.constant 0 : i32
    %dma_start3A_1158 = tpu.memref_slice %arg3[%dma_start3A_1156, %dma_start3A_1157] : memref<4096x4096xf32, #tpu.memory_space<hbm>> -> memref<4096x4096xf32, #tpu.memory_space<hbm>>
    tpu.enqueue_indirect_dma source(%dma_start3A_1158 : memref<4096x4096xf32, #tpu.memory_space<hbm>>) target(%dma_start3A_1153 : memref<8x4096xf32, #tpu.memory_space<vmem>>) offsets(%dma_start3A_1155 : memref<8xi32, #tpu.memory_space<vmem>>) semaphore(%arg15 : memref<!tpu.dma_semaphore, #tpu.memory_space<semaphore_mem>>)
    %dma_wait3A_1159 = arith.constant 1 : i32
    %dma_wait3A_1160 = arith.constant 0 : i32
    %dma_wait3A_1161 = arith.constant 0 : i32
    %dma_wait3A_1162 = tpu.memref_slice %arg9[%dma_wait3A_1159, %dma_wait3A_1160, %dma_wait3A_1161] : memref<3x8x4096xf32, #tpu.memory_space<vmem>> -> memref<1x8x4096xf32, #tpu.memory_space<vmem>>
    %dma_wait3A_1163 = tpu.memref_squeeze %dma_wait3A_1162 : memref<1x8x4096xf32, #tpu.memory_space<vmem>> -> memref<8x4096xf32, #tpu.memory_space<vmem>>
    %dma_wait3A_1164 = arith.constant 0 : i32
    %dma_wait3A_1165 = arith.constant 0 : i32
    %dma_wait3A_1166 = tpu.memref_slice %arg3[%dma_wait3A_1164, %dma_wait3A_1165] : memref<4096x4096xf32, #tpu.memory_space<hbm>> -> memref<8x4096xf32, #tpu.memory_space<hbm>>
    %dma_wait3A_1167 = arith.constant 0 : i32
    %dma_wait3A_1168 = arith.constant 0 : i32
    %dma_wait3A_1169 = tpu.memref_slice %arg9[%dma_wait3A_1159, %dma_wait3A_1167, %dma_wait3A_1168] : memref<3x8x4096xf32, #tpu.memory_space<vmem>> -> memref<1x8x4096xf32, #tpu.memory_space<vmem>>
    %dma_wait3A_1170 = tpu.memref_squeeze %dma_wait3A_1169 : memref<1x8x4096xf32, #tpu.memory_space<vmem>> -> memref<8x4096xf32, #tpu.memory_space<vmem>>
    %dma_wait3A_1171 = arith.constant 0 : i32
    %dma_wait3A_1172 = arith.constant 0 : i32
    %dma_wait3A_1173 = tpu.memref_slice %arg3[%dma_wait3A_1171, %dma_wait3A_1172] : memref<4096x4096xf32, #tpu.memory_space<hbm>> -> memref<8x4096xf32, #tpu.memory_space<hbm>>
    tpu.wait_dma2 semaphore(%arg14 : memref<!tpu.dma_semaphore, #tpu.memory_space<semaphore_mem>>) src(%dma_wait3A_1173 : memref<8x4096xf32, #tpu.memory_space<hbm>>) dst(%dma_wait3A_1170 : memref<8x4096xf32, #tpu.memory_space<vmem>>)
    %add3A_1174 = arith.constant 128 : i32
    %add3A_1175 = arith.addi %add3A_23, %add3A_1174 : i32
    %dma_start3A_1176 = arith.constant 1 : i32
    %dma_start3A_1177 = arith.constant 0 : i32
    %dma_start3A_1178 = arith.constant 0 : i32
    %dma_start3A_1179 = tpu.memref_slice %arg9[%dma_start3A_1176, %dma_start3A_1177, %dma_start3A_1178] : memref<3x8x4096xf32, #tpu.memory_space<vmem>> -> memref<1x8x4096xf32, #tpu.memory_space<vmem>>
    %dma_start3A_1180 = tpu.memref_squeeze %dma_start3A_1179 : memref<1x8x4096xf32, #tpu.memory_space<vmem>> -> memref<8x4096xf32, #tpu.memory_space<vmem>>
    %dma_start3A_1181 = arith.constant 0 : i32
    %dma_start3A_1182 = arith.constant 0 : i32
    %dma_start3A_1183 = tpu.memref_slice %arg7[%select_n3A, %dma_start3A_1181, %dma_start3A_1182] : memref<2x4106x4096xf32, #tpu.memory_space<hbm>> -> memref<1x4106x4096xf32, #tpu.memory_space<hbm>>
    %dma_start3A_1184 = tpu.memref_squeeze %dma_start3A_1183 : memref<1x4106x4096xf32, #tpu.memory_space<hbm>> -> memref<4106x4096xf32, #tpu.memory_space<hbm>>
    %dma_start3A_1185 = arith.constant 0 : i32
    %dma_start3A_1186 = tpu.memref_slice %dma_start3A_1184[%add3A_1175, %dma_start3A_1185] : memref<4106x4096xf32, #tpu.memory_space<hbm>> -> memref<8x4096xf32, #tpu.memory_space<hbm>>
    %dma_start3A_1187 = arith.constant 0 : i32
    %dma_start3A_1188 = arith.constant 0 : i32
    %dma_start3A_1189 = tpu.memref_slice %arg7[%select_n3A, %dma_start3A_1187, %dma_start3A_1188] : memref<2x4106x4096xf32, #tpu.memory_space<hbm>> -> memref<1x4106x4096xf32, #tpu.memory_space<hbm>>
    %dma_start3A_1190 = tpu.memref_squeeze %dma_start3A_1189 : memref<1x4106x4096xf32, #tpu.memory_space<hbm>> -> memref<4106x4096xf32, #tpu.memory_space<hbm>>
    %dma_start3A_1191 = arith.constant 0 : i32
    %dma_start3A_1192 = tpu.memref_slice %dma_start3A_1190[%add3A_1175, %dma_start3A_1191] : memref<4106x4096xf32, #tpu.memory_space<hbm>> -> memref<8x4096xf32, #tpu.memory_space<hbm>>
    %dma_start3A_1193 = arith.constant 0 : i32
    %dma_start3A_1194 = arith.constant 0 : i32
    %dma_start3A_1195 = tpu.memref_slice %arg9[%dma_start3A_1176, %dma_start3A_1193, %dma_start3A_1194] : memref<3x8x4096xf32, #tpu.memory_space<vmem>> -> memref<1x8x4096xf32, #tpu.memory_space<vmem>>
    %dma_start3A_1196 = tpu.memref_squeeze %dma_start3A_1195 : memref<1x8x4096xf32, #tpu.memory_space<vmem>> -> memref<8x4096xf32, #tpu.memory_space<vmem>>
    tpu.enqueue_dma source(%dma_start3A_1196 : memref<8x4096xf32, #tpu.memory_space<vmem>>) target(%dma_start3A_1192 : memref<8x4096xf32, #tpu.memory_space<hbm>>) target_semaphore(%arg17 : memref<!tpu.dma_semaphore, #tpu.memory_space<semaphore_mem>>)
    %dma_wait3A_1197 = arith.constant 0 : i32
    %dma_wait3A_1198 = arith.constant 0 : i32
    %dma_wait3A_1199 = arith.constant 0 : i32
    %dma_wait3A_1200 = tpu.memref_slice %arg9[%dma_wait3A_1197, %dma_wait3A_1198, %dma_wait3A_1199] : memref<3x8x4096xf32, #tpu.memory_space<vmem>> -> memref<1x8x4096xf32, #tpu.memory_space<vmem>>
    %dma_wait3A_1201 = tpu.memref_squeeze %dma_wait3A_1200 : memref<1x8x4096xf32, #tpu.memory_space<vmem>> -> memref<8x4096xf32, #tpu.memory_space<vmem>>
    %dma_wait3A_1202 = arith.constant 0 : i32
    %dma_wait3A_1203 = arith.constant 0 : i32
    %dma_wait3A_1204 = tpu.memref_slice %arg7[%select_n3A, %dma_wait3A_1202, %dma_wait3A_1203] : memref<2x4106x4096xf32, #tpu.memory_space<hbm>> -> memref<1x4106x4096xf32, #tpu.memory_space<hbm>>
    %dma_wait3A_1205 = tpu.memref_squeeze %dma_wait3A_1204 : memref<1x4106x4096xf32, #tpu.memory_space<hbm>> -> memref<4106x4096xf32, #tpu.memory_space<hbm>>
    %dma_wait3A_1206 = arith.constant 0 : i32
    %dma_wait3A_1207 = arith.constant 0 : i32
    %dma_wait3A_1208 = tpu.memref_slice %dma_wait3A_1205[%dma_wait3A_1206, %dma_wait3A_1207] : memref<4106x4096xf32, #tpu.memory_space<hbm>> -> memref<8x4096xf32, #tpu.memory_space<hbm>>
    %dma_wait3A_1209 = arith.constant 0 : i32
    %dma_wait3A_1210 = arith.constant 0 : i32
    %dma_wait3A_1211 = tpu.memref_slice %arg7[%select_n3A, %dma_wait3A_1209, %dma_wait3A_1210] : memref<2x4106x4096xf32, #tpu.memory_space<hbm>> -> memref<1x4106x4096xf32, #tpu.memory_space<hbm>>
    %dma_wait3A_1212 = tpu.memref_squeeze %dma_wait3A_1211 : memref<1x4106x4096xf32, #tpu.memory_space<hbm>> -> memref<4106x4096xf32, #tpu.memory_space<hbm>>
    %dma_wait3A_1213 = arith.constant 0 : i32
    %dma_wait3A_1214 = arith.constant 0 : i32
    %dma_wait3A_1215 = tpu.memref_slice %dma_wait3A_1212[%dma_wait3A_1213, %dma_wait3A_1214] : memref<4106x4096xf32, #tpu.memory_space<hbm>> -> memref<8x4096xf32, #tpu.memory_space<hbm>>
    %dma_wait3A_1216 = arith.constant 0 : i32
    %dma_wait3A_1217 = arith.constant 0 : i32
    %dma_wait3A_1218 = tpu.memref_slice %arg9[%dma_wait3A_1197, %dma_wait3A_1216, %dma_wait3A_1217] : memref<3x8x4096xf32, #tpu.memory_space<vmem>> -> memref<1x8x4096xf32, #tpu.memory_space<vmem>>
    %dma_wait3A_1219 = tpu.memref_squeeze %dma_wait3A_1218 : memref<1x8x4096xf32, #tpu.memory_space<vmem>> -> memref<8x4096xf32, #tpu.memory_space<vmem>>
    tpu.wait_dma2 semaphore(%arg16 : memref<!tpu.dma_semaphore, #tpu.memory_space<semaphore_mem>>) src(%dma_wait3A_1219 : memref<8x4096xf32, #tpu.memory_space<vmem>>) dst(%dma_wait3A_1215 : memref<8x4096xf32, #tpu.memory_space<hbm>>)
    %dma_start3A_1220 = arith.constant 0 : i32
    %dma_start3A_1221 = arith.constant 0 : i32
    %dma_start3A_1222 = arith.constant 0 : i32
    %dma_start3A_1223 = tpu.memref_slice %arg9[%dma_start3A_1220, %dma_start3A_1221, %dma_start3A_1222] : memref<3x8x4096xf32, #tpu.memory_space<vmem>> -> memref<1x8x4096xf32, #tpu.memory_space<vmem>>
    %dma_start3A_1224 = tpu.memref_squeeze %dma_start3A_1223 : memref<1x8x4096xf32, #tpu.memory_space<vmem>> -> memref<8x4096xf32, #tpu.memory_space<vmem>>
    %dma_start3A_1225 = arith.constant 144 : i32
    %dma_start3A_1226 = tpu.memref_slice %arg8[%dma_start3A_1225] : memref<256xi32, #tpu.memory_space<vmem>> -> memref<8xi32, #tpu.memory_space<vmem>>
    %dma_start3A_1227 = arith.constant 0 : i32
    %dma_start3A_1228 = arith.constant 0 : i32
    %dma_start3A_1229 = tpu.memref_slice %arg3[%dma_start3A_1227, %dma_start3A_1228] : memref<4096x4096xf32, #tpu.memory_space<hbm>> -> memref<4096x4096xf32, #tpu.memory_space<hbm>>
    tpu.enqueue_indirect_dma source(%dma_start3A_1229 : memref<4096x4096xf32, #tpu.memory_space<hbm>>) target(%dma_start3A_1224 : memref<8x4096xf32, #tpu.memory_space<vmem>>) offsets(%dma_start3A_1226 : memref<8xi32, #tpu.memory_space<vmem>>) semaphore(%arg13 : memref<!tpu.dma_semaphore, #tpu.memory_space<semaphore_mem>>)
    %dma_wait3A_1230 = arith.constant 2 : i32
    %dma_wait3A_1231 = arith.constant 0 : i32
    %dma_wait3A_1232 = arith.constant 0 : i32
    %dma_wait3A_1233 = tpu.memref_slice %arg9[%dma_wait3A_1230, %dma_wait3A_1231, %dma_wait3A_1232] : memref<3x8x4096xf32, #tpu.memory_space<vmem>> -> memref<1x8x4096xf32, #tpu.memory_space<vmem>>
    %dma_wait3A_1234 = tpu.memref_squeeze %dma_wait3A_1233 : memref<1x8x4096xf32, #tpu.memory_space<vmem>> -> memref<8x4096xf32, #tpu.memory_space<vmem>>
    %dma_wait3A_1235 = arith.constant 0 : i32
    %dma_wait3A_1236 = arith.constant 0 : i32
    %dma_wait3A_1237 = tpu.memref_slice %arg3[%dma_wait3A_1235, %dma_wait3A_1236] : memref<4096x4096xf32, #tpu.memory_space<hbm>> -> memref<8x4096xf32, #tpu.memory_space<hbm>>
    %dma_wait3A_1238 = arith.constant 0 : i32
    %dma_wait3A_1239 = arith.constant 0 : i32
    %dma_wait3A_1240 = tpu.memref_slice %arg9[%dma_wait3A_1230, %dma_wait3A_1238, %dma_wait3A_1239] : memref<3x8x4096xf32, #tpu.memory_space<vmem>> -> memref<1x8x4096xf32, #tpu.memory_space<vmem>>
    %dma_wait3A_1241 = tpu.memref_squeeze %dma_wait3A_1240 : memref<1x8x4096xf32, #tpu.memory_space<vmem>> -> memref<8x4096xf32, #tpu.memory_space<vmem>>
    %dma_wait3A_1242 = arith.constant 0 : i32
    %dma_wait3A_1243 = arith.constant 0 : i32
    %dma_wait3A_1244 = tpu.memref_slice %arg3[%dma_wait3A_1242, %dma_wait3A_1243] : memref<4096x4096xf32, #tpu.memory_space<hbm>> -> memref<8x4096xf32, #tpu.memory_space<hbm>>
    tpu.wait_dma2 semaphore(%arg15 : memref<!tpu.dma_semaphore, #tpu.memory_space<semaphore_mem>>) src(%dma_wait3A_1244 : memref<8x4096xf32, #tpu.memory_space<hbm>>) dst(%dma_wait3A_1241 : memref<8x4096xf32, #tpu.memory_space<vmem>>)
    %add3A_1245 = arith.constant 136 : i32
    %add3A_1246 = arith.addi %add3A_23, %add3A_1245 : i32
    %dma_start3A_1247 = arith.constant 2 : i32
    %dma_start3A_1248 = arith.constant 0 : i32
    %dma_start3A_1249 = arith.constant 0 : i32
    %dma_start3A_1250 = tpu.memref_slice %arg9[%dma_start3A_1247, %dma_start3A_1248, %dma_start3A_1249] : memref<3x8x4096xf32, #tpu.memory_space<vmem>> -> memref<1x8x4096xf32, #tpu.memory_space<vmem>>
    %dma_start3A_1251 = tpu.memref_squeeze %dma_start3A_1250 : memref<1x8x4096xf32, #tpu.memory_space<vmem>> -> memref<8x4096xf32, #tpu.memory_space<vmem>>
    %dma_start3A_1252 = arith.constant 0 : i32
    %dma_start3A_1253 = arith.constant 0 : i32
    %dma_start3A_1254 = tpu.memref_slice %arg7[%select_n3A, %dma_start3A_1252, %dma_start3A_1253] : memref<2x4106x4096xf32, #tpu.memory_space<hbm>> -> memref<1x4106x4096xf32, #tpu.memory_space<hbm>>
    %dma_start3A_1255 = tpu.memref_squeeze %dma_start3A_1254 : memref<1x4106x4096xf32, #tpu.memory_space<hbm>> -> memref<4106x4096xf32, #tpu.memory_space<hbm>>
    %dma_start3A_1256 = arith.constant 0 : i32
    %dma_start3A_1257 = tpu.memref_slice %dma_start3A_1255[%add3A_1246, %dma_start3A_1256] : memref<4106x4096xf32, #tpu.memory_space<hbm>> -> memref<8x4096xf32, #tpu.memory_space<hbm>>
    %dma_start3A_1258 = arith.constant 0 : i32
    %dma_start3A_1259 = arith.constant 0 : i32
    %dma_start3A_1260 = tpu.memref_slice %arg7[%select_n3A, %dma_start3A_1258, %dma_start3A_1259] : memref<2x4106x4096xf32, #tpu.memory_space<hbm>> -> memref<1x4106x4096xf32, #tpu.memory_space<hbm>>
    %dma_start3A_1261 = tpu.memref_squeeze %dma_start3A_1260 : memref<1x4106x4096xf32, #tpu.memory_space<hbm>> -> memref<4106x4096xf32, #tpu.memory_space<hbm>>
    %dma_start3A_1262 = arith.constant 0 : i32
    %dma_start3A_1263 = tpu.memref_slice %dma_start3A_1261[%add3A_1246, %dma_start3A_1262] : memref<4106x4096xf32, #tpu.memory_space<hbm>> -> memref<8x4096xf32, #tpu.memory_space<hbm>>
    %dma_start3A_1264 = arith.constant 0 : i32
    %dma_start3A_1265 = arith.constant 0 : i32
    %dma_start3A_1266 = tpu.memref_slice %arg9[%dma_start3A_1247, %dma_start3A_1264, %dma_start3A_1265] : memref<3x8x4096xf32, #tpu.memory_space<vmem>> -> memref<1x8x4096xf32, #tpu.memory_space<vmem>>
    %dma_start3A_1267 = tpu.memref_squeeze %dma_start3A_1266 : memref<1x8x4096xf32, #tpu.memory_space<vmem>> -> memref<8x4096xf32, #tpu.memory_space<vmem>>
    tpu.enqueue_dma source(%dma_start3A_1267 : memref<8x4096xf32, #tpu.memory_space<vmem>>) target(%dma_start3A_1263 : memref<8x4096xf32, #tpu.memory_space<hbm>>) target_semaphore(%arg18 : memref<!tpu.dma_semaphore, #tpu.memory_space<semaphore_mem>>)
    %dma_wait3A_1268 = arith.constant 1 : i32
    %dma_wait3A_1269 = arith.constant 0 : i32
    %dma_wait3A_1270 = arith.constant 0 : i32
    %dma_wait3A_1271 = tpu.memref_slice %arg9[%dma_wait3A_1268, %dma_wait3A_1269, %dma_wait3A_1270] : memref<3x8x4096xf32, #tpu.memory_space<vmem>> -> memref<1x8x4096xf32, #tpu.memory_space<vmem>>
    %dma_wait3A_1272 = tpu.memref_squeeze %dma_wait3A_1271 : memref<1x8x4096xf32, #tpu.memory_space<vmem>> -> memref<8x4096xf32, #tpu.memory_space<vmem>>
    %dma_wait3A_1273 = arith.constant 0 : i32
    %dma_wait3A_1274 = arith.constant 0 : i32
    %dma_wait3A_1275 = tpu.memref_slice %arg7[%select_n3A, %dma_wait3A_1273, %dma_wait3A_1274] : memref<2x4106x4096xf32, #tpu.memory_space<hbm>> -> memref<1x4106x4096xf32, #tpu.memory_space<hbm>>
    %dma_wait3A_1276 = tpu.memref_squeeze %dma_wait3A_1275 : memref<1x4106x4096xf32, #tpu.memory_space<hbm>> -> memref<4106x4096xf32, #tpu.memory_space<hbm>>
    %dma_wait3A_1277 = arith.constant 0 : i32
    %dma_wait3A_1278 = arith.constant 0 : i32
    %dma_wait3A_1279 = tpu.memref_slice %dma_wait3A_1276[%dma_wait3A_1277, %dma_wait3A_1278] : memref<4106x4096xf32, #tpu.memory_space<hbm>> -> memref<8x4096xf32, #tpu.memory_space<hbm>>
    %dma_wait3A_1280 = arith.constant 0 : i32
    %dma_wait3A_1281 = arith.constant 0 : i32
    %dma_wait3A_1282 = tpu.memref_slice %arg7[%select_n3A, %dma_wait3A_1280, %dma_wait3A_1281] : memref<2x4106x4096xf32, #tpu.memory_space<hbm>> -> memref<1x4106x4096xf32, #tpu.memory_space<hbm>>
    %dma_wait3A_1283 = tpu.memref_squeeze %dma_wait3A_1282 : memref<1x4106x4096xf32, #tpu.memory_space<hbm>> -> memref<4106x4096xf32, #tpu.memory_space<hbm>>
    %dma_wait3A_1284 = arith.constant 0 : i32
    %dma_wait3A_1285 = arith.constant 0 : i32
    %dma_wait3A_1286 = tpu.memref_slice %dma_wait3A_1283[%dma_wait3A_1284, %dma_wait3A_1285] : memref<4106x4096xf32, #tpu.memory_space<hbm>> -> memref<8x4096xf32, #tpu.memory_space<hbm>>
    %dma_wait3A_1287 = arith.constant 0 : i32
    %dma_wait3A_1288 = arith.constant 0 : i32
    %dma_wait3A_1289 = tpu.memref_slice %arg9[%dma_wait3A_1268, %dma_wait3A_1287, %dma_wait3A_1288] : memref<3x8x4096xf32, #tpu.memory_space<vmem>> -> memref<1x8x4096xf32, #tpu.memory_space<vmem>>
    %dma_wait3A_1290 = tpu.memref_squeeze %dma_wait3A_1289 : memref<1x8x4096xf32, #tpu.memory_space<vmem>> -> memref<8x4096xf32, #tpu.memory_space<vmem>>
    tpu.wait_dma2 semaphore(%arg17 : memref<!tpu.dma_semaphore, #tpu.memory_space<semaphore_mem>>) src(%dma_wait3A_1290 : memref<8x4096xf32, #tpu.memory_space<vmem>>) dst(%dma_wait3A_1286 : memref<8x4096xf32, #tpu.memory_space<hbm>>)
    %dma_start3A_1291 = arith.constant 1 : i32
    %dma_start3A_1292 = arith.constant 0 : i32
    %dma_start3A_1293 = arith.constant 0 : i32
    %dma_start3A_1294 = tpu.memref_slice %arg9[%dma_start3A_1291, %dma_start3A_1292, %dma_start3A_1293] : memref<3x8x4096xf32, #tpu.memory_space<vmem>> -> memref<1x8x4096xf32, #tpu.memory_space<vmem>>
    %dma_start3A_1295 = tpu.memref_squeeze %dma_start3A_1294 : memref<1x8x4096xf32, #tpu.memory_space<vmem>> -> memref<8x4096xf32, #tpu.memory_space<vmem>>
    %dma_start3A_1296 = arith.constant 152 : i32
    %dma_start3A_1297 = tpu.memref_slice %arg8[%dma_start3A_1296] : memref<256xi32, #tpu.memory_space<vmem>> -> memref<8xi32, #tpu.memory_space<vmem>>
    %dma_start3A_1298 = arith.constant 0 : i32
    %dma_start3A_1299 = arith.constant 0 : i32
    %dma_start3A_1300 = tpu.memref_slice %arg3[%dma_start3A_1298, %dma_start3A_1299] : memref<4096x4096xf32, #tpu.memory_space<hbm>> -> memref<4096x4096xf32, #tpu.memory_space<hbm>>
    tpu.enqueue_indirect_dma source(%dma_start3A_1300 : memref<4096x4096xf32, #tpu.memory_space<hbm>>) target(%dma_start3A_1295 : memref<8x4096xf32, #tpu.memory_space<vmem>>) offsets(%dma_start3A_1297 : memref<8xi32, #tpu.memory_space<vmem>>) semaphore(%arg14 : memref<!tpu.dma_semaphore, #tpu.memory_space<semaphore_mem>>)
    %dma_wait3A_1301 = arith.constant 0 : i32
    %dma_wait3A_1302 = arith.constant 0 : i32
    %dma_wait3A_1303 = arith.constant 0 : i32
    %dma_wait3A_1304 = tpu.memref_slice %arg9[%dma_wait3A_1301, %dma_wait3A_1302, %dma_wait3A_1303] : memref<3x8x4096xf32, #tpu.memory_space<vmem>> -> memref<1x8x4096xf32, #tpu.memory_space<vmem>>
    %dma_wait3A_1305 = tpu.memref_squeeze %dma_wait3A_1304 : memref<1x8x4096xf32, #tpu.memory_space<vmem>> -> memref<8x4096xf32, #tpu.memory_space<vmem>>
    %dma_wait3A_1306 = arith.constant 0 : i32
    %dma_wait3A_1307 = arith.constant 0 : i32
    %dma_wait3A_1308 = tpu.memref_slice %arg3[%dma_wait3A_1306, %dma_wait3A_1307] : memref<4096x4096xf32, #tpu.memory_space<hbm>> -> memref<8x4096xf32, #tpu.memory_space<hbm>>
    %dma_wait3A_1309 = arith.constant 0 : i32
    %dma_wait3A_1310 = arith.constant 0 : i32
    %dma_wait3A_1311 = tpu.memref_slice %arg9[%dma_wait3A_1301, %dma_wait3A_1309, %dma_wait3A_1310] : memref<3x8x4096xf32, #tpu.memory_space<vmem>> -> memref<1x8x4096xf32, #tpu.memory_space<vmem>>
    %dma_wait3A_1312 = tpu.memref_squeeze %dma_wait3A_1311 : memref<1x8x4096xf32, #tpu.memory_space<vmem>> -> memref<8x4096xf32, #tpu.memory_space<vmem>>
    %dma_wait3A_1313 = arith.constant 0 : i32
    %dma_wait3A_1314 = arith.constant 0 : i32
    %dma_wait3A_1315 = tpu.memref_slice %arg3[%dma_wait3A_1313, %dma_wait3A_1314] : memref<4096x4096xf32, #tpu.memory_space<hbm>> -> memref<8x4096xf32, #tpu.memory_space<hbm>>
    tpu.wait_dma2 semaphore(%arg13 : memref<!tpu.dma_semaphore, #tpu.memory_space<semaphore_mem>>) src(%dma_wait3A_1315 : memref<8x4096xf32, #tpu.memory_space<hbm>>) dst(%dma_wait3A_1312 : memref<8x4096xf32, #tpu.memory_space<vmem>>)
    %add3A_1316 = arith.constant 144 : i32
    %add3A_1317 = arith.addi %add3A_23, %add3A_1316 : i32
    %dma_start3A_1318 = arith.constant 0 : i32
    %dma_start3A_1319 = arith.constant 0 : i32
    %dma_start3A_1320 = arith.constant 0 : i32
    %dma_start3A_1321 = tpu.memref_slice %arg9[%dma_start3A_1318, %dma_start3A_1319, %dma_start3A_1320] : memref<3x8x4096xf32, #tpu.memory_space<vmem>> -> memref<1x8x4096xf32, #tpu.memory_space<vmem>>
    %dma_start3A_1322 = tpu.memref_squeeze %dma_start3A_1321 : memref<1x8x4096xf32, #tpu.memory_space<vmem>> -> memref<8x4096xf32, #tpu.memory_space<vmem>>
    %dma_start3A_1323 = arith.constant 0 : i32
    %dma_start3A_1324 = arith.constant 0 : i32
    %dma_start3A_1325 = tpu.memref_slice %arg7[%select_n3A, %dma_start3A_1323, %dma_start3A_1324] : memref<2x4106x4096xf32, #tpu.memory_space<hbm>> -> memref<1x4106x4096xf32, #tpu.memory_space<hbm>>
    %dma_start3A_1326 = tpu.memref_squeeze %dma_start3A_1325 : memref<1x4106x4096xf32, #tpu.memory_space<hbm>> -> memref<4106x4096xf32, #tpu.memory_space<hbm>>
    %dma_start3A_1327 = arith.constant 0 : i32
    %dma_start3A_1328 = tpu.memref_slice %dma_start3A_1326[%add3A_1317, %dma_start3A_1327] : memref<4106x4096xf32, #tpu.memory_space<hbm>> -> memref<8x4096xf32, #tpu.memory_space<hbm>>
    %dma_start3A_1329 = arith.constant 0 : i32
    %dma_start3A_1330 = arith.constant 0 : i32
    %dma_start3A_1331 = tpu.memref_slice %arg7[%select_n3A, %dma_start3A_1329, %dma_start3A_1330] : memref<2x4106x4096xf32, #tpu.memory_space<hbm>> -> memref<1x4106x4096xf32, #tpu.memory_space<hbm>>
    %dma_start3A_1332 = tpu.memref_squeeze %dma_start3A_1331 : memref<1x4106x4096xf32, #tpu.memory_space<hbm>> -> memref<4106x4096xf32, #tpu.memory_space<hbm>>
    %dma_start3A_1333 = arith.constant 0 : i32
    %dma_start3A_1334 = tpu.memref_slice %dma_start3A_1332[%add3A_1317, %dma_start3A_1333] : memref<4106x4096xf32, #tpu.memory_space<hbm>> -> memref<8x4096xf32, #tpu.memory_space<hbm>>
    %dma_start3A_1335 = arith.constant 0 : i32
    %dma_start3A_1336 = arith.constant 0 : i32
    %dma_start3A_1337 = tpu.memref_slice %arg9[%dma_start3A_1318, %dma_start3A_1335, %dma_start3A_1336] : memref<3x8x4096xf32, #tpu.memory_space<vmem>> -> memref<1x8x4096xf32, #tpu.memory_space<vmem>>
    %dma_start3A_1338 = tpu.memref_squeeze %dma_start3A_1337 : memref<1x8x4096xf32, #tpu.memory_space<vmem>> -> memref<8x4096xf32, #tpu.memory_space<vmem>>
    tpu.enqueue_dma source(%dma_start3A_1338 : memref<8x4096xf32, #tpu.memory_space<vmem>>) target(%dma_start3A_1334 : memref<8x4096xf32, #tpu.memory_space<hbm>>) target_semaphore(%arg16 : memref<!tpu.dma_semaphore, #tpu.memory_space<semaphore_mem>>)
    %dma_wait3A_1339 = arith.constant 2 : i32
    %dma_wait3A_1340 = arith.constant 0 : i32
    %dma_wait3A_1341 = arith.constant 0 : i32
    %dma_wait3A_1342 = tpu.memref_slice %arg9[%dma_wait3A_1339, %dma_wait3A_1340, %dma_wait3A_1341] : memref<3x8x4096xf32, #tpu.memory_space<vmem>> -> memref<1x8x4096xf32, #tpu.memory_space<vmem>>
    %dma_wait3A_1343 = tpu.memref_squeeze %dma_wait3A_1342 : memref<1x8x4096xf32, #tpu.memory_space<vmem>> -> memref<8x4096xf32, #tpu.memory_space<vmem>>
    %dma_wait3A_1344 = arith.constant 0 : i32
    %dma_wait3A_1345 = arith.constant 0 : i32
    %dma_wait3A_1346 = tpu.memref_slice %arg7[%select_n3A, %dma_wait3A_1344, %dma_wait3A_1345] : memref<2x4106x4096xf32, #tpu.memory_space<hbm>> -> memref<1x4106x4096xf32, #tpu.memory_space<hbm>>
    %dma_wait3A_1347 = tpu.memref_squeeze %dma_wait3A_1346 : memref<1x4106x4096xf32, #tpu.memory_space<hbm>> -> memref<4106x4096xf32, #tpu.memory_space<hbm>>
    %dma_wait3A_1348 = arith.constant 0 : i32
    %dma_wait3A_1349 = arith.constant 0 : i32
    %dma_wait3A_1350 = tpu.memref_slice %dma_wait3A_1347[%dma_wait3A_1348, %dma_wait3A_1349] : memref<4106x4096xf32, #tpu.memory_space<hbm>> -> memref<8x4096xf32, #tpu.memory_space<hbm>>
    %dma_wait3A_1351 = arith.constant 0 : i32
    %dma_wait3A_1352 = arith.constant 0 : i32
    %dma_wait3A_1353 = tpu.memref_slice %arg7[%select_n3A, %dma_wait3A_1351, %dma_wait3A_1352] : memref<2x4106x4096xf32, #tpu.memory_space<hbm>> -> memref<1x4106x4096xf32, #tpu.memory_space<hbm>>
    %dma_wait3A_1354 = tpu.memref_squeeze %dma_wait3A_1353 : memref<1x4106x4096xf32, #tpu.memory_space<hbm>> -> memref<4106x4096xf32, #tpu.memory_space<hbm>>
    %dma_wait3A_1355 = arith.constant 0 : i32
    %dma_wait3A_1356 = arith.constant 0 : i32
    %dma_wait3A_1357 = tpu.memref_slice %dma_wait3A_1354[%dma_wait3A_1355, %dma_wait3A_1356] : memref<4106x4096xf32, #tpu.memory_space<hbm>> -> memref<8x4096xf32, #tpu.memory_space<hbm>>
    %dma_wait3A_1358 = arith.constant 0 : i32
    %dma_wait3A_1359 = arith.constant 0 : i32
    %dma_wait3A_1360 = tpu.memref_slice %arg9[%dma_wait3A_1339, %dma_wait3A_1358, %dma_wait3A_1359] : memref<3x8x4096xf32, #tpu.memory_space<vmem>> -> memref<1x8x4096xf32, #tpu.memory_space<vmem>>
    %dma_wait3A_1361 = tpu.memref_squeeze %dma_wait3A_1360 : memref<1x8x4096xf32, #tpu.memory_space<vmem>> -> memref<8x4096xf32, #tpu.memory_space<vmem>>
    tpu.wait_dma2 semaphore(%arg18 : memref<!tpu.dma_semaphore, #tpu.memory_space<semaphore_mem>>) src(%dma_wait3A_1361 : memref<8x4096xf32, #tpu.memory_space<vmem>>) dst(%dma_wait3A_1357 : memref<8x4096xf32, #tpu.memory_space<hbm>>)
    %dma_start3A_1362 = arith.constant 2 : i32
    %dma_start3A_1363 = arith.constant 0 : i32
    %dma_start3A_1364 = arith.constant 0 : i32
    %dma_start3A_1365 = tpu.memref_slice %arg9[%dma_start3A_1362, %dma_start3A_1363, %dma_start3A_1364] : memref<3x8x4096xf32, #tpu.memory_space<vmem>> -> memref<1x8x4096xf32, #tpu.memory_space<vmem>>
    %dma_start3A_1366 = tpu.memref_squeeze %dma_start3A_1365 : memref<1x8x4096xf32, #tpu.memory_space<vmem>> -> memref<8x4096xf32, #tpu.memory_space<vmem>>
    %dma_start3A_1367 = arith.constant 160 : i32
    %dma_start3A_1368 = tpu.memref_slice %arg8[%dma_start3A_1367] : memref<256xi32, #tpu.memory_space<vmem>> -> memref<8xi32, #tpu.memory_space<vmem>>
    %dma_start3A_1369 = arith.constant 0 : i32
    %dma_start3A_1370 = arith.constant 0 : i32
    %dma_start3A_1371 = tpu.memref_slice %arg3[%dma_start3A_1369, %dma_start3A_1370] : memref<4096x4096xf32, #tpu.memory_space<hbm>> -> memref<4096x4096xf32, #tpu.memory_space<hbm>>
    tpu.enqueue_indirect_dma source(%dma_start3A_1371 : memref<4096x4096xf32, #tpu.memory_space<hbm>>) target(%dma_start3A_1366 : memref<8x4096xf32, #tpu.memory_space<vmem>>) offsets(%dma_start3A_1368 : memref<8xi32, #tpu.memory_space<vmem>>) semaphore(%arg15 : memref<!tpu.dma_semaphore, #tpu.memory_space<semaphore_mem>>)
    %dma_wait3A_1372 = arith.constant 1 : i32
    %dma_wait3A_1373 = arith.constant 0 : i32
    %dma_wait3A_1374 = arith.constant 0 : i32
    %dma_wait3A_1375 = tpu.memref_slice %arg9[%dma_wait3A_1372, %dma_wait3A_1373, %dma_wait3A_1374] : memref<3x8x4096xf32, #tpu.memory_space<vmem>> -> memref<1x8x4096xf32, #tpu.memory_space<vmem>>
    %dma_wait3A_1376 = tpu.memref_squeeze %dma_wait3A_1375 : memref<1x8x4096xf32, #tpu.memory_space<vmem>> -> memref<8x4096xf32, #tpu.memory_space<vmem>>
    %dma_wait3A_1377 = arith.constant 0 : i32
    %dma_wait3A_1378 = arith.constant 0 : i32
    %dma_wait3A_1379 = tpu.memref_slice %arg3[%dma_wait3A_1377, %dma_wait3A_1378] : memref<4096x4096xf32, #tpu.memory_space<hbm>> -> memref<8x4096xf32, #tpu.memory_space<hbm>>
    %dma_wait3A_1380 = arith.constant 0 : i32
    %dma_wait3A_1381 = arith.constant 0 : i32
    %dma_wait3A_1382 = tpu.memref_slice %arg9[%dma_wait3A_1372, %dma_wait3A_1380, %dma_wait3A_1381] : memref<3x8x4096xf32, #tpu.memory_space<vmem>> -> memref<1x8x4096xf32, #tpu.memory_space<vmem>>
    %dma_wait3A_1383 = tpu.memref_squeeze %dma_wait3A_1382 : memref<1x8x4096xf32, #tpu.memory_space<vmem>> -> memref<8x4096xf32, #tpu.memory_space<vmem>>
    %dma_wait3A_1384 = arith.constant 0 : i32
    %dma_wait3A_1385 = arith.constant 0 : i32
    %dma_wait3A_1386 = tpu.memref_slice %arg3[%dma_wait3A_1384, %dma_wait3A_1385] : memref<4096x4096xf32, #tpu.memory_space<hbm>> -> memref<8x4096xf32, #tpu.memory_space<hbm>>
    tpu.wait_dma2 semaphore(%arg14 : memref<!tpu.dma_semaphore, #tpu.memory_space<semaphore_mem>>) src(%dma_wait3A_1386 : memref<8x4096xf32, #tpu.memory_space<hbm>>) dst(%dma_wait3A_1383 : memref<8x4096xf32, #tpu.memory_space<vmem>>)
    %add3A_1387 = arith.constant 152 : i32
    %add3A_1388 = arith.addi %add3A_23, %add3A_1387 : i32
    %dma_start3A_1389 = arith.constant 1 : i32
    %dma_start3A_1390 = arith.constant 0 : i32
    %dma_start3A_1391 = arith.constant 0 : i32
    %dma_start3A_1392 = tpu.memref_slice %arg9[%dma_start3A_1389, %dma_start3A_1390, %dma_start3A_1391] : memref<3x8x4096xf32, #tpu.memory_space<vmem>> -> memref<1x8x4096xf32, #tpu.memory_space<vmem>>
    %dma_start3A_1393 = tpu.memref_squeeze %dma_start3A_1392 : memref<1x8x4096xf32, #tpu.memory_space<vmem>> -> memref<8x4096xf32, #tpu.memory_space<vmem>>
    %dma_start3A_1394 = arith.constant 0 : i32
    %dma_start3A_1395 = arith.constant 0 : i32
    %dma_start3A_1396 = tpu.memref_slice %arg7[%select_n3A, %dma_start3A_1394, %dma_start3A_1395] : memref<2x4106x4096xf32, #tpu.memory_space<hbm>> -> memref<1x4106x4096xf32, #tpu.memory_space<hbm>>
    %dma_start3A_1397 = tpu.memref_squeeze %dma_start3A_1396 : memref<1x4106x4096xf32, #tpu.memory_space<hbm>> -> memref<4106x4096xf32, #tpu.memory_space<hbm>>
    %dma_start3A_1398 = arith.constant 0 : i32
    %dma_start3A_1399 = tpu.memref_slice %dma_start3A_1397[%add3A_1388, %dma_start3A_1398] : memref<4106x4096xf32, #tpu.memory_space<hbm>> -> memref<8x4096xf32, #tpu.memory_space<hbm>>
    %dma_start3A_1400 = arith.constant 0 : i32
    %dma_start3A_1401 = arith.constant 0 : i32
    %dma_start3A_1402 = tpu.memref_slice %arg7[%select_n3A, %dma_start3A_1400, %dma_start3A_1401] : memref<2x4106x4096xf32, #tpu.memory_space<hbm>> -> memref<1x4106x4096xf32, #tpu.memory_space<hbm>>
    %dma_start3A_1403 = tpu.memref_squeeze %dma_start3A_1402 : memref<1x4106x4096xf32, #tpu.memory_space<hbm>> -> memref<4106x4096xf32, #tpu.memory_space<hbm>>
    %dma_start3A_1404 = arith.constant 0 : i32
    %dma_start3A_1405 = tpu.memref_slice %dma_start3A_1403[%add3A_1388, %dma_start3A_1404] : memref<4106x4096xf32, #tpu.memory_space<hbm>> -> memref<8x4096xf32, #tpu.memory_space<hbm>>
    %dma_start3A_1406 = arith.constant 0 : i32
    %dma_start3A_1407 = arith.constant 0 : i32
    %dma_start3A_1408 = tpu.memref_slice %arg9[%dma_start3A_1389, %dma_start3A_1406, %dma_start3A_1407] : memref<3x8x4096xf32, #tpu.memory_space<vmem>> -> memref<1x8x4096xf32, #tpu.memory_space<vmem>>
    %dma_start3A_1409 = tpu.memref_squeeze %dma_start3A_1408 : memref<1x8x4096xf32, #tpu.memory_space<vmem>> -> memref<8x4096xf32, #tpu.memory_space<vmem>>
    tpu.enqueue_dma source(%dma_start3A_1409 : memref<8x4096xf32, #tpu.memory_space<vmem>>) target(%dma_start3A_1405 : memref<8x4096xf32, #tpu.memory_space<hbm>>) target_semaphore(%arg17 : memref<!tpu.dma_semaphore, #tpu.memory_space<semaphore_mem>>)
    %dma_wait3A_1410 = arith.constant 0 : i32
    %dma_wait3A_1411 = arith.constant 0 : i32
    %dma_wait3A_1412 = arith.constant 0 : i32
    %dma_wait3A_1413 = tpu.memref_slice %arg9[%dma_wait3A_1410, %dma_wait3A_1411, %dma_wait3A_1412] : memref<3x8x4096xf32, #tpu.memory_space<vmem>> -> memref<1x8x4096xf32, #tpu.memory_space<vmem>>
    %dma_wait3A_1414 = tpu.memref_squeeze %dma_wait3A_1413 : memref<1x8x4096xf32, #tpu.memory_space<vmem>> -> memref<8x4096xf32, #tpu.memory_space<vmem>>
    %dma_wait3A_1415 = arith.constant 0 : i32
    %dma_wait3A_1416 = arith.constant 0 : i32
    %dma_wait3A_1417 = tpu.memref_slice %arg7[%select_n3A, %dma_wait3A_1415, %dma_wait3A_1416] : memref<2x4106x4096xf32, #tpu.memory_space<hbm>> -> memref<1x4106x4096xf32, #tpu.memory_space<hbm>>
    %dma_wait3A_1418 = tpu.memref_squeeze %dma_wait3A_1417 : memref<1x4106x4096xf32, #tpu.memory_space<hbm>> -> memref<4106x4096xf32, #tpu.memory_space<hbm>>
    %dma_wait3A_1419 = arith.constant 0 : i32
    %dma_wait3A_1420 = arith.constant 0 : i32
    %dma_wait3A_1421 = tpu.memref_slice %dma_wait3A_1418[%dma_wait3A_1419, %dma_wait3A_1420] : memref<4106x4096xf32, #tpu.memory_space<hbm>> -> memref<8x4096xf32, #tpu.memory_space<hbm>>
    %dma_wait3A_1422 = arith.constant 0 : i32
    %dma_wait3A_1423 = arith.constant 0 : i32
    %dma_wait3A_1424 = tpu.memref_slice %arg7[%select_n3A, %dma_wait3A_1422, %dma_wait3A_1423] : memref<2x4106x4096xf32, #tpu.memory_space<hbm>> -> memref<1x4106x4096xf32, #tpu.memory_space<hbm>>
    %dma_wait3A_1425 = tpu.memref_squeeze %dma_wait3A_1424 : memref<1x4106x4096xf32, #tpu.memory_space<hbm>> -> memref<4106x4096xf32, #tpu.memory_space<hbm>>
    %dma_wait3A_1426 = arith.constant 0 : i32
    %dma_wait3A_1427 = arith.constant 0 : i32
    %dma_wait3A_1428 = tpu.memref_slice %dma_wait3A_1425[%dma_wait3A_1426, %dma_wait3A_1427] : memref<4106x4096xf32, #tpu.memory_space<hbm>> -> memref<8x4096xf32, #tpu.memory_space<hbm>>
    %dma_wait3A_1429 = arith.constant 0 : i32
    %dma_wait3A_1430 = arith.constant 0 : i32
    %dma_wait3A_1431 = tpu.memref_slice %arg9[%dma_wait3A_1410, %dma_wait3A_1429, %dma_wait3A_1430] : memref<3x8x4096xf32, #tpu.memory_space<vmem>> -> memref<1x8x4096xf32, #tpu.memory_space<vmem>>
    %dma_wait3A_1432 = tpu.memref_squeeze %dma_wait3A_1431 : memref<1x8x4096xf32, #tpu.memory_space<vmem>> -> memref<8x4096xf32, #tpu.memory_space<vmem>>
    tpu.wait_dma2 semaphore(%arg16 : memref<!tpu.dma_semaphore, #tpu.memory_space<semaphore_mem>>) src(%dma_wait3A_1432 : memref<8x4096xf32, #tpu.memory_space<vmem>>) dst(%dma_wait3A_1428 : memref<8x4096xf32, #tpu.memory_space<hbm>>)
    %dma_start3A_1433 = arith.constant 0 : i32
    %dma_start3A_1434 = arith.constant 0 : i32
    %dma_start3A_1435 = arith.constant 0 : i32
    %dma_start3A_1436 = tpu.memref_slice %arg9[%dma_start3A_1433, %dma_start3A_1434, %dma_start3A_1435] : memref<3x8x4096xf32, #tpu.memory_space<vmem>> -> memref<1x8x4096xf32, #tpu.memory_space<vmem>>
    %dma_start3A_1437 = tpu.memref_squeeze %dma_start3A_1436 : memref<1x8x4096xf32, #tpu.memory_space<vmem>> -> memref<8x4096xf32, #tpu.memory_space<vmem>>
    %dma_start3A_1438 = arith.constant 168 : i32
    %dma_start3A_1439 = tpu.memref_slice %arg8[%dma_start3A_1438] : memref<256xi32, #tpu.memory_space<vmem>> -> memref<8xi32, #tpu.memory_space<vmem>>
    %dma_start3A_1440 = arith.constant 0 : i32
    %dma_start3A_1441 = arith.constant 0 : i32
    %dma_start3A_1442 = tpu.memref_slice %arg3[%dma_start3A_1440, %dma_start3A_1441] : memref<4096x4096xf32, #tpu.memory_space<hbm>> -> memref<4096x4096xf32, #tpu.memory_space<hbm>>
    tpu.enqueue_indirect_dma source(%dma_start3A_1442 : memref<4096x4096xf32, #tpu.memory_space<hbm>>) target(%dma_start3A_1437 : memref<8x4096xf32, #tpu.memory_space<vmem>>) offsets(%dma_start3A_1439 : memref<8xi32, #tpu.memory_space<vmem>>) semaphore(%arg13 : memref<!tpu.dma_semaphore, #tpu.memory_space<semaphore_mem>>)
    %dma_wait3A_1443 = arith.constant 2 : i32
    %dma_wait3A_1444 = arith.constant 0 : i32
    %dma_wait3A_1445 = arith.constant 0 : i32
    %dma_wait3A_1446 = tpu.memref_slice %arg9[%dma_wait3A_1443, %dma_wait3A_1444, %dma_wait3A_1445] : memref<3x8x4096xf32, #tpu.memory_space<vmem>> -> memref<1x8x4096xf32, #tpu.memory_space<vmem>>
    %dma_wait3A_1447 = tpu.memref_squeeze %dma_wait3A_1446 : memref<1x8x4096xf32, #tpu.memory_space<vmem>> -> memref<8x4096xf32, #tpu.memory_space<vmem>>
    %dma_wait3A_1448 = arith.constant 0 : i32
    %dma_wait3A_1449 = arith.constant 0 : i32
    %dma_wait3A_1450 = tpu.memref_slice %arg3[%dma_wait3A_1448, %dma_wait3A_1449] : memref<4096x4096xf32, #tpu.memory_space<hbm>> -> memref<8x4096xf32, #tpu.memory_space<hbm>>
    %dma_wait3A_1451 = arith.constant 0 : i32
    %dma_wait3A_1452 = arith.constant 0 : i32
    %dma_wait3A_1453 = tpu.memref_slice %arg9[%dma_wait3A_1443, %dma_wait3A_1451, %dma_wait3A_1452] : memref<3x8x4096xf32, #tpu.memory_space<vmem>> -> memref<1x8x4096xf32, #tpu.memory_space<vmem>>
    %dma_wait3A_1454 = tpu.memref_squeeze %dma_wait3A_1453 : memref<1x8x4096xf32, #tpu.memory_space<vmem>> -> memref<8x4096xf32, #tpu.memory_space<vmem>>
    %dma_wait3A_1455 = arith.constant 0 : i32
    %dma_wait3A_1456 = arith.constant 0 : i32
    %dma_wait3A_1457 = tpu.memref_slice %arg3[%dma_wait3A_1455, %dma_wait3A_1456] : memref<4096x4096xf32, #tpu.memory_space<hbm>> -> memref<8x4096xf32, #tpu.memory_space<hbm>>
    tpu.wait_dma2 semaphore(%arg15 : memref<!tpu.dma_semaphore, #tpu.memory_space<semaphore_mem>>) src(%dma_wait3A_1457 : memref<8x4096xf32, #tpu.memory_space<hbm>>) dst(%dma_wait3A_1454 : memref<8x4096xf32, #tpu.memory_space<vmem>>)
    %add3A_1458 = arith.constant 160 : i32
    %add3A_1459 = arith.addi %add3A_23, %add3A_1458 : i32
    %dma_start3A_1460 = arith.constant 2 : i32
    %dma_start3A_1461 = arith.constant 0 : i32
    %dma_start3A_1462 = arith.constant 0 : i32
    %dma_start3A_1463 = tpu.memref_slice %arg9[%dma_start3A_1460, %dma_start3A_1461, %dma_start3A_1462] : memref<3x8x4096xf32, #tpu.memory_space<vmem>> -> memref<1x8x4096xf32, #tpu.memory_space<vmem>>
    %dma_start3A_1464 = tpu.memref_squeeze %dma_start3A_1463 : memref<1x8x4096xf32, #tpu.memory_space<vmem>> -> memref<8x4096xf32, #tpu.memory_space<vmem>>
    %dma_start3A_1465 = arith.constant 0 : i32
    %dma_start3A_1466 = arith.constant 0 : i32
    %dma_start3A_1467 = tpu.memref_slice %arg7[%select_n3A, %dma_start3A_1465, %dma_start3A_1466] : memref<2x4106x4096xf32, #tpu.memory_space<hbm>> -> memref<1x4106x4096xf32, #tpu.memory_space<hbm>>
    %dma_start3A_1468 = tpu.memref_squeeze %dma_start3A_1467 : memref<1x4106x4096xf32, #tpu.memory_space<hbm>> -> memref<4106x4096xf32, #tpu.memory_space<hbm>>
    %dma_start3A_1469 = arith.constant 0 : i32
    %dma_start3A_1470 = tpu.memref_slice %dma_start3A_1468[%add3A_1459, %dma_start3A_1469] : memref<4106x4096xf32, #tpu.memory_space<hbm>> -> memref<8x4096xf32, #tpu.memory_space<hbm>>
    %dma_start3A_1471 = arith.constant 0 : i32
    %dma_start3A_1472 = arith.constant 0 : i32
    %dma_start3A_1473 = tpu.memref_slice %arg7[%select_n3A, %dma_start3A_1471, %dma_start3A_1472] : memref<2x4106x4096xf32, #tpu.memory_space<hbm>> -> memref<1x4106x4096xf32, #tpu.memory_space<hbm>>
    %dma_start3A_1474 = tpu.memref_squeeze %dma_start3A_1473 : memref<1x4106x4096xf32, #tpu.memory_space<hbm>> -> memref<4106x4096xf32, #tpu.memory_space<hbm>>
    %dma_start3A_1475 = arith.constant 0 : i32
    %dma_start3A_1476 = tpu.memref_slice %dma_start3A_1474[%add3A_1459, %dma_start3A_1475] : memref<4106x4096xf32, #tpu.memory_space<hbm>> -> memref<8x4096xf32, #tpu.memory_space<hbm>>
    %dma_start3A_1477 = arith.constant 0 : i32
    %dma_start3A_1478 = arith.constant 0 : i32
    %dma_start3A_1479 = tpu.memref_slice %arg9[%dma_start3A_1460, %dma_start3A_1477, %dma_start3A_1478] : memref<3x8x4096xf32, #tpu.memory_space<vmem>> -> memref<1x8x4096xf32, #tpu.memory_space<vmem>>
    %dma_start3A_1480 = tpu.memref_squeeze %dma_start3A_1479 : memref<1x8x4096xf32, #tpu.memory_space<vmem>> -> memref<8x4096xf32, #tpu.memory_space<vmem>>
    tpu.enqueue_dma source(%dma_start3A_1480 : memref<8x4096xf32, #tpu.memory_space<vmem>>) target(%dma_start3A_1476 : memref<8x4096xf32, #tpu.memory_space<hbm>>) target_semaphore(%arg18 : memref<!tpu.dma_semaphore, #tpu.memory_space<semaphore_mem>>)
    %dma_wait3A_1481 = arith.constant 1 : i32
    %dma_wait3A_1482 = arith.constant 0 : i32
    %dma_wait3A_1483 = arith.constant 0 : i32
    %dma_wait3A_1484 = tpu.memref_slice %arg9[%dma_wait3A_1481, %dma_wait3A_1482, %dma_wait3A_1483] : memref<3x8x4096xf32, #tpu.memory_space<vmem>> -> memref<1x8x4096xf32, #tpu.memory_space<vmem>>
    %dma_wait3A_1485 = tpu.memref_squeeze %dma_wait3A_1484 : memref<1x8x4096xf32, #tpu.memory_space<vmem>> -> memref<8x4096xf32, #tpu.memory_space<vmem>>
    %dma_wait3A_1486 = arith.constant 0 : i32
    %dma_wait3A_1487 = arith.constant 0 : i32
    %dma_wait3A_1488 = tpu.memref_slice %arg7[%select_n3A, %dma_wait3A_1486, %dma_wait3A_1487] : memref<2x4106x4096xf32, #tpu.memory_space<hbm>> -> memref<1x4106x4096xf32, #tpu.memory_space<hbm>>
    %dma_wait3A_1489 = tpu.memref_squeeze %dma_wait3A_1488 : memref<1x4106x4096xf32, #tpu.memory_space<hbm>> -> memref<4106x4096xf32, #tpu.memory_space<hbm>>
    %dma_wait3A_1490 = arith.constant 0 : i32
    %dma_wait3A_1491 = arith.constant 0 : i32
    %dma_wait3A_1492 = tpu.memref_slice %dma_wait3A_1489[%dma_wait3A_1490, %dma_wait3A_1491] : memref<4106x4096xf32, #tpu.memory_space<hbm>> -> memref<8x4096xf32, #tpu.memory_space<hbm>>
    %dma_wait3A_1493 = arith.constant 0 : i32
    %dma_wait3A_1494 = arith.constant 0 : i32
    %dma_wait3A_1495 = tpu.memref_slice %arg7[%select_n3A, %dma_wait3A_1493, %dma_wait3A_1494] : memref<2x4106x4096xf32, #tpu.memory_space<hbm>> -> memref<1x4106x4096xf32, #tpu.memory_space<hbm>>
    %dma_wait3A_1496 = tpu.memref_squeeze %dma_wait3A_1495 : memref<1x4106x4096xf32, #tpu.memory_space<hbm>> -> memref<4106x4096xf32, #tpu.memory_space<hbm>>
    %dma_wait3A_1497 = arith.constant 0 : i32
    %dma_wait3A_1498 = arith.constant 0 : i32
    %dma_wait3A_1499 = tpu.memref_slice %dma_wait3A_1496[%dma_wait3A_1497, %dma_wait3A_1498] : memref<4106x4096xf32, #tpu.memory_space<hbm>> -> memref<8x4096xf32, #tpu.memory_space<hbm>>
    %dma_wait3A_1500 = arith.constant 0 : i32
    %dma_wait3A_1501 = arith.constant 0 : i32
    %dma_wait3A_1502 = tpu.memref_slice %arg9[%dma_wait3A_1481, %dma_wait3A_1500, %dma_wait3A_1501] : memref<3x8x4096xf32, #tpu.memory_space<vmem>> -> memref<1x8x4096xf32, #tpu.memory_space<vmem>>
    %dma_wait3A_1503 = tpu.memref_squeeze %dma_wait3A_1502 : memref<1x8x4096xf32, #tpu.memory_space<vmem>> -> memref<8x4096xf32, #tpu.memory_space<vmem>>
    tpu.wait_dma2 semaphore(%arg17 : memref<!tpu.dma_semaphore, #tpu.memory_space<semaphore_mem>>) src(%dma_wait3A_1503 : memref<8x4096xf32, #tpu.memory_space<vmem>>) dst(%dma_wait3A_1499 : memref<8x4096xf32, #tpu.memory_space<hbm>>)
    %dma_start3A_1504 = arith.constant 1 : i32
    %dma_start3A_1505 = arith.constant 0 : i32
    %dma_start3A_1506 = arith.constant 0 : i32
    %dma_start3A_1507 = tpu.memref_slice %arg9[%dma_start3A_1504, %dma_start3A_1505, %dma_start3A_1506] : memref<3x8x4096xf32, #tpu.memory_space<vmem>> -> memref<1x8x4096xf32, #tpu.memory_space<vmem>>
    %dma_start3A_1508 = tpu.memref_squeeze %dma_start3A_1507 : memref<1x8x4096xf32, #tpu.memory_space<vmem>> -> memref<8x4096xf32, #tpu.memory_space<vmem>>
    %dma_start3A_1509 = arith.constant 176 : i32
    %dma_start3A_1510 = tpu.memref_slice %arg8[%dma_start3A_1509] : memref<256xi32, #tpu.memory_space<vmem>> -> memref<8xi32, #tpu.memory_space<vmem>>
    %dma_start3A_1511 = arith.constant 0 : i32
    %dma_start3A_1512 = arith.constant 0 : i32
    %dma_start3A_1513 = tpu.memref_slice %arg3[%dma_start3A_1511, %dma_start3A_1512] : memref<4096x4096xf32, #tpu.memory_space<hbm>> -> memref<4096x4096xf32, #tpu.memory_space<hbm>>
    tpu.enqueue_indirect_dma source(%dma_start3A_1513 : memref<4096x4096xf32, #tpu.memory_space<hbm>>) target(%dma_start3A_1508 : memref<8x4096xf32, #tpu.memory_space<vmem>>) offsets(%dma_start3A_1510 : memref<8xi32, #tpu.memory_space<vmem>>) semaphore(%arg14 : memref<!tpu.dma_semaphore, #tpu.memory_space<semaphore_mem>>)
    %dma_wait3A_1514 = arith.constant 0 : i32
    %dma_wait3A_1515 = arith.constant 0 : i32
    %dma_wait3A_1516 = arith.constant 0 : i32
    %dma_wait3A_1517 = tpu.memref_slice %arg9[%dma_wait3A_1514, %dma_wait3A_1515, %dma_wait3A_1516] : memref<3x8x4096xf32, #tpu.memory_space<vmem>> -> memref<1x8x4096xf32, #tpu.memory_space<vmem>>
    %dma_wait3A_1518 = tpu.memref_squeeze %dma_wait3A_1517 : memref<1x8x4096xf32, #tpu.memory_space<vmem>> -> memref<8x4096xf32, #tpu.memory_space<vmem>>
    %dma_wait3A_1519 = arith.constant 0 : i32
    %dma_wait3A_1520 = arith.constant 0 : i32
    %dma_wait3A_1521 = tpu.memref_slice %arg3[%dma_wait3A_1519, %dma_wait3A_1520] : memref<4096x4096xf32, #tpu.memory_space<hbm>> -> memref<8x4096xf32, #tpu.memory_space<hbm>>
    %dma_wait3A_1522 = arith.constant 0 : i32
    %dma_wait3A_1523 = arith.constant 0 : i32
    %dma_wait3A_1524 = tpu.memref_slice %arg9[%dma_wait3A_1514, %dma_wait3A_1522, %dma_wait3A_1523] : memref<3x8x4096xf32, #tpu.memory_space<vmem>> -> memref<1x8x4096xf32, #tpu.memory_space<vmem>>
    %dma_wait3A_1525 = tpu.memref_squeeze %dma_wait3A_1524 : memref<1x8x4096xf32, #tpu.memory_space<vmem>> -> memref<8x4096xf32, #tpu.memory_space<vmem>>
    %dma_wait3A_1526 = arith.constant 0 : i32
    %dma_wait3A_1527 = arith.constant 0 : i32
    %dma_wait3A_1528 = tpu.memref_slice %arg3[%dma_wait3A_1526, %dma_wait3A_1527] : memref<4096x4096xf32, #tpu.memory_space<hbm>> -> memref<8x4096xf32, #tpu.memory_space<hbm>>
    tpu.wait_dma2 semaphore(%arg13 : memref<!tpu.dma_semaphore, #tpu.memory_space<semaphore_mem>>) src(%dma_wait3A_1528 : memref<8x4096xf32, #tpu.memory_space<hbm>>) dst(%dma_wait3A_1525 : memref<8x4096xf32, #tpu.memory_space<vmem>>)
    %add3A_1529 = arith.constant 168 : i32
    %add3A_1530 = arith.addi %add3A_23, %add3A_1529 : i32
    %dma_start3A_1531 = arith.constant 0 : i32
    %dma_start3A_1532 = arith.constant 0 : i32
    %dma_start3A_1533 = arith.constant 0 : i32
    %dma_start3A_1534 = tpu.memref_slice %arg9[%dma_start3A_1531, %dma_start3A_1532, %dma_start3A_1533] : memref<3x8x4096xf32, #tpu.memory_space<vmem>> -> memref<1x8x4096xf32, #tpu.memory_space<vmem>>
    %dma_start3A_1535 = tpu.memref_squeeze %dma_start3A_1534 : memref<1x8x4096xf32, #tpu.memory_space<vmem>> -> memref<8x4096xf32, #tpu.memory_space<vmem>>
    %dma_start3A_1536 = arith.constant 0 : i32
    %dma_start3A_1537 = arith.constant 0 : i32
    %dma_start3A_1538 = tpu.memref_slice %arg7[%select_n3A, %dma_start3A_1536, %dma_start3A_1537] : memref<2x4106x4096xf32, #tpu.memory_space<hbm>> -> memref<1x4106x4096xf32, #tpu.memory_space<hbm>>
    %dma_start3A_1539 = tpu.memref_squeeze %dma_start3A_1538 : memref<1x4106x4096xf32, #tpu.memory_space<hbm>> -> memref<4106x4096xf32, #tpu.memory_space<hbm>>
    %dma_start3A_1540 = arith.constant 0 : i32
    %dma_start3A_1541 = tpu.memref_slice %dma_start3A_1539[%add3A_1530, %dma_start3A_1540] : memref<4106x4096xf32, #tpu.memory_space<hbm>> -> memref<8x4096xf32, #tpu.memory_space<hbm>>
    %dma_start3A_1542 = arith.constant 0 : i32
    %dma_start3A_1543 = arith.constant 0 : i32
    %dma_start3A_1544 = tpu.memref_slice %arg7[%select_n3A, %dma_start3A_1542, %dma_start3A_1543] : memref<2x4106x4096xf32, #tpu.memory_space<hbm>> -> memref<1x4106x4096xf32, #tpu.memory_space<hbm>>
    %dma_start3A_1545 = tpu.memref_squeeze %dma_start3A_1544 : memref<1x4106x4096xf32, #tpu.memory_space<hbm>> -> memref<4106x4096xf32, #tpu.memory_space<hbm>>
    %dma_start3A_1546 = arith.constant 0 : i32
    %dma_start3A_1547 = tpu.memref_slice %dma_start3A_1545[%add3A_1530, %dma_start3A_1546] : memref<4106x4096xf32, #tpu.memory_space<hbm>> -> memref<8x4096xf32, #tpu.memory_space<hbm>>
    %dma_start3A_1548 = arith.constant 0 : i32
    %dma_start3A_1549 = arith.constant 0 : i32
    %dma_start3A_1550 = tpu.memref_slice %arg9[%dma_start3A_1531, %dma_start3A_1548, %dma_start3A_1549] : memref<3x8x4096xf32, #tpu.memory_space<vmem>> -> memref<1x8x4096xf32, #tpu.memory_space<vmem>>
    %dma_start3A_1551 = tpu.memref_squeeze %dma_start3A_1550 : memref<1x8x4096xf32, #tpu.memory_space<vmem>> -> memref<8x4096xf32, #tpu.memory_space<vmem>>
    tpu.enqueue_dma source(%dma_start3A_1551 : memref<8x4096xf32, #tpu.memory_space<vmem>>) target(%dma_start3A_1547 : memref<8x4096xf32, #tpu.memory_space<hbm>>) target_semaphore(%arg16 : memref<!tpu.dma_semaphore, #tpu.memory_space<semaphore_mem>>)
    %dma_wait3A_1552 = arith.constant 2 : i32
    %dma_wait3A_1553 = arith.constant 0 : i32
    %dma_wait3A_1554 = arith.constant 0 : i32
    %dma_wait3A_1555 = tpu.memref_slice %arg9[%dma_wait3A_1552, %dma_wait3A_1553, %dma_wait3A_1554] : memref<3x8x4096xf32, #tpu.memory_space<vmem>> -> memref<1x8x4096xf32, #tpu.memory_space<vmem>>
    %dma_wait3A_1556 = tpu.memref_squeeze %dma_wait3A_1555 : memref<1x8x4096xf32, #tpu.memory_space<vmem>> -> memref<8x4096xf32, #tpu.memory_space<vmem>>
    %dma_wait3A_1557 = arith.constant 0 : i32
    %dma_wait3A_1558 = arith.constant 0 : i32
    %dma_wait3A_1559 = tpu.memref_slice %arg7[%select_n3A, %dma_wait3A_1557, %dma_wait3A_1558] : memref<2x4106x4096xf32, #tpu.memory_space<hbm>> -> memref<1x4106x4096xf32, #tpu.memory_space<hbm>>
    %dma_wait3A_1560 = tpu.memref_squeeze %dma_wait3A_1559 : memref<1x4106x4096xf32, #tpu.memory_space<hbm>> -> memref<4106x4096xf32, #tpu.memory_space<hbm>>
    %dma_wait3A_1561 = arith.constant 0 : i32
    %dma_wait3A_1562 = arith.constant 0 : i32
    %dma_wait3A_1563 = tpu.memref_slice %dma_wait3A_1560[%dma_wait3A_1561, %dma_wait3A_1562] : memref<4106x4096xf32, #tpu.memory_space<hbm>> -> memref<8x4096xf32, #tpu.memory_space<hbm>>
    %dma_wait3A_1564 = arith.constant 0 : i32
    %dma_wait3A_1565 = arith.constant 0 : i32
    %dma_wait3A_1566 = tpu.memref_slice %arg7[%select_n3A, %dma_wait3A_1564, %dma_wait3A_1565] : memref<2x4106x4096xf32, #tpu.memory_space<hbm>> -> memref<1x4106x4096xf32, #tpu.memory_space<hbm>>
    %dma_wait3A_1567 = tpu.memref_squeeze %dma_wait3A_1566 : memref<1x4106x4096xf32, #tpu.memory_space<hbm>> -> memref<4106x4096xf32, #tpu.memory_space<hbm>>
    %dma_wait3A_1568 = arith.constant 0 : i32
    %dma_wait3A_1569 = arith.constant 0 : i32
    %dma_wait3A_1570 = tpu.memref_slice %dma_wait3A_1567[%dma_wait3A_1568, %dma_wait3A_1569] : memref<4106x4096xf32, #tpu.memory_space<hbm>> -> memref<8x4096xf32, #tpu.memory_space<hbm>>
    %dma_wait3A_1571 = arith.constant 0 : i32
    %dma_wait3A_1572 = arith.constant 0 : i32
    %dma_wait3A_1573 = tpu.memref_slice %arg9[%dma_wait3A_1552, %dma_wait3A_1571, %dma_wait3A_1572] : memref<3x8x4096xf32, #tpu.memory_space<vmem>> -> memref<1x8x4096xf32, #tpu.memory_space<vmem>>
    %dma_wait3A_1574 = tpu.memref_squeeze %dma_wait3A_1573 : memref<1x8x4096xf32, #tpu.memory_space<vmem>> -> memref<8x4096xf32, #tpu.memory_space<vmem>>
    tpu.wait_dma2 semaphore(%arg18 : memref<!tpu.dma_semaphore, #tpu.memory_space<semaphore_mem>>) src(%dma_wait3A_1574 : memref<8x4096xf32, #tpu.memory_space<vmem>>) dst(%dma_wait3A_1570 : memref<8x4096xf32, #tpu.memory_space<hbm>>)
    %dma_start3A_1575 = arith.constant 2 : i32
    %dma_start3A_1576 = arith.constant 0 : i32
    %dma_start3A_1577 = arith.constant 0 : i32
    %dma_start3A_1578 = tpu.memref_slice %arg9[%dma_start3A_1575, %dma_start3A_1576, %dma_start3A_1577] : memref<3x8x4096xf32, #tpu.memory_space<vmem>> -> memref<1x8x4096xf32, #tpu.memory_space<vmem>>
    %dma_start3A_1579 = tpu.memref_squeeze %dma_start3A_1578 : memref<1x8x4096xf32, #tpu.memory_space<vmem>> -> memref<8x4096xf32, #tpu.memory_space<vmem>>
    %dma_start3A_1580 = arith.constant 184 : i32
    %dma_start3A_1581 = tpu.memref_slice %arg8[%dma_start3A_1580] : memref<256xi32, #tpu.memory_space<vmem>> -> memref<8xi32, #tpu.memory_space<vmem>>
    %dma_start3A_1582 = arith.constant 0 : i32
    %dma_start3A_1583 = arith.constant 0 : i32
    %dma_start3A_1584 = tpu.memref_slice %arg3[%dma_start3A_1582, %dma_start3A_1583] : memref<4096x4096xf32, #tpu.memory_space<hbm>> -> memref<4096x4096xf32, #tpu.memory_space<hbm>>
    tpu.enqueue_indirect_dma source(%dma_start3A_1584 : memref<4096x4096xf32, #tpu.memory_space<hbm>>) target(%dma_start3A_1579 : memref<8x4096xf32, #tpu.memory_space<vmem>>) offsets(%dma_start3A_1581 : memref<8xi32, #tpu.memory_space<vmem>>) semaphore(%arg15 : memref<!tpu.dma_semaphore, #tpu.memory_space<semaphore_mem>>)
    %dma_wait3A_1585 = arith.constant 1 : i32
    %dma_wait3A_1586 = arith.constant 0 : i32
    %dma_wait3A_1587 = arith.constant 0 : i32
    %dma_wait3A_1588 = tpu.memref_slice %arg9[%dma_wait3A_1585, %dma_wait3A_1586, %dma_wait3A_1587] : memref<3x8x4096xf32, #tpu.memory_space<vmem>> -> memref<1x8x4096xf32, #tpu.memory_space<vmem>>
    %dma_wait3A_1589 = tpu.memref_squeeze %dma_wait3A_1588 : memref<1x8x4096xf32, #tpu.memory_space<vmem>> -> memref<8x4096xf32, #tpu.memory_space<vmem>>
    %dma_wait3A_1590 = arith.constant 0 : i32
    %dma_wait3A_1591 = arith.constant 0 : i32
    %dma_wait3A_1592 = tpu.memref_slice %arg3[%dma_wait3A_1590, %dma_wait3A_1591] : memref<4096x4096xf32, #tpu.memory_space<hbm>> -> memref<8x4096xf32, #tpu.memory_space<hbm>>
    %dma_wait3A_1593 = arith.constant 0 : i32
    %dma_wait3A_1594 = arith.constant 0 : i32
    %dma_wait3A_1595 = tpu.memref_slice %arg9[%dma_wait3A_1585, %dma_wait3A_1593, %dma_wait3A_1594] : memref<3x8x4096xf32, #tpu.memory_space<vmem>> -> memref<1x8x4096xf32, #tpu.memory_space<vmem>>
    %dma_wait3A_1596 = tpu.memref_squeeze %dma_wait3A_1595 : memref<1x8x4096xf32, #tpu.memory_space<vmem>> -> memref<8x4096xf32, #tpu.memory_space<vmem>>
    %dma_wait3A_1597 = arith.constant 0 : i32
    %dma_wait3A_1598 = arith.constant 0 : i32
    %dma_wait3A_1599 = tpu.memref_slice %arg3[%dma_wait3A_1597, %dma_wait3A_1598] : memref<4096x4096xf32, #tpu.memory_space<hbm>> -> memref<8x4096xf32, #tpu.memory_space<hbm>>
    tpu.wait_dma2 semaphore(%arg14 : memref<!tpu.dma_semaphore, #tpu.memory_space<semaphore_mem>>) src(%dma_wait3A_1599 : memref<8x4096xf32, #tpu.memory_space<hbm>>) dst(%dma_wait3A_1596 : memref<8x4096xf32, #tpu.memory_space<vmem>>)
    %add3A_1600 = arith.constant 176 : i32
    %add3A_1601 = arith.addi %add3A_23, %add3A_1600 : i32
    %dma_start3A_1602 = arith.constant 1 : i32
    %dma_start3A_1603 = arith.constant 0 : i32
    %dma_start3A_1604 = arith.constant 0 : i32
    %dma_start3A_1605 = tpu.memref_slice %arg9[%dma_start3A_1602, %dma_start3A_1603, %dma_start3A_1604] : memref<3x8x4096xf32, #tpu.memory_space<vmem>> -> memref<1x8x4096xf32, #tpu.memory_space<vmem>>
    %dma_start3A_1606 = tpu.memref_squeeze %dma_start3A_1605 : memref<1x8x4096xf32, #tpu.memory_space<vmem>> -> memref<8x4096xf32, #tpu.memory_space<vmem>>
    %dma_start3A_1607 = arith.constant 0 : i32
    %dma_start3A_1608 = arith.constant 0 : i32
    %dma_start3A_1609 = tpu.memref_slice %arg7[%select_n3A, %dma_start3A_1607, %dma_start3A_1608] : memref<2x4106x4096xf32, #tpu.memory_space<hbm>> -> memref<1x4106x4096xf32, #tpu.memory_space<hbm>>
    %dma_start3A_1610 = tpu.memref_squeeze %dma_start3A_1609 : memref<1x4106x4096xf32, #tpu.memory_space<hbm>> -> memref<4106x4096xf32, #tpu.memory_space<hbm>>
    %dma_start3A_1611 = arith.constant 0 : i32
    %dma_start3A_1612 = tpu.memref_slice %dma_start3A_1610[%add3A_1601, %dma_start3A_1611] : memref<4106x4096xf32, #tpu.memory_space<hbm>> -> memref<8x4096xf32, #tpu.memory_space<hbm>>
    %dma_start3A_1613 = arith.constant 0 : i32
    %dma_start3A_1614 = arith.constant 0 : i32
    %dma_start3A_1615 = tpu.memref_slice %arg7[%select_n3A, %dma_start3A_1613, %dma_start3A_1614] : memref<2x4106x4096xf32, #tpu.memory_space<hbm>> -> memref<1x4106x4096xf32, #tpu.memory_space<hbm>>
    %dma_start3A_1616 = tpu.memref_squeeze %dma_start3A_1615 : memref<1x4106x4096xf32, #tpu.memory_space<hbm>> -> memref<4106x4096xf32, #tpu.memory_space<hbm>>
    %dma_start3A_1617 = arith.constant 0 : i32
    %dma_start3A_1618 = tpu.memref_slice %dma_start3A_1616[%add3A_1601, %dma_start3A_1617] : memref<4106x4096xf32, #tpu.memory_space<hbm>> -> memref<8x4096xf32, #tpu.memory_space<hbm>>
    %dma_start3A_1619 = arith.constant 0 : i32
    %dma_start3A_1620 = arith.constant 0 : i32
    %dma_start3A_1621 = tpu.memref_slice %arg9[%dma_start3A_1602, %dma_start3A_1619, %dma_start3A_1620] : memref<3x8x4096xf32, #tpu.memory_space<vmem>> -> memref<1x8x4096xf32, #tpu.memory_space<vmem>>
    %dma_start3A_1622 = tpu.memref_squeeze %dma_start3A_1621 : memref<1x8x4096xf32, #tpu.memory_space<vmem>> -> memref<8x4096xf32, #tpu.memory_space<vmem>>
    tpu.enqueue_dma source(%dma_start3A_1622 : memref<8x4096xf32, #tpu.memory_space<vmem>>) target(%dma_start3A_1618 : memref<8x4096xf32, #tpu.memory_space<hbm>>) target_semaphore(%arg17 : memref<!tpu.dma_semaphore, #tpu.memory_space<semaphore_mem>>)
    %dma_wait3A_1623 = arith.constant 0 : i32
    %dma_wait3A_1624 = arith.constant 0 : i32
    %dma_wait3A_1625 = arith.constant 0 : i32
    %dma_wait3A_1626 = tpu.memref_slice %arg9[%dma_wait3A_1623, %dma_wait3A_1624, %dma_wait3A_1625] : memref<3x8x4096xf32, #tpu.memory_space<vmem>> -> memref<1x8x4096xf32, #tpu.memory_space<vmem>>
    %dma_wait3A_1627 = tpu.memref_squeeze %dma_wait3A_1626 : memref<1x8x4096xf32, #tpu.memory_space<vmem>> -> memref<8x4096xf32, #tpu.memory_space<vmem>>
    %dma_wait3A_1628 = arith.constant 0 : i32
    %dma_wait3A_1629 = arith.constant 0 : i32
    %dma_wait3A_1630 = tpu.memref_slice %arg7[%select_n3A, %dma_wait3A_1628, %dma_wait3A_1629] : memref<2x4106x4096xf32, #tpu.memory_space<hbm>> -> memref<1x4106x4096xf32, #tpu.memory_space<hbm>>
    %dma_wait3A_1631 = tpu.memref_squeeze %dma_wait3A_1630 : memref<1x4106x4096xf32, #tpu.memory_space<hbm>> -> memref<4106x4096xf32, #tpu.memory_space<hbm>>
    %dma_wait3A_1632 = arith.constant 0 : i32
    %dma_wait3A_1633 = arith.constant 0 : i32
    %dma_wait3A_1634 = tpu.memref_slice %dma_wait3A_1631[%dma_wait3A_1632, %dma_wait3A_1633] : memref<4106x4096xf32, #tpu.memory_space<hbm>> -> memref<8x4096xf32, #tpu.memory_space<hbm>>
    %dma_wait3A_1635 = arith.constant 0 : i32
    %dma_wait3A_1636 = arith.constant 0 : i32
    %dma_wait3A_1637 = tpu.memref_slice %arg7[%select_n3A, %dma_wait3A_1635, %dma_wait3A_1636] : memref<2x4106x4096xf32, #tpu.memory_space<hbm>> -> memref<1x4106x4096xf32, #tpu.memory_space<hbm>>
    %dma_wait3A_1638 = tpu.memref_squeeze %dma_wait3A_1637 : memref<1x4106x4096xf32, #tpu.memory_space<hbm>> -> memref<4106x4096xf32, #tpu.memory_space<hbm>>
    %dma_wait3A_1639 = arith.constant 0 : i32
    %dma_wait3A_1640 = arith.constant 0 : i32
    %dma_wait3A_1641 = tpu.memref_slice %dma_wait3A_1638[%dma_wait3A_1639, %dma_wait3A_1640] : memref<4106x4096xf32, #tpu.memory_space<hbm>> -> memref<8x4096xf32, #tpu.memory_space<hbm>>
    %dma_wait3A_1642 = arith.constant 0 : i32
    %dma_wait3A_1643 = arith.constant 0 : i32
    %dma_wait3A_1644 = tpu.memref_slice %arg9[%dma_wait3A_1623, %dma_wait3A_1642, %dma_wait3A_1643] : memref<3x8x4096xf32, #tpu.memory_space<vmem>> -> memref<1x8x4096xf32, #tpu.memory_space<vmem>>
    %dma_wait3A_1645 = tpu.memref_squeeze %dma_wait3A_1644 : memref<1x8x4096xf32, #tpu.memory_space<vmem>> -> memref<8x4096xf32, #tpu.memory_space<vmem>>
    tpu.wait_dma2 semaphore(%arg16 : memref<!tpu.dma_semaphore, #tpu.memory_space<semaphore_mem>>) src(%dma_wait3A_1645 : memref<8x4096xf32, #tpu.memory_space<vmem>>) dst(%dma_wait3A_1641 : memref<8x4096xf32, #tpu.memory_space<hbm>>)
    %dma_start3A_1646 = arith.constant 0 : i32
    %dma_start3A_1647 = arith.constant 0 : i32
    %dma_start3A_1648 = arith.constant 0 : i32
    %dma_start3A_1649 = tpu.memref_slice %arg9[%dma_start3A_1646, %dma_start3A_1647, %dma_start3A_1648] : memref<3x8x4096xf32, #tpu.memory_space<vmem>> -> memref<1x8x4096xf32, #tpu.memory_space<vmem>>
    %dma_start3A_1650 = tpu.memref_squeeze %dma_start3A_1649 : memref<1x8x4096xf32, #tpu.memory_space<vmem>> -> memref<8x4096xf32, #tpu.memory_space<vmem>>
    %dma_start3A_1651 = arith.constant 192 : i32
    %dma_start3A_1652 = tpu.memref_slice %arg8[%dma_start3A_1651] : memref<256xi32, #tpu.memory_space<vmem>> -> memref<8xi32, #tpu.memory_space<vmem>>
    %dma_start3A_1653 = arith.constant 0 : i32
    %dma_start3A_1654 = arith.constant 0 : i32
    %dma_start3A_1655 = tpu.memref_slice %arg3[%dma_start3A_1653, %dma_start3A_1654] : memref<4096x4096xf32, #tpu.memory_space<hbm>> -> memref<4096x4096xf32, #tpu.memory_space<hbm>>
    tpu.enqueue_indirect_dma source(%dma_start3A_1655 : memref<4096x4096xf32, #tpu.memory_space<hbm>>) target(%dma_start3A_1650 : memref<8x4096xf32, #tpu.memory_space<vmem>>) offsets(%dma_start3A_1652 : memref<8xi32, #tpu.memory_space<vmem>>) semaphore(%arg13 : memref<!tpu.dma_semaphore, #tpu.memory_space<semaphore_mem>>)
    %dma_wait3A_1656 = arith.constant 2 : i32
    %dma_wait3A_1657 = arith.constant 0 : i32
    %dma_wait3A_1658 = arith.constant 0 : i32
    %dma_wait3A_1659 = tpu.memref_slice %arg9[%dma_wait3A_1656, %dma_wait3A_1657, %dma_wait3A_1658] : memref<3x8x4096xf32, #tpu.memory_space<vmem>> -> memref<1x8x4096xf32, #tpu.memory_space<vmem>>
    %dma_wait3A_1660 = tpu.memref_squeeze %dma_wait3A_1659 : memref<1x8x4096xf32, #tpu.memory_space<vmem>> -> memref<8x4096xf32, #tpu.memory_space<vmem>>
    %dma_wait3A_1661 = arith.constant 0 : i32
    %dma_wait3A_1662 = arith.constant 0 : i32
    %dma_wait3A_1663 = tpu.memref_slice %arg3[%dma_wait3A_1661, %dma_wait3A_1662] : memref<4096x4096xf32, #tpu.memory_space<hbm>> -> memref<8x4096xf32, #tpu.memory_space<hbm>>
    %dma_wait3A_1664 = arith.constant 0 : i32
    %dma_wait3A_1665 = arith.constant 0 : i32
    %dma_wait3A_1666 = tpu.memref_slice %arg9[%dma_wait3A_1656, %dma_wait3A_1664, %dma_wait3A_1665] : memref<3x8x4096xf32, #tpu.memory_space<vmem>> -> memref<1x8x4096xf32, #tpu.memory_space<vmem>>
    %dma_wait3A_1667 = tpu.memref_squeeze %dma_wait3A_1666 : memref<1x8x4096xf32, #tpu.memory_space<vmem>> -> memref<8x4096xf32, #tpu.memory_space<vmem>>
    %dma_wait3A_1668 = arith.constant 0 : i32
    %dma_wait3A_1669 = arith.constant 0 : i32
    %dma_wait3A_1670 = tpu.memref_slice %arg3[%dma_wait3A_1668, %dma_wait3A_1669] : memref<4096x4096xf32, #tpu.memory_space<hbm>> -> memref<8x4096xf32, #tpu.memory_space<hbm>>
    tpu.wait_dma2 semaphore(%arg15 : memref<!tpu.dma_semaphore, #tpu.memory_space<semaphore_mem>>) src(%dma_wait3A_1670 : memref<8x4096xf32, #tpu.memory_space<hbm>>) dst(%dma_wait3A_1667 : memref<8x4096xf32, #tpu.memory_space<vmem>>)
    %add3A_1671 = arith.constant 184 : i32
    %add3A_1672 = arith.addi %add3A_23, %add3A_1671 : i32
    %dma_start3A_1673 = arith.constant 2 : i32
    %dma_start3A_1674 = arith.constant 0 : i32
    %dma_start3A_1675 = arith.constant 0 : i32
    %dma_start3A_1676 = tpu.memref_slice %arg9[%dma_start3A_1673, %dma_start3A_1674, %dma_start3A_1675] : memref<3x8x4096xf32, #tpu.memory_space<vmem>> -> memref<1x8x4096xf32, #tpu.memory_space<vmem>>
    %dma_start3A_1677 = tpu.memref_squeeze %dma_start3A_1676 : memref<1x8x4096xf32, #tpu.memory_space<vmem>> -> memref<8x4096xf32, #tpu.memory_space<vmem>>
    %dma_start3A_1678 = arith.constant 0 : i32
    %dma_start3A_1679 = arith.constant 0 : i32
    %dma_start3A_1680 = tpu.memref_slice %arg7[%select_n3A, %dma_start3A_1678, %dma_start3A_1679] : memref<2x4106x4096xf32, #tpu.memory_space<hbm>> -> memref<1x4106x4096xf32, #tpu.memory_space<hbm>>
    %dma_start3A_1681 = tpu.memref_squeeze %dma_start3A_1680 : memref<1x4106x4096xf32, #tpu.memory_space<hbm>> -> memref<4106x4096xf32, #tpu.memory_space<hbm>>
    %dma_start3A_1682 = arith.constant 0 : i32
    %dma_start3A_1683 = tpu.memref_slice %dma_start3A_1681[%add3A_1672, %dma_start3A_1682] : memref<4106x4096xf32, #tpu.memory_space<hbm>> -> memref<8x4096xf32, #tpu.memory_space<hbm>>
    %dma_start3A_1684 = arith.constant 0 : i32
    %dma_start3A_1685 = arith.constant 0 : i32
    %dma_start3A_1686 = tpu.memref_slice %arg7[%select_n3A, %dma_start3A_1684, %dma_start3A_1685] : memref<2x4106x4096xf32, #tpu.memory_space<hbm>> -> memref<1x4106x4096xf32, #tpu.memory_space<hbm>>
    %dma_start3A_1687 = tpu.memref_squeeze %dma_start3A_1686 : memref<1x4106x4096xf32, #tpu.memory_space<hbm>> -> memref<4106x4096xf32, #tpu.memory_space<hbm>>
    %dma_start3A_1688 = arith.constant 0 : i32
    %dma_start3A_1689 = tpu.memref_slice %dma_start3A_1687[%add3A_1672, %dma_start3A_1688] : memref<4106x4096xf32, #tpu.memory_space<hbm>> -> memref<8x4096xf32, #tpu.memory_space<hbm>>
    %dma_start3A_1690 = arith.constant 0 : i32
    %dma_start3A_1691 = arith.constant 0 : i32
    %dma_start3A_1692 = tpu.memref_slice %arg9[%dma_start3A_1673, %dma_start3A_1690, %dma_start3A_1691] : memref<3x8x4096xf32, #tpu.memory_space<vmem>> -> memref<1x8x4096xf32, #tpu.memory_space<vmem>>
    %dma_start3A_1693 = tpu.memref_squeeze %dma_start3A_1692 : memref<1x8x4096xf32, #tpu.memory_space<vmem>> -> memref<8x4096xf32, #tpu.memory_space<vmem>>
    tpu.enqueue_dma source(%dma_start3A_1693 : memref<8x4096xf32, #tpu.memory_space<vmem>>) target(%dma_start3A_1689 : memref<8x4096xf32, #tpu.memory_space<hbm>>) target_semaphore(%arg18 : memref<!tpu.dma_semaphore, #tpu.memory_space<semaphore_mem>>)
    %dma_wait3A_1694 = arith.constant 1 : i32
    %dma_wait3A_1695 = arith.constant 0 : i32
    %dma_wait3A_1696 = arith.constant 0 : i32
    %dma_wait3A_1697 = tpu.memref_slice %arg9[%dma_wait3A_1694, %dma_wait3A_1695, %dma_wait3A_1696] : memref<3x8x4096xf32, #tpu.memory_space<vmem>> -> memref<1x8x4096xf32, #tpu.memory_space<vmem>>
    %dma_wait3A_1698 = tpu.memref_squeeze %dma_wait3A_1697 : memref<1x8x4096xf32, #tpu.memory_space<vmem>> -> memref<8x4096xf32, #tpu.memory_space<vmem>>
    %dma_wait3A_1699 = arith.constant 0 : i32
    %dma_wait3A_1700 = arith.constant 0 : i32
    %dma_wait3A_1701 = tpu.memref_slice %arg7[%select_n3A, %dma_wait3A_1699, %dma_wait3A_1700] : memref<2x4106x4096xf32, #tpu.memory_space<hbm>> -> memref<1x4106x4096xf32, #tpu.memory_space<hbm>>
    %dma_wait3A_1702 = tpu.memref_squeeze %dma_wait3A_1701 : memref<1x4106x4096xf32, #tpu.memory_space<hbm>> -> memref<4106x4096xf32, #tpu.memory_space<hbm>>
    %dma_wait3A_1703 = arith.constant 0 : i32
    %dma_wait3A_1704 = arith.constant 0 : i32
    %dma_wait3A_1705 = tpu.memref_slice %dma_wait3A_1702[%dma_wait3A_1703, %dma_wait3A_1704] : memref<4106x4096xf32, #tpu.memory_space<hbm>> -> memref<8x4096xf32, #tpu.memory_space<hbm>>
    %dma_wait3A_1706 = arith.constant 0 : i32
    %dma_wait3A_1707 = arith.constant 0 : i32
    %dma_wait3A_1708 = tpu.memref_slice %arg7[%select_n3A, %dma_wait3A_1706, %dma_wait3A_1707] : memref<2x4106x4096xf32, #tpu.memory_space<hbm>> -> memref<1x4106x4096xf32, #tpu.memory_space<hbm>>
    %dma_wait3A_1709 = tpu.memref_squeeze %dma_wait3A_1708 : memref<1x4106x4096xf32, #tpu.memory_space<hbm>> -> memref<4106x4096xf32, #tpu.memory_space<hbm>>
    %dma_wait3A_1710 = arith.constant 0 : i32
    %dma_wait3A_1711 = arith.constant 0 : i32
    %dma_wait3A_1712 = tpu.memref_slice %dma_wait3A_1709[%dma_wait3A_1710, %dma_wait3A_1711] : memref<4106x4096xf32, #tpu.memory_space<hbm>> -> memref<8x4096xf32, #tpu.memory_space<hbm>>
    %dma_wait3A_1713 = arith.constant 0 : i32
    %dma_wait3A_1714 = arith.constant 0 : i32
    %dma_wait3A_1715 = tpu.memref_slice %arg9[%dma_wait3A_1694, %dma_wait3A_1713, %dma_wait3A_1714] : memref<3x8x4096xf32, #tpu.memory_space<vmem>> -> memref<1x8x4096xf32, #tpu.memory_space<vmem>>
    %dma_wait3A_1716 = tpu.memref_squeeze %dma_wait3A_1715 : memref<1x8x4096xf32, #tpu.memory_space<vmem>> -> memref<8x4096xf32, #tpu.memory_space<vmem>>
    tpu.wait_dma2 semaphore(%arg17 : memref<!tpu.dma_semaphore, #tpu.memory_space<semaphore_mem>>) src(%dma_wait3A_1716 : memref<8x4096xf32, #tpu.memory_space<vmem>>) dst(%dma_wait3A_1712 : memref<8x4096xf32, #tpu.memory_space<hbm>>)
    %dma_start3A_1717 = arith.constant 1 : i32
    %dma_start3A_1718 = arith.constant 0 : i32
    %dma_start3A_1719 = arith.constant 0 : i32
    %dma_start3A_1720 = tpu.memref_slice %arg9[%dma_start3A_1717, %dma_start3A_1718, %dma_start3A_1719] : memref<3x8x4096xf32, #tpu.memory_space<vmem>> -> memref<1x8x4096xf32, #tpu.memory_space<vmem>>
    %dma_start3A_1721 = tpu.memref_squeeze %dma_start3A_1720 : memref<1x8x4096xf32, #tpu.memory_space<vmem>> -> memref<8x4096xf32, #tpu.memory_space<vmem>>
    %dma_start3A_1722 = arith.constant 200 : i32
    %dma_start3A_1723 = tpu.memref_slice %arg8[%dma_start3A_1722] : memref<256xi32, #tpu.memory_space<vmem>> -> memref<8xi32, #tpu.memory_space<vmem>>
    %dma_start3A_1724 = arith.constant 0 : i32
    %dma_start3A_1725 = arith.constant 0 : i32
    %dma_start3A_1726 = tpu.memref_slice %arg3[%dma_start3A_1724, %dma_start3A_1725] : memref<4096x4096xf32, #tpu.memory_space<hbm>> -> memref<4096x4096xf32, #tpu.memory_space<hbm>>
    tpu.enqueue_indirect_dma source(%dma_start3A_1726 : memref<4096x4096xf32, #tpu.memory_space<hbm>>) target(%dma_start3A_1721 : memref<8x4096xf32, #tpu.memory_space<vmem>>) offsets(%dma_start3A_1723 : memref<8xi32, #tpu.memory_space<vmem>>) semaphore(%arg14 : memref<!tpu.dma_semaphore, #tpu.memory_space<semaphore_mem>>)
    %dma_wait3A_1727 = arith.constant 0 : i32
    %dma_wait3A_1728 = arith.constant 0 : i32
    %dma_wait3A_1729 = arith.constant 0 : i32
    %dma_wait3A_1730 = tpu.memref_slice %arg9[%dma_wait3A_1727, %dma_wait3A_1728, %dma_wait3A_1729] : memref<3x8x4096xf32, #tpu.memory_space<vmem>> -> memref<1x8x4096xf32, #tpu.memory_space<vmem>>
    %dma_wait3A_1731 = tpu.memref_squeeze %dma_wait3A_1730 : memref<1x8x4096xf32, #tpu.memory_space<vmem>> -> memref<8x4096xf32, #tpu.memory_space<vmem>>
    %dma_wait3A_1732 = arith.constant 0 : i32
    %dma_wait3A_1733 = arith.constant 0 : i32
    %dma_wait3A_1734 = tpu.memref_slice %arg3[%dma_wait3A_1732, %dma_wait3A_1733] : memref<4096x4096xf32, #tpu.memory_space<hbm>> -> memref<8x4096xf32, #tpu.memory_space<hbm>>
    %dma_wait3A_1735 = arith.constant 0 : i32
    %dma_wait3A_1736 = arith.constant 0 : i32
    %dma_wait3A_1737 = tpu.memref_slice %arg9[%dma_wait3A_1727, %dma_wait3A_1735, %dma_wait3A_1736] : memref<3x8x4096xf32, #tpu.memory_space<vmem>> -> memref<1x8x4096xf32, #tpu.memory_space<vmem>>
    %dma_wait3A_1738 = tpu.memref_squeeze %dma_wait3A_1737 : memref<1x8x4096xf32, #tpu.memory_space<vmem>> -> memref<8x4096xf32, #tpu.memory_space<vmem>>
    %dma_wait3A_1739 = arith.constant 0 : i32
    %dma_wait3A_1740 = arith.constant 0 : i32
    %dma_wait3A_1741 = tpu.memref_slice %arg3[%dma_wait3A_1739, %dma_wait3A_1740] : memref<4096x4096xf32, #tpu.memory_space<hbm>> -> memref<8x4096xf32, #tpu.memory_space<hbm>>
    tpu.wait_dma2 semaphore(%arg13 : memref<!tpu.dma_semaphore, #tpu.memory_space<semaphore_mem>>) src(%dma_wait3A_1741 : memref<8x4096xf32, #tpu.memory_space<hbm>>) dst(%dma_wait3A_1738 : memref<8x4096xf32, #tpu.memory_space<vmem>>)
    %add3A_1742 = arith.constant 192 : i32
    %add3A_1743 = arith.addi %add3A_23, %add3A_1742 : i32
    %dma_start3A_1744 = arith.constant 0 : i32
    %dma_start3A_1745 = arith.constant 0 : i32
    %dma_start3A_1746 = arith.constant 0 : i32
    %dma_start3A_1747 = tpu.memref_slice %arg9[%dma_start3A_1744, %dma_start3A_1745, %dma_start3A_1746] : memref<3x8x4096xf32, #tpu.memory_space<vmem>> -> memref<1x8x4096xf32, #tpu.memory_space<vmem>>
    %dma_start3A_1748 = tpu.memref_squeeze %dma_start3A_1747 : memref<1x8x4096xf32, #tpu.memory_space<vmem>> -> memref<8x4096xf32, #tpu.memory_space<vmem>>
    %dma_start3A_1749 = arith.constant 0 : i32
    %dma_start3A_1750 = arith.constant 0 : i32
    %dma_start3A_1751 = tpu.memref_slice %arg7[%select_n3A, %dma_start3A_1749, %dma_start3A_1750] : memref<2x4106x4096xf32, #tpu.memory_space<hbm>> -> memref<1x4106x4096xf32, #tpu.memory_space<hbm>>
    %dma_start3A_1752 = tpu.memref_squeeze %dma_start3A_1751 : memref<1x4106x4096xf32, #tpu.memory_space<hbm>> -> memref<4106x4096xf32, #tpu.memory_space<hbm>>
    %dma_start3A_1753 = arith.constant 0 : i32
    %dma_start3A_1754 = tpu.memref_slice %dma_start3A_1752[%add3A_1743, %dma_start3A_1753] : memref<4106x4096xf32, #tpu.memory_space<hbm>> -> memref<8x4096xf32, #tpu.memory_space<hbm>>
    %dma_start3A_1755 = arith.constant 0 : i32
    %dma_start3A_1756 = arith.constant 0 : i32
    %dma_start3A_1757 = tpu.memref_slice %arg7[%select_n3A, %dma_start3A_1755, %dma_start3A_1756] : memref<2x4106x4096xf32, #tpu.memory_space<hbm>> -> memref<1x4106x4096xf32, #tpu.memory_space<hbm>>
    %dma_start3A_1758 = tpu.memref_squeeze %dma_start3A_1757 : memref<1x4106x4096xf32, #tpu.memory_space<hbm>> -> memref<4106x4096xf32, #tpu.memory_space<hbm>>
    %dma_start3A_1759 = arith.constant 0 : i32
    %dma_start3A_1760 = tpu.memref_slice %dma_start3A_1758[%add3A_1743, %dma_start3A_1759] : memref<4106x4096xf32, #tpu.memory_space<hbm>> -> memref<8x4096xf32, #tpu.memory_space<hbm>>
    %dma_start3A_1761 = arith.constant 0 : i32
    %dma_start3A_1762 = arith.constant 0 : i32
    %dma_start3A_1763 = tpu.memref_slice %arg9[%dma_start3A_1744, %dma_start3A_1761, %dma_start3A_1762] : memref<3x8x4096xf32, #tpu.memory_space<vmem>> -> memref<1x8x4096xf32, #tpu.memory_space<vmem>>
    %dma_start3A_1764 = tpu.memref_squeeze %dma_start3A_1763 : memref<1x8x4096xf32, #tpu.memory_space<vmem>> -> memref<8x4096xf32, #tpu.memory_space<vmem>>
    tpu.enqueue_dma source(%dma_start3A_1764 : memref<8x4096xf32, #tpu.memory_space<vmem>>) target(%dma_start3A_1760 : memref<8x4096xf32, #tpu.memory_space<hbm>>) target_semaphore(%arg16 : memref<!tpu.dma_semaphore, #tpu.memory_space<semaphore_mem>>)
    %dma_wait3A_1765 = arith.constant 2 : i32
    %dma_wait3A_1766 = arith.constant 0 : i32
    %dma_wait3A_1767 = arith.constant 0 : i32
    %dma_wait3A_1768 = tpu.memref_slice %arg9[%dma_wait3A_1765, %dma_wait3A_1766, %dma_wait3A_1767] : memref<3x8x4096xf32, #tpu.memory_space<vmem>> -> memref<1x8x4096xf32, #tpu.memory_space<vmem>>
    %dma_wait3A_1769 = tpu.memref_squeeze %dma_wait3A_1768 : memref<1x8x4096xf32, #tpu.memory_space<vmem>> -> memref<8x4096xf32, #tpu.memory_space<vmem>>
    %dma_wait3A_1770 = arith.constant 0 : i32
    %dma_wait3A_1771 = arith.constant 0 : i32
    %dma_wait3A_1772 = tpu.memref_slice %arg7[%select_n3A, %dma_wait3A_1770, %dma_wait3A_1771] : memref<2x4106x4096xf32, #tpu.memory_space<hbm>> -> memref<1x4106x4096xf32, #tpu.memory_space<hbm>>
    %dma_wait3A_1773 = tpu.memref_squeeze %dma_wait3A_1772 : memref<1x4106x4096xf32, #tpu.memory_space<hbm>> -> memref<4106x4096xf32, #tpu.memory_space<hbm>>
    %dma_wait3A_1774 = arith.constant 0 : i32
    %dma_wait3A_1775 = arith.constant 0 : i32
    %dma_wait3A_1776 = tpu.memref_slice %dma_wait3A_1773[%dma_wait3A_1774, %dma_wait3A_1775] : memref<4106x4096xf32, #tpu.memory_space<hbm>> -> memref<8x4096xf32, #tpu.memory_space<hbm>>
    %dma_wait3A_1777 = arith.constant 0 : i32
    %dma_wait3A_1778 = arith.constant 0 : i32
    %dma_wait3A_1779 = tpu.memref_slice %arg7[%select_n3A, %dma_wait3A_1777, %dma_wait3A_1778] : memref<2x4106x4096xf32, #tpu.memory_space<hbm>> -> memref<1x4106x4096xf32, #tpu.memory_space<hbm>>
    %dma_wait3A_1780 = tpu.memref_squeeze %dma_wait3A_1779 : memref<1x4106x4096xf32, #tpu.memory_space<hbm>> -> memref<4106x4096xf32, #tpu.memory_space<hbm>>
    %dma_wait3A_1781 = arith.constant 0 : i32
    %dma_wait3A_1782 = arith.constant 0 : i32
    %dma_wait3A_1783 = tpu.memref_slice %dma_wait3A_1780[%dma_wait3A_1781, %dma_wait3A_1782] : memref<4106x4096xf32, #tpu.memory_space<hbm>> -> memref<8x4096xf32, #tpu.memory_space<hbm>>
    %dma_wait3A_1784 = arith.constant 0 : i32
    %dma_wait3A_1785 = arith.constant 0 : i32
    %dma_wait3A_1786 = tpu.memref_slice %arg9[%dma_wait3A_1765, %dma_wait3A_1784, %dma_wait3A_1785] : memref<3x8x4096xf32, #tpu.memory_space<vmem>> -> memref<1x8x4096xf32, #tpu.memory_space<vmem>>
    %dma_wait3A_1787 = tpu.memref_squeeze %dma_wait3A_1786 : memref<1x8x4096xf32, #tpu.memory_space<vmem>> -> memref<8x4096xf32, #tpu.memory_space<vmem>>
    tpu.wait_dma2 semaphore(%arg18 : memref<!tpu.dma_semaphore, #tpu.memory_space<semaphore_mem>>) src(%dma_wait3A_1787 : memref<8x4096xf32, #tpu.memory_space<vmem>>) dst(%dma_wait3A_1783 : memref<8x4096xf32, #tpu.memory_space<hbm>>)
    %dma_start3A_1788 = arith.constant 2 : i32
    %dma_start3A_1789 = arith.constant 0 : i32
    %dma_start3A_1790 = arith.constant 0 : i32
    %dma_start3A_1791 = tpu.memref_slice %arg9[%dma_start3A_1788, %dma_start3A_1789, %dma_start3A_1790] : memref<3x8x4096xf32, #tpu.memory_space<vmem>> -> memref<1x8x4096xf32, #tpu.memory_space<vmem>>
    %dma_start3A_1792 = tpu.memref_squeeze %dma_start3A_1791 : memref<1x8x4096xf32, #tpu.memory_space<vmem>> -> memref<8x4096xf32, #tpu.memory_space<vmem>>
    %dma_start3A_1793 = arith.constant 208 : i32
    %dma_start3A_1794 = tpu.memref_slice %arg8[%dma_start3A_1793] : memref<256xi32, #tpu.memory_space<vmem>> -> memref<8xi32, #tpu.memory_space<vmem>>
    %dma_start3A_1795 = arith.constant 0 : i32
    %dma_start3A_1796 = arith.constant 0 : i32
    %dma_start3A_1797 = tpu.memref_slice %arg3[%dma_start3A_1795, %dma_start3A_1796] : memref<4096x4096xf32, #tpu.memory_space<hbm>> -> memref<4096x4096xf32, #tpu.memory_space<hbm>>
    tpu.enqueue_indirect_dma source(%dma_start3A_1797 : memref<4096x4096xf32, #tpu.memory_space<hbm>>) target(%dma_start3A_1792 : memref<8x4096xf32, #tpu.memory_space<vmem>>) offsets(%dma_start3A_1794 : memref<8xi32, #tpu.memory_space<vmem>>) semaphore(%arg15 : memref<!tpu.dma_semaphore, #tpu.memory_space<semaphore_mem>>)
    %dma_wait3A_1798 = arith.constant 1 : i32
    %dma_wait3A_1799 = arith.constant 0 : i32
    %dma_wait3A_1800 = arith.constant 0 : i32
    %dma_wait3A_1801 = tpu.memref_slice %arg9[%dma_wait3A_1798, %dma_wait3A_1799, %dma_wait3A_1800] : memref<3x8x4096xf32, #tpu.memory_space<vmem>> -> memref<1x8x4096xf32, #tpu.memory_space<vmem>>
    %dma_wait3A_1802 = tpu.memref_squeeze %dma_wait3A_1801 : memref<1x8x4096xf32, #tpu.memory_space<vmem>> -> memref<8x4096xf32, #tpu.memory_space<vmem>>
    %dma_wait3A_1803 = arith.constant 0 : i32
    %dma_wait3A_1804 = arith.constant 0 : i32
    %dma_wait3A_1805 = tpu.memref_slice %arg3[%dma_wait3A_1803, %dma_wait3A_1804] : memref<4096x4096xf32, #tpu.memory_space<hbm>> -> memref<8x4096xf32, #tpu.memory_space<hbm>>
    %dma_wait3A_1806 = arith.constant 0 : i32
    %dma_wait3A_1807 = arith.constant 0 : i32
    %dma_wait3A_1808 = tpu.memref_slice %arg9[%dma_wait3A_1798, %dma_wait3A_1806, %dma_wait3A_1807] : memref<3x8x4096xf32, #tpu.memory_space<vmem>> -> memref<1x8x4096xf32, #tpu.memory_space<vmem>>
    %dma_wait3A_1809 = tpu.memref_squeeze %dma_wait3A_1808 : memref<1x8x4096xf32, #tpu.memory_space<vmem>> -> memref<8x4096xf32, #tpu.memory_space<vmem>>
    %dma_wait3A_1810 = arith.constant 0 : i32
    %dma_wait3A_1811 = arith.constant 0 : i32
    %dma_wait3A_1812 = tpu.memref_slice %arg3[%dma_wait3A_1810, %dma_wait3A_1811] : memref<4096x4096xf32, #tpu.memory_space<hbm>> -> memref<8x4096xf32, #tpu.memory_space<hbm>>
    tpu.wait_dma2 semaphore(%arg14 : memref<!tpu.dma_semaphore, #tpu.memory_space<semaphore_mem>>) src(%dma_wait3A_1812 : memref<8x4096xf32, #tpu.memory_space<hbm>>) dst(%dma_wait3A_1809 : memref<8x4096xf32, #tpu.memory_space<vmem>>)
    %add3A_1813 = arith.constant 200 : i32
    %add3A_1814 = arith.addi %add3A_23, %add3A_1813 : i32
    %dma_start3A_1815 = arith.constant 1 : i32
    %dma_start3A_1816 = arith.constant 0 : i32
    %dma_start3A_1817 = arith.constant 0 : i32
    %dma_start3A_1818 = tpu.memref_slice %arg9[%dma_start3A_1815, %dma_start3A_1816, %dma_start3A_1817] : memref<3x8x4096xf32, #tpu.memory_space<vmem>> -> memref<1x8x4096xf32, #tpu.memory_space<vmem>>
    %dma_start3A_1819 = tpu.memref_squeeze %dma_start3A_1818 : memref<1x8x4096xf32, #tpu.memory_space<vmem>> -> memref<8x4096xf32, #tpu.memory_space<vmem>>
    %dma_start3A_1820 = arith.constant 0 : i32
    %dma_start3A_1821 = arith.constant 0 : i32
    %dma_start3A_1822 = tpu.memref_slice %arg7[%select_n3A, %dma_start3A_1820, %dma_start3A_1821] : memref<2x4106x4096xf32, #tpu.memory_space<hbm>> -> memref<1x4106x4096xf32, #tpu.memory_space<hbm>>
    %dma_start3A_1823 = tpu.memref_squeeze %dma_start3A_1822 : memref<1x4106x4096xf32, #tpu.memory_space<hbm>> -> memref<4106x4096xf32, #tpu.memory_space<hbm>>
    %dma_start3A_1824 = arith.constant 0 : i32
    %dma_start3A_1825 = tpu.memref_slice %dma_start3A_1823[%add3A_1814, %dma_start3A_1824] : memref<4106x4096xf32, #tpu.memory_space<hbm>> -> memref<8x4096xf32, #tpu.memory_space<hbm>>
    %dma_start3A_1826 = arith.constant 0 : i32
    %dma_start3A_1827 = arith.constant 0 : i32
    %dma_start3A_1828 = tpu.memref_slice %arg7[%select_n3A, %dma_start3A_1826, %dma_start3A_1827] : memref<2x4106x4096xf32, #tpu.memory_space<hbm>> -> memref<1x4106x4096xf32, #tpu.memory_space<hbm>>
    %dma_start3A_1829 = tpu.memref_squeeze %dma_start3A_1828 : memref<1x4106x4096xf32, #tpu.memory_space<hbm>> -> memref<4106x4096xf32, #tpu.memory_space<hbm>>
    %dma_start3A_1830 = arith.constant 0 : i32
    %dma_start3A_1831 = tpu.memref_slice %dma_start3A_1829[%add3A_1814, %dma_start3A_1830] : memref<4106x4096xf32, #tpu.memory_space<hbm>> -> memref<8x4096xf32, #tpu.memory_space<hbm>>
    %dma_start3A_1832 = arith.constant 0 : i32
    %dma_start3A_1833 = arith.constant 0 : i32
    %dma_start3A_1834 = tpu.memref_slice %arg9[%dma_start3A_1815, %dma_start3A_1832, %dma_start3A_1833] : memref<3x8x4096xf32, #tpu.memory_space<vmem>> -> memref<1x8x4096xf32, #tpu.memory_space<vmem>>
    %dma_start3A_1835 = tpu.memref_squeeze %dma_start3A_1834 : memref<1x8x4096xf32, #tpu.memory_space<vmem>> -> memref<8x4096xf32, #tpu.memory_space<vmem>>
    tpu.enqueue_dma source(%dma_start3A_1835 : memref<8x4096xf32, #tpu.memory_space<vmem>>) target(%dma_start3A_1831 : memref<8x4096xf32, #tpu.memory_space<hbm>>) target_semaphore(%arg17 : memref<!tpu.dma_semaphore, #tpu.memory_space<semaphore_mem>>)
    %dma_wait3A_1836 = arith.constant 0 : i32
    %dma_wait3A_1837 = arith.constant 0 : i32
    %dma_wait3A_1838 = arith.constant 0 : i32
    %dma_wait3A_1839 = tpu.memref_slice %arg9[%dma_wait3A_1836, %dma_wait3A_1837, %dma_wait3A_1838] : memref<3x8x4096xf32, #tpu.memory_space<vmem>> -> memref<1x8x4096xf32, #tpu.memory_space<vmem>>
    %dma_wait3A_1840 = tpu.memref_squeeze %dma_wait3A_1839 : memref<1x8x4096xf32, #tpu.memory_space<vmem>> -> memref<8x4096xf32, #tpu.memory_space<vmem>>
    %dma_wait3A_1841 = arith.constant 0 : i32
    %dma_wait3A_1842 = arith.constant 0 : i32
    %dma_wait3A_1843 = tpu.memref_slice %arg7[%select_n3A, %dma_wait3A_1841, %dma_wait3A_1842] : memref<2x4106x4096xf32, #tpu.memory_space<hbm>> -> memref<1x4106x4096xf32, #tpu.memory_space<hbm>>
    %dma_wait3A_1844 = tpu.memref_squeeze %dma_wait3A_1843 : memref<1x4106x4096xf32, #tpu.memory_space<hbm>> -> memref<4106x4096xf32, #tpu.memory_space<hbm>>
    %dma_wait3A_1845 = arith.constant 0 : i32
    %dma_wait3A_1846 = arith.constant 0 : i32
    %dma_wait3A_1847 = tpu.memref_slice %dma_wait3A_1844[%dma_wait3A_1845, %dma_wait3A_1846] : memref<4106x4096xf32, #tpu.memory_space<hbm>> -> memref<8x4096xf32, #tpu.memory_space<hbm>>
    %dma_wait3A_1848 = arith.constant 0 : i32
    %dma_wait3A_1849 = arith.constant 0 : i32
    %dma_wait3A_1850 = tpu.memref_slice %arg7[%select_n3A, %dma_wait3A_1848, %dma_wait3A_1849] : memref<2x4106x4096xf32, #tpu.memory_space<hbm>> -> memref<1x4106x4096xf32, #tpu.memory_space<hbm>>
    %dma_wait3A_1851 = tpu.memref_squeeze %dma_wait3A_1850 : memref<1x4106x4096xf32, #tpu.memory_space<hbm>> -> memref<4106x4096xf32, #tpu.memory_space<hbm>>
    %dma_wait3A_1852 = arith.constant 0 : i32
    %dma_wait3A_1853 = arith.constant 0 : i32
    %dma_wait3A_1854 = tpu.memref_slice %dma_wait3A_1851[%dma_wait3A_1852, %dma_wait3A_1853] : memref<4106x4096xf32, #tpu.memory_space<hbm>> -> memref<8x4096xf32, #tpu.memory_space<hbm>>
    %dma_wait3A_1855 = arith.constant 0 : i32
    %dma_wait3A_1856 = arith.constant 0 : i32
    %dma_wait3A_1857 = tpu.memref_slice %arg9[%dma_wait3A_1836, %dma_wait3A_1855, %dma_wait3A_1856] : memref<3x8x4096xf32, #tpu.memory_space<vmem>> -> memref<1x8x4096xf32, #tpu.memory_space<vmem>>
    %dma_wait3A_1858 = tpu.memref_squeeze %dma_wait3A_1857 : memref<1x8x4096xf32, #tpu.memory_space<vmem>> -> memref<8x4096xf32, #tpu.memory_space<vmem>>
    tpu.wait_dma2 semaphore(%arg16 : memref<!tpu.dma_semaphore, #tpu.memory_space<semaphore_mem>>) src(%dma_wait3A_1858 : memref<8x4096xf32, #tpu.memory_space<vmem>>) dst(%dma_wait3A_1854 : memref<8x4096xf32, #tpu.memory_space<hbm>>)
    %dma_start3A_1859 = arith.constant 0 : i32
    %dma_start3A_1860 = arith.constant 0 : i32
    %dma_start3A_1861 = arith.constant 0 : i32
    %dma_start3A_1862 = tpu.memref_slice %arg9[%dma_start3A_1859, %dma_start3A_1860, %dma_start3A_1861] : memref<3x8x4096xf32, #tpu.memory_space<vmem>> -> memref<1x8x4096xf32, #tpu.memory_space<vmem>>
    %dma_start3A_1863 = tpu.memref_squeeze %dma_start3A_1862 : memref<1x8x4096xf32, #tpu.memory_space<vmem>> -> memref<8x4096xf32, #tpu.memory_space<vmem>>
    %dma_start3A_1864 = arith.constant 216 : i32
    %dma_start3A_1865 = tpu.memref_slice %arg8[%dma_start3A_1864] : memref<256xi32, #tpu.memory_space<vmem>> -> memref<8xi32, #tpu.memory_space<vmem>>
    %dma_start3A_1866 = arith.constant 0 : i32
    %dma_start3A_1867 = arith.constant 0 : i32
    %dma_start3A_1868 = tpu.memref_slice %arg3[%dma_start3A_1866, %dma_start3A_1867] : memref<4096x4096xf32, #tpu.memory_space<hbm>> -> memref<4096x4096xf32, #tpu.memory_space<hbm>>
    tpu.enqueue_indirect_dma source(%dma_start3A_1868 : memref<4096x4096xf32, #tpu.memory_space<hbm>>) target(%dma_start3A_1863 : memref<8x4096xf32, #tpu.memory_space<vmem>>) offsets(%dma_start3A_1865 : memref<8xi32, #tpu.memory_space<vmem>>) semaphore(%arg13 : memref<!tpu.dma_semaphore, #tpu.memory_space<semaphore_mem>>)
    %dma_wait3A_1869 = arith.constant 2 : i32
    %dma_wait3A_1870 = arith.constant 0 : i32
    %dma_wait3A_1871 = arith.constant 0 : i32
    %dma_wait3A_1872 = tpu.memref_slice %arg9[%dma_wait3A_1869, %dma_wait3A_1870, %dma_wait3A_1871] : memref<3x8x4096xf32, #tpu.memory_space<vmem>> -> memref<1x8x4096xf32, #tpu.memory_space<vmem>>
    %dma_wait3A_1873 = tpu.memref_squeeze %dma_wait3A_1872 : memref<1x8x4096xf32, #tpu.memory_space<vmem>> -> memref<8x4096xf32, #tpu.memory_space<vmem>>
    %dma_wait3A_1874 = arith.constant 0 : i32
    %dma_wait3A_1875 = arith.constant 0 : i32
    %dma_wait3A_1876 = tpu.memref_slice %arg3[%dma_wait3A_1874, %dma_wait3A_1875] : memref<4096x4096xf32, #tpu.memory_space<hbm>> -> memref<8x4096xf32, #tpu.memory_space<hbm>>
    %dma_wait3A_1877 = arith.constant 0 : i32
    %dma_wait3A_1878 = arith.constant 0 : i32
    %dma_wait3A_1879 = tpu.memref_slice %arg9[%dma_wait3A_1869, %dma_wait3A_1877, %dma_wait3A_1878] : memref<3x8x4096xf32, #tpu.memory_space<vmem>> -> memref<1x8x4096xf32, #tpu.memory_space<vmem>>
    %dma_wait3A_1880 = tpu.memref_squeeze %dma_wait3A_1879 : memref<1x8x4096xf32, #tpu.memory_space<vmem>> -> memref<8x4096xf32, #tpu.memory_space<vmem>>
    %dma_wait3A_1881 = arith.constant 0 : i32
    %dma_wait3A_1882 = arith.constant 0 : i32
    %dma_wait3A_1883 = tpu.memref_slice %arg3[%dma_wait3A_1881, %dma_wait3A_1882] : memref<4096x4096xf32, #tpu.memory_space<hbm>> -> memref<8x4096xf32, #tpu.memory_space<hbm>>
    tpu.wait_dma2 semaphore(%arg15 : memref<!tpu.dma_semaphore, #tpu.memory_space<semaphore_mem>>) src(%dma_wait3A_1883 : memref<8x4096xf32, #tpu.memory_space<hbm>>) dst(%dma_wait3A_1880 : memref<8x4096xf32, #tpu.memory_space<vmem>>)
    %add3A_1884 = arith.constant 208 : i32
    %add3A_1885 = arith.addi %add3A_23, %add3A_1884 : i32
    %dma_start3A_1886 = arith.constant 2 : i32
    %dma_start3A_1887 = arith.constant 0 : i32
    %dma_start3A_1888 = arith.constant 0 : i32
    %dma_start3A_1889 = tpu.memref_slice %arg9[%dma_start3A_1886, %dma_start3A_1887, %dma_start3A_1888] : memref<3x8x4096xf32, #tpu.memory_space<vmem>> -> memref<1x8x4096xf32, #tpu.memory_space<vmem>>
    %dma_start3A_1890 = tpu.memref_squeeze %dma_start3A_1889 : memref<1x8x4096xf32, #tpu.memory_space<vmem>> -> memref<8x4096xf32, #tpu.memory_space<vmem>>
    %dma_start3A_1891 = arith.constant 0 : i32
    %dma_start3A_1892 = arith.constant 0 : i32
    %dma_start3A_1893 = tpu.memref_slice %arg7[%select_n3A, %dma_start3A_1891, %dma_start3A_1892] : memref<2x4106x4096xf32, #tpu.memory_space<hbm>> -> memref<1x4106x4096xf32, #tpu.memory_space<hbm>>
    %dma_start3A_1894 = tpu.memref_squeeze %dma_start3A_1893 : memref<1x4106x4096xf32, #tpu.memory_space<hbm>> -> memref<4106x4096xf32, #tpu.memory_space<hbm>>
    %dma_start3A_1895 = arith.constant 0 : i32
    %dma_start3A_1896 = tpu.memref_slice %dma_start3A_1894[%add3A_1885, %dma_start3A_1895] : memref<4106x4096xf32, #tpu.memory_space<hbm>> -> memref<8x4096xf32, #tpu.memory_space<hbm>>
    %dma_start3A_1897 = arith.constant 0 : i32
    %dma_start3A_1898 = arith.constant 0 : i32
    %dma_start3A_1899 = tpu.memref_slice %arg7[%select_n3A, %dma_start3A_1897, %dma_start3A_1898] : memref<2x4106x4096xf32, #tpu.memory_space<hbm>> -> memref<1x4106x4096xf32, #tpu.memory_space<hbm>>
    %dma_start3A_1900 = tpu.memref_squeeze %dma_start3A_1899 : memref<1x4106x4096xf32, #tpu.memory_space<hbm>> -> memref<4106x4096xf32, #tpu.memory_space<hbm>>
    %dma_start3A_1901 = arith.constant 0 : i32
    %dma_start3A_1902 = tpu.memref_slice %dma_start3A_1900[%add3A_1885, %dma_start3A_1901] : memref<4106x4096xf32, #tpu.memory_space<hbm>> -> memref<8x4096xf32, #tpu.memory_space<hbm>>
    %dma_start3A_1903 = arith.constant 0 : i32
    %dma_start3A_1904 = arith.constant 0 : i32
    %dma_start3A_1905 = tpu.memref_slice %arg9[%dma_start3A_1886, %dma_start3A_1903, %dma_start3A_1904] : memref<3x8x4096xf32, #tpu.memory_space<vmem>> -> memref<1x8x4096xf32, #tpu.memory_space<vmem>>
    %dma_start3A_1906 = tpu.memref_squeeze %dma_start3A_1905 : memref<1x8x4096xf32, #tpu.memory_space<vmem>> -> memref<8x4096xf32, #tpu.memory_space<vmem>>
    tpu.enqueue_dma source(%dma_start3A_1906 : memref<8x4096xf32, #tpu.memory_space<vmem>>) target(%dma_start3A_1902 : memref<8x4096xf32, #tpu.memory_space<hbm>>) target_semaphore(%arg18 : memref<!tpu.dma_semaphore, #tpu.memory_space<semaphore_mem>>)
    %dma_wait3A_1907 = arith.constant 1 : i32
    %dma_wait3A_1908 = arith.constant 0 : i32
    %dma_wait3A_1909 = arith.constant 0 : i32
    %dma_wait3A_1910 = tpu.memref_slice %arg9[%dma_wait3A_1907, %dma_wait3A_1908, %dma_wait3A_1909] : memref<3x8x4096xf32, #tpu.memory_space<vmem>> -> memref<1x8x4096xf32, #tpu.memory_space<vmem>>
    %dma_wait3A_1911 = tpu.memref_squeeze %dma_wait3A_1910 : memref<1x8x4096xf32, #tpu.memory_space<vmem>> -> memref<8x4096xf32, #tpu.memory_space<vmem>>
    %dma_wait3A_1912 = arith.constant 0 : i32
    %dma_wait3A_1913 = arith.constant 0 : i32
    %dma_wait3A_1914 = tpu.memref_slice %arg7[%select_n3A, %dma_wait3A_1912, %dma_wait3A_1913] : memref<2x4106x4096xf32, #tpu.memory_space<hbm>> -> memref<1x4106x4096xf32, #tpu.memory_space<hbm>>
    %dma_wait3A_1915 = tpu.memref_squeeze %dma_wait3A_1914 : memref<1x4106x4096xf32, #tpu.memory_space<hbm>> -> memref<4106x4096xf32, #tpu.memory_space<hbm>>
    %dma_wait3A_1916 = arith.constant 0 : i32
    %dma_wait3A_1917 = arith.constant 0 : i32
    %dma_wait3A_1918 = tpu.memref_slice %dma_wait3A_1915[%dma_wait3A_1916, %dma_wait3A_1917] : memref<4106x4096xf32, #tpu.memory_space<hbm>> -> memref<8x4096xf32, #tpu.memory_space<hbm>>
    %dma_wait3A_1919 = arith.constant 0 : i32
    %dma_wait3A_1920 = arith.constant 0 : i32
    %dma_wait3A_1921 = tpu.memref_slice %arg7[%select_n3A, %dma_wait3A_1919, %dma_wait3A_1920] : memref<2x4106x4096xf32, #tpu.memory_space<hbm>> -> memref<1x4106x4096xf32, #tpu.memory_space<hbm>>
    %dma_wait3A_1922 = tpu.memref_squeeze %dma_wait3A_1921 : memref<1x4106x4096xf32, #tpu.memory_space<hbm>> -> memref<4106x4096xf32, #tpu.memory_space<hbm>>
    %dma_wait3A_1923 = arith.constant 0 : i32
    %dma_wait3A_1924 = arith.constant 0 : i32
    %dma_wait3A_1925 = tpu.memref_slice %dma_wait3A_1922[%dma_wait3A_1923, %dma_wait3A_1924] : memref<4106x4096xf32, #tpu.memory_space<hbm>> -> memref<8x4096xf32, #tpu.memory_space<hbm>>
    %dma_wait3A_1926 = arith.constant 0 : i32
    %dma_wait3A_1927 = arith.constant 0 : i32
    %dma_wait3A_1928 = tpu.memref_slice %arg9[%dma_wait3A_1907, %dma_wait3A_1926, %dma_wait3A_1927] : memref<3x8x4096xf32, #tpu.memory_space<vmem>> -> memref<1x8x4096xf32, #tpu.memory_space<vmem>>
    %dma_wait3A_1929 = tpu.memref_squeeze %dma_wait3A_1928 : memref<1x8x4096xf32, #tpu.memory_space<vmem>> -> memref<8x4096xf32, #tpu.memory_space<vmem>>
    tpu.wait_dma2 semaphore(%arg17 : memref<!tpu.dma_semaphore, #tpu.memory_space<semaphore_mem>>) src(%dma_wait3A_1929 : memref<8x4096xf32, #tpu.memory_space<vmem>>) dst(%dma_wait3A_1925 : memref<8x4096xf32, #tpu.memory_space<hbm>>)
    %dma_start3A_1930 = arith.constant 1 : i32
    %dma_start3A_1931 = arith.constant 0 : i32
    %dma_start3A_1932 = arith.constant 0 : i32
    %dma_start3A_1933 = tpu.memref_slice %arg9[%dma_start3A_1930, %dma_start3A_1931, %dma_start3A_1932] : memref<3x8x4096xf32, #tpu.memory_space<vmem>> -> memref<1x8x4096xf32, #tpu.memory_space<vmem>>
    %dma_start3A_1934 = tpu.memref_squeeze %dma_start3A_1933 : memref<1x8x4096xf32, #tpu.memory_space<vmem>> -> memref<8x4096xf32, #tpu.memory_space<vmem>>
    %dma_start3A_1935 = arith.constant 224 : i32
    %dma_start3A_1936 = tpu.memref_slice %arg8[%dma_start3A_1935] : memref<256xi32, #tpu.memory_space<vmem>> -> memref<8xi32, #tpu.memory_space<vmem>>
    %dma_start3A_1937 = arith.constant 0 : i32
    %dma_start3A_1938 = arith.constant 0 : i32
    %dma_start3A_1939 = tpu.memref_slice %arg3[%dma_start3A_1937, %dma_start3A_1938] : memref<4096x4096xf32, #tpu.memory_space<hbm>> -> memref<4096x4096xf32, #tpu.memory_space<hbm>>
    tpu.enqueue_indirect_dma source(%dma_start3A_1939 : memref<4096x4096xf32, #tpu.memory_space<hbm>>) target(%dma_start3A_1934 : memref<8x4096xf32, #tpu.memory_space<vmem>>) offsets(%dma_start3A_1936 : memref<8xi32, #tpu.memory_space<vmem>>) semaphore(%arg14 : memref<!tpu.dma_semaphore, #tpu.memory_space<semaphore_mem>>)
    %dma_wait3A_1940 = arith.constant 0 : i32
    %dma_wait3A_1941 = arith.constant 0 : i32
    %dma_wait3A_1942 = arith.constant 0 : i32
    %dma_wait3A_1943 = tpu.memref_slice %arg9[%dma_wait3A_1940, %dma_wait3A_1941, %dma_wait3A_1942] : memref<3x8x4096xf32, #tpu.memory_space<vmem>> -> memref<1x8x4096xf32, #tpu.memory_space<vmem>>
    %dma_wait3A_1944 = tpu.memref_squeeze %dma_wait3A_1943 : memref<1x8x4096xf32, #tpu.memory_space<vmem>> -> memref<8x4096xf32, #tpu.memory_space<vmem>>
    %dma_wait3A_1945 = arith.constant 0 : i32
    %dma_wait3A_1946 = arith.constant 0 : i32
    %dma_wait3A_1947 = tpu.memref_slice %arg3[%dma_wait3A_1945, %dma_wait3A_1946] : memref<4096x4096xf32, #tpu.memory_space<hbm>> -> memref<8x4096xf32, #tpu.memory_space<hbm>>
    %dma_wait3A_1948 = arith.constant 0 : i32
    %dma_wait3A_1949 = arith.constant 0 : i32
    %dma_wait3A_1950 = tpu.memref_slice %arg9[%dma_wait3A_1940, %dma_wait3A_1948, %dma_wait3A_1949] : memref<3x8x4096xf32, #tpu.memory_space<vmem>> -> memref<1x8x4096xf32, #tpu.memory_space<vmem>>
    %dma_wait3A_1951 = tpu.memref_squeeze %dma_wait3A_1950 : memref<1x8x4096xf32, #tpu.memory_space<vmem>> -> memref<8x4096xf32, #tpu.memory_space<vmem>>
    %dma_wait3A_1952 = arith.constant 0 : i32
    %dma_wait3A_1953 = arith.constant 0 : i32
    %dma_wait3A_1954 = tpu.memref_slice %arg3[%dma_wait3A_1952, %dma_wait3A_1953] : memref<4096x4096xf32, #tpu.memory_space<hbm>> -> memref<8x4096xf32, #tpu.memory_space<hbm>>
    tpu.wait_dma2 semaphore(%arg13 : memref<!tpu.dma_semaphore, #tpu.memory_space<semaphore_mem>>) src(%dma_wait3A_1954 : memref<8x4096xf32, #tpu.memory_space<hbm>>) dst(%dma_wait3A_1951 : memref<8x4096xf32, #tpu.memory_space<vmem>>)
    %add3A_1955 = arith.constant 216 : i32
    %add3A_1956 = arith.addi %add3A_23, %add3A_1955 : i32
    %dma_start3A_1957 = arith.constant 0 : i32
    %dma_start3A_1958 = arith.constant 0 : i32
    %dma_start3A_1959 = arith.constant 0 : i32
    %dma_start3A_1960 = tpu.memref_slice %arg9[%dma_start3A_1957, %dma_start3A_1958, %dma_start3A_1959] : memref<3x8x4096xf32, #tpu.memory_space<vmem>> -> memref<1x8x4096xf32, #tpu.memory_space<vmem>>
    %dma_start3A_1961 = tpu.memref_squeeze %dma_start3A_1960 : memref<1x8x4096xf32, #tpu.memory_space<vmem>> -> memref<8x4096xf32, #tpu.memory_space<vmem>>
    %dma_start3A_1962 = arith.constant 0 : i32
    %dma_start3A_1963 = arith.constant 0 : i32
    %dma_start3A_1964 = tpu.memref_slice %arg7[%select_n3A, %dma_start3A_1962, %dma_start3A_1963] : memref<2x4106x4096xf32, #tpu.memory_space<hbm>> -> memref<1x4106x4096xf32, #tpu.memory_space<hbm>>
    %dma_start3A_1965 = tpu.memref_squeeze %dma_start3A_1964 : memref<1x4106x4096xf32, #tpu.memory_space<hbm>> -> memref<4106x4096xf32, #tpu.memory_space<hbm>>
    %dma_start3A_1966 = arith.constant 0 : i32
    %dma_start3A_1967 = tpu.memref_slice %dma_start3A_1965[%add3A_1956, %dma_start3A_1966] : memref<4106x4096xf32, #tpu.memory_space<hbm>> -> memref<8x4096xf32, #tpu.memory_space<hbm>>
    %dma_start3A_1968 = arith.constant 0 : i32
    %dma_start3A_1969 = arith.constant 0 : i32
    %dma_start3A_1970 = tpu.memref_slice %arg7[%select_n3A, %dma_start3A_1968, %dma_start3A_1969] : memref<2x4106x4096xf32, #tpu.memory_space<hbm>> -> memref<1x4106x4096xf32, #tpu.memory_space<hbm>>
    %dma_start3A_1971 = tpu.memref_squeeze %dma_start3A_1970 : memref<1x4106x4096xf32, #tpu.memory_space<hbm>> -> memref<4106x4096xf32, #tpu.memory_space<hbm>>
    %dma_start3A_1972 = arith.constant 0 : i32
    %dma_start3A_1973 = tpu.memref_slice %dma_start3A_1971[%add3A_1956, %dma_start3A_1972] : memref<4106x4096xf32, #tpu.memory_space<hbm>> -> memref<8x4096xf32, #tpu.memory_space<hbm>>
    %dma_start3A_1974 = arith.constant 0 : i32
    %dma_start3A_1975 = arith.constant 0 : i32
    %dma_start3A_1976 = tpu.memref_slice %arg9[%dma_start3A_1957, %dma_start3A_1974, %dma_start3A_1975] : memref<3x8x4096xf32, #tpu.memory_space<vmem>> -> memref<1x8x4096xf32, #tpu.memory_space<vmem>>
    %dma_start3A_1977 = tpu.memref_squeeze %dma_start3A_1976 : memref<1x8x4096xf32, #tpu.memory_space<vmem>> -> memref<8x4096xf32, #tpu.memory_space<vmem>>
    tpu.enqueue_dma source(%dma_start3A_1977 : memref<8x4096xf32, #tpu.memory_space<vmem>>) target(%dma_start3A_1973 : memref<8x4096xf32, #tpu.memory_space<hbm>>) target_semaphore(%arg16 : memref<!tpu.dma_semaphore, #tpu.memory_space<semaphore_mem>>)
    %dma_wait3A_1978 = arith.constant 2 : i32
    %dma_wait3A_1979 = arith.constant 0 : i32
    %dma_wait3A_1980 = arith.constant 0 : i32
    %dma_wait3A_1981 = tpu.memref_slice %arg9[%dma_wait3A_1978, %dma_wait3A_1979, %dma_wait3A_1980] : memref<3x8x4096xf32, #tpu.memory_space<vmem>> -> memref<1x8x4096xf32, #tpu.memory_space<vmem>>
    %dma_wait3A_1982 = tpu.memref_squeeze %dma_wait3A_1981 : memref<1x8x4096xf32, #tpu.memory_space<vmem>> -> memref<8x4096xf32, #tpu.memory_space<vmem>>
    %dma_wait3A_1983 = arith.constant 0 : i32
    %dma_wait3A_1984 = arith.constant 0 : i32
    %dma_wait3A_1985 = tpu.memref_slice %arg7[%select_n3A, %dma_wait3A_1983, %dma_wait3A_1984] : memref<2x4106x4096xf32, #tpu.memory_space<hbm>> -> memref<1x4106x4096xf32, #tpu.memory_space<hbm>>
    %dma_wait3A_1986 = tpu.memref_squeeze %dma_wait3A_1985 : memref<1x4106x4096xf32, #tpu.memory_space<hbm>> -> memref<4106x4096xf32, #tpu.memory_space<hbm>>
    %dma_wait3A_1987 = arith.constant 0 : i32
    %dma_wait3A_1988 = arith.constant 0 : i32
    %dma_wait3A_1989 = tpu.memref_slice %dma_wait3A_1986[%dma_wait3A_1987, %dma_wait3A_1988] : memref<4106x4096xf32, #tpu.memory_space<hbm>> -> memref<8x4096xf32, #tpu.memory_space<hbm>>
    %dma_wait3A_1990 = arith.constant 0 : i32
    %dma_wait3A_1991 = arith.constant 0 : i32
    %dma_wait3A_1992 = tpu.memref_slice %arg7[%select_n3A, %dma_wait3A_1990, %dma_wait3A_1991] : memref<2x4106x4096xf32, #tpu.memory_space<hbm>> -> memref<1x4106x4096xf32, #tpu.memory_space<hbm>>
    %dma_wait3A_1993 = tpu.memref_squeeze %dma_wait3A_1992 : memref<1x4106x4096xf32, #tpu.memory_space<hbm>> -> memref<4106x4096xf32, #tpu.memory_space<hbm>>
    %dma_wait3A_1994 = arith.constant 0 : i32
    %dma_wait3A_1995 = arith.constant 0 : i32
    %dma_wait3A_1996 = tpu.memref_slice %dma_wait3A_1993[%dma_wait3A_1994, %dma_wait3A_1995] : memref<4106x4096xf32, #tpu.memory_space<hbm>> -> memref<8x4096xf32, #tpu.memory_space<hbm>>
    %dma_wait3A_1997 = arith.constant 0 : i32
    %dma_wait3A_1998 = arith.constant 0 : i32
    %dma_wait3A_1999 = tpu.memref_slice %arg9[%dma_wait3A_1978, %dma_wait3A_1997, %dma_wait3A_1998] : memref<3x8x4096xf32, #tpu.memory_space<vmem>> -> memref<1x8x4096xf32, #tpu.memory_space<vmem>>
    %dma_wait3A_2000 = tpu.memref_squeeze %dma_wait3A_1999 : memref<1x8x4096xf32, #tpu.memory_space<vmem>> -> memref<8x4096xf32, #tpu.memory_space<vmem>>
    tpu.wait_dma2 semaphore(%arg18 : memref<!tpu.dma_semaphore, #tpu.memory_space<semaphore_mem>>) src(%dma_wait3A_2000 : memref<8x4096xf32, #tpu.memory_space<vmem>>) dst(%dma_wait3A_1996 : memref<8x4096xf32, #tpu.memory_space<hbm>>)
    %dma_start3A_2001 = arith.constant 2 : i32
    %dma_start3A_2002 = arith.constant 0 : i32
    %dma_start3A_2003 = arith.constant 0 : i32
    %dma_start3A_2004 = tpu.memref_slice %arg9[%dma_start3A_2001, %dma_start3A_2002, %dma_start3A_2003] : memref<3x8x4096xf32, #tpu.memory_space<vmem>> -> memref<1x8x4096xf32, #tpu.memory_space<vmem>>
    %dma_start3A_2005 = tpu.memref_squeeze %dma_start3A_2004 : memref<1x8x4096xf32, #tpu.memory_space<vmem>> -> memref<8x4096xf32, #tpu.memory_space<vmem>>
    %dma_start3A_2006 = arith.constant 232 : i32
    %dma_start3A_2007 = tpu.memref_slice %arg8[%dma_start3A_2006] : memref<256xi32, #tpu.memory_space<vmem>> -> memref<8xi32, #tpu.memory_space<vmem>>
    %dma_start3A_2008 = arith.constant 0 : i32
    %dma_start3A_2009 = arith.constant 0 : i32
    %dma_start3A_2010 = tpu.memref_slice %arg3[%dma_start3A_2008, %dma_start3A_2009] : memref<4096x4096xf32, #tpu.memory_space<hbm>> -> memref<4096x4096xf32, #tpu.memory_space<hbm>>
    tpu.enqueue_indirect_dma source(%dma_start3A_2010 : memref<4096x4096xf32, #tpu.memory_space<hbm>>) target(%dma_start3A_2005 : memref<8x4096xf32, #tpu.memory_space<vmem>>) offsets(%dma_start3A_2007 : memref<8xi32, #tpu.memory_space<vmem>>) semaphore(%arg15 : memref<!tpu.dma_semaphore, #tpu.memory_space<semaphore_mem>>)
    %dma_wait3A_2011 = arith.constant 1 : i32
    %dma_wait3A_2012 = arith.constant 0 : i32
    %dma_wait3A_2013 = arith.constant 0 : i32
    %dma_wait3A_2014 = tpu.memref_slice %arg9[%dma_wait3A_2011, %dma_wait3A_2012, %dma_wait3A_2013] : memref<3x8x4096xf32, #tpu.memory_space<vmem>> -> memref<1x8x4096xf32, #tpu.memory_space<vmem>>
    %dma_wait3A_2015 = tpu.memref_squeeze %dma_wait3A_2014 : memref<1x8x4096xf32, #tpu.memory_space<vmem>> -> memref<8x4096xf32, #tpu.memory_space<vmem>>
    %dma_wait3A_2016 = arith.constant 0 : i32
    %dma_wait3A_2017 = arith.constant 0 : i32
    %dma_wait3A_2018 = tpu.memref_slice %arg3[%dma_wait3A_2016, %dma_wait3A_2017] : memref<4096x4096xf32, #tpu.memory_space<hbm>> -> memref<8x4096xf32, #tpu.memory_space<hbm>>
    %dma_wait3A_2019 = arith.constant 0 : i32
    %dma_wait3A_2020 = arith.constant 0 : i32
    %dma_wait3A_2021 = tpu.memref_slice %arg9[%dma_wait3A_2011, %dma_wait3A_2019, %dma_wait3A_2020] : memref<3x8x4096xf32, #tpu.memory_space<vmem>> -> memref<1x8x4096xf32, #tpu.memory_space<vmem>>
    %dma_wait3A_2022 = tpu.memref_squeeze %dma_wait3A_2021 : memref<1x8x4096xf32, #tpu.memory_space<vmem>> -> memref<8x4096xf32, #tpu.memory_space<vmem>>
    %dma_wait3A_2023 = arith.constant 0 : i32
    %dma_wait3A_2024 = arith.constant 0 : i32
    %dma_wait3A_2025 = tpu.memref_slice %arg3[%dma_wait3A_2023, %dma_wait3A_2024] : memref<4096x4096xf32, #tpu.memory_space<hbm>> -> memref<8x4096xf32, #tpu.memory_space<hbm>>
    tpu.wait_dma2 semaphore(%arg14 : memref<!tpu.dma_semaphore, #tpu.memory_space<semaphore_mem>>) src(%dma_wait3A_2025 : memref<8x4096xf32, #tpu.memory_space<hbm>>) dst(%dma_wait3A_2022 : memref<8x4096xf32, #tpu.memory_space<vmem>>)
    %add3A_2026 = arith.constant 224 : i32
    %add3A_2027 = arith.addi %add3A_23, %add3A_2026 : i32
    %dma_start3A_2028 = arith.constant 1 : i32
    %dma_start3A_2029 = arith.constant 0 : i32
    %dma_start3A_2030 = arith.constant 0 : i32
    %dma_start3A_2031 = tpu.memref_slice %arg9[%dma_start3A_2028, %dma_start3A_2029, %dma_start3A_2030] : memref<3x8x4096xf32, #tpu.memory_space<vmem>> -> memref<1x8x4096xf32, #tpu.memory_space<vmem>>
    %dma_start3A_2032 = tpu.memref_squeeze %dma_start3A_2031 : memref<1x8x4096xf32, #tpu.memory_space<vmem>> -> memref<8x4096xf32, #tpu.memory_space<vmem>>
    %dma_start3A_2033 = arith.constant 0 : i32
    %dma_start3A_2034 = arith.constant 0 : i32
    %dma_start3A_2035 = tpu.memref_slice %arg7[%select_n3A, %dma_start3A_2033, %dma_start3A_2034] : memref<2x4106x4096xf32, #tpu.memory_space<hbm>> -> memref<1x4106x4096xf32, #tpu.memory_space<hbm>>
    %dma_start3A_2036 = tpu.memref_squeeze %dma_start3A_2035 : memref<1x4106x4096xf32, #tpu.memory_space<hbm>> -> memref<4106x4096xf32, #tpu.memory_space<hbm>>
    %dma_start3A_2037 = arith.constant 0 : i32
    %dma_start3A_2038 = tpu.memref_slice %dma_start3A_2036[%add3A_2027, %dma_start3A_2037] : memref<4106x4096xf32, #tpu.memory_space<hbm>> -> memref<8x4096xf32, #tpu.memory_space<hbm>>
    %dma_start3A_2039 = arith.constant 0 : i32
    %dma_start3A_2040 = arith.constant 0 : i32
    %dma_start3A_2041 = tpu.memref_slice %arg7[%select_n3A, %dma_start3A_2039, %dma_start3A_2040] : memref<2x4106x4096xf32, #tpu.memory_space<hbm>> -> memref<1x4106x4096xf32, #tpu.memory_space<hbm>>
    %dma_start3A_2042 = tpu.memref_squeeze %dma_start3A_2041 : memref<1x4106x4096xf32, #tpu.memory_space<hbm>> -> memref<4106x4096xf32, #tpu.memory_space<hbm>>
    %dma_start3A_2043 = arith.constant 0 : i32
    %dma_start3A_2044 = tpu.memref_slice %dma_start3A_2042[%add3A_2027, %dma_start3A_2043] : memref<4106x4096xf32, #tpu.memory_space<hbm>> -> memref<8x4096xf32, #tpu.memory_space<hbm>>
    %dma_start3A_2045 = arith.constant 0 : i32
    %dma_start3A_2046 = arith.constant 0 : i32
    %dma_start3A_2047 = tpu.memref_slice %arg9[%dma_start3A_2028, %dma_start3A_2045, %dma_start3A_2046] : memref<3x8x4096xf32, #tpu.memory_space<vmem>> -> memref<1x8x4096xf32, #tpu.memory_space<vmem>>
    %dma_start3A_2048 = tpu.memref_squeeze %dma_start3A_2047 : memref<1x8x4096xf32, #tpu.memory_space<vmem>> -> memref<8x4096xf32, #tpu.memory_space<vmem>>
    tpu.enqueue_dma source(%dma_start3A_2048 : memref<8x4096xf32, #tpu.memory_space<vmem>>) target(%dma_start3A_2044 : memref<8x4096xf32, #tpu.memory_space<hbm>>) target_semaphore(%arg17 : memref<!tpu.dma_semaphore, #tpu.memory_space<semaphore_mem>>)
    %dma_wait3A_2049 = arith.constant 0 : i32
    %dma_wait3A_2050 = arith.constant 0 : i32
    %dma_wait3A_2051 = arith.constant 0 : i32
    %dma_wait3A_2052 = tpu.memref_slice %arg9[%dma_wait3A_2049, %dma_wait3A_2050, %dma_wait3A_2051] : memref<3x8x4096xf32, #tpu.memory_space<vmem>> -> memref<1x8x4096xf32, #tpu.memory_space<vmem>>
    %dma_wait3A_2053 = tpu.memref_squeeze %dma_wait3A_2052 : memref<1x8x4096xf32, #tpu.memory_space<vmem>> -> memref<8x4096xf32, #tpu.memory_space<vmem>>
    %dma_wait3A_2054 = arith.constant 0 : i32
    %dma_wait3A_2055 = arith.constant 0 : i32
    %dma_wait3A_2056 = tpu.memref_slice %arg7[%select_n3A, %dma_wait3A_2054, %dma_wait3A_2055] : memref<2x4106x4096xf32, #tpu.memory_space<hbm>> -> memref<1x4106x4096xf32, #tpu.memory_space<hbm>>
    %dma_wait3A_2057 = tpu.memref_squeeze %dma_wait3A_2056 : memref<1x4106x4096xf32, #tpu.memory_space<hbm>> -> memref<4106x4096xf32, #tpu.memory_space<hbm>>
    %dma_wait3A_2058 = arith.constant 0 : i32
    %dma_wait3A_2059 = arith.constant 0 : i32
    %dma_wait3A_2060 = tpu.memref_slice %dma_wait3A_2057[%dma_wait3A_2058, %dma_wait3A_2059] : memref<4106x4096xf32, #tpu.memory_space<hbm>> -> memref<8x4096xf32, #tpu.memory_space<hbm>>
    %dma_wait3A_2061 = arith.constant 0 : i32
    %dma_wait3A_2062 = arith.constant 0 : i32
    %dma_wait3A_2063 = tpu.memref_slice %arg7[%select_n3A, %dma_wait3A_2061, %dma_wait3A_2062] : memref<2x4106x4096xf32, #tpu.memory_space<hbm>> -> memref<1x4106x4096xf32, #tpu.memory_space<hbm>>
    %dma_wait3A_2064 = tpu.memref_squeeze %dma_wait3A_2063 : memref<1x4106x4096xf32, #tpu.memory_space<hbm>> -> memref<4106x4096xf32, #tpu.memory_space<hbm>>
    %dma_wait3A_2065 = arith.constant 0 : i32
    %dma_wait3A_2066 = arith.constant 0 : i32
    %dma_wait3A_2067 = tpu.memref_slice %dma_wait3A_2064[%dma_wait3A_2065, %dma_wait3A_2066] : memref<4106x4096xf32, #tpu.memory_space<hbm>> -> memref<8x4096xf32, #tpu.memory_space<hbm>>
    %dma_wait3A_2068 = arith.constant 0 : i32
    %dma_wait3A_2069 = arith.constant 0 : i32
    %dma_wait3A_2070 = tpu.memref_slice %arg9[%dma_wait3A_2049, %dma_wait3A_2068, %dma_wait3A_2069] : memref<3x8x4096xf32, #tpu.memory_space<vmem>> -> memref<1x8x4096xf32, #tpu.memory_space<vmem>>
    %dma_wait3A_2071 = tpu.memref_squeeze %dma_wait3A_2070 : memref<1x8x4096xf32, #tpu.memory_space<vmem>> -> memref<8x4096xf32, #tpu.memory_space<vmem>>
    tpu.wait_dma2 semaphore(%arg16 : memref<!tpu.dma_semaphore, #tpu.memory_space<semaphore_mem>>) src(%dma_wait3A_2071 : memref<8x4096xf32, #tpu.memory_space<vmem>>) dst(%dma_wait3A_2067 : memref<8x4096xf32, #tpu.memory_space<hbm>>)
    %dma_start3A_2072 = arith.constant 0 : i32
    %dma_start3A_2073 = arith.constant 0 : i32
    %dma_start3A_2074 = arith.constant 0 : i32
    %dma_start3A_2075 = tpu.memref_slice %arg9[%dma_start3A_2072, %dma_start3A_2073, %dma_start3A_2074] : memref<3x8x4096xf32, #tpu.memory_space<vmem>> -> memref<1x8x4096xf32, #tpu.memory_space<vmem>>
    %dma_start3A_2076 = tpu.memref_squeeze %dma_start3A_2075 : memref<1x8x4096xf32, #tpu.memory_space<vmem>> -> memref<8x4096xf32, #tpu.memory_space<vmem>>
    %dma_start3A_2077 = arith.constant 240 : i32
    %dma_start3A_2078 = tpu.memref_slice %arg8[%dma_start3A_2077] : memref<256xi32, #tpu.memory_space<vmem>> -> memref<8xi32, #tpu.memory_space<vmem>>
    %dma_start3A_2079 = arith.constant 0 : i32
    %dma_start3A_2080 = arith.constant 0 : i32
    %dma_start3A_2081 = tpu.memref_slice %arg3[%dma_start3A_2079, %dma_start3A_2080] : memref<4096x4096xf32, #tpu.memory_space<hbm>> -> memref<4096x4096xf32, #tpu.memory_space<hbm>>
    tpu.enqueue_indirect_dma source(%dma_start3A_2081 : memref<4096x4096xf32, #tpu.memory_space<hbm>>) target(%dma_start3A_2076 : memref<8x4096xf32, #tpu.memory_space<vmem>>) offsets(%dma_start3A_2078 : memref<8xi32, #tpu.memory_space<vmem>>) semaphore(%arg13 : memref<!tpu.dma_semaphore, #tpu.memory_space<semaphore_mem>>)
    %dma_wait3A_2082 = arith.constant 2 : i32
    %dma_wait3A_2083 = arith.constant 0 : i32
    %dma_wait3A_2084 = arith.constant 0 : i32
    %dma_wait3A_2085 = tpu.memref_slice %arg9[%dma_wait3A_2082, %dma_wait3A_2083, %dma_wait3A_2084] : memref<3x8x4096xf32, #tpu.memory_space<vmem>> -> memref<1x8x4096xf32, #tpu.memory_space<vmem>>
    %dma_wait3A_2086 = tpu.memref_squeeze %dma_wait3A_2085 : memref<1x8x4096xf32, #tpu.memory_space<vmem>> -> memref<8x4096xf32, #tpu.memory_space<vmem>>
    %dma_wait3A_2087 = arith.constant 0 : i32
    %dma_wait3A_2088 = arith.constant 0 : i32
    %dma_wait3A_2089 = tpu.memref_slice %arg3[%dma_wait3A_2087, %dma_wait3A_2088] : memref<4096x4096xf32, #tpu.memory_space<hbm>> -> memref<8x4096xf32, #tpu.memory_space<hbm>>
    %dma_wait3A_2090 = arith.constant 0 : i32
    %dma_wait3A_2091 = arith.constant 0 : i32
    %dma_wait3A_2092 = tpu.memref_slice %arg9[%dma_wait3A_2082, %dma_wait3A_2090, %dma_wait3A_2091] : memref<3x8x4096xf32, #tpu.memory_space<vmem>> -> memref<1x8x4096xf32, #tpu.memory_space<vmem>>
    %dma_wait3A_2093 = tpu.memref_squeeze %dma_wait3A_2092 : memref<1x8x4096xf32, #tpu.memory_space<vmem>> -> memref<8x4096xf32, #tpu.memory_space<vmem>>
    %dma_wait3A_2094 = arith.constant 0 : i32
    %dma_wait3A_2095 = arith.constant 0 : i32
    %dma_wait3A_2096 = tpu.memref_slice %arg3[%dma_wait3A_2094, %dma_wait3A_2095] : memref<4096x4096xf32, #tpu.memory_space<hbm>> -> memref<8x4096xf32, #tpu.memory_space<hbm>>
    tpu.wait_dma2 semaphore(%arg15 : memref<!tpu.dma_semaphore, #tpu.memory_space<semaphore_mem>>) src(%dma_wait3A_2096 : memref<8x4096xf32, #tpu.memory_space<hbm>>) dst(%dma_wait3A_2093 : memref<8x4096xf32, #tpu.memory_space<vmem>>)
    %add3A_2097 = arith.constant 232 : i32
    %add3A_2098 = arith.addi %add3A_23, %add3A_2097 : i32
    %dma_start3A_2099 = arith.constant 2 : i32
    %dma_start3A_2100 = arith.constant 0 : i32
    %dma_start3A_2101 = arith.constant 0 : i32
    %dma_start3A_2102 = tpu.memref_slice %arg9[%dma_start3A_2099, %dma_start3A_2100, %dma_start3A_2101] : memref<3x8x4096xf32, #tpu.memory_space<vmem>> -> memref<1x8x4096xf32, #tpu.memory_space<vmem>>
    %dma_start3A_2103 = tpu.memref_squeeze %dma_start3A_2102 : memref<1x8x4096xf32, #tpu.memory_space<vmem>> -> memref<8x4096xf32, #tpu.memory_space<vmem>>
    %dma_start3A_2104 = arith.constant 0 : i32
    %dma_start3A_2105 = arith.constant 0 : i32
    %dma_start3A_2106 = tpu.memref_slice %arg7[%select_n3A, %dma_start3A_2104, %dma_start3A_2105] : memref<2x4106x4096xf32, #tpu.memory_space<hbm>> -> memref<1x4106x4096xf32, #tpu.memory_space<hbm>>
    %dma_start3A_2107 = tpu.memref_squeeze %dma_start3A_2106 : memref<1x4106x4096xf32, #tpu.memory_space<hbm>> -> memref<4106x4096xf32, #tpu.memory_space<hbm>>
    %dma_start3A_2108 = arith.constant 0 : i32
    %dma_start3A_2109 = tpu.memref_slice %dma_start3A_2107[%add3A_2098, %dma_start3A_2108] : memref<4106x4096xf32, #tpu.memory_space<hbm>> -> memref<8x4096xf32, #tpu.memory_space<hbm>>
    %dma_start3A_2110 = arith.constant 0 : i32
    %dma_start3A_2111 = arith.constant 0 : i32
    %dma_start3A_2112 = tpu.memref_slice %arg7[%select_n3A, %dma_start3A_2110, %dma_start3A_2111] : memref<2x4106x4096xf32, #tpu.memory_space<hbm>> -> memref<1x4106x4096xf32, #tpu.memory_space<hbm>>
    %dma_start3A_2113 = tpu.memref_squeeze %dma_start3A_2112 : memref<1x4106x4096xf32, #tpu.memory_space<hbm>> -> memref<4106x4096xf32, #tpu.memory_space<hbm>>
    %dma_start3A_2114 = arith.constant 0 : i32
    %dma_start3A_2115 = tpu.memref_slice %dma_start3A_2113[%add3A_2098, %dma_start3A_2114] : memref<4106x4096xf32, #tpu.memory_space<hbm>> -> memref<8x4096xf32, #tpu.memory_space<hbm>>
    %dma_start3A_2116 = arith.constant 0 : i32
    %dma_start3A_2117 = arith.constant 0 : i32
    %dma_start3A_2118 = tpu.memref_slice %arg9[%dma_start3A_2099, %dma_start3A_2116, %dma_start3A_2117] : memref<3x8x4096xf32, #tpu.memory_space<vmem>> -> memref<1x8x4096xf32, #tpu.memory_space<vmem>>
    %dma_start3A_2119 = tpu.memref_squeeze %dma_start3A_2118 : memref<1x8x4096xf32, #tpu.memory_space<vmem>> -> memref<8x4096xf32, #tpu.memory_space<vmem>>
    tpu.enqueue_dma source(%dma_start3A_2119 : memref<8x4096xf32, #tpu.memory_space<vmem>>) target(%dma_start3A_2115 : memref<8x4096xf32, #tpu.memory_space<hbm>>) target_semaphore(%arg18 : memref<!tpu.dma_semaphore, #tpu.memory_space<semaphore_mem>>)
    %dma_wait3A_2120 = arith.constant 1 : i32
    %dma_wait3A_2121 = arith.constant 0 : i32
    %dma_wait3A_2122 = arith.constant 0 : i32
    %dma_wait3A_2123 = tpu.memref_slice %arg9[%dma_wait3A_2120, %dma_wait3A_2121, %dma_wait3A_2122] : memref<3x8x4096xf32, #tpu.memory_space<vmem>> -> memref<1x8x4096xf32, #tpu.memory_space<vmem>>
    %dma_wait3A_2124 = tpu.memref_squeeze %dma_wait3A_2123 : memref<1x8x4096xf32, #tpu.memory_space<vmem>> -> memref<8x4096xf32, #tpu.memory_space<vmem>>
    %dma_wait3A_2125 = arith.constant 0 : i32
    %dma_wait3A_2126 = arith.constant 0 : i32
    %dma_wait3A_2127 = tpu.memref_slice %arg7[%select_n3A, %dma_wait3A_2125, %dma_wait3A_2126] : memref<2x4106x4096xf32, #tpu.memory_space<hbm>> -> memref<1x4106x4096xf32, #tpu.memory_space<hbm>>
    %dma_wait3A_2128 = tpu.memref_squeeze %dma_wait3A_2127 : memref<1x4106x4096xf32, #tpu.memory_space<hbm>> -> memref<4106x4096xf32, #tpu.memory_space<hbm>>
    %dma_wait3A_2129 = arith.constant 0 : i32
    %dma_wait3A_2130 = arith.constant 0 : i32
    %dma_wait3A_2131 = tpu.memref_slice %dma_wait3A_2128[%dma_wait3A_2129, %dma_wait3A_2130] : memref<4106x4096xf32, #tpu.memory_space<hbm>> -> memref<8x4096xf32, #tpu.memory_space<hbm>>
    %dma_wait3A_2132 = arith.constant 0 : i32
    %dma_wait3A_2133 = arith.constant 0 : i32
    %dma_wait3A_2134 = tpu.memref_slice %arg7[%select_n3A, %dma_wait3A_2132, %dma_wait3A_2133] : memref<2x4106x4096xf32, #tpu.memory_space<hbm>> -> memref<1x4106x4096xf32, #tpu.memory_space<hbm>>
    %dma_wait3A_2135 = tpu.memref_squeeze %dma_wait3A_2134 : memref<1x4106x4096xf32, #tpu.memory_space<hbm>> -> memref<4106x4096xf32, #tpu.memory_space<hbm>>
    %dma_wait3A_2136 = arith.constant 0 : i32
    %dma_wait3A_2137 = arith.constant 0 : i32
    %dma_wait3A_2138 = tpu.memref_slice %dma_wait3A_2135[%dma_wait3A_2136, %dma_wait3A_2137] : memref<4106x4096xf32, #tpu.memory_space<hbm>> -> memref<8x4096xf32, #tpu.memory_space<hbm>>
    %dma_wait3A_2139 = arith.constant 0 : i32
    %dma_wait3A_2140 = arith.constant 0 : i32
    %dma_wait3A_2141 = tpu.memref_slice %arg9[%dma_wait3A_2120, %dma_wait3A_2139, %dma_wait3A_2140] : memref<3x8x4096xf32, #tpu.memory_space<vmem>> -> memref<1x8x4096xf32, #tpu.memory_space<vmem>>
    %dma_wait3A_2142 = tpu.memref_squeeze %dma_wait3A_2141 : memref<1x8x4096xf32, #tpu.memory_space<vmem>> -> memref<8x4096xf32, #tpu.memory_space<vmem>>
    tpu.wait_dma2 semaphore(%arg17 : memref<!tpu.dma_semaphore, #tpu.memory_space<semaphore_mem>>) src(%dma_wait3A_2142 : memref<8x4096xf32, #tpu.memory_space<vmem>>) dst(%dma_wait3A_2138 : memref<8x4096xf32, #tpu.memory_space<hbm>>)
    %dma_start3A_2143 = arith.constant 1 : i32
    %dma_start3A_2144 = arith.constant 0 : i32
    %dma_start3A_2145 = arith.constant 0 : i32
    %dma_start3A_2146 = tpu.memref_slice %arg9[%dma_start3A_2143, %dma_start3A_2144, %dma_start3A_2145] : memref<3x8x4096xf32, #tpu.memory_space<vmem>> -> memref<1x8x4096xf32, #tpu.memory_space<vmem>>
    %dma_start3A_2147 = tpu.memref_squeeze %dma_start3A_2146 : memref<1x8x4096xf32, #tpu.memory_space<vmem>> -> memref<8x4096xf32, #tpu.memory_space<vmem>>
    %dma_start3A_2148 = arith.constant 248 : i32
    %dma_start3A_2149 = tpu.memref_slice %arg8[%dma_start3A_2148] : memref<256xi32, #tpu.memory_space<vmem>> -> memref<8xi32, #tpu.memory_space<vmem>>
    %dma_start3A_2150 = arith.constant 0 : i32
    %dma_start3A_2151 = arith.constant 0 : i32
    %dma_start3A_2152 = tpu.memref_slice %arg3[%dma_start3A_2150, %dma_start3A_2151] : memref<4096x4096xf32, #tpu.memory_space<hbm>> -> memref<4096x4096xf32, #tpu.memory_space<hbm>>
    tpu.enqueue_indirect_dma source(%dma_start3A_2152 : memref<4096x4096xf32, #tpu.memory_space<hbm>>) target(%dma_start3A_2147 : memref<8x4096xf32, #tpu.memory_space<vmem>>) offsets(%dma_start3A_2149 : memref<8xi32, #tpu.memory_space<vmem>>) semaphore(%arg14 : memref<!tpu.dma_semaphore, #tpu.memory_space<semaphore_mem>>)
    %dma_wait3A_2153 = arith.constant 0 : i32
    %dma_wait3A_2154 = arith.constant 0 : i32
    %dma_wait3A_2155 = arith.constant 0 : i32
    %dma_wait3A_2156 = tpu.memref_slice %arg9[%dma_wait3A_2153, %dma_wait3A_2154, %dma_wait3A_2155] : memref<3x8x4096xf32, #tpu.memory_space<vmem>> -> memref<1x8x4096xf32, #tpu.memory_space<vmem>>
    %dma_wait3A_2157 = tpu.memref_squeeze %dma_wait3A_2156 : memref<1x8x4096xf32, #tpu.memory_space<vmem>> -> memref<8x4096xf32, #tpu.memory_space<vmem>>
    %dma_wait3A_2158 = arith.constant 0 : i32
    %dma_wait3A_2159 = arith.constant 0 : i32
    %dma_wait3A_2160 = tpu.memref_slice %arg3[%dma_wait3A_2158, %dma_wait3A_2159] : memref<4096x4096xf32, #tpu.memory_space<hbm>> -> memref<8x4096xf32, #tpu.memory_space<hbm>>
    %dma_wait3A_2161 = arith.constant 0 : i32
    %dma_wait3A_2162 = arith.constant 0 : i32
    %dma_wait3A_2163 = tpu.memref_slice %arg9[%dma_wait3A_2153, %dma_wait3A_2161, %dma_wait3A_2162] : memref<3x8x4096xf32, #tpu.memory_space<vmem>> -> memref<1x8x4096xf32, #tpu.memory_space<vmem>>
    %dma_wait3A_2164 = tpu.memref_squeeze %dma_wait3A_2163 : memref<1x8x4096xf32, #tpu.memory_space<vmem>> -> memref<8x4096xf32, #tpu.memory_space<vmem>>
    %dma_wait3A_2165 = arith.constant 0 : i32
    %dma_wait3A_2166 = arith.constant 0 : i32
    %dma_wait3A_2167 = tpu.memref_slice %arg3[%dma_wait3A_2165, %dma_wait3A_2166] : memref<4096x4096xf32, #tpu.memory_space<hbm>> -> memref<8x4096xf32, #tpu.memory_space<hbm>>
    tpu.wait_dma2 semaphore(%arg13 : memref<!tpu.dma_semaphore, #tpu.memory_space<semaphore_mem>>) src(%dma_wait3A_2167 : memref<8x4096xf32, #tpu.memory_space<hbm>>) dst(%dma_wait3A_2164 : memref<8x4096xf32, #tpu.memory_space<vmem>>)
    %add3A_2168 = arith.constant 240 : i32
    %add3A_2169 = arith.addi %add3A_23, %add3A_2168 : i32
    %dma_start3A_2170 = arith.constant 0 : i32
    %dma_start3A_2171 = arith.constant 0 : i32
    %dma_start3A_2172 = arith.constant 0 : i32
    %dma_start3A_2173 = tpu.memref_slice %arg9[%dma_start3A_2170, %dma_start3A_2171, %dma_start3A_2172] : memref<3x8x4096xf32, #tpu.memory_space<vmem>> -> memref<1x8x4096xf32, #tpu.memory_space<vmem>>
    %dma_start3A_2174 = tpu.memref_squeeze %dma_start3A_2173 : memref<1x8x4096xf32, #tpu.memory_space<vmem>> -> memref<8x4096xf32, #tpu.memory_space<vmem>>
    %dma_start3A_2175 = arith.constant 0 : i32
    %dma_start3A_2176 = arith.constant 0 : i32
    %dma_start3A_2177 = tpu.memref_slice %arg7[%select_n3A, %dma_start3A_2175, %dma_start3A_2176] : memref<2x4106x4096xf32, #tpu.memory_space<hbm>> -> memref<1x4106x4096xf32, #tpu.memory_space<hbm>>
    %dma_start3A_2178 = tpu.memref_squeeze %dma_start3A_2177 : memref<1x4106x4096xf32, #tpu.memory_space<hbm>> -> memref<4106x4096xf32, #tpu.memory_space<hbm>>
    %dma_start3A_2179 = arith.constant 0 : i32
    %dma_start3A_2180 = tpu.memref_slice %dma_start3A_2178[%add3A_2169, %dma_start3A_2179] : memref<4106x4096xf32, #tpu.memory_space<hbm>> -> memref<8x4096xf32, #tpu.memory_space<hbm>>
    %dma_start3A_2181 = arith.constant 0 : i32
    %dma_start3A_2182 = arith.constant 0 : i32
    %dma_start3A_2183 = tpu.memref_slice %arg7[%select_n3A, %dma_start3A_2181, %dma_start3A_2182] : memref<2x4106x4096xf32, #tpu.memory_space<hbm>> -> memref<1x4106x4096xf32, #tpu.memory_space<hbm>>
    %dma_start3A_2184 = tpu.memref_squeeze %dma_start3A_2183 : memref<1x4106x4096xf32, #tpu.memory_space<hbm>> -> memref<4106x4096xf32, #tpu.memory_space<hbm>>
    %dma_start3A_2185 = arith.constant 0 : i32
    %dma_start3A_2186 = tpu.memref_slice %dma_start3A_2184[%add3A_2169, %dma_start3A_2185] : memref<4106x4096xf32, #tpu.memory_space<hbm>> -> memref<8x4096xf32, #tpu.memory_space<hbm>>
    %dma_start3A_2187 = arith.constant 0 : i32
    %dma_start3A_2188 = arith.constant 0 : i32
    %dma_start3A_2189 = tpu.memref_slice %arg9[%dma_start3A_2170, %dma_start3A_2187, %dma_start3A_2188] : memref<3x8x4096xf32, #tpu.memory_space<vmem>> -> memref<1x8x4096xf32, #tpu.memory_space<vmem>>
    %dma_start3A_2190 = tpu.memref_squeeze %dma_start3A_2189 : memref<1x8x4096xf32, #tpu.memory_space<vmem>> -> memref<8x4096xf32, #tpu.memory_space<vmem>>
    tpu.enqueue_dma source(%dma_start3A_2190 : memref<8x4096xf32, #tpu.memory_space<vmem>>) target(%dma_start3A_2186 : memref<8x4096xf32, #tpu.memory_space<hbm>>) target_semaphore(%arg16 : memref<!tpu.dma_semaphore, #tpu.memory_space<semaphore_mem>>)
    %dma_wait3A_2191 = arith.constant 2 : i32
    %dma_wait3A_2192 = arith.constant 0 : i32
    %dma_wait3A_2193 = arith.constant 0 : i32
    %dma_wait3A_2194 = tpu.memref_slice %arg9[%dma_wait3A_2191, %dma_wait3A_2192, %dma_wait3A_2193] : memref<3x8x4096xf32, #tpu.memory_space<vmem>> -> memref<1x8x4096xf32, #tpu.memory_space<vmem>>
    %dma_wait3A_2195 = tpu.memref_squeeze %dma_wait3A_2194 : memref<1x8x4096xf32, #tpu.memory_space<vmem>> -> memref<8x4096xf32, #tpu.memory_space<vmem>>
    %dma_wait3A_2196 = arith.constant 0 : i32
    %dma_wait3A_2197 = arith.constant 0 : i32
    %dma_wait3A_2198 = tpu.memref_slice %arg7[%select_n3A, %dma_wait3A_2196, %dma_wait3A_2197] : memref<2x4106x4096xf32, #tpu.memory_space<hbm>> -> memref<1x4106x4096xf32, #tpu.memory_space<hbm>>
    %dma_wait3A_2199 = tpu.memref_squeeze %dma_wait3A_2198 : memref<1x4106x4096xf32, #tpu.memory_space<hbm>> -> memref<4106x4096xf32, #tpu.memory_space<hbm>>
    %dma_wait3A_2200 = arith.constant 0 : i32
    %dma_wait3A_2201 = arith.constant 0 : i32
    %dma_wait3A_2202 = tpu.memref_slice %dma_wait3A_2199[%dma_wait3A_2200, %dma_wait3A_2201] : memref<4106x4096xf32, #tpu.memory_space<hbm>> -> memref<8x4096xf32, #tpu.memory_space<hbm>>
    %dma_wait3A_2203 = arith.constant 0 : i32
    %dma_wait3A_2204 = arith.constant 0 : i32
    %dma_wait3A_2205 = tpu.memref_slice %arg7[%select_n3A, %dma_wait3A_2203, %dma_wait3A_2204] : memref<2x4106x4096xf32, #tpu.memory_space<hbm>> -> memref<1x4106x4096xf32, #tpu.memory_space<hbm>>
    %dma_wait3A_2206 = tpu.memref_squeeze %dma_wait3A_2205 : memref<1x4106x4096xf32, #tpu.memory_space<hbm>> -> memref<4106x4096xf32, #tpu.memory_space<hbm>>
    %dma_wait3A_2207 = arith.constant 0 : i32
    %dma_wait3A_2208 = arith.constant 0 : i32
    %dma_wait3A_2209 = tpu.memref_slice %dma_wait3A_2206[%dma_wait3A_2207, %dma_wait3A_2208] : memref<4106x4096xf32, #tpu.memory_space<hbm>> -> memref<8x4096xf32, #tpu.memory_space<hbm>>
    %dma_wait3A_2210 = arith.constant 0 : i32
    %dma_wait3A_2211 = arith.constant 0 : i32
    %dma_wait3A_2212 = tpu.memref_slice %arg9[%dma_wait3A_2191, %dma_wait3A_2210, %dma_wait3A_2211] : memref<3x8x4096xf32, #tpu.memory_space<vmem>> -> memref<1x8x4096xf32, #tpu.memory_space<vmem>>
    %dma_wait3A_2213 = tpu.memref_squeeze %dma_wait3A_2212 : memref<1x8x4096xf32, #tpu.memory_space<vmem>> -> memref<8x4096xf32, #tpu.memory_space<vmem>>
    tpu.wait_dma2 semaphore(%arg18 : memref<!tpu.dma_semaphore, #tpu.memory_space<semaphore_mem>>) src(%dma_wait3A_2213 : memref<8x4096xf32, #tpu.memory_space<vmem>>) dst(%dma_wait3A_2209 : memref<8x4096xf32, #tpu.memory_space<hbm>>)
    %dma_wait3A_2214 = arith.constant 1 : i32
    %dma_wait3A_2215 = arith.constant 0 : i32
    %dma_wait3A_2216 = arith.constant 0 : i32
    %dma_wait3A_2217 = tpu.memref_slice %arg9[%dma_wait3A_2214, %dma_wait3A_2215, %dma_wait3A_2216] : memref<3x8x4096xf32, #tpu.memory_space<vmem>> -> memref<1x8x4096xf32, #tpu.memory_space<vmem>>
    %dma_wait3A_2218 = tpu.memref_squeeze %dma_wait3A_2217 : memref<1x8x4096xf32, #tpu.memory_space<vmem>> -> memref<8x4096xf32, #tpu.memory_space<vmem>>
    %dma_wait3A_2219 = arith.constant 0 : i32
    %dma_wait3A_2220 = arith.constant 0 : i32
    %dma_wait3A_2221 = tpu.memref_slice %arg3[%dma_wait3A_2219, %dma_wait3A_2220] : memref<4096x4096xf32, #tpu.memory_space<hbm>> -> memref<8x4096xf32, #tpu.memory_space<hbm>>
    %dma_wait3A_2222 = arith.constant 0 : i32
    %dma_wait3A_2223 = arith.constant 0 : i32
    %dma_wait3A_2224 = tpu.memref_slice %arg9[%dma_wait3A_2214, %dma_wait3A_2222, %dma_wait3A_2223] : memref<3x8x4096xf32, #tpu.memory_space<vmem>> -> memref<1x8x4096xf32, #tpu.memory_space<vmem>>
    %dma_wait3A_2225 = tpu.memref_squeeze %dma_wait3A_2224 : memref<1x8x4096xf32, #tpu.memory_space<vmem>> -> memref<8x4096xf32, #tpu.memory_space<vmem>>
    %dma_wait3A_2226 = arith.constant 0 : i32
    %dma_wait3A_2227 = arith.constant 0 : i32
    %dma_wait3A_2228 = tpu.memref_slice %arg3[%dma_wait3A_2226, %dma_wait3A_2227] : memref<4096x4096xf32, #tpu.memory_space<hbm>> -> memref<8x4096xf32, #tpu.memory_space<hbm>>
    tpu.wait_dma2 semaphore(%arg14 : memref<!tpu.dma_semaphore, #tpu.memory_space<semaphore_mem>>) src(%dma_wait3A_2228 : memref<8x4096xf32, #tpu.memory_space<hbm>>) dst(%dma_wait3A_2225 : memref<8x4096xf32, #tpu.memory_space<vmem>>)
    %add3A_2229 = arith.constant 248 : i32
    %add3A_2230 = arith.addi %add3A_23, %add3A_2229 : i32
    %dma_start3A_2231 = arith.constant 1 : i32
    %dma_start3A_2232 = arith.constant 0 : i32
    %dma_start3A_2233 = arith.constant 0 : i32
    %dma_start3A_2234 = tpu.memref_slice %arg9[%dma_start3A_2231, %dma_start3A_2232, %dma_start3A_2233] : memref<3x8x4096xf32, #tpu.memory_space<vmem>> -> memref<1x8x4096xf32, #tpu.memory_space<vmem>>
    %dma_start3A_2235 = tpu.memref_squeeze %dma_start3A_2234 : memref<1x8x4096xf32, #tpu.memory_space<vmem>> -> memref<8x4096xf32, #tpu.memory_space<vmem>>
    %dma_start3A_2236 = arith.constant 0 : i32
    %dma_start3A_2237 = arith.constant 0 : i32
    %dma_start3A_2238 = tpu.memref_slice %arg7[%select_n3A, %dma_start3A_2236, %dma_start3A_2237] : memref<2x4106x4096xf32, #tpu.memory_space<hbm>> -> memref<1x4106x4096xf32, #tpu.memory_space<hbm>>
    %dma_start3A_2239 = tpu.memref_squeeze %dma_start3A_2238 : memref<1x4106x4096xf32, #tpu.memory_space<hbm>> -> memref<4106x4096xf32, #tpu.memory_space<hbm>>
    %dma_start3A_2240 = arith.constant 0 : i32
    %dma_start3A_2241 = tpu.memref_slice %dma_start3A_2239[%add3A_2230, %dma_start3A_2240] : memref<4106x4096xf32, #tpu.memory_space<hbm>> -> memref<8x4096xf32, #tpu.memory_space<hbm>>
    %dma_start3A_2242 = arith.constant 0 : i32
    %dma_start3A_2243 = arith.constant 0 : i32
    %dma_start3A_2244 = tpu.memref_slice %arg7[%select_n3A, %dma_start3A_2242, %dma_start3A_2243] : memref<2x4106x4096xf32, #tpu.memory_space<hbm>> -> memref<1x4106x4096xf32, #tpu.memory_space<hbm>>
    %dma_start3A_2245 = tpu.memref_squeeze %dma_start3A_2244 : memref<1x4106x4096xf32, #tpu.memory_space<hbm>> -> memref<4106x4096xf32, #tpu.memory_space<hbm>>
    %dma_start3A_2246 = arith.constant 0 : i32
    %dma_start3A_2247 = tpu.memref_slice %dma_start3A_2245[%add3A_2230, %dma_start3A_2246] : memref<4106x4096xf32, #tpu.memory_space<hbm>> -> memref<8x4096xf32, #tpu.memory_space<hbm>>
    %dma_start3A_2248 = arith.constant 0 : i32
    %dma_start3A_2249 = arith.constant 0 : i32
    %dma_start3A_2250 = tpu.memref_slice %arg9[%dma_start3A_2231, %dma_start3A_2248, %dma_start3A_2249] : memref<3x8x4096xf32, #tpu.memory_space<vmem>> -> memref<1x8x4096xf32, #tpu.memory_space<vmem>>
    %dma_start3A_2251 = tpu.memref_squeeze %dma_start3A_2250 : memref<1x8x4096xf32, #tpu.memory_space<vmem>> -> memref<8x4096xf32, #tpu.memory_space<vmem>>
    tpu.enqueue_dma source(%dma_start3A_2251 : memref<8x4096xf32, #tpu.memory_space<vmem>>) target(%dma_start3A_2247 : memref<8x4096xf32, #tpu.memory_space<hbm>>) target_semaphore(%arg17 : memref<!tpu.dma_semaphore, #tpu.memory_space<semaphore_mem>>)
    %dma_wait3A_2252 = arith.constant 0 : i32
    %dma_wait3A_2253 = arith.constant 0 : i32
    %dma_wait3A_2254 = arith.constant 0 : i32
    %dma_wait3A_2255 = tpu.memref_slice %arg9[%dma_wait3A_2252, %dma_wait3A_2253, %dma_wait3A_2254] : memref<3x8x4096xf32, #tpu.memory_space<vmem>> -> memref<1x8x4096xf32, #tpu.memory_space<vmem>>
    %dma_wait3A_2256 = tpu.memref_squeeze %dma_wait3A_2255 : memref<1x8x4096xf32, #tpu.memory_space<vmem>> -> memref<8x4096xf32, #tpu.memory_space<vmem>>
    %dma_wait3A_2257 = arith.constant 0 : i32
    %dma_wait3A_2258 = arith.constant 0 : i32
    %dma_wait3A_2259 = tpu.memref_slice %arg7[%select_n3A, %dma_wait3A_2257, %dma_wait3A_2258] : memref<2x4106x4096xf32, #tpu.memory_space<hbm>> -> memref<1x4106x4096xf32, #tpu.memory_space<hbm>>
    %dma_wait3A_2260 = tpu.memref_squeeze %dma_wait3A_2259 : memref<1x4106x4096xf32, #tpu.memory_space<hbm>> -> memref<4106x4096xf32, #tpu.memory_space<hbm>>
    %dma_wait3A_2261 = arith.constant 0 : i32
    %dma_wait3A_2262 = arith.constant 0 : i32
    %dma_wait3A_2263 = tpu.memref_slice %dma_wait3A_2260[%dma_wait3A_2261, %dma_wait3A_2262] : memref<4106x4096xf32, #tpu.memory_space<hbm>> -> memref<8x4096xf32, #tpu.memory_space<hbm>>
    %dma_wait3A_2264 = arith.constant 0 : i32
    %dma_wait3A_2265 = arith.constant 0 : i32
    %dma_wait3A_2266 = tpu.memref_slice %arg7[%select_n3A, %dma_wait3A_2264, %dma_wait3A_2265] : memref<2x4106x4096xf32, #tpu.memory_space<hbm>> -> memref<1x4106x4096xf32, #tpu.memory_space<hbm>>
    %dma_wait3A_2267 = tpu.memref_squeeze %dma_wait3A_2266 : memref<1x4106x4096xf32, #tpu.memory_space<hbm>> -> memref<4106x4096xf32, #tpu.memory_space<hbm>>
    %dma_wait3A_2268 = arith.constant 0 : i32
    %dma_wait3A_2269 = arith.constant 0 : i32
    %dma_wait3A_2270 = tpu.memref_slice %dma_wait3A_2267[%dma_wait3A_2268, %dma_wait3A_2269] : memref<4106x4096xf32, #tpu.memory_space<hbm>> -> memref<8x4096xf32, #tpu.memory_space<hbm>>
    %dma_wait3A_2271 = arith.constant 0 : i32
    %dma_wait3A_2272 = arith.constant 0 : i32
    %dma_wait3A_2273 = tpu.memref_slice %arg9[%dma_wait3A_2252, %dma_wait3A_2271, %dma_wait3A_2272] : memref<3x8x4096xf32, #tpu.memory_space<vmem>> -> memref<1x8x4096xf32, #tpu.memory_space<vmem>>
    %dma_wait3A_2274 = tpu.memref_squeeze %dma_wait3A_2273 : memref<1x8x4096xf32, #tpu.memory_space<vmem>> -> memref<8x4096xf32, #tpu.memory_space<vmem>>
    tpu.wait_dma2 semaphore(%arg16 : memref<!tpu.dma_semaphore, #tpu.memory_space<semaphore_mem>>) src(%dma_wait3A_2274 : memref<8x4096xf32, #tpu.memory_space<vmem>>) dst(%dma_wait3A_2270 : memref<8x4096xf32, #tpu.memory_space<hbm>>)
    %dma_wait3A_2275 = arith.constant 1 : i32
    %dma_wait3A_2276 = arith.constant 0 : i32
    %dma_wait3A_2277 = arith.constant 0 : i32
    %dma_wait3A_2278 = tpu.memref_slice %arg9[%dma_wait3A_2275, %dma_wait3A_2276, %dma_wait3A_2277] : memref<3x8x4096xf32, #tpu.memory_space<vmem>> -> memref<1x8x4096xf32, #tpu.memory_space<vmem>>
    %dma_wait3A_2279 = tpu.memref_squeeze %dma_wait3A_2278 : memref<1x8x4096xf32, #tpu.memory_space<vmem>> -> memref<8x4096xf32, #tpu.memory_space<vmem>>
    %dma_wait3A_2280 = arith.constant 0 : i32
    %dma_wait3A_2281 = arith.constant 0 : i32
    %dma_wait3A_2282 = tpu.memref_slice %arg7[%select_n3A, %dma_wait3A_2280, %dma_wait3A_2281] : memref<2x4106x4096xf32, #tpu.memory_space<hbm>> -> memref<1x4106x4096xf32, #tpu.memory_space<hbm>>
    %dma_wait3A_2283 = tpu.memref_squeeze %dma_wait3A_2282 : memref<1x4106x4096xf32, #tpu.memory_space<hbm>> -> memref<4106x4096xf32, #tpu.memory_space<hbm>>
    %dma_wait3A_2284 = arith.constant 0 : i32
    %dma_wait3A_2285 = arith.constant 0 : i32
    %dma_wait3A_2286 = tpu.memref_slice %dma_wait3A_2283[%dma_wait3A_2284, %dma_wait3A_2285] : memref<4106x4096xf32, #tpu.memory_space<hbm>> -> memref<8x4096xf32, #tpu.memory_space<hbm>>
    %dma_wait3A_2287 = arith.constant 0 : i32
    %dma_wait3A_2288 = arith.constant 0 : i32
    %dma_wait3A_2289 = tpu.memref_slice %arg7[%select_n3A, %dma_wait3A_2287, %dma_wait3A_2288] : memref<2x4106x4096xf32, #tpu.memory_space<hbm>> -> memref<1x4106x4096xf32, #tpu.memory_space<hbm>>
    %dma_wait3A_2290 = tpu.memref_squeeze %dma_wait3A_2289 : memref<1x4106x4096xf32, #tpu.memory_space<hbm>> -> memref<4106x4096xf32, #tpu.memory_space<hbm>>
    %dma_wait3A_2291 = arith.constant 0 : i32
    %dma_wait3A_2292 = arith.constant 0 : i32
    %dma_wait3A_2293 = tpu.memref_slice %dma_wait3A_2290[%dma_wait3A_2291, %dma_wait3A_2292] : memref<4106x4096xf32, #tpu.memory_space<hbm>> -> memref<8x4096xf32, #tpu.memory_space<hbm>>
    %dma_wait3A_2294 = arith.constant 0 : i32
    %dma_wait3A_2295 = arith.constant 0 : i32
    %dma_wait3A_2296 = tpu.memref_slice %arg9[%dma_wait3A_2275, %dma_wait3A_2294, %dma_wait3A_2295] : memref<3x8x4096xf32, #tpu.memory_space<vmem>> -> memref<1x8x4096xf32, #tpu.memory_space<vmem>>
    %dma_wait3A_2297 = tpu.memref_squeeze %dma_wait3A_2296 : memref<1x8x4096xf32, #tpu.memory_space<vmem>> -> memref<8x4096xf32, #tpu.memory_space<vmem>>
    tpu.wait_dma2 semaphore(%arg17 : memref<!tpu.dma_semaphore, #tpu.memory_space<semaphore_mem>>) src(%dma_wait3A_2297 : memref<8x4096xf32, #tpu.memory_space<vmem>>) dst(%dma_wait3A_2293 : memref<8x4096xf32, #tpu.memory_space<hbm>>)
    return
  }
}

</mosaic_0001>

<sc_bundles>
// kernel: kernel.3.cloned.1.call-start
scs
__scs_entry_jumppad:
0x0: {  	(pc) =	sbr.rel $0x88, $3  }
0x1: {  	(tag) =	ssettag $0x0;
	lr =	simm.s32 $0x1  }
0x2: {  	[smem:$0x3F9C] =	sst lr;
	_ =	strace $0xD0000000  }
0x3: {  	_ = 	snop  }
0x4: {  	_ = 	snop  }
0x5: {  	_ = 	snop  }
0x6: {  	_ = 	snop  }
0x7: {  	_ = 	snop  }
__scs_overlays_trampoline_lowered:
0x8: {  	[smem:$0x3FAB] =	sst s0  }
0x9: {  	[smem:$0x3FAC] =	sst s1  }
0xa: {  	[smem:$0x3FAD] =	sst s2  }
0xb: {  	[smem:$0x3FAE] =	sst s3  }
0xc: {  	[smem:$0x3FAF] =	sst s4  }
0xd: {  	[smem:$0x3FB0] =	sst s5  }
0xe: {  	[smem:$0x3FB1] =	sst s6  }
0xf: {  	[smem:$0x3FB2] =	sst s7  }
0x10: {  	[smem:$0x3FB3] =	sst s8  }
0x11: {  	[smem:$0x3FB4] =	sst s9;
	s0 =	simm.s32 @!p0 $0x0  }
0x12: {  	s1 =	sld [smem:$0x3F9A];
	s0 =	simm.s32 @p0 $0x1  }
0x13: {  	[smem:$0x3FB5] =	sst s0;
	s0 =	simm.s32 @!p1 $0x0  }
0x14: {  	s2 =	sld [smem:$0x3F99];
	s0 =	simm.s32 @p1 $0x1  }
0x15: {  	[smem:$0x3FB6] =	sst s0;
	s0 =	simm.s32 @!p2 $0x0  }
0x16: {  	s3 =	sld [smem:$0x3FDB];
	s0 =	simm.s32 @p2 $0x1  }
0x17: {  	s4 =	simm.s32 $0x1BF5;
	[smem:$0x3FB8] =	sst s0  }
0x18: {  	s0 =	sld [smem:$0x3F9B];
	_ =	swait.ge [sflag:s4], $0x0  }
0x19: {  	s7 =	sld [smem:$0x3F9C]  }
0x1a: {  	s8 =	sadd.s32 $0xFFFFE003, lr  }
0x1b: {  	s9 =	sadd.s32 $0xFFFFFEF7, lr;
	s5 =	simm.s32 $0xFFFFFFFF;
	p2 =	slt.u32 s8, $0xFFFFF086  }
0x1c: {  	p1 =	slt.u32 s9, $0xF7A;
	s5 =	simm.s32 @!p2 $0x0  }
0x1d: {  	s5 =	simm.s32 @p1 $0x1;
	p0 =	seq.s32 s7, s2  }
0x1e: {  	s7 =	smul.u32 @!p0 $0xF7A, s2;
	p2 =	seq.s32 @!p0 s5, $0x0  }
0x1f: {  	s9 =	smul.u32 $0xF7A, s1;
	s8 =	simm.s32 @!p0 $0x1BF5;
	p2 =	por !p2, p0  }
0x20: {  	[sflag:s8] =	ssyncset.s32 @!p0 $0xFFFFF086;
	s6 =	sadd.s32 @!p0 s3, s7;
	s7 =	simm.s32 @!p0 $0x108  }
0x21: {  	s3 =	sadd.s32 s3, s9;
	s6 =	sadd.s32 @!p0 $0x88, s6;
	s7 =	simm.s32 @p2 $0x1082  }
0x22: {  	[simem:s7], [sflag:s8] =	dma.local @!p0 [hbm:s6], $0xF7A  }
0x23: {  	s9 =	sor.u32 $0xD0000000, s2;
	s6 =	simm.s32 $0x108;
	_ =	swait.ge @!p0 [sflag:s8], $0x0  }
0x24: {  	s3 =	sadd.s32 $0x88, s3;
	s6 =	simm.s32 @!p1 $0x1082;
	[sflag:s4] =	ssyncset.s32 $0xFFFFF086  }
0x25: {  	[simem:s6], [sflag:s4] =	dma.local [hbm:s3], $0xF7A  }
0x26: {  	[smem:$0x3F9C] =	sst s1;
	(tag) =	ssettag s2;
	_ =	strace s9  }
0x27: {  	s1 =	sld [smem:$0x3FAC]  }
0x28: {  	s2 =	sld [smem:$0x3FAD]  }
0x29: {  	s4 =	sld [smem:$0x3FAF]  }
0x2a: {  	p0 =	seq.s32 s5, $0x0;
	s5 =	sld [smem:$0x3FB0]  }
0x2b: {  	s6 =	sld [smem:$0x3FB1]  }
0x2c: {  	s7 =	sld [smem:$0x3FB2]  }
0x2d: {  	s3 =	simm.s32 $0x108;
	s8 =	sld [smem:$0x3FB3]  }
0x2e: {  	s3 =	simm.s32 @!p0 $0x1082;
	s9 =	sld [smem:$0x3FB4]  }
0x2f: {  	lr =	sadd.s32 s0, s3;
	s0 =	sld [smem:$0x3FAB]  }
0x30: {  	s3 =	sld [smem:$0x3FAE]  }
0x31: {  	[smem:$0x3FB7] =	sst s10  }
0x32: {  	s10 =	sld [smem:$0x3FB5];
	_ =	sdelay $0x3  }
0x33: {  	p0 =	seq.s32 s10, $0x1;
	s10 =	sld [smem:$0x3FB7];
	_ =	sdelay $0x3  }
0x34: {  	[smem:$0x3FB7] =	sst s10  }
0x35: {  	s10 =	sld [smem:$0x3FB6];
	_ =	sdelay $0x3  }
0x36: {  	p1 =	seq.s32 s10, $0x1;
	s10 =	sld [smem:$0x3FB7];
	_ =	sdelay $0x3  }
0x37: {  	[smem:$0x3FB7] =	sst s10  }
0x38: {  	s10 =	sld [smem:$0x3FB8]  }
0x39: {  	_ = 	snop;
	(pc) =	sbr.ind lr, $3  }
0x3a: {  	_ = 	snop  }
0x3b: {  	_ = 	snop  }
0x3c: {  	p2 =	seq.s32 s10, $0x1;
	s10 =	sld [smem:$0x3FB7]  }
0x3d: {  	_ =	shalt  }
0x3e: {  	_ =	shalt  }
0x3f: {  	_ =	shalt  }
0x40: {  	_ =	shalt  }
0x41: {  	_ =	shalt  }
0x42: {  	_ =	shalt  }
0x43: {  	_ =	shalt  }
0x44: {  	_ =	shalt  }
0x45: {  	_ =	shalt  }
0x46: {  	_ =	shalt  }
0x47: {  	_ =	shalt  }
0x48: {  	_ =	shalt  }
0x49: {  	_ =	shalt  }
0x4a: {  	_ =	shalt  }
0x4b: {  	_ =	shalt  }
0x4c: {  	_ =	shalt  }
0x4d: {  	_ =	shalt  }
0x4e: {  	_ =	shalt  }
0x4f: {  	_ =	shalt  }
0x50: {  	_ =	shalt  }
0x51: {  	_ =	shalt  }
0x52: {  	_ =	shalt  }
0x53: {  	_ =	shalt  }
0x54: {  	_ =	shalt  }
0x55: {  	_ =	shalt  }
0x56: {  	_ =	shalt  }
0x57: {  	_ =	shalt  }
0x58: {  	_ =	shalt  }
0x59: {  	_ =	shalt  }
0x5a: {  	_ =	shalt  }
0x5b: {  	_ =	shalt  }
0x5c: {  	_ =	shalt  }
0x5d: {  	_ =	shalt  }
0x5e: {  	_ =	shalt  }
0x5f: {  	_ =	shalt  }
0x60: {  	_ =	shalt  }
0x61: {  	_ =	shalt  }
0x62: {  	_ =	shalt  }
0x63: {  	_ =	shalt  }
0x64: {  	_ =	shalt  }
0x65: {  	_ =	shalt  }
0x66: {  	_ =	shalt  }
0x67: {  	_ =	shalt  }
0x68: {  	_ =	shalt  }
0x69: {  	_ =	shalt  }
0x6a: {  	_ =	shalt  }
0x6b: {  	_ =	shalt  }
0x6c: {  	_ =	shalt  }
0x6d: {  	_ =	shalt  }
0x6e: {  	_ =	shalt  }
0x6f: {  	_ =	shalt  }
0x70: {  	_ =	shalt  }
0x71: {  	_ =	shalt  }
0x72: {  	_ =	shalt  }
0x73: {  	_ =	shalt  }
0x74: {  	_ =	shalt  }
0x75: {  	_ =	shalt  }
0x76: {  	_ =	shalt  }
0x77: {  	_ =	shalt  }
0x78: {  	_ =	shalt  }
0x79: {  	_ =	shalt  }
0x7a: {  	_ =	shalt  }
0x7b: {  	_ =	shalt  }
0x7c: {  	_ =	shalt  }
0x7d: {  	_ =	shalt  }
0x7e: {  	_ =	shalt  }
0x7f: {  	_ =	shalt  }
0x80: {  	_ =	shalt  }
0x81: {  	_ =	shalt  }
0x82: {  	_ =	shalt  }
0x83: {  	_ =	shalt  }
0x84: {  	_ =	shalt  }
0x85: {  	_ =	shalt  }
0x86: {  	_ =	shalt  }
0x87: {  	_ =	shalt  }
.Lfunc_end0:
.L_simem_size_0:
called_computation.1_lowered:
.L_overlay_start_0:
0x88: {  	s2 =	sld [smem:$0x3FD9]  }
0x89: {  	s3 =	sld [smem:$0x3FFE];
	_ =	sdelay $0x1  }
0x8a: {  	s1 =	srdreg.scid  }
0x8b: {  	s0 =	sand.u32 $0x1, s1  }
0x8c: {  	s17 =	sshll.u32 s0, $0xA;
	s2 =	sadd.s32 s3, s2  }
0x8d: {  	s2 =	sadd.s32 s2, s17  }
0x8e: {  	[smem:$0x3FC3] =	sst s2  }
0x8f: {  	_ = 	snop  }
0x90: {  	s2 =	sld [smem:$0x3FC9]  }
0x91: {  	s18 =	sld [smem:$0x3FC5]  }
0x92: {  	s4 =	sld [smem:$0x3FD0];
	(tm) =	ssettm $0x1  }
0x93: {  	s5 =	sld [smem:$0x3FFB];
	_ =	sdelay $0x3  }
0x94: {  	_ =	strace s5  }
0x95: {  	s5 =	sld [smem:$0x3FFC];
	_ =	sdelay $0x3  }
0x96: {  	_ =	strace s5  }
0x97: {  	s5 =	sld [smem:$0x3FFD];
	_ =	sdelay $0x3  }
0x98: {  	_ =	strace s5  }
0x99: {  	_ =	strace $0x8FFFFFFF  }
0x9a: {  	s19 =	sld [smem:$0x3FDB];
	_ =	sdelay $0x1  }
0x9b: {  	s6 =	simm.s32 $_scs_section_size  }
0x9c: {  	s7 =	simm.s32 $_size__tile_overlayer_lowered;
	s8 =	simm.s32 $_tile_overlayer_lowered  }
0x9d: {  	s22 =	simm.s32 $0x1BFF;
	s21 =	sshll.u32 s8, $0x1;
	s5 =	sadd.s32 s6, s19  }
0x9e: {  	s9 =	simm.s32 $0x0;
	s20 =	sshll.u32 s7, $0x1;
	s7 =	sadd.s32 s21, s5  }
0x9f: {  	[timem:s9], [sflag:s22] =	dma.local [hbm:s7], s20  }
0xa0: {  	_ =	swait.ge [sflag:s22], s20  }
0xa1: {  	s6 =	ssub.s32 $0x0, s20;
	[sflag:s22] =	ssyncset.done $0x0  }
0xa2: {  	[sflag:s22] =	ssyncadd.s32 s6;
	_ =	sdelay $0x1  }
0xa3: {  	s23 =	simm.s32 $0x1B8B  }
0xa4: {  	_ =	swait.ge [sflag:s23], $0x1  }
0xa5: {  	[sflag:s23] =	ssyncset.done $0x0  }
0xa6: {  	s25 =	simm.s32 $0x1B8E;
	s24 =	sld [smem:$0x3FFE];
	[sflag:s23] =	ssyncadd.s32 $0xFFFFFFFF  }
0xa7: {  	s26 =	simm.s32 $execute0_lowered;
	[smem:$0x3FD2] =	sst s25  }
0xa8: {  	s7 =	sshll.u32 s26, $0x1;
	_ =	strace $0x80000049;
	[dreg:$0x1] =	wrdreg $0xFFFFFFFF  }
0xa9: {  	s28 =	simm.s32 $_size_execute0_lowered;
	s5 =	sadd.s32 s5, s7;
	[dreg:$0x0] =	wrdreg $0x0  }
0xaa: {  	s7 =	sshll.u32 s28, $0x1;
	[dreg:$0x2] =	wrdreg s5  }
0xab: {  	[dreg:$0x3] =	wrdreg s7  }
0xac: {  	[dreg:$0x4] =	wrdreg $0xC0  }
0xad: {  	_ =	task [dreg:s9], $0x5FFFF  }
0xae: {  	[dreg:$0x1] =	wrdreg $0xFFFFFFFF  }
0xaf: {  	[dreg:$0x0] =	wrdreg $0x60  }
0xb0: {  	[dreg:$0x2] =	wrdreg s2  }
0xb1: {  	[dreg:$0x3] =	wrdreg s24  }
0xb2: {  	[dreg:$0x4] =	wrdreg s18  }
0xb3: {  	[dreg:$0x5] =	wrdreg s4  }
0xb4: {  	[dreg:$0x6] =	wrdreg $0x9  }
0xb5: {  	_ =	task.clear_ibuf [dreg:s9], $0x7FFFF;
	_ =	strace $0x90000049  }
0xb6: {  	s29 =	simm.s32 $0x9;
	_ =	strace $0x8000004B  }
0xb7: {  	_ =	swait.ge [sflag:s29], $0x1  }
0xb8: {  	[sflag:s29] =	ssyncadd.s32 $0xFFFFFFFF  }
0xb9: {  	_ =	strace $0x9000004B  }
0xba: {  	_ =	sfence  }
0xbb: {  	s30 =	sld [smem:$0x0];
	_ =	sdelay $0x2  }
0xbc: {  	s31 =	sshll.u32 s1, $0xD;
	s1 =	sshrl.u32 s1, $0x2  }
0xbd: {  	s3 =	sand.u32 $0x4000, s31;
	s1 =	sadd.s32 s1, s30  }
0xbe: {  	s0 =	sor.u32 s3, s0;
	s1 =	sshll.u32 s1, $0x11  }
0xbf: {  	s0 =	sor.u32 s1, s0  }
0xc0: {  	s0 =	sadd.s32 $0x8F2B, s0  }
0xc1: {  	[sflag:s0] =	ssyncadd.remote.s32 $0x1  }
0xc2: {  	_ =	sfence.sel $0xFFFF  }
0xc3: {  	[dreg:$0x0] =	wrdreg $0xFFFFFFFF;
	(pc) =	sbr.abs _section_cstart, $3  }
0xc4: {  	[dreg:$0x1] =	wrdreg $0xFFFFFFFF  }
0xc5: {  	_ =	task.clear_ibuf [dreg:s9], $0x2FFFF;
	_ =	strace $0x9FFFFFFF  }
0xc6: {  	(tm) =	ssettm $0x7FFFFFFF  }
0xc7: {  	_ =	shalt  }
tec
execute0_lowered:
.L_overlay_start_1:
0x0: {  	(tag) =	ssettag $0x1  }
0x1: {  	s0 =	rddreg [dreg:$0x0]  }
0x2: {  	s2 =	rddreg [dreg:$0x3]  }
0x3: {  	s3 =	srdreg.scid;
	s1 =	simm.s32 $0x0;
	s6 =	stileid.u32  }
0x4: {  	s5 =	simm.s32 $0xFFFFFFF6;
	s3 =	sand.u32 $0x1, s3;
	s4 =	sshll.u32 s6, $0x1  }
0x5: {  	p0 =	sgt.u32 s6, $0x4;
	[smem:$0x7FF] =	sst s1;
	s7 =	sshrl.u32 s6, $0x3  }
0x6: {  	s4 =	sor.u32 s3, s4;
	s5 =	simm.s32 @!p0 $0x0;
	s3 =	ssub.s32 $0x2, s3  }
0x7: {  	s8 =	sshll.u32 s7, $0xC;
	s6 =	smul.u32 $0x201400, s7;
	s5 =	sadd.s32 s4, s5  }
0x8: {  	s26 =	sshrl.u32 s3, $0x1;
	s9 =	sshll.u32 s4, $0x8;
	s4 =	sshll.u32 s4, $0x5  }
0x9: {  	[dreg:$0x1d] =	wrdreg s5;
	s3 =	ssub.s32 s3, s26;
	s5 =	ssub.s32 s9, s8  }
0xa: {  	s8 =	simm.s32 $0x201400;
	s0 =	sadd.s32 s0, s4;
	s4 =	sadd.s32 s2, s6  }
0xb: {  	[dreg:$0x1c] =	wrdreg s3;
	s10 =	sshll.u32 s5, $0x9;
	s8 =	simm.s32 @!p0 $0x0  }
0xc: {  	[dreg:$0x5] =	wrdreg s0;
	s3 =	sshll.u32 s5, $0xC;
	s21 =	sadd.s32 s2, s8  }
0xd: {  	s11 =	sand.u32 $0x1FFE0000, s10;
	s3 =	sadd.s32 $0x102000, s3;
	[dreg:$0x1e] =	wrdreg s21  }
0xe: {  	s22 =	sor.u32 $0x1400, s11;
	s23 =	sor.u32 $0x2400, s11;
	s24 =	sor.u32 $0x3400, s11  }
0xf: {  	s25 =	sor.u32 $0x4400, s11;
	s26 =	sor.u32 $0x5400, s11;
	s12 =	sor.u32 $0x6400, s11  }
0x10: {  	s13 =	sor.u32 $0x7400, s11;
	s14 =	sor.u32 $0x8400, s11;
	s15 =	sor.u32 $0x9400, s11  }
0x11: {  	s16 =	sor.u32 $0xA400, s11;
	s17 =	sor.u32 $0xB400, s11;
	s18 =	sor.u32 $0xC400, s11  }
0x12: {  	s19 =	sor.u32 $0xD400, s11;
	s20 =	sor.u32 $0xE400, s11;
	s21 =	sor.u32 $0xF400, s11  }
0x13: {  	s28 =	sor.u32 $0x15400, s11;
	s29 =	sor.u32 $0x16400, s11;
	s30 =	sor.u32 $0x17400, s11  }
0x14: {  	s31 =	sor.u32 $0x18400, s11;
	s2 =	sor.u32 $0x19400, s11;
	[dreg:$0x1f] =	wrdreg s22  }
0x15: {  	s5 =	sor.u32 $0x1A400, s11;
	s6 =	sor.u32 $0x1B400, s11;
	[smem:$0x7FA] =	sst s23  }
0x16: {  	s7 =	sor.u32 $0x1C400, s11;
	s8 =	sor.u32 $0x1D400, s11;
	[smem:$0x7FB] =	sst s24  }
0x17: {  	s9 =	sor.u32 $0x1E400, s11;
	s10 =	sor.u32 $0x1F400, s11;
	[smem:$0x7FC] =	sst s25  }
0x18: {  	[smem:$0x7FD] =	sst s26;
	s22 =	sor.u32 $0x10400, s11;
	s23 =	sor.u32 $0x11400, s11  }
0x19: {  	s24 =	sor.u32 $0x12400, s11;
	s25 =	sor.u32 $0x13400, s11;
	s26 =	sor.u32 $0x14400, s11  }
0x1a: {  	s11 =	sshrl.u32 s3, $0x3;
	s12 =	sadd.s32 s4, s12;
	s3 =	rddreg [dreg:$0x1f]  }
0x1b: {  	s13 =	sadd.s32 s4, s13;
	[dreg:$0xb] =	wrdreg s12  }
0x1c: {  	s14 =	sadd.s32 s4, s14;
	[dreg:$0xc] =	wrdreg s13  }
0x1d: {  	s15 =	sadd.s32 s4, s15;
	[dreg:$0xd] =	wrdreg s14  }
0x1e: {  	s16 =	sadd.s32 s4, s16;
	[dreg:$0xe] =	wrdreg s15  }
0x1f: {  	s17 =	sadd.s32 s4, s17;
	[dreg:$0xf] =	wrdreg s16  }
0x20: {  	s18 =	sadd.s32 s4, s18;
	[dreg:$0x10] =	wrdreg s17  }
0x21: {  	s7 =	sadd.s32 s4, s7;
	[dreg:$0x11] =	wrdreg s18  }
0x22: {  	[dreg:$0x13] =	wrdreg s7  }
0x23: {  	s8 =	sadd.s32 s4, s8;
	s0 =	sadd.s32 s4, s3;
	s3 =	sld [smem:$0x7FA]  }
0x24: {  	[dreg:$0x14] =	wrdreg s8  }
0x25: {  	s20 =	sadd.s32 s4, s20;
	s21 =	sadd.s32 s4, s21;
	[dreg:$0x6] =	wrdreg s0  }
0x26: {  	s9 =	sadd.s32 s4, s9;
	s0 =	sadd.s32 s4, s3;
	s3 =	sld [smem:$0x7FB]  }
0x27: {  	s28 =	sadd.s32 s4, s28;
	s29 =	sadd.s32 s4, s29;
	[dreg:$0x15] =	wrdreg s9  }
0x28: {  	s30 =	sadd.s32 s4, s30;
	s2 =	sadd.s32 s4, s2;
	[dreg:$0x7] =	wrdreg s0  }
0x29: {  	s10 =	sadd.s32 s4, s10;
	s0 =	sadd.s32 s4, s3;
	s3 =	sld [smem:$0x7FC]  }
0x2a: {  	s22 =	sadd.s32 s4, s22;
	s23 =	sadd.s32 s4, s23;
	[dreg:$0x16] =	wrdreg s10  }
0x2b: {  	s24 =	sadd.s32 s4, s24;
	s25 =	sadd.s32 s4, s25;
	[dreg:$0x8] =	wrdreg s0  }
0x2c: {  	s26 =	sadd.s32 s4, s26;
	s0 =	sadd.s32 s4, s3;
	s3 =	sld [smem:$0x7FD]  }
0x2d: {  	s12 =	rddreg [dreg:$0x1d];
	s8 =	simm.s32 $0x8;
	s9 =	simm.s32 $0x100  }
0x2e: {  	s10 =	simm.s32 $0x8100;
	s13 =	sshll.u32 s12, $0x9;
	s14 =	sshll.u32 s12, $0x1  }
0x2f: {  	s12 =	simm.s32 $0x6;
	[dreg:$0x9] =	wrdreg s0;
	s0 =	sadd.s32 s4, s3  }
0x30: {  	s7 =	sand.u32 $0x1FFFFFFE, s14;
	s3 =	sadd.s32 s4, s19;
	[dreg:$0xa] =	wrdreg s0  }
0x31: {  	[dreg:$0x12] =	wrdreg s3;
	s0 =	sadd.s32 s4, s31;
	s3 =	sadd.s32 s4, s5  }
0x32: {  	s31 =	sadd.s32 s4, s6;
	s4 =	sadd.s32 s11, s4;
	s11 =	rddreg [dreg:$0x1]  }
0x33: {  	s14 =	simm.s32 $0x2;
	s19 =	stileid.u32;
	[dreg:$0x17] =	wrdreg s4  }
0x34: {  	s6 =	sand.u32 $0x1FFFFE00, s13;
	s7 =	sadd.s32 s7, s11;
	_ =	strace $0x8000004A  }
0x35: {  	p0 =	sgt.u32 s19, $0x9;
	s16 =	sadd.s32 $0x200C00, s7;
	s15 =	rddreg [dreg:$0x1e]  }
0x36: {  	s13 =	simm.s32 $0x1;
	s5 =	sadd.s32 $0xC00, s11;
	[dreg:$0x19] =	wrdreg s16  }
.Ltmp0:
0x37: {  	s7 =	simm.s32 $0x10;
	s18 =	rddreg [dreg:$0x1c];
	(pc) =	sbr.rel .LBB2_1-.Ltmp0, $4  }
0x38: {  	s16 =	simm.s32 $0x3;
	s4 =	sadd.s32 s6, s15;
	s6 =	sadd.s32 s6, s11  }
0x39: {  	s11 =	simm.s32 $0x10100;
	[dreg:$0x18] =	wrdreg s4;
	s17 =	sadd.s32 $0x200E00, s6  }
0x3a: {  	s15 =	simm.s32 $0x4;
	s6 =	smax.u32 s18, $0x1;
	[dreg:$0x1a] =	wrdreg s17  }
0x3b: {  	s18 =	simm.s32 $0x0;
	s17 =	simm.s32 $0x5;
	[dreg:$0x1b] =	wrdreg s6  }
.LBB2_4:
0x3c: {  	v0 =	vmul.f32 v1, v0;
	_ =	sdelay $0x1  }
0x3d: {  	s21 =	rddreg [dreg:$0x18];
	s20 =	smov.u32 s22;
	v0 =	vmul.f32 v2, v0  }
0x3e: {  	s22 =	smov.u32 s24;
	s24 =	smov.u32 s26;
	s26 =	smov.u32 s29  }
0x3f: {  	s29 =	smov.u32 s31;
	s31 =	smov.u32 s6;
	s7 =	simm.s32 $0x10;
	[tilespmem:s19+$0x10100] =	vst v0  }
0x40: {  	[hbm4b:s21+s1] =	stream.linear.scatter [tilespmem:s11], [sflag:$0x6], $0x1000, $0x38;
	[tilespmem:$0x1A110] =	vst v63  }
0x41: {  	s21 =	smov.u32 s23;
	s23 =	smov.u32 s25;
	s25 =	smov.u32 s28  }
0x42: {  	s28 =	smov.u32 s30;
	s30 =	smov.u32 s0;
	_ =	swait.ge [sflag:s12], $0x1000  }
0x43: {  	s0 =	smov.u32 s2;
	s2 =	smov.u32 s3;
	[sflag:s12] =	ssyncset.done $0x0  }
0x44: {  	s3 =	smov.u32 s4;
	s6 =	rddreg [dreg:$0x1b];
	[sflag:s12] =	ssyncadd.s32 $0xFFFFF000  }
.LBB2_5:
0x45: {  	_ =	swait.ge [sflag:s13], $0x8000  }
0x46: {  	[sflag:s13] =	ssyncset.done $0x0  }
0x47: {  	s19 =	rddreg [dreg:$0x6];
	[sflag:s13] =	ssyncadd.s32 $0xFFFF8000  }
0x48: {  	[hbm4b:s19+s1] =	stream.linear.scatter [tilespmem:s9], [sflag:$0x4], $0x8000, $0x38;
	[tilespmem:$0x1A110] =	vst v63  }
0x49: {  	_ = 	snop  }
0x4a: {  	[tilespmem:s11], [sflag:$0x3] =	stream.indirect.gather [hbm4b:s5+s8], $0x1000, s7, s8, $0xb8;
	[tilespmem:$0x1A110] =	vst v63  }
0x4b: {  	_ =	swait.ge [sflag:s14], $0x8000  }
0x4c: {  	[sflag:s14] =	ssyncset.done $0x0  }
0x4d: {  	s4 =	rddreg [dreg:$0x7];
	[sflag:s14] =	ssyncadd.s32 $0xFFFF8000  }
0x4e: {  	[hbm4b:s4+s1] =	stream.linear.scatter [tilespmem:s10], [sflag:$0x5], $0x8000, $0x38;
	[tilespmem:$0x1A110] =	vst v63  }
0x4f: {  	_ =	swait.ge [sflag:s15], $0x8000  }
0x50: {  	[sflag:s15] =	ssyncset.done $0x0  }
0x51: {  	s4 =	simm.s32 $0x18;
	[sflag:s15] =	ssyncadd.s32 $0xFFFF8000  }
0x52: {  	[tilespmem:s9], [sflag:$0x1] =	stream.indirect.gather [hbm4b:s5+s8], $0x1000, s4, s8, $0xb8;
	[tilespmem:$0x1A110] =	vst v63  }
0x53: {  	_ =	swait.ge [sflag:s16], $0x8000  }
0x54: {  	[sflag:s16] =	ssyncset.done $0x0  }
0x55: {  	s4 =	rddreg [dreg:$0x8];
	[sflag:s16] =	ssyncadd.s32 $0xFFFF8000  }
0x56: {  	[hbm4b:s4+s1] =	stream.linear.scatter [tilespmem:s11], [sflag:$0x6], $0x8000, $0x38;
	[tilespmem:$0x1A110] =	vst v63  }
0x57: {  	_ =	swait.ge [sflag:s17], $0x8000  }
0x58: {  	[sflag:s17] =	ssyncset.done $0x0  }
0x59: {  	s19 =	simm.s32 $0x20;
	[sflag:s17] =	ssyncadd.s32 $0xFFFF8000  }
0x5a: {  	[tilespmem:s10], [sflag:$0x2] =	stream.indirect.gather [hbm4b:s5+s8], $0x1000, s19, s8, $0xb8;
	[tilespmem:$0x1A110] =	vst v63  }
0x5b: {  	_ =	swait.ge [sflag:s13], $0x8000  }
0x5c: {  	[sflag:s13] =	ssyncset.done $0x0  }
0x5d: {  	s4 =	rddreg [dreg:$0x9];
	[sflag:s13] =	ssyncadd.s32 $0xFFFF8000  }
0x5e: {  	[hbm4b:s4+s1] =	stream.linear.scatter [tilespmem:s9], [sflag:$0x4], $0x8000, $0x38;
	[tilespmem:$0x1A110] =	vst v63  }
0x5f: {  	_ =	swait.ge [sflag:s12], $0x8000  }
0x60: {  	[sflag:s12] =	ssyncset.done $0x0  }
0x61: {  	s19 =	simm.s32 $0x28;
	[sflag:s12] =	ssyncadd.s32 $0xFFFF8000  }
0x62: {  	[tilespmem:s11], [sflag:$0x3] =	stream.indirect.gather [hbm4b:s5+s8], $0x1000, s19, s8, $0xb8;
	[tilespmem:$0x1A110] =	vst v63  }
0x63: {  	_ =	swait.ge [sflag:s14], $0x8000  }
0x64: {  	[sflag:s14] =	ssyncset.done $0x0  }
0x65: {  	s4 =	rddreg [dreg:$0xa];
	[sflag:s14] =	ssyncadd.s32 $0xFFFF8000  }
0x66: {  	[hbm4b:s4+s1] =	stream.linear.scatter [tilespmem:s10], [sflag:$0x5], $0x8000, $0x38;
	[tilespmem:$0x1A110] =	vst v63  }
0x67: {  	_ =	swait.ge [sflag:s15], $0x8000  }
0x68: {  	[sflag:s15] =	ssyncset.done $0x0  }
0x69: {  	s19 =	simm.s32 $0x30;
	[sflag:s15] =	ssyncadd.s32 $0xFFFF8000  }
0x6a: {  	[tilespmem:s9], [sflag:$0x1] =	stream.indirect.gather [hbm4b:s5+s8], $0x1000, s19, s8, $0xb8;
	[tilespmem:$0x1A110] =	vst v63  }
0x6b: {  	_ =	swait.ge [sflag:s16], $0x8000  }
0x6c: {  	[sflag:s16] =	ssyncset.done $0x0  }
0x6d: {  	s4 =	rddreg [dreg:$0xb];
	[sflag:s16] =	ssyncadd.s32 $0xFFFF8000  }
0x6e: {  	[hbm4b:s4+s1] =	stream.linear.scatter [tilespmem:s11], [sflag:$0x6], $0x8000, $0x38;
	[tilespmem:$0x1A110] =	vst v63  }
0x6f: {  	_ =	swait.ge [sflag:s17], $0x8000  }
0x70: {  	[sflag:s17] =	ssyncset.done $0x0  }
0x71: {  	s19 =	simm.s32 $0x38;
	[sflag:s17] =	ssyncadd.s32 $0xFFFF8000  }
0x72: {  	[tilespmem:s10], [sflag:$0x2] =	stream.indirect.gather [hbm4b:s5+s8], $0x1000, s19, s8, $0xb8;
	[tilespmem:$0x1A110] =	vst v63  }
0x73: {  	_ =	swait.ge [sflag:s13], $0x8000  }
0x74: {  	[sflag:s13] =	ssyncset.done $0x0  }
0x75: {  	s4 =	rddreg [dreg:$0xc];
	[sflag:s13] =	ssyncadd.s32 $0xFFFF8000  }
0x76: {  	[hbm4b:s4+s1] =	stream.linear.scatter [tilespmem:s9], [sflag:$0x4], $0x8000, $0x38;
	[tilespmem:$0x1A110] =	vst v63  }
0x77: {  	_ =	swait.ge [sflag:s12], $0x8000  }
0x78: {  	[sflag:s12] =	ssyncset.done $0x0  }
0x79: {  	s19 =	simm.s32 $0x40;
	[sflag:s12] =	ssyncadd.s32 $0xFFFF8000  }
0x7a: {  	[tilespmem:s11], [sflag:$0x3] =	stream.indirect.gather [hbm4b:s5+s8], $0x1000, s19, s8, $0xb8;
	[tilespmem:$0x1A110] =	vst v63  }
0x7b: {  	_ =	swait.ge [sflag:s14], $0x8000  }
0x7c: {  	[sflag:s14] =	ssyncset.done $0x0  }
0x7d: {  	s4 =	rddreg [dreg:$0xd];
	[sflag:s14] =	ssyncadd.s32 $0xFFFF8000  }
0x7e: {  	[hbm4b:s4+s1] =	stream.linear.scatter [tilespmem:s10], [sflag:$0x5], $0x8000, $0x38;
	[tilespmem:$0x1A110] =	vst v63  }
0x7f: {  	_ =	swait.ge [sflag:s15], $0x8000  }
0x80: {  	[sflag:s15] =	ssyncset.done $0x0  }
0x81: {  	s19 =	simm.s32 $0x48;
	[sflag:s15] =	ssyncadd.s32 $0xFFFF8000  }
0x82: {  	[tilespmem:s9], [sflag:$0x1] =	stream.indirect.gather [hbm4b:s5+s8], $0x1000, s19, s8, $0xb8;
	[tilespmem:$0x1A110] =	vst v63  }
0x83: {  	_ =	swait.ge [sflag:s16], $0x8000  }
0x84: {  	[sflag:s16] =	ssyncset.done $0x0  }
0x85: {  	s4 =	rddreg [dreg:$0xe];
	[sflag:s16] =	ssyncadd.s32 $0xFFFF8000  }
0x86: {  	[hbm4b:s4+s1] =	stream.linear.scatter [tilespmem:s11], [sflag:$0x6], $0x8000, $0x38;
	[tilespmem:$0x1A110] =	vst v63  }
0x87: {  	_ =	swait.ge [sflag:s17], $0x8000  }
0x88: {  	[sflag:s17] =	ssyncset.done $0x0  }
0x89: {  	s19 =	simm.s32 $0x50;
	[sflag:s17] =	ssyncadd.s32 $0xFFFF8000  }
0x8a: {  	[tilespmem:s10], [sflag:$0x2] =	stream.indirect.gather [hbm4b:s5+s8], $0x1000, s19, s8, $0xb8;
	[tilespmem:$0x1A110] =	vst v63  }
0x8b: {  	_ =	swait.ge [sflag:s13], $0x8000  }
0x8c: {  	[sflag:s13] =	ssyncset.done $0x0  }
0x8d: {  	s4 =	rddreg [dreg:$0xf];
	[sflag:s13] =	ssyncadd.s32 $0xFFFF8000  }
0x8e: {  	[hbm4b:s4+s1] =	stream.linear.scatter [tilespmem:s9], [sflag:$0x4], $0x8000, $0x38;
	[tilespmem:$0x1A110] =	vst v63  }
0x8f: {  	_ =	swait.ge [sflag:s12], $0x8000  }
0x90: {  	[sflag:s12] =	ssyncset.done $0x0  }
0x91: {  	s19 =	simm.s32 $0x58;
	[sflag:s12] =	ssyncadd.s32 $0xFFFF8000  }
0x92: {  	[tilespmem:s11], [sflag:$0x3] =	stream.indirect.gather [hbm4b:s5+s8], $0x1000, s19, s8, $0xb8;
	[tilespmem:$0x1A110] =	vst v63  }
0x93: {  	_ =	swait.ge [sflag:s14], $0x8000  }
0x94: {  	[sflag:s14] =	ssyncset.done $0x0  }
0x95: {  	s4 =	rddreg [dreg:$0x10];
	[sflag:s14] =	ssyncadd.s32 $0xFFFF8000  }
0x96: {  	[hbm4b:s4+s1] =	stream.linear.scatter [tilespmem:s10], [sflag:$0x5], $0x8000, $0x38;
	[tilespmem:$0x1A110] =	vst v63  }
0x97: {  	_ =	swait.ge [sflag:s15], $0x8000  }
0x98: {  	[sflag:s15] =	ssyncset.done $0x0  }
0x99: {  	s19 =	simm.s32 $0x60;
	[sflag:s15] =	ssyncadd.s32 $0xFFFF8000  }
0x9a: {  	[tilespmem:s9], [sflag:$0x1] =	stream.indirect.gather [hbm4b:s5+s8], $0x1000, s19, s8, $0xb8;
	[tilespmem:$0x1A110] =	vst v63  }
0x9b: {  	_ =	swait.ge [sflag:s16], $0x8000  }
0x9c: {  	[sflag:s16] =	ssyncset.done $0x0  }
0x9d: {  	s4 =	rddreg [dreg:$0x11];
	[sflag:s16] =	ssyncadd.s32 $0xFFFF8000  }
0x9e: {  	[hbm4b:s4+s1] =	stream.linear.scatter [tilespmem:s11], [sflag:$0x6], $0x8000, $0x38;
	[tilespmem:$0x1A110] =	vst v63  }
0x9f: {  	_ =	swait.ge [sflag:s17], $0x8000  }
0xa0: {  	[sflag:s17] =	ssyncset.done $0x0  }
0xa1: {  	s19 =	simm.s32 $0x68;
	[sflag:s17] =	ssyncadd.s32 $0xFFFF8000  }
0xa2: {  	[tilespmem:s10], [sflag:$0x2] =	stream.indirect.gather [hbm4b:s5+s8], $0x1000, s19, s8, $0xb8;
	[tilespmem:$0x1A110] =	vst v63  }
0xa3: {  	_ =	swait.ge [sflag:s13], $0x8000  }
0xa4: {  	[sflag:s13] =	ssyncset.done $0x0  }
0xa5: {  	s4 =	rddreg [dreg:$0x12];
	[sflag:s13] =	ssyncadd.s32 $0xFFFF8000  }
0xa6: {  	[hbm4b:s4+s1] =	stream.linear.scatter [tilespmem:s9], [sflag:$0x4], $0x8000, $0x38;
	[tilespmem:$0x1A110] =	vst v63  }
0xa7: {  	_ =	swait.ge [sflag:s12], $0x8000  }
0xa8: {  	[sflag:s12] =	ssyncset.done $0x0  }
0xa9: {  	s19 =	simm.s32 $0x70;
	[sflag:s12] =	ssyncadd.s32 $0xFFFF8000  }
0xaa: {  	[tilespmem:s11], [sflag:$0x3] =	stream.indirect.gather [hbm4b:s5+s8], $0x1000, s19, s8, $0xb8;
	[tilespmem:$0x1A110] =	vst v63  }
0xab: {  	_ =	swait.ge [sflag:s14], $0x8000  }
0xac: {  	[sflag:s14] =	ssyncset.done $0x0  }
0xad: {  	[sflag:s14] =	ssyncadd.s32 $0xFFFF8000  }
0xae: {  	[hbm4b:s20+s1] =	stream.linear.scatter [tilespmem:s10], [sflag:$0x5], $0x8000, $0x38;
	[tilespmem:$0x1A110] =	vst v63  }
0xaf: {  	_ =	swait.ge [sflag:s15], $0x8000  }
0xb0: {  	[sflag:s15] =	ssyncset.done $0x0  }
0xb1: {  	s19 =	simm.s32 $0x78;
	[sflag:s15] =	ssyncadd.s32 $0xFFFF8000  }
0xb2: {  	[tilespmem:s9], [sflag:$0x1] =	stream.indirect.gather [hbm4b:s5+s8], $0x1000, s19, s8, $0xb8;
	[tilespmem:$0x1A110] =	vst v63  }
0xb3: {  	_ =	swait.ge [sflag:s16], $0x8000  }
0xb4: {  	[sflag:s16] =	ssyncset.done $0x0  }
0xb5: {  	[sflag:s16] =	ssyncadd.s32 $0xFFFF8000  }
0xb6: {  	[hbm4b:s21+s1] =	stream.linear.scatter [tilespmem:s11], [sflag:$0x6], $0x8000, $0x38;
	[tilespmem:$0x1A110] =	vst v63  }
0xb7: {  	_ =	swait.ge [sflag:s17], $0x8000  }
0xb8: {  	[sflag:s17] =	ssyncset.done $0x0  }
0xb9: {  	s19 =	simm.s32 $0x80;
	[sflag:s17] =	ssyncadd.s32 $0xFFFF8000  }
0xba: {  	[tilespmem:s10], [sflag:$0x2] =	stream.indirect.gather [hbm4b:s5+s8], $0x1000, s19, s8, $0xb8;
	[tilespmem:$0x1A110] =	vst v63  }
0xbb: {  	_ =	swait.ge [sflag:s13], $0x8000  }
0xbc: {  	[sflag:s13] =	ssyncset.done $0x0  }
0xbd: {  	[sflag:s13] =	ssyncadd.s32 $0xFFFF8000  }
0xbe: {  	[hbm4b:s22+s1] =	stream.linear.scatter [tilespmem:s9], [sflag:$0x4], $0x8000, $0x38;
	[tilespmem:$0x1A110] =	vst v63  }
0xbf: {  	_ =	swait.ge [sflag:s12], $0x8000  }
0xc0: {  	[sflag:s12] =	ssyncset.done $0x0  }
0xc1: {  	s19 =	simm.s32 $0x88;
	[sflag:s12] =	ssyncadd.s32 $0xFFFF8000  }
0xc2: {  	[tilespmem:s11], [sflag:$0x3] =	stream.indirect.gather [hbm4b:s5+s8], $0x1000, s19, s8, $0xb8;
	[tilespmem:$0x1A110] =	vst v63  }
0xc3: {  	_ =	swait.ge [sflag:s14], $0x8000  }
0xc4: {  	[sflag:s14] =	ssyncset.done $0x0  }
0xc5: {  	[sflag:s14] =	ssyncadd.s32 $0xFFFF8000  }
0xc6: {  	[hbm4b:s23+s1] =	stream.linear.scatter [tilespmem:s10], [sflag:$0x5], $0x8000, $0x38;
	[tilespmem:$0x1A110] =	vst v63  }
0xc7: {  	_ =	swait.ge [sflag:s15], $0x8000  }
0xc8: {  	[sflag:s15] =	ssyncset.done $0x0  }
0xc9: {  	s19 =	simm.s32 $0x90;
	[sflag:s15] =	ssyncadd.s32 $0xFFFF8000  }
0xca: {  	[tilespmem:s9], [sflag:$0x1] =	stream.indirect.gather [hbm4b:s5+s8], $0x1000, s19, s8, $0xb8;
	[tilespmem:$0x1A110] =	vst v63  }
0xcb: {  	_ =	swait.ge [sflag:s16], $0x8000  }
0xcc: {  	[sflag:s16] =	ssyncset.done $0x0  }
0xcd: {  	[sflag:s16] =	ssyncadd.s32 $0xFFFF8000  }
0xce: {  	[hbm4b:s24+s1] =	stream.linear.scatter [tilespmem:s11], [sflag:$0x6], $0x8000, $0x38;
	[tilespmem:$0x1A110] =	vst v63  }
0xcf: {  	_ =	swait.ge [sflag:s17], $0x8000  }
0xd0: {  	[sflag:s17] =	ssyncset.done $0x0  }
0xd1: {  	s19 =	simm.s32 $0x98;
	[sflag:s17] =	ssyncadd.s32 $0xFFFF8000  }
0xd2: {  	[tilespmem:s10], [sflag:$0x2] =	stream.indirect.gather [hbm4b:s5+s8], $0x1000, s19, s8, $0xb8;
	[tilespmem:$0x1A110] =	vst v63  }
0xd3: {  	_ =	swait.ge [sflag:s13], $0x8000  }
0xd4: {  	[sflag:s13] =	ssyncset.done $0x0  }
0xd5: {  	[sflag:s13] =	ssyncadd.s32 $0xFFFF8000  }
0xd6: {  	[hbm4b:s25+s1] =	stream.linear.scatter [tilespmem:s9], [sflag:$0x4], $0x8000, $0x38;
	[tilespmem:$0x1A110] =	vst v63  }
0xd7: {  	_ =	swait.ge [sflag:s12], $0x8000  }
0xd8: {  	[sflag:s12] =	ssyncset.done $0x0  }
0xd9: {  	s19 =	simm.s32 $0xA0;
	[sflag:s12] =	ssyncadd.s32 $0xFFFF8000  }
0xda: {  	[tilespmem:s11], [sflag:$0x3] =	stream.indirect.gather [hbm4b:s5+s8], $0x1000, s19, s8, $0xb8;
	[tilespmem:$0x1A110] =	vst v63  }
0xdb: {  	_ =	swait.ge [sflag:s14], $0x8000  }
0xdc: {  	[sflag:s14] =	ssyncset.done $0x0  }
0xdd: {  	[sflag:s14] =	ssyncadd.s32 $0xFFFF8000  }
0xde: {  	[hbm4b:s26+s1] =	stream.linear.scatter [tilespmem:s10], [sflag:$0x5], $0x8000, $0x38;
	[tilespmem:$0x1A110] =	vst v63  }
0xdf: {  	_ =	swait.ge [sflag:s15], $0x8000  }
0xe0: {  	[sflag:s15] =	ssyncset.done $0x0  }
0xe1: {  	s19 =	simm.s32 $0xA8;
	[sflag:s15] =	ssyncadd.s32 $0xFFFF8000  }
0xe2: {  	[tilespmem:s9], [sflag:$0x1] =	stream.indirect.gather [hbm4b:s5+s8], $0x1000, s19, s8, $0xb8;
	[tilespmem:$0x1A110] =	vst v63  }
0xe3: {  	_ =	swait.ge [sflag:s16], $0x8000  }
0xe4: {  	[sflag:s16] =	ssyncset.done $0x0  }
0xe5: {  	[sflag:s16] =	ssyncadd.s32 $0xFFFF8000  }
0xe6: {  	[hbm4b:s28+s1] =	stream.linear.scatter [tilespmem:s11], [sflag:$0x6], $0x8000, $0x38;
	[tilespmem:$0x1A110] =	vst v63  }
0xe7: {  	_ =	swait.ge [sflag:s17], $0x8000  }
0xe8: {  	[sflag:s17] =	ssyncset.done $0x0  }
0xe9: {  	s19 =	simm.s32 $0xB0;
	[sflag:s17] =	ssyncadd.s32 $0xFFFF8000  }
0xea: {  	[tilespmem:s10], [sflag:$0x2] =	stream.indirect.gather [hbm4b:s5+s8], $0x1000, s19, s8, $0xb8;
	[tilespmem:$0x1A110] =	vst v63  }
0xeb: {  	_ =	swait.ge [sflag:s13], $0x8000  }
0xec: {  	[sflag:s13] =	ssyncset.done $0x0  }
0xed: {  	[sflag:s13] =	ssyncadd.s32 $0xFFFF8000  }
0xee: {  	[hbm4b:s29+s1] =	stream.linear.scatter [tilespmem:s9], [sflag:$0x4], $0x8000, $0x38;
	[tilespmem:$0x1A110] =	vst v63  }
0xef: {  	_ =	swait.ge [sflag:s12], $0x8000  }
0xf0: {  	[sflag:s12] =	ssyncset.done $0x0  }
0xf1: {  	s19 =	simm.s32 $0xB8;
	[sflag:s12] =	ssyncadd.s32 $0xFFFF8000  }
0xf2: {  	[tilespmem:s11], [sflag:$0x3] =	stream.indirect.gather [hbm4b:s5+s8], $0x1000, s19, s8, $0xb8;
	[tilespmem:$0x1A110] =	vst v63  }
0xf3: {  	_ =	swait.ge [sflag:s14], $0x8000  }
0xf4: {  	[sflag:s14] =	ssyncset.done $0x0  }
0xf5: {  	[sflag:s14] =	ssyncadd.s32 $0xFFFF8000  }
0xf6: {  	[hbm4b:s30+s1] =	stream.linear.scatter [tilespmem:s10], [sflag:$0x5], $0x8000, $0x38;
	[tilespmem:$0x1A110] =	vst v63  }
0xf7: {  	_ =	swait.ge [sflag:s15], $0x8000  }
0xf8: {  	[sflag:s15] =	ssyncset.done $0x0  }
0xf9: {  	s19 =	simm.s32 $0xC0;
	[sflag:s15] =	ssyncadd.s32 $0xFFFF8000  }
0xfa: {  	[tilespmem:s9], [sflag:$0x1] =	stream.indirect.gather [hbm4b:s5+s8], $0x1000, s19, s8, $0xb8;
	[tilespmem:$0x1A110] =	vst v63  }
0xfb: {  	_ =	swait.ge [sflag:s16], $0x8000  }
0xfc: {  	[sflag:s16] =	ssyncset.done $0x0  }
0xfd: {  	[sflag:s16] =	ssyncadd.s32 $0xFFFF8000  }
0xfe: {  	[hbm4b:s0+s1] =	stream.linear.scatter [tilespmem:s11], [sflag:$0x6], $0x8000, $0x38;
	[tilespmem:$0x1A110] =	vst v63  }
0xff: {  	_ =	swait.ge [sflag:s17], $0x8000  }
0x100: {  	[sflag:s17] =	ssyncset.done $0x0  }
0x101: {  	s19 =	simm.s32 $0xC8;
	[sflag:s17] =	ssyncadd.s32 $0xFFFF8000  }
0x102: {  	[tilespmem:s10], [sflag:$0x2] =	stream.indirect.gather [hbm4b:s5+s8], $0x1000, s19, s8, $0xb8;
	[tilespmem:$0x1A110] =	vst v63  }
0x103: {  	_ =	swait.ge [sflag:s13], $0x8000  }
0x104: {  	[sflag:s13] =	ssyncset.done $0x0  }
0x105: {  	[sflag:s13] =	ssyncadd.s32 $0xFFFF8000  }
0x106: {  	[hbm4b:s2+s1] =	stream.linear.scatter [tilespmem:s9], [sflag:$0x4], $0x8000, $0x38;
	[tilespmem:$0x1A110] =	vst v63  }
0x107: {  	_ =	swait.ge [sflag:s12], $0x8000  }
0x108: {  	[sflag:s12] =	ssyncset.done $0x0  }
0x109: {  	s19 =	simm.s32 $0xD0;
	[sflag:s12] =	ssyncadd.s32 $0xFFFF8000  }
0x10a: {  	[tilespmem:s11], [sflag:$0x3] =	stream.indirect.gather [hbm4b:s5+s8], $0x1000, s19, s8, $0xb8;
	[tilespmem:$0x1A110] =	vst v63  }
0x10b: {  	_ =	swait.ge [sflag:s14], $0x8000  }
0x10c: {  	[sflag:s14] =	ssyncset.done $0x0  }
0x10d: {  	[sflag:s14] =	ssyncadd.s32 $0xFFFF8000  }
0x10e: {  	[hbm4b:s3+s1] =	stream.linear.scatter [tilespmem:s10], [sflag:$0x5], $0x8000, $0x38;
	[tilespmem:$0x1A110] =	vst v63  }
0x10f: {  	_ =	swait.ge [sflag:s15], $0x8000  }
0x110: {  	[sflag:s15] =	ssyncset.done $0x0  }
0x111: {  	s19 =	simm.s32 $0xD8;
	[sflag:s15] =	ssyncadd.s32 $0xFFFF8000  }
0x112: {  	[tilespmem:s9], [sflag:$0x1] =	stream.indirect.gather [hbm4b:s5+s8], $0x1000, s19, s8, $0xb8;
	[tilespmem:$0x1A110] =	vst v63  }
0x113: {  	_ =	swait.ge [sflag:s16], $0x8000  }
0x114: {  	[sflag:s16] =	ssyncset.done $0x0  }
0x115: {  	[sflag:s16] =	ssyncadd.s32 $0xFFFF8000  }
0x116: {  	[hbm4b:s31+s1] =	stream.linear.scatter [tilespmem:s11], [sflag:$0x6], $0x8000, $0x38;
	[tilespmem:$0x1A110] =	vst v63  }
0x117: {  	_ =	swait.ge [sflag:s17], $0x8000  }
0x118: {  	[sflag:s17] =	ssyncset.done $0x0  }
0x119: {  	s19 =	simm.s32 $0xE0;
	[sflag:s17] =	ssyncadd.s32 $0xFFFF8000  }
0x11a: {  	[tilespmem:s10], [sflag:$0x2] =	stream.indirect.gather [hbm4b:s5+s8], $0x1000, s19, s8, $0xb8;
	[tilespmem:$0x1A110] =	vst v63  }
0x11b: {  	_ =	swait.ge [sflag:s13], $0x8000  }
0x11c: {  	[sflag:s13] =	ssyncset.done $0x0  }
0x11d: {  	s19 =	rddreg [dreg:$0x13];
	[sflag:s13] =	ssyncadd.s32 $0xFFFF8000  }
0x11e: {  	[hbm4b:s19+s1] =	stream.linear.scatter [tilespmem:s9], [sflag:$0x4], $0x8000, $0x38;
	[tilespmem:$0x1A110] =	vst v63  }
0x11f: {  	_ =	swait.ge [sflag:s12], $0x8000  }
0x120: {  	[sflag:s12] =	ssyncset.done $0x0  }
0x121: {  	s19 =	simm.s32 $0xE8;
	[sflag:s12] =	ssyncadd.s32 $0xFFFF8000  }
0x122: {  	[tilespmem:s11], [sflag:$0x3] =	stream.indirect.gather [hbm4b:s5+s8], $0x1000, s19, s8, $0xb8;
	[tilespmem:$0x1A110] =	vst v63  }
0x123: {  	_ =	swait.ge [sflag:s14], $0x8000  }
0x124: {  	[sflag:s14] =	ssyncset.done $0x0  }
0x125: {  	s19 =	rddreg [dreg:$0x14];
	[sflag:s14] =	ssyncadd.s32 $0xFFFF8000  }
0x126: {  	[hbm4b:s19+s1] =	stream.linear.scatter [tilespmem:s10], [sflag:$0x5], $0x8000, $0x38;
	[tilespmem:$0x1A110] =	vst v63  }
0x127: {  	_ =	swait.ge [sflag:s15], $0x8000  }
0x128: {  	[sflag:s15] =	ssyncset.done $0x0  }
0x129: {  	s19 =	simm.s32 $0xF0;
	[sflag:s15] =	ssyncadd.s32 $0xFFFF8000  }
0x12a: {  	[tilespmem:s9], [sflag:$0x1] =	stream.indirect.gather [hbm4b:s5+s8], $0x1000, s19, s8, $0xb8;
	[tilespmem:$0x1A110] =	vst v63  }
0x12b: {  	_ =	swait.ge [sflag:s16], $0x8000  }
0x12c: {  	[sflag:s16] =	ssyncset.done $0x0  }
0x12d: {  	s19 =	rddreg [dreg:$0x15];
	[sflag:s16] =	ssyncadd.s32 $0xFFFF8000  }
0x12e: {  	[hbm4b:s19+s1] =	stream.linear.scatter [tilespmem:s11], [sflag:$0x6], $0x8000, $0x38;
	[tilespmem:$0x1A110] =	vst v63  }
0x12f: {  	_ =	swait.ge [sflag:s17], $0x8000  }
0x130: {  	[sflag:s17] =	ssyncset.done $0x0  }
0x131: {  	s19 =	simm.s32 $0xF8;
	[sflag:s17] =	ssyncadd.s32 $0xFFFF8000  }
0x132: {  	[tilespmem:s10], [sflag:$0x2] =	stream.indirect.gather [hbm4b:s5+s8], $0x1000, s19, s8, $0xb8;
	[tilespmem:$0x1A110] =	vst v63  }
0x133: {  	_ =	swait.ge [sflag:s13], $0x8000  }
0x134: {  	[sflag:s13] =	ssyncset.done $0x0  }
0x135: {  	s19 =	rddreg [dreg:$0x16];
	[sflag:s13] =	ssyncadd.s32 $0xFFFF8000  }
0x136: {  	[hbm4b:s19+s1] =	stream.linear.scatter [tilespmem:s9], [sflag:$0x4], $0x8000, $0x38;
	[tilespmem:$0x1A110] =	vst v63  }
0x137: {  	_ =	swait.ge [sflag:s12], $0x8000  }
0x138: {  	[sflag:s12] =	ssyncset.done $0x0  }
0x139: {  	[sflag:s12] =	ssyncadd.s32 $0xFFFF8000  }
0x13a: {  	_ =	swait.ge [sflag:s14], $0x8000  }
0x13b: {  	[sflag:s14] =	ssyncset.done $0x0  }
0x13c: {  	s18 =	sadd.s32 $0x1, s18;
	s19 =	rddreg [dreg:$0x17];
	[sflag:s14] =	ssyncadd.s32 $0xFFFF8000  }
0x13d: {  	[hbm4b:s19+s1] =	stream.linear.scatter [tilespmem:s10], [sflag:$0x5], $0x8000, $0x38;
	[tilespmem:$0x1A110] =	vst v63  }
0x13e: {  	p1 =	sne.s32 s18, s6;
	_ =	swait.ge [sflag:s15], $0x8000  }
.Ltmp1:
0x13f: {  	[sflag:s15] =	ssyncset.done $0x0;
	(pc) =	sbr.rel @!p1 .LBB2_6-.Ltmp1, $4  }
0x140: {  	[sflag:s15] =	ssyncadd.s32 $0xFFFF8000  }
0x141: {  	_ =	swait.ge [sflag:s17], $0x8000  }
0x142: {  	[sflag:s17] =	ssyncset.done $0x0  }
0x143: {  	[sflag:s17] =	ssyncadd.s32 $0xFFFF8000  }
.LBB2_1:
0x144: {  	s19 =	rddreg [dreg:$0x5];
	s4 =	simm.s32 $0x7  }
0x145: {  	[tilespmem:s1], [sflag:$0x7] =	stream.linear.gather [hbm4b:s19+s1], $0x100, $0x38;
	[tilespmem:$0x1A110] =	vst v63  }
0x146: {  	_ =	swait.ge [sflag:s4], $0x100  }
.Ltmp2:
0x147: {  	[sflag:s4] =	ssyncset.done $0x0;
	(pc) =	sbr.rel @p0 .LBB2_5-.Ltmp2, $4  }
0x148: {  	[sflag:s4] =	ssyncadd.s32 $0xFFFFFF00  }
0x149: {  	[tilespmem:s9], [sflag:$0x1] =	stream.indirect.gather [hbm4b:s5+s8], $0x1000, s1, s8, $0xb8;
	[tilespmem:$0x1A110] =	vst v63  }
0x14a: {  	_ = 	snop  }
0x14b: {  	[tilespmem:s10], [sflag:$0x2] =	stream.indirect.gather [hbm4b:s5+s8], $0x1000, s8, s8, $0xb8;
	[tilespmem:$0x1A110] =	vst v63  }
0x14c: {  	s4 =	smov.u32 s3;
	s3 =	smov.u32 s2  }
0x14d: {  	s2 =	smov.u32 s0;
	s0 =	smov.u32 s30;
	s30 =	smov.u32 s28  }
0x14e: {  	s28 =	smov.u32 s25;
	s25 =	smov.u32 s23;
	s23 =	smov.u32 s21  }
0x14f: {  	s19 =	simm.s32 $0x0;
	s21 =	rddreg [dreg:$0x19];
	s7 =	simm.s32 $0x18100  }
0x150: {  	[tilespmem:s7], [sflag:$0x7] =	stream.linear.gather [hbm4b:s21+s19], $0x10, $0x38;
	[tilespmem:$0x1A110] =	vst v63  }
0x151: {  	s21 =	simm.s32 $0x7  }
0x152: {  	s6 =	smov.u32 s31;
	_ =	swait.ge [sflag:s21], $0x10  }
0x153: {  	s31 =	smov.u32 s29;
	s29 =	smov.u32 s26;
	[sflag:s21] =	ssyncset.done $0x0  }
0x154: {  	s26 =	smov.u32 s24;
	s24 =	smov.u32 s22;
	[sflag:s21] =	ssyncadd.s32 $0xFFFFFFF0  }
0x155: {  	s22 =	smov.u32 s20;
	s7 =	simm.s32 $0x18110;
	s20 =	rddreg [dreg:$0x2]  }
0x156: {  	[tilespmem:s7], [sflag:$0x7] =	stream.linear.gather [hbm4b:s20+s19], $0x1000, $0x38;
	[tilespmem:$0x1A110] =	vst v63  }
0x157: {  	_ =	swait.ge [sflag:s21], $0x1000  }
0x158: {  	[sflag:s21] =	ssyncset.done $0x0  }
0x159: {  	s7 =	simm.s32 $0x19110;
	s20 =	rddreg [dreg:$0x1a];
	[sflag:s21] =	ssyncadd.s32 $0xFFFFF000  }
0x15a: {  	[tilespmem:s7], [sflag:$0x7] =	stream.linear.gather [hbm4b:s20+s19], $0x1000, $0x38;
	[tilespmem:$0x1A110] =	vst v63  }
0x15b: {  	_ =	swait.ge [sflag:s21], $0x1000  }
0x15c: {  	[sflag:s21] =	ssyncset.done $0x0  }
0x15d: {  	[sflag:s21] =	ssyncadd.s32 $0xFFFFF000  }
0x15e: {  	s19 =	simm.s32 $0x0;
	v0 =	vld [tilespmem:$0x18100]  }
0x15f: {  	v1 =	vld [tilespmem:s19+$0x18110];
	_ =	sdelay $0x1  }
0x160: {  	v2 =	vld [tilespmem:s19+$0x19110]  }
0x161: {  	s20 =	simm.s32 $0x40  }
.LBB2_3:
0x162: {  	p1 =	sne.s32 s20, $0x3FC0  }
.Ltmp3:
0x163: {  	s21 =	sshra.s32 s20, $0x2;
	s20 =	sadd.s32 $0x40, s20;
	v3 =	vmul.f32 v1, v0;
	(pc) =	sbr.rel @p1 .LBB2_3-.Ltmp3, $4  }
0x164: {  	v1 =	vld [tilespmem:s21+$0x18110]  }
0x165: {  	v3 =	vmul.f32 v2, v3  }
0x166: {  	v2 =	vld [tilespmem:s21+$0x19110]  }
0x167: {  	[tilespmem:s19+$0x10100] =	vst v3;
	s19 =	smov.u32 s21  }
.Ltmp4:
0x168: {  	_ = 	snop;
	(pc) =	sbr.rel .LBB2_4-.Ltmp4, $1  }
0x169: {  	_ =	sdelay $0x3  }
.LBB2_6:
0x16a: {  	_ =	sfence.sel $0x180000  }
0x16b: {  	[bflag:$0x0] =	sbarrier.arrive $0xFFFF  }
0x16c: {  	_ =	strace $0x9000004A  }
0x16d: {  	s0 =	stileid.u32;
	[bflag:$0x2] =	sbarrier.arrive $0xFFFF  }
0x16e: {  	p0 =	sne.s32 s0, $0x0;
	s0 =	rddreg [dreg:$0x4]  }
0x16f: {  	s0 =	sadd.s32 @!p0 $0x100000, s0  }
0x170: {  	[sflag:s0] =	ssyncadd.tile.s32 @!p0 $0x1;
	_ =	shalt  }
.Lfunc_end2:
_tile_overlayer_lowered:
.L_overlay_start_2:
0x171: {  	(tag) =	ssettag $0x2  }
0x172: {  	s0 =	rddreg [dreg:$0x0];
	s2 =	stileid.u32  }
0x173: {  	s1 =	rddreg [dreg:$0x1];
	p0 =	sne.s32 s2, $0x0  }
0x174: {  	s3 =	rddreg [dreg:$0x2];
	[bflag:$0x3] =	sbarrier.arrive $0xFFFF;
	s2 =	simm.s32 @!p0 $0x1C07  }
0x175: {  	[timem:s3], [sflag:s2] =	dma.local @!p0 [hbm:s0], s1  }
0x176: {  	s0 =	simm.s32 @!p0 $0x7  }
0x177: {  	_ =	swait.ge @!p0 [sflag:s0], s1  }
0x178: {  	s1 =	ssub.s32 @!p0 $0x0, s1;
	[sflag:s0] =	ssyncset.done @!p0 $0x0  }
0x179: {  	[sflag:s0] =	ssyncadd.s32 @!p0 s1  }
0x17a: {  	[bflag:$0x3] =	sbarrier.arrive $0xFFFF  }
0x17b: {  	_ =	shalt  }

// kernel: sparse-core-data-format-call.cloned.1.call-start
scs
called_computation_lowered:
.L_overlay_start_0:
0x0: {  	s2 =	sld [smem:$0x3FD9]  }
0x1: {  	s3 =	sld [smem:$0x3FFE];
	_ =	sdelay $0x1  }
0x2: {  	s1 =	srdreg.scid  }
0x3: {  	s0 =	sand.u32 $0x1, s1  }
0x4: {  	s18 =	sshll.u32 s0, $0xA;
	s2 =	sadd.s32 s3, s2  }
0x5: {  	s2 =	sadd.s32 s2, s18  }
0x6: {  	[smem:$0x3FC3] =	sst s2  }
0x7: {  	_ = 	snop  }
0x8: {  	s2 =	sld [smem:$0x3FC8];
	(tm) =	ssettm $0x1  }
0x9: {  	s19 =	sld [smem:$0x3FFB];
	_ =	sdelay $0x3  }
0xa: {  	_ =	strace s19  }
0xb: {  	s3 =	sld [smem:$0x3FFC];
	_ =	sdelay $0x3  }
0xc: {  	_ =	strace s3  }
0xd: {  	s3 =	sld [smem:$0x3FFD];
	_ =	sdelay $0x3  }
0xe: {  	_ =	strace s3  }
0xf: {  	_ =	strace $0x8FFFFFFF  }
0x10: {  	s20 =	sld [smem:$0x3FDB];
	_ =	sdelay $0x1  }
0x11: {  	s4 =	simm.s32 $_scs_section_size  }
0x12: {  	s5 =	simm.s32 $_size__tile_overlayer_lowered;
	s6 =	simm.s32 $_tile_overlayer_lowered  }
0x13: {  	s23 =	simm.s32 $0x1BFF;
	s22 =	sshll.u32 s6, $0x1;
	s3 =	sadd.s32 s4, s20  }
0x14: {  	s7 =	simm.s32 $0x0;
	s21 =	sshll.u32 s5, $0x1;
	s5 =	sadd.s32 s22, s3  }
0x15: {  	[timem:s7], [sflag:s23] =	dma.local [hbm:s5], s21  }
0x16: {  	_ =	swait.ge [sflag:s23], s21  }
0x17: {  	s4 =	ssub.s32 $0x0, s21;
	[sflag:s23] =	ssyncset.done $0x0  }
0x18: {  	[sflag:s23] =	ssyncadd.s32 s4;
	_ =	sdelay $0x1  }
0x19: {  	s24 =	simm.s32 $0x1B8B  }
0x1a: {  	_ =	swait.ge [sflag:s24], $0x1  }
0x1b: {  	[sflag:s24] =	ssyncset.done $0x0  }
0x1c: {  	s26 =	simm.s32 $0x1B8E;
	s25 =	sld [smem:$0x3FFE];
	[sflag:s24] =	ssyncadd.s32 $0xFFFFFFFF  }
0x1d: {  	s27 =	simm.s32 $execute0_lowered;
	[smem:$0x3FD2] =	sst s26  }
0x1e: {  	s5 =	sshll.u32 s27, $0x1;
	_ =	strace $0x80000046;
	[dreg:$0x1] =	wrdreg $0xFFFFFFFF  }
0x1f: {  	s28 =	simm.s32 $_size_execute0_lowered;
	s3 =	sadd.s32 s3, s5;
	[dreg:$0x0] =	wrdreg $0x0  }
0x20: {  	s5 =	sshll.u32 s28, $0x1;
	[dreg:$0x2] =	wrdreg s3  }
0x21: {  	[dreg:$0x3] =	wrdreg s5  }
0x22: {  	[dreg:$0x4] =	wrdreg $0xC0  }
0x23: {  	_ =	task [dreg:s7], $0x5FFFF  }
0x24: {  	[dreg:$0x1] =	wrdreg $0xFFFFFFFF  }
0x25: {  	[dreg:$0x0] =	wrdreg $0x60  }
0x26: {  	[dreg:$0x2] =	wrdreg s2  }
0x27: {  	[dreg:$0x3] =	wrdreg s25  }
0x28: {  	[dreg:$0x4] =	wrdreg $0x9  }
0x29: {  	_ =	task.clear_ibuf [dreg:s7], $0x5FFFF;
	_ =	strace $0x90000046  }
0x2a: {  	s29 =	simm.s32 $0x9;
	_ =	strace $0x80000048  }
0x2b: {  	_ =	swait.ge [sflag:s29], $0x1  }
0x2c: {  	[sflag:s29] =	ssyncadd.s32 $0xFFFFFFFF  }
0x2d: {  	_ =	strace $0x90000048  }
0x2e: {  	_ =	sfence  }
0x2f: {  	s30 =	sld [smem:$0x0];
	_ =	sdelay $0x2  }
0x30: {  	s31 =	sshll.u32 s1, $0xD;
	s1 =	sshrl.u32 s1, $0x2  }
0x31: {  	s3 =	sand.u32 $0x4000, s31;
	s1 =	sadd.s32 s1, s30  }
0x32: {  	s0 =	sor.u32 s3, s0;
	s1 =	sshll.u32 s1, $0x11  }
0x33: {  	s0 =	sor.u32 s1, s0  }
0x34: {  	s0 =	sadd.s32 $0x8F2B, s0  }
0x35: {  	[sflag:s0] =	ssyncadd.remote.s32 $0x1  }
0x36: {  	_ =	sfence.sel $0xFFFF  }
0x37: {  	[dreg:$0x0] =	wrdreg $0xFFFFFFFF;
	(pc) =	sbr.abs _section_cstart, $3  }
0x38: {  	[dreg:$0x1] =	wrdreg $0xFFFFFFFF  }
0x39: {  	_ =	task.clear_ibuf [dreg:s7], $0x2FFFF;
	_ =	strace $0x9FFFFFFF  }
0x3a: {  	(tm) =	ssettm $0x7FFFFFFF  }
0x3b: {  	_ =	shalt  }
tec
execute0_lowered:
.L_overlay_start_1:
0x0: {  	(tag) =	ssettag $0x1  }
0x1: {  	s2 =	rddreg [dreg:$0x0]  }
0x2: {  	s1 =	rddreg [dreg:$0x1]  }
0x3: {  	s0 =	rddreg [dreg:$0x2];
	_ =	strace $0x80000047;
	s4 =	srdreg.scid  }
0x4: {  	s6 =	simm.s32 $0x2;
	s11 =	simm.s32 $0x0;
	p0 =	por $0x0, $0x0  }
.Ltmp0:
0x5: {  	s7 =	simm.s32 $0x1000;
	s12 =	simm.s32 $0x0;
	(pc) =	sbr.rel .LBB1_1-.Ltmp0, $4  }
0x6: {  	s9 =	simm.s32 $0x0;
	s3 =	sadd.s32 $0xC00, s1;
	s5 =	sshll.u32 s4, $0x4  }
0x7: {  	s1 =	stileid.u32;
	s4 =	simm.s32 $0x1;
	s5 =	sand.u32 $0x10, s5  }
0x8: {  	s8 =	simm.s32 $0x0;
	[sflag:s4] =	ssyncpa.u1 $0x0;
	s5 =	sor.u32 s1, s5  }
0x9: {  	[sflag:s6] =	ssyncpa.u1 $0x0;
	s6 =	simm.s32 $0x800;
	s10 =	smov.u32 s5  }
.LBB1_7:
0xa: {  	s13 =	sadd.s32 $0x10, s9  }
0xb: {  	s11 =	sadd.s32 $0x20, s10;
	s15 =	smov.u32 s10;
	p2 =	sgt.s32 s13, $0x1F  }
0xc: {  	p1 =	slt.u32 s8, $0x2;
	s15 =	smov.u32 @p2 s11  }
0xd: {  	s8 =	sadd.s32 $0x1, s8;
	s13 =	simm.s32 @p2 $0x0;
	p2 =	sgt.s32 s15, $0x1FF  }
0xe: {  	s15 =	smov.u32 @p2 s5;
	p2 =	sne.s32 s8, $0x22  }
.Ltmp1:
0xf: {  	_ = 	snop;
	(pc) =	sbr.rel @!p2 .LBB1_8-.Ltmp1, $4  }
0x10: {  	s14 =	simm.s32 @!p1 $0x2  }
0x11: {  	s12 =	smov.u32 s10;
	_ =	swait.ge @!p1 [sflag:s14], $0x4000  }
0x12: {  	p0 =	por !p0, !p0;
	s11 =	smov.u32 s9;
	[sflag:s14] =	ssyncset.done @!p1 $0x0  }
0x13: {  	s9 =	smov.u32 s13;
	[sflag:s14] =	ssyncadd.s32 @!p1 $0xFFFFC000;
	s10 =	smov.u32 s15  }
.LBB1_1:
0x14: {  	p1 =	sgt.u32 s8, $0x1F  }
0x15: {  	s13 =	sxor.u32 @!p1 $0xFFFFFFFF, s8;
	s14 =	sshll.u32 @!p1 s10, $0xC  }
0x16: {  	s15 =	sshll.u32 @!p1 s9, $0x7;
	s13 =	sshll.u32 @!p1 s13, $0xE;
	s14 =	sadd.s32 @!p1 s2, s14  }
0x17: {  	s13 =	sand.u32 @!p1 $0x4000, s13;
	s14 =	sadd.s32 @!p1 s15, s14;
	s15 =	simm.s32 @!p1 $0x0  }
0x18: {  	[tilespmem:s13], [sflag:$0x1] =	stream.linear.gather @!p1 [hbm4b:s14+s15], $0x4000, $0x38;
	[tilespmem:$0x10000] =	vst v63  }
0x19: {  	p1 =	seq.s32 s8, $0x0  }
0x1a: {  	p2 =	seq.s32 @!p1 s8, $0x21  }
0x1b: {  	p1 =	por p1, p2  }
.Ltmp2:
0x1c: {  	_ = 	snop;
	(pc) =	sbr.rel @p1 .LBB1_7-.Ltmp2, $1  }
0x1d: {  	_ =	sdelay $0x3  }
0x1e: {  	s13 =	simm.s32 $0x1;
	_ =	swait.ge [sflag:s4], $0x4000;
	s16 =	sshll.u32 s8, $0xE  }
0x1f: {  	s13 =	simm.s32 @!p0 $0x0;
	[sflag:s4] =	ssyncset.done $0x0;
	s31 =	sand.u32 $0x4000, s16  }
0x20: {  	s16 =	simm.s32 $0x0;
	s14 =	sshll.u32 s13, $0xE;
	[sflag:s4] =	ssyncadd.s32 $0xFFFFC000  }
0x21: {  	s13 =	sor.u32 $0x8040, s14;
	s15 =	sor.u32 $0x40, s14;
	s14 =	sor.u32 $0x8000, s31  }
.LBB1_3:
0x22: {  	v0 =	vmov s15;
	_ =	sdelay $0x3  }
0x23: {  	s18 =	simm.s32 $0x0  }
0x24: {  	v6 =	vld.idx.msk [tilespmem:v0+s18+$0x30 ss:$0x1], $0xffff  }
0x25: {  	v7 =	vld.idx.msk [tilespmem:v0+s18+$0xFFFFFFC0 ss:$0x1], $0xffff  }
0x26: {  	v5 =	vld.idx.msk [tilespmem:v0+s18+$0xFFFFFFD0 ss:$0x1], $0xffff  }
0x27: {  	v4 =	vld.idx.msk [tilespmem:v0+s18+$0xFFFFFFE0 ss:$0x1], $0xffff  }
0x28: {  	v3 =	vld.idx.msk [tilespmem:v0+s18+$0xFFFFFFF0 ss:$0x1], $0xffff  }
0x29: {  	v1 =	vld.idx.msk [tilespmem:v0+s18+$0x0 ss:$0x1], $0xffff  }
0x2a: {  	v2 =	vld.idx.msk [tilespmem:v0+s18+$0x10 ss:$0x1], $0xffff;
	[tilespmem:s13+$0x30] =	vst v6  }
0x2b: {  	s17 =	simm.s32 $0x80;
	s19 =	simm.s32 $0x400;
	[tilespmem:s13+$0xFFFFFFC0] =	vst v7;
	v6 =	vld.idx.msk [tilespmem:v0+s18+$0x20 ss:$0x1], $0xffff;
	s18 =	smov.u32 s13  }
.LBB1_4:
0x2c: {  	p1 =	sne.s32 s19, $0xE00;
	v7 =	vld.idx.msk [tilespmem:v0+s17+$0x30 ss:$0x1], $0xffff;
	[tilespmem:s18+$0xFFFFFFD0] =	vst v5  }
0x2d: {  	v8 =	vld.idx.msk [tilespmem:v0+s17+$0xFFFFFFC0 ss:$0x1], $0xffff;
	[tilespmem:s18+$0xFFFFFFE0] =	vst v4  }
0x2e: {  	v5 =	vld.idx.msk [tilespmem:v0+s17+$0xFFFFFFD0 ss:$0x1], $0xffff;
	[tilespmem:s18+$0xFFFFFFF0] =	vst v3  }
.Ltmp3:
0x2f: {  	v4 =	vld.idx.msk [tilespmem:v0+s17+$0xFFFFFFE0 ss:$0x1], $0xffff;
	[tilespmem:s18+$0x0] =	vst v1;
	(pc) =	sbr.rel @p1 .LBB1_4-.Ltmp3, $4  }
0x30: {  	v3 =	vld.idx.msk [tilespmem:v0+s17+$0xFFFFFFF0 ss:$0x1], $0xffff;
	[tilespmem:s18+$0x10] =	vst v2  }
0x31: {  	v1 =	vld.idx.msk [tilespmem:v0+s17+$0x0 ss:$0x1], $0xffff;
	[tilespmem:s18+$0x20] =	vst v6;
	s18 =	sadd.s32 $0x800, s18  }
0x32: {  	v2 =	vld.idx.msk [tilespmem:v0+s17+$0x10 ss:$0x1], $0xffff;
	[tilespmem:s18+$0x30] =	vst v7  }
0x33: {  	[tilespmem:s18+$0xFFFFFFC0] =	vst v8;
	v6 =	vld.idx.msk [tilespmem:v0+s17+$0x20 ss:$0x1], $0xffff;
	s17 =	sshra.s32 s19, $0x2;
	s19 =	sadd.s32 $0x200, s19  }
0x34: {  	_ =	sdelay $0x2  }
0x35: {  	[tilespmem:s18+$0xFFFFFFD0] =	vst v5  }
0x36: {  	v56 =	vld.idx.msk [tilespmem:v0+s17+$0x30 ss:$0x1], $0xffff;
	[tilespmem:s18+$0xFFFFFFE0] =	vst v4  }
0x37: {  	v57 =	vld.idx.msk [tilespmem:v0+s17+$0xFFFFFFC0 ss:$0x1], $0xffff;
	[tilespmem:s18+$0xFFFFFFF0] =	vst v3  }
0x38: {  	v58 =	vld.idx.msk [tilespmem:v0+s17+$0xFFFFFFD0 ss:$0x1], $0xffff;
	[tilespmem:s18+$0x0] =	vst v1  }
0x39: {  	v59 =	vld.idx.msk [tilespmem:v0+s17+$0xFFFFFFE0 ss:$0x1], $0xffff;
	[tilespmem:s18+$0x10] =	vst v2  }
0x3a: {  	v60 =	vld.idx.msk [tilespmem:v0+s17+$0xFFFFFFF0 ss:$0x1], $0xffff;
	s31 =	sadd.s32 $0x800, s18;
	[tilespmem:s18+$0x20] =	vst v6  }
0x3b: {  	v61 =	vld.idx.msk [tilespmem:v0+s17+$0x0 ss:$0x1], $0xffff;
	[tilespmem:s31+$0x30] =	vst v56  }
0x3c: {  	v62 =	vld.idx.msk [tilespmem:v0+s17+$0x10 ss:$0x1], $0xffff;
	s16 =	sadd.s32 $0x1, s16;
	[tilespmem:s31+$0xFFFFFFC0] =	vst v57  }
0x3d: {  	v63 =	vld.idx.msk [tilespmem:v0+s17+$0x20 ss:$0x1], $0xffff;
	p1 =	sne.s32 s16, $0x10;
	[tilespmem:s31+$0xFFFFFFD0] =	vst v58  }
.Ltmp4:
0x3e: {  	[tilespmem:s31+$0xFFFFFFE0] =	vst v59;
	(pc) =	sbr.rel @p1 .LBB1_3-.Ltmp4, $4  }
0x3f: {  	[tilespmem:s31+$0xFFFFFFF0] =	vst v60  }
0x40: {  	[tilespmem:s31+$0x0] =	vst v61  }
0x41: {  	[tilespmem:s31+$0x10] =	vst v62  }
0x42: {  	s13 =	sadd.s32 $0x80, s13;
	s15 =	sadd.s32 $0x400, s15;
	[tilespmem:s31+$0x20] =	vst v63  }
.Ltmp5:
0x43: {  	(pc) =	sbr.rel .LBB1_7-.Ltmp5, $4  }
0x44: {  	s12 =	sshll.u32 s12, $0xC;
	s11 =	sshll.u32 s11, $0x4  }
0x45: {  	s11 =	sand.u32 $0x1F0, s11;
	s12 =	sadd.s32 s3, s12  }
0x46: {  	s11 =	sadd.s32 s11, s12  }
0x47: {  	[hbm4b:s11+s6] =	stream.strided.scatter [tilespmem:s14], [sflag:$0x2], $0x4000, s7, s6, $0x38;
	[tilespmem:$0x10000] =	vst v63  }
.LBB1_8:
0x48: {  	_ =	sfence.sel $0x180000  }
0x49: {  	s2 =	simm.s32 $0x1;
	[bflag:$0x0] =	sbarrier.arrive $0xFFFF  }
0x4a: {  	s31 =	simm.s32 $0x2;
	[sflag:s2] =	ssyncpa.u1 $0x1  }
0x4b: {  	[sflag:s31] =	ssyncpa.u1 $0x1  }
0x4c: {  	p0 =	sne.s32 s1, $0x0;
	_ =	strace $0x90000047  }
0x4d: {  	s0 =	sadd.s32 @!p0 $0x100000, s0;
	[bflag:$0x2] =	sbarrier.arrive $0xFFFF  }
0x4e: {  	[sflag:s0] =	ssyncadd.tile.s32 @!p0 $0x1;
	_ =	shalt  }
.Lfunc_end1:
_tile_overlayer_lowered:
.L_overlay_start_2:
0x4f: {  	(tag) =	ssettag $0x2  }
0x50: {  	s0 =	rddreg [dreg:$0x0];
	s2 =	stileid.u32  }
0x51: {  	s1 =	rddreg [dreg:$0x1];
	p0 =	sne.s32 s2, $0x0  }
0x52: {  	s3 =	rddreg [dreg:$0x2];
	[bflag:$0x3] =	sbarrier.arrive $0xFFFF;
	s2 =	simm.s32 @!p0 $0x1C01  }
0x53: {  	[timem:s3], [sflag:s2] =	dma.local @!p0 [hbm:s0], s1  }
0x54: {  	s0 =	simm.s32 @!p0 $0x1  }
0x55: {  	_ =	swait.ge @!p0 [sflag:s0], s1  }
0x56: {  	s1 =	ssub.s32 @!p0 $0x0, s1;
	[sflag:s0] =	ssyncset.done @!p0 $0x0  }
0x57: {  	[sflag:s0] =	ssyncadd.s32 @!p0 s1  }
0x58: {  	[bflag:$0x3] =	sbarrier.arrive $0xFFFF  }
0x59: {  	_ =	shalt  }

</sc_bundles>
